<compile_context>
chip_gen: v7x
topology: tpu7x:2x2x1
jax: 0.10.2.dev20260603
libtpu: 0.0.44.dev20260713+nightly
codegen_flags: <defaults>
</compile_context>

<pallas_src>
import functools

import jax
import jax.numpy as jnp
from jax import lax
from jax.experimental import pallas as pl
from jax.experimental.pallas import tpu as pltpu, tpu_sc as plsc

WIDTHS, HEIGHT, DEPTHS = 0.08, 0.02, 0.06
B, G, REGION = 1024, 2048, 512
NW = 32
GPW = B // NW
NCHUNK = G // 16
X_LIM = DEPTHS / 2.0
Y_LIM = WIDTHS / 2.0
Z_LIM = HEIGHT / 2.0

_mesh = plsc.VectorSubcoreMesh(core_axis_name="c", subcore_axis_name="s",
                               num_cores=2, num_subcores=16)


def _rne_jax(x):
    u = lax.bitcast_convert_type(x, jnp.uint32)
    r = (u + jnp.uint32(0x7FFF) + ((u >> 16) & jnp.uint32(1))) & jnp.uint32(0xFFFF0000)
    return lax.bitcast_convert_type(r, jnp.float32)


def _rne_sc(x):
    u = plsc.bitcast(x, jnp.int32)
    one = jnp.full((16,), 1, jnp.int32)
    rbit = lax.shift_right_logical(u, jnp.full((16,), 16, jnp.int32)) & one
    r = (u + jnp.full((16,), 0x7FFF, jnp.int32) + rbit) & jnp.full((16,), -65536, jnp.int32)
    return plsc.bitcast(r, jnp.float32)


def _frames(grasp):
    cx, cy, cz = grasp[:, 0], grasp[:, 1], grasp[:, 2]
    ayx, ayy, ayz = grasp[:, 3], grasp[:, 4], grasp[:, 5]
    angle = grasp[:, 6]
    c, s = jnp.cos(angle), jnp.sin(angle)
    ny = jnp.sqrt(ayx * ayx + ayy * ayy + ayz * ayz) + 1e-12
    ayx, ayy, ayz = ayx / ny, ayy / ny, ayz / ny
    nx = jnp.sqrt(ayy * ayy + ayx * ayx) + 1e-12
    axx, axy, axz = ayy / nx, -ayx / nx, jnp.zeros_like(ny)
    azx = axy * ayz - axz * ayy
    azy = axz * ayx - axx * ayz
    azz = axx * ayy - axy * ayx
    nz = jnp.sqrt(azx * azx + azy * azy + azz * azz)
    safe = jnp.where(nz == 0, 1.0, nz)
    azx = jnp.where(nz == 0, 0.0, azx / safe)
    azy = jnp.where(nz == 0, 0.0, azy / safe)
    azz = jnp.where(nz == 0, 1.0, azz / safe)
    cq, sq = _rne_jax(c), _rne_jax(s)
    apx = _rne_jax(axx) * cq + _rne_jax(azx) * sq
    apy = _rne_jax(axy) * cq + _rne_jax(azy) * sq
    apz = _rne_jax(axz) * cq + _rne_jax(azz) * sq
    na = jnp.sqrt(apx * apx + apy * apy + apz * apz) + 1e-12
    apx, apy, apz = apx / na, apy / na, apz / na
    mx = apy * ayz - apz * ayy
    my = apz * ayx - apx * ayz
    mz = apx * ayy - apy * ayx
    rows = [_rne_jax(v) for v in (apx, apy, apz, ayx, ayy, ayz, mx, my, mz)]
    return jnp.stack(rows + [cx, cy, cz], axis=1)


@functools.partial(
    pl.kernel,
    out_type=(
        jax.ShapeDtypeStruct((6 * B, REGION), jnp.float32),
        jax.ShapeDtypeStruct((B, REGION), jnp.int32),
        jax.ShapeDtypeStruct((B, REGION), jnp.int32),
        jax.ShapeDtypeStruct((B,), jnp.int32),
    ),
    mesh=_mesh,
    compiler_params=pltpu.CompilerParams(needs_layout_passes=False),
    scratch_types=[
        pltpu.VMEM((6 * G,), jnp.float32),
        pltpu.VMEM((6 * G,), jnp.float32),
        pltpu.VMEM((G,), jnp.int32),
        pltpu.VMEM((G,), jnp.int32),
        pltpu.VMEM((GPW, 12), jnp.float32),
        pltpu.VMEM((3 * G,), jnp.float32),
        pltpu.VMEM((G + 16,), jnp.int32),
        pltpu.VMEM((6 * REGION,), jnp.float32),
        pltpu.VMEM((6 * REGION,), jnp.float32),
        pltpu.VMEM((REGION,), jnp.int32),
        pltpu.VMEM((REGION,), jnp.int32),
        pltpu.VMEM((REGION,), jnp.int32),
        pltpu.VMEM((REGION,), jnp.int32),
        pltpu.VMEM((GPW,), jnp.int32),
        pltpu.SemaphoreType.DMA,
        pltpu.SemaphoreType.DMA,
        pltpu.SemaphoreType.DMA,
        pltpu.SemaphoreType.DMA,
    ],
)
def _region_sc(ptsT_hbm, gidx_hbm, fc_hbm, pc_hbm, idx_hbm, inall_hbm,
               valid_hbm, pts_a, pts_b, gidx_a, gidx_b, fc_v, t_v,
               idxl_v, pc_a, pc_b, idxo_a, idxo_b, inall_a,
               inall_b, valid_v, sem_ia, sem_ib, sem_oa, sem_ob):
    wid = lax.axis_index("s") * 2 + lax.axis_index("c")
    base = wid * GPW
    lanes = lax.iota(jnp.int32, 16)
    lane0 = lanes == 0

    def splat(v):
        return jnp.full((16,), v, jnp.int32)

    def issue_in(g, pts_v, gidx_v, sem):
        for c in range(6):
            pltpu.make_async_copy(ptsT_hbm.at[c * B + g],
                                  pts_v.at[pl.ds(c * G, G)], sem).start()
        pltpu.make_async_copy(gidx_hbm.at[g], gidx_v, sem).start()

    def wait_in(g, pts_v, gidx_v, sem):
        for c in range(6):
            pltpu.make_async_copy(ptsT_hbm.at[c * B + g],
                                  pts_v.at[pl.ds(c * G, G)], sem).wait()
        pltpu.make_async_copy(gidx_hbm.at[g], gidx_v, sem).wait()

    def issue_out(g, pc_v, idxo_v, inall_v, sem):
        for c in range(6):
            pltpu.make_async_copy(pc_v.at[pl.ds(c * REGION, REGION)],
                                  pc_hbm.at[c * B + g], sem).start()
        pltpu.make_async_copy(idxo_v, idx_hbm.at[g], sem).start()
        pltpu.make_async_copy(inall_v, inall_hbm.at[g], sem).start()

    def wait_out(g, pc_v, idxo_v, inall_v, sem):
        for c in range(6):
            pltpu.make_async_copy(pc_v.at[pl.ds(c * REGION, REGION)],
                                  pc_hbm.at[c * B + g], sem).wait()
        pltpu.make_async_copy(idxo_v, idx_hbm.at[g], sem).wait()
        pltpu.make_async_copy(inall_v, inall_hbm.at[g], sem).wait()

    issue_in(base, pts_a, gidx_a, sem_ia)
    issue_in(base + 1, pts_b, gidx_b, sem_ib)
    pltpu.sync_copy(fc_hbm.at[pl.ds(base, GPW), :], fc_v)

    def half(k, gi, pts_v, gidx_v, pc_v, idxo_v, inall_v, sem_in, sem_out):
        g = base + gi
        wait_in(g, pts_v, gidx_v, sem_in)
        gis = splat(gi)
        fv = [plsc.load_gather(fc_v, [gis, splat(r)]) for r in range(12)]
        f00, f01, f02, f10, f11, f12, f20, f21, f22, cx, cy, cz = fv

        def transform(x, y, z):
            rx = _rne_sc(x - cx)
            ry = _rne_sc(y - cy)
            rz = _rne_sc(z - cz)
            t0 = f00 * rx + (f01 * ry + f02 * rz)
            t1 = f10 * rx + (f11 * ry + f12 * rz)
            t2 = f20 * rx + (f21 * ry + f22 * rz)
            return t0, t1, t2

        UN1 = 4

        def pass1(i, cnt):
            for u in range(UN1):
                off = (i * UN1 + u) * 16
                r = lanes + off
                x = pts_v[pl.ds(off, 16)]
                y = pts_v[pl.ds(G + off, 16)]
                z = pts_v[pl.ds(2 * G + off, 16)]
                t0, t1, t2 = transform(x, y, z)
                m = ((t0 > 0) & (t0 < X_LIM)
                     & (t1 > -Y_LIM) & (t1 < Y_LIM)
                     & (t2 > -Z_LIM) & (t2 < Z_LIM))
                t_v[pl.ds(off, 16)] = t0
                t_v[pl.ds(G + off, 16)] = t1
                t_v[pl.ds(2 * G + off, 16)] = t2
                plsc.store_compressed(idxl_v.at[pl.ds(cnt, 16)], r, mask=m)
                pc16 = plsc.all_reduce_population_count(m)
                cnt = cnt + pc16[0]
            return cnt

        cnt = lax.fori_loop(0, NCHUNK // UN1, pass1, 0)

        cnt_s = splat(cnt)
        validv = cnt_s > 5
        plsc.store_scatter(valid_v, [gis],
                           jnp.where(validv, 1, 0).astype(jnp.int32),
                           mask=lane0)
        denom = jnp.maximum(cnt_s, 1)

        def modstep(p):
            p = jnp.where(p >= denom, p - denom, p)
            p = jnp.where(p >= denom, p - denom, p)
            return jnp.where(p >= denom, p - denom, p)

        neg1f = jnp.full((16,), -1.0, jnp.float32)
        neg1i = splat(-1)

        @pl.when(k > 0)
        def _():
            wait_out(g, pc_v, idxo_v, inall_v, sem_out)

        UN3 = 4

        def pass3(j, p):
            for u in range(UN3):
                o = (j * UN3 + u) * 16
                sel = plsc.load_gather(idxl_v, [p])
                t0 = plsc.load_gather(t_v, [sel])
                t1 = plsc.load_gather(t_v, [sel + splat(G)])
                t2 = plsc.load_gather(t_v, [sel + splat(2 * G)])
                fa = plsc.load_gather(pts_v, [sel + splat(3 * G)])
                fb = plsc.load_gather(pts_v, [sel + splat(4 * G)])
                fcv = plsc.load_gather(pts_v, [sel + splat(5 * G)])
                pc_v[pl.ds(o, 16)] = t0
                pc_v[pl.ds(REGION + o, 16)] = t1
                pc_v[pl.ds(2 * REGION + o, 16)] = t2
                pc_v[pl.ds(3 * REGION + o, 16)] = fa
                pc_v[pl.ds(4 * REGION + o, 16)] = fb
                pc_v[pl.ds(5 * REGION + o, 16)] = fcv
                idxo_v[pl.ds(o, 16)] = sel
                ia = plsc.load_gather(gidx_v, [sel])
                inall_v[pl.ds(o, 16)] = ia
                p = modstep(p + 16)
            return p

        lax.fori_loop(0, REGION // 16 // UN3, pass3, modstep(lanes))

        @pl.when(cnt <= 5)
        def _():
            def fixup(j, c):
                o = j * 16
                for cc in range(6):
                    pc_v[pl.ds(cc * REGION + o, 16)] = neg1f
                idxo_v[pl.ds(o, 16)] = neg1i
                inall_v[pl.ds(o, 16)] = neg1i
                return c

            lax.fori_loop(0, REGION // 16, fixup, 0)
        issue_out(g, pc_v, idxo_v, inall_v, sem_out)

        @pl.when(k < GPW // 2 - 1)
        def _():
            issue_in(g + 2, pts_v, gidx_v, sem_in)

    def body(k, carry):
        half(k, 2 * k, pts_a, gidx_a, pc_a, idxo_a, inall_a, sem_ia, sem_oa)
        half(k, 2 * k + 1, pts_b, gidx_b, pc_b, idxo_b, inall_b, sem_ib, sem_ob)
        return carry

    lax.fori_loop(0, GPW // 2, body, 0)
    wait_out(base + GPW - 2, pc_a, idxo_a, inall_a, sem_oa)
    wait_out(base + GPW - 1, pc_b, idxo_b, inall_b, sem_ob)
    pltpu.sync_copy(valid_v, valid_hbm.at[pl.ds(base, GPW)])


@functools.partial(
    pl.kernel,
    out_type=jax.ShapeDtypeStruct((B,), jnp.int32),
    mesh=_mesh,
    compiler_params=pltpu.CompilerParams(needs_layout_passes=False),
    scratch_types=[
        pltpu.VMEM((B,), jnp.int32),
        pltpu.VMEM((B + 16,), jnp.int32),
    ],
)
def _tmi_sc(valid_hbm, tmi_hbm, val_v, out_v):
    wid = lax.axis_index("s") * 2 + lax.axis_index("c")
    lanes = lax.iota(jnp.int32, 16)

    @pl.when(wid == 0)
    def _():
        pltpu.sync_copy(valid_hbm, val_v)
        neg1 = jnp.full((16,), -1, jnp.int32)

        def clear(i, c):
            out_v[pl.ds(i * 16, 16)] = neg1
            return c

        lax.fori_loop(0, B // 16, clear, 0)

        def body(i, cnt):
            m = val_v[pl.ds(i * 16, 16)] > 0
            plsc.store_compressed(out_v.at[pl.ds(cnt, 16)], lanes + i * 16,
                                  mask=m)
            return cnt + jnp.sum(m.astype(jnp.int32))

        lax.fori_loop(0, B // 16, body, 0)
        pltpu.sync_copy(out_v.at[pl.ds(0, B)], tmi_hbm)


def kernel(group_points, group_index, grasp, region_num):
    fc = _frames(grasp)
    ptsT = jnp.transpose(group_points, (2, 0, 1)).reshape(6 * B, G)
    pcT, idx, inall, valid = _region_sc(ptsT, group_index, fc)
    tmi = _tmi_sc(valid)
    pc = jnp.transpose(pcT.reshape(6, B, REGION), (1, 2, 0))
    return pc, idx, inall, tmi

# --- scband reference (transcript-rebuilt; emitter-appended) ---
"""Pipeline reference for scband-gripper-region-network-16381005267637 (READ-ONLY COPY).

The authoritative reference and input builder live on the scoring server;
editing this copy changes nothing except your own understanding.
"""

import jax, jax.numpy as jnp
import numpy as np

WIDTHS, HEIGHT, DEPTHS = 0.08, 0.02, 0.06
B, G, REGION = 1024, 2048, 512


def _transform(group_points, grasp):
    n = grasp.shape[0]
    center = grasp[:, 0:3]
    axis_y = grasp[:, 3:6]
    angle = grasp[:, 6]
    cos_t, sin_t = jnp.cos(angle), jnp.sin(angle)
    zero = jnp.zeros((n,), jnp.float32)
    one = jnp.ones((n,), jnp.float32)
    R1 = jnp.stack([cos_t, zero, -sin_t, zero, one, zero, sin_t, zero, cos_t], axis=1).reshape(n, 3, 3)
    norm_y = jnp.linalg.norm(axis_y, axis=1) + 1e-12
    axis_y = axis_y / norm_y[:, None]
    axis_x = jnp.stack([axis_y[:, 1], -axis_y[:, 0], zero], axis=1)
    norm_x = jnp.linalg.norm(axis_x, axis=1) + 1e-12
    axis_x = axis_x / norm_x[:, None]
    axis_z = jnp.cross(axis_x, axis_y)
    norm_z = jnp.linalg.norm(axis_z, axis=1)
    safe_z = jnp.where(norm_z == 0, 1.0, norm_z)
    axis_z = jnp.where(norm_z[:, None] == 0, jnp.array([0.0, 0.0, 1.0], jnp.float32), axis_z / safe_z[:, None])
    matrix = jnp.stack([axis_x, axis_y, axis_z], axis=2)
    matrix = jnp.matmul(matrix, R1)
    approach = matrix[:, :, 0]
    norm_a = jnp.linalg.norm(approach, axis=1) + 1e-12
    approach = approach / norm_a[:, None]
    minor_normal = jnp.cross(approach, axis_y)
    frame = jnp.stack([approach, axis_y, minor_normal], axis=2).transpose(0, 2, 1)
    rel = (group_points[:, :, :3] - center[:, None, :]).transpose(0, 2, 1)
    pcs_t = jnp.matmul(frame, rel).transpose(0, 2, 1)
    return pcs_t


def _region(group_points, group_index, grasp, region_num):
    pcs_t = _transform(group_points, grasp)
    x_limit = DEPTHS / 2.0
    z_limit = HEIGHT / 2.0
    y_limit = WIDTHS / 2.0
    mask = ((pcs_t[:, :, 0] > 0) & (pcs_t[:, :, 0] < x_limit)
            & (pcs_t[:, :, 1] > -y_limit) & (pcs_t[:, :, 1] < y_limit)
            & (pcs_t[:, :, 2] > -z_limit) & (pcs_t[:, :, 2] < z_limit))
    # deterministic stand-in for np.random.choice: masked points first, cycled if too few
    order = jnp.argsort(jnp.where(mask, 0, 1).astype(jnp.int32), axis=1)
    count = mask.sum(axis=1)
    pos = (jnp.arange(REGION) + 0 * region_num)[None, :]
    idx = jnp.take_along_axis(order, pos % jnp.maximum(count, 1)[:, None], axis=1)
    sel_xyz = jnp.take_along_axis(pcs_t, idx[:, :, None], axis=1)
    sel_feat = jnp.take_along_axis(group_points[:, :, 3:], idx[:, :, None], axis=1)
    gp = jnp.concatenate([sel_xyz, sel_feat], axis=-1)
    valid = count > 5
    gripper_pc = jnp.where(valid[:, None, None], gp, -1.0)
    gripper_pc_index = jnp.where(valid[:, None], idx, -1)
    gripper_pc_index_inall = jnp.where(valid[:, None], jnp.take_along_axis(group_index, idx, axis=1), -1)
    true_mask_index = jnp.nonzero(valid, size=valid.shape[0], fill_value=-1)[0]
    return gripper_pc, gripper_pc_index, gripper_pc_index_inall, true_mask_index


def setup_inputs(seed: int = 0):
    key = jax.random.key(seed)
    k1, k2, k3, k4, k5, k6 = jax.random.split(key, 6)
    xyz = jax.random.normal(k1, (B, G, 3), jnp.float32) * 0.02
    feat = jax.random.normal(k2, (B, G, 3), jnp.float32)
    group_points = jnp.concatenate([xyz, feat], axis=-1)
    group_index = jax.random.randint(k3, (B, G), 0, 25600, dtype=jnp.int32)
    center = jax.random.normal(k4, (B, 3), jnp.float32) * 0.005
    axis = jax.random.normal(k5, (B, 3), jnp.float32)
    angle = jax.random.uniform(k6, (B, 1), jnp.float32, -1.57, 1.57)
    grasp = jnp.concatenate([center, axis, angle], axis=-1)
    return {"group_points": group_points, "group_index": group_index, "grasp": grasp, "region_num": REGION}


def reference(group_points, group_index, grasp, region_num):
    return _region(group_points, group_index, grasp, region_num)

if __name__ == "__main__":
    import jax
    _d = setup_inputs()
    print(jax.jit(kernel)(*tuple(_d.values())))

</pallas_src>

<mosaic_0001>
#map = affine_map<(d0, d1) -> (0)>
module attributes {stable_mosaic.version = 14 : i64} {
  func.func @_tmi_sc(%arg0: i32, %arg1: i32, %arg2: memref<1024xi32, #tpu.memory_space<hbm>>, %arg3: memref<1024xi32, #tpu.memory_space<hbm>>, %arg4: memref<1024xi32, #tpu.memory_space<vmem>>, %arg5: memref<1040xi32, #tpu.memory_space<vmem>>) attributes {dimension_semantics = [#tpu.dimension_semantics<core_parallel>, #tpu.dimension_semantics<subcore_parallel>], iteration_bounds = array<i64: 2, 16>, scalar_prefetch = 0 : i64, scratch_operands = 2 : i64, tpu.core_type = #tpu.core_type<sc_vector_subcore>, window_params = [{transform_indices = #map}, {transform_indices = #map}]} {
    %mul3A = arith.constant 2 : i32
    %mul3A_0 = arith.muli %arg1, %mul3A : i32
    %add3A = arith.addi %mul3A_0, %arg0 : i32
    %iota3A = tpu.iota {dimensions = array<i32: 0>} : vector<16xi32>
    %eq3A = arith.constant 0 : i32
    %eq3A_1 = arith.cmpi eq, %add3A, %eq3A : i32
    %convert_element_type3A = arith.extui %eq3A_1 : i1 to i32
    %cond3A = arith.constant 0 : i32
    %cond3A_2 = arith.cmpi ne, %convert_element_type3A, %cond3A : i32
    scf.if %cond3A_2 {
      "tpu.region"() ({
        %run_scoped3A = tpu.sem_alloc : memref<!tpu.dma_semaphore, #tpu.memory_space<semaphore_mem>>
        tpu.enqueue_dma source(%arg2 : memref<1024xi32, #tpu.memory_space<hbm>>) target(%arg4 : memref<1024xi32, #tpu.memory_space<vmem>>) target_semaphore(%run_scoped3A : memref<!tpu.dma_semaphore, #tpu.memory_space<semaphore_mem>>)
        tpu.wait_dma2 semaphore(%run_scoped3A : memref<!tpu.dma_semaphore, #tpu.memory_space<semaphore_mem>>) src(%arg2 : memref<1024xi32, #tpu.memory_space<hbm>>) dst(%arg4 : memref<1024xi32, #tpu.memory_space<vmem>>)
        tpu.yield
      }) : () -> ()
      %broadcast_in_dim3A = arith.constant -1 : i32
      %broadcast_in_dim3A_3 = vector.broadcast %broadcast_in_dim3A : i32 to vector<16xi32>
      %scan3A = arith.constant 0 : i32
      %scan3A_4 = arith.constant 0 : i32
      %scan3A_5 = arith.constant 64 : i32
      %scan3A_6 = arith.addi %scan3A_4, %scan3A_5 : i32
      %scan3A_7 = arith.constant 1 : i32
      scf.for %scan3A_16 = %scan3A_4 to %scan3A_6 step %scan3A_7  : i32 {
        %mul3A_17 = arith.constant 16 : i32
        %mul3A_18 = arith.muli %scan3A_16, %mul3A_17 : i32
        %swap3A = arith.index_cast %mul3A_18 : i32 to index
        %swap3A_19 = tpu.vector_load %arg5[%swap3A] {strides = array<i32>} : memref<1040xi32, #tpu.memory_space<vmem>>, vector<16xi32>,
        tpu.vector_store %arg5[%swap3A], %broadcast_in_dim3A_3 {strides = array<i32>} : memref<1040xi32, #tpu.memory_space<vmem>>, vector<16xi32>,
      }
      %scan3A_8 = arith.constant 64 : i32
      %scan3A_9 = arith.constant 0 : i32
      %scan3A_10 = arith.constant 0 : i32
      %scan3A_11 = arith.constant 64 : i32
      %scan3A_12 = arith.addi %scan3A_10, %scan3A_11 : i32
      %scan3A_13 = arith.constant 1 : i32
      %scan3A_14 = scf.for %scan3A_16 = %scan3A_10 to %scan3A_12 step %scan3A_13 iter_args(%scan3A_17 = %scan3A_9) -> (i32)  : i32 {
        %mul3A_18 = arith.constant 16 : i32
        %mul3A_19 = arith.muli %scan3A_16, %mul3A_18 : i32
        %get3A = arith.index_cast %mul3A_19 : i32 to index
        %get3A_20 = tpu.vector_load %arg4[%get3A] {strides = array<i32>} : memref<1024xi32, #tpu.memory_space<vmem>>, vector<16xi32>,
        %gt3A = arith.constant 0 : i32
        %gt3A_21 = vector.broadcast %gt3A : i32 to vector<16xi32>
        %gt3A_22 = arith.cmpi sgt, %get3A_20, %gt3A_21 : vector<16xi32>
        %mul3A_23 = arith.constant 16 : i32
        %mul3A_24 = arith.muli %scan3A_16, %mul3A_23 : i32
        %add3A_25 = vector.broadcast %mul3A_24 : i32 to vector<16xi32>
        %add3A_26 = arith.addi %iota3A, %add3A_25 : vector<16xi32>
        %swap3A = arith.index_cast %scan3A_17 : i32 to index
        %swap3A_27 = tpu.vector_load %arg5[%swap3A] masked %gt3A_22 {strides = array<i32>} : memref<1040xi32, #tpu.memory_space<vmem>>, vector<16xi32>, vector<16xi1>
        tpu.vector_store %arg5[%swap3A], %add3A_26 masked %gt3A_22 {strides = array<i32>} : memref<1040xi32, #tpu.memory_space<vmem>>, vector<16xi32>, vector<16xi1>
        %convert_element_type3A_28 = arith.extui %gt3A_22 : vector<16xi1> to vector<16xi32>
        %reduce_sum3A = arith.constant true
        %reduce_sum3A_29 = vector.broadcast %reduce_sum3A : i1 to vector<16xi1>
        %reduce_sum3A_30 = tpu.scan <sum>, %convert_element_type3A_28 masked %reduce_sum3A_29 : vector<16xi32>, vector<16xi1> -> vector<16xi32>
        %reduce_sum3A_31 = vector.extract %reduce_sum3A_30[15] : i32 from vector<16xi32>
        %add3A_32 = arith.addi %scan3A_17, %reduce_sum3A_31 : i32
        scf.yield %add3A_32 : i32
      }
      %scan3A_15 = arith.constant 64 : i32
      "tpu.region"() ({
        %run_scoped3A = tpu.sem_alloc : memref<!tpu.dma_semaphore, #tpu.memory_space<semaphore_mem>>
        %dma_start3A = arith.constant 0 : i32
        %dma_start3A_16 = tpu.memref_slice %arg5[%dma_start3A] : memref<1040xi32, #tpu.memory_space<vmem>> -> memref<1024xi32, #tpu.memory_space<vmem>>
        %dma_start3A_17 = arith.constant 0 : i32
        %dma_start3A_18 = tpu.memref_slice %arg5[%dma_start3A_17] : memref<1040xi32, #tpu.memory_space<vmem>> -> memref<1024xi32, #tpu.memory_space<vmem>>
        tpu.enqueue_dma source(%dma_start3A_18 : memref<1024xi32, #tpu.memory_space<vmem>>) target(%arg3 : memref<1024xi32, #tpu.memory_space<hbm>>) target_semaphore(%run_scoped3A : memref<!tpu.dma_semaphore, #tpu.memory_space<semaphore_mem>>)
        %dma_wait3A = arith.constant 0 : i32
        %dma_wait3A_19 = tpu.memref_slice %arg5[%dma_wait3A] : memref<1040xi32, #tpu.memory_space<vmem>> -> memref<1024xi32, #tpu.memory_space<vmem>>
        %dma_wait3A_20 = arith.constant 0 : i32
        %dma_wait3A_21 = tpu.memref_slice %arg5[%dma_wait3A_20] : memref<1040xi32, #tpu.memory_space<vmem>> -> memref<1024xi32, #tpu.memory_space<vmem>>
        tpu.wait_dma2 semaphore(%run_scoped3A : memref<!tpu.dma_semaphore, #tpu.memory_space<semaphore_mem>>) src(%dma_wait3A_21 : memref<1024xi32, #tpu.memory_space<vmem>>) dst(%arg3 : memref<1024xi32, #tpu.memory_space<hbm>>)
        tpu.yield
      }) : () -> ()
    } else {
    }
    return
  }
}

#map = affine_map<(d0, d1) -> (0, 0)>
#map1 = affine_map<(d0, d1) -> (0)>
module attributes {stable_mosaic.version = 14 : i64} {
  func.func @_region_sc(%arg0: i32, %arg1: i32, %arg2: memref<6144x2048xf32, #tpu.memory_space<hbm>>, %arg3: memref<1024x2048xi32, #tpu.memory_space<hbm>>, %arg4: memref<1024x12xf32, #tpu.memory_space<hbm>>, %arg5: memref<6144x512xf32, #tpu.memory_space<hbm>>, %arg6: memref<1024x512xi32, #tpu.memory_space<hbm>>, %arg7: memref<1024x512xi32, #tpu.memory_space<hbm>>, %arg8: memref<1024xi32, #tpu.memory_space<hbm>>, %arg9: memref<12288xf32, #tpu.memory_space<vmem>>, %arg10: memref<12288xf32, #tpu.memory_space<vmem>>, %arg11: memref<2048xi32, #tpu.memory_space<vmem>>, %arg12: memref<2048xi32, #tpu.memory_space<vmem>>, %arg13: memref<32x12xf32, #tpu.memory_space<vmem>>, %arg14: memref<6144xf32, #tpu.memory_space<vmem>>, %arg15: memref<2064xi32, #tpu.memory_space<vmem>>, %arg16: memref<3072xf32, #tpu.memory_space<vmem>>, %arg17: memref<3072xf32, #tpu.memory_space<vmem>>, %arg18: memref<512xi32, #tpu.memory_space<vmem>>, %arg19: memref<512xi32, #tpu.memory_space<vmem>>, %arg20: memref<512xi32, #tpu.memory_space<vmem>>, %arg21: memref<512xi32, #tpu.memory_space<vmem>>, %arg22: memref<32xi32, #tpu.memory_space<vmem>>, %arg23: memref<!tpu.dma_semaphore, #tpu.memory_space<semaphore_mem>>, %arg24: memref<!tpu.dma_semaphore, #tpu.memory_space<semaphore_mem>>, %arg25: memref<!tpu.dma_semaphore, #tpu.memory_space<semaphore_mem>>, %arg26: memref<!tpu.dma_semaphore, #tpu.memory_space<semaphore_mem>>) attributes {dimension_semantics = [#tpu.dimension_semantics<core_parallel>, #tpu.dimension_semantics<subcore_parallel>], iteration_bounds = array<i64: 2, 16>, scalar_prefetch = 0 : i64, scratch_operands = 18 : i64, tpu.core_type = #tpu.core_type<sc_vector_subcore>, window_params = [{transform_indices = #map}, {transform_indices = #map}, {transform_indices = #map}, {transform_indices = #map}, {transform_indices = #map}, {transform_indices = #map}, {transform_indices = #map1}]} {
    %mul3A = arith.constant 2 : i32
    %mul3A_0 = arith.muli %arg1, %mul3A : i32
    %add3A = arith.addi %mul3A_0, %arg0 : i32
    %mul3A_1 = arith.constant 32 : i32
    %mul3A_2 = arith.muli %add3A, %mul3A_1 : i32
    %iota3A = tpu.iota {dimensions = array<i32: 0>} : vector<16xi32>
    %eq3A = arith.constant 0 : i32
    %eq3A_3 = vector.broadcast %eq3A : i32 to vector<16xi32>
    %eq3A_4 = arith.cmpi eq, %iota3A, %eq3A_3 : vector<16xi32>
    %add3A_5 = arith.constant 0 : i32
    %add3A_6 = arith.addi %add3A_5, %mul3A_2 : i32
    %dma_start3A = arith.constant 0 : i32
    %dma_start3A_7 = tpu.memref_slice %arg9[%dma_start3A] : memref<12288xf32, #tpu.memory_space<vmem>> -> memref<2048xf32, #tpu.memory_space<vmem>>
    %dma_start3A_8 = arith.constant 0 : i32
    %dma_start3A_9 = tpu.memref_slice %arg2[%add3A_6, %dma_start3A_8] : memref<6144x2048xf32, #tpu.memory_space<hbm>> -> memref<1x2048xf32, #tpu.memory_space<hbm>>
    %dma_start3A_10 = tpu.memref_squeeze %dma_start3A_9 : memref<1x2048xf32, #tpu.memory_space<hbm>> -> memref<2048xf32, #tpu.memory_space<hbm>>
    %dma_start3A_11 = arith.constant 0 : i32
    %dma_start3A_12 = tpu.memref_slice %arg9[%dma_start3A_11] : memref<12288xf32, #tpu.memory_space<vmem>> -> memref<2048xf32, #tpu.memory_space<vmem>>
    %dma_start3A_13 = arith.constant 0 : i32
    %dma_start3A_14 = tpu.memref_slice %arg2[%add3A_6, %dma_start3A_13] : memref<6144x2048xf32, #tpu.memory_space<hbm>> -> memref<1x2048xf32, #tpu.memory_space<hbm>>
    %dma_start3A_15 = tpu.memref_squeeze %dma_start3A_14 : memref<1x2048xf32, #tpu.memory_space<hbm>> -> memref<2048xf32, #tpu.memory_space<hbm>>
    tpu.enqueue_dma source(%dma_start3A_15 : memref<2048xf32, #tpu.memory_space<hbm>>) target(%dma_start3A_12 : memref<2048xf32, #tpu.memory_space<vmem>>) target_semaphore(%arg23 : memref<!tpu.dma_semaphore, #tpu.memory_space<semaphore_mem>>)
    %add3A_16 = arith.constant 1024 : i32
    %add3A_17 = arith.addi %add3A_16, %mul3A_2 : i32
    %dma_start3A_18 = arith.constant 2048 : i32
    %dma_start3A_19 = tpu.memref_slice %arg9[%dma_start3A_18] : memref<12288xf32, #tpu.memory_space<vmem>> -> memref<2048xf32, #tpu.memory_space<vmem>>
    %dma_start3A_20 = arith.constant 0 : i32
    %dma_start3A_21 = tpu.memref_slice %arg2[%add3A_17, %dma_start3A_20] : memref<6144x2048xf32, #tpu.memory_space<hbm>> -> memref<1x2048xf32, #tpu.memory_space<hbm>>
    %dma_start3A_22 = tpu.memref_squeeze %dma_start3A_21 : memref<1x2048xf32, #tpu.memory_space<hbm>> -> memref<2048xf32, #tpu.memory_space<hbm>>
    %dma_start3A_23 = arith.constant 2048 : i32
    %dma_start3A_24 = tpu.memref_slice %arg9[%dma_start3A_23] : memref<12288xf32, #tpu.memory_space<vmem>> -> memref<2048xf32, #tpu.memory_space<vmem>>
    %dma_start3A_25 = arith.constant 0 : i32
    %dma_start3A_26 = tpu.memref_slice %arg2[%add3A_17, %dma_start3A_25] : memref<6144x2048xf32, #tpu.memory_space<hbm>> -> memref<1x2048xf32, #tpu.memory_space<hbm>>
    %dma_start3A_27 = tpu.memref_squeeze %dma_start3A_26 : memref<1x2048xf32, #tpu.memory_space<hbm>> -> memref<2048xf32, #tpu.memory_space<hbm>>
    tpu.enqueue_dma source(%dma_start3A_27 : memref<2048xf32, #tpu.memory_space<hbm>>) target(%dma_start3A_24 : memref<2048xf32, #tpu.memory_space<vmem>>) target_semaphore(%arg23 : memref<!tpu.dma_semaphore, #tpu.memory_space<semaphore_mem>>)
    %add3A_28 = arith.constant 2048 : i32
    %add3A_29 = arith.addi %add3A_28, %mul3A_2 : i32
    %dma_start3A_30 = arith.constant 4096 : i32
    %dma_start3A_31 = tpu.memref_slice %arg9[%dma_start3A_30] : memref<12288xf32, #tpu.memory_space<vmem>> -> memref<2048xf32, #tpu.memory_space<vmem>>
    %dma_start3A_32 = arith.constant 0 : i32
    %dma_start3A_33 = tpu.memref_slice %arg2[%add3A_29, %dma_start3A_32] : memref<6144x2048xf32, #tpu.memory_space<hbm>> -> memref<1x2048xf32, #tpu.memory_space<hbm>>
    %dma_start3A_34 = tpu.memref_squeeze %dma_start3A_33 : memref<1x2048xf32, #tpu.memory_space<hbm>> -> memref<2048xf32, #tpu.memory_space<hbm>>
    %dma_start3A_35 = arith.constant 4096 : i32
    %dma_start3A_36 = tpu.memref_slice %arg9[%dma_start3A_35] : memref<12288xf32, #tpu.memory_space<vmem>> -> memref<2048xf32, #tpu.memory_space<vmem>>
    %dma_start3A_37 = arith.constant 0 : i32
    %dma_start3A_38 = tpu.memref_slice %arg2[%add3A_29, %dma_start3A_37] : memref<6144x2048xf32, #tpu.memory_space<hbm>> -> memref<1x2048xf32, #tpu.memory_space<hbm>>
    %dma_start3A_39 = tpu.memref_squeeze %dma_start3A_38 : memref<1x2048xf32, #tpu.memory_space<hbm>> -> memref<2048xf32, #tpu.memory_space<hbm>>
    tpu.enqueue_dma source(%dma_start3A_39 : memref<2048xf32, #tpu.memory_space<hbm>>) target(%dma_start3A_36 : memref<2048xf32, #tpu.memory_space<vmem>>) target_semaphore(%arg23 : memref<!tpu.dma_semaphore, #tpu.memory_space<semaphore_mem>>)
    %add3A_40 = arith.constant 3072 : i32
    %add3A_41 = arith.addi %add3A_40, %mul3A_2 : i32
    %dma_start3A_42 = arith.constant 6144 : i32
    %dma_start3A_43 = tpu.memref_slice %arg9[%dma_start3A_42] : memref<12288xf32, #tpu.memory_space<vmem>> -> memref<2048xf32, #tpu.memory_space<vmem>>
    %dma_start3A_44 = arith.constant 0 : i32
    %dma_start3A_45 = tpu.memref_slice %arg2[%add3A_41, %dma_start3A_44] : memref<6144x2048xf32, #tpu.memory_space<hbm>> -> memref<1x2048xf32, #tpu.memory_space<hbm>>
    %dma_start3A_46 = tpu.memref_squeeze %dma_start3A_45 : memref<1x2048xf32, #tpu.memory_space<hbm>> -> memref<2048xf32, #tpu.memory_space<hbm>>
    %dma_start3A_47 = arith.constant 6144 : i32
    %dma_start3A_48 = tpu.memref_slice %arg9[%dma_start3A_47] : memref<12288xf32, #tpu.memory_space<vmem>> -> memref<2048xf32, #tpu.memory_space<vmem>>
    %dma_start3A_49 = arith.constant 0 : i32
    %dma_start3A_50 = tpu.memref_slice %arg2[%add3A_41, %dma_start3A_49] : memref<6144x2048xf32, #tpu.memory_space<hbm>> -> memref<1x2048xf32, #tpu.memory_space<hbm>>
    %dma_start3A_51 = tpu.memref_squeeze %dma_start3A_50 : memref<1x2048xf32, #tpu.memory_space<hbm>> -> memref<2048xf32, #tpu.memory_space<hbm>>
    tpu.enqueue_dma source(%dma_start3A_51 : memref<2048xf32, #tpu.memory_space<hbm>>) target(%dma_start3A_48 : memref<2048xf32, #tpu.memory_space<vmem>>) target_semaphore(%arg23 : memref<!tpu.dma_semaphore, #tpu.memory_space<semaphore_mem>>)
    %add3A_52 = arith.constant 4096 : i32
    %add3A_53 = arith.addi %add3A_52, %mul3A_2 : i32
    %dma_start3A_54 = arith.constant 8192 : i32
    %dma_start3A_55 = tpu.memref_slice %arg9[%dma_start3A_54] : memref<12288xf32, #tpu.memory_space<vmem>> -> memref<2048xf32, #tpu.memory_space<vmem>>
    %dma_start3A_56 = arith.constant 0 : i32
    %dma_start3A_57 = tpu.memref_slice %arg2[%add3A_53, %dma_start3A_56] : memref<6144x2048xf32, #tpu.memory_space<hbm>> -> memref<1x2048xf32, #tpu.memory_space<hbm>>
    %dma_start3A_58 = tpu.memref_squeeze %dma_start3A_57 : memref<1x2048xf32, #tpu.memory_space<hbm>> -> memref<2048xf32, #tpu.memory_space<hbm>>
    %dma_start3A_59 = arith.constant 8192 : i32
    %dma_start3A_60 = tpu.memref_slice %arg9[%dma_start3A_59] : memref<12288xf32, #tpu.memory_space<vmem>> -> memref<2048xf32, #tpu.memory_space<vmem>>
    %dma_start3A_61 = arith.constant 0 : i32
    %dma_start3A_62 = tpu.memref_slice %arg2[%add3A_53, %dma_start3A_61] : memref<6144x2048xf32, #tpu.memory_space<hbm>> -> memref<1x2048xf32, #tpu.memory_space<hbm>>
    %dma_start3A_63 = tpu.memref_squeeze %dma_start3A_62 : memref<1x2048xf32, #tpu.memory_space<hbm>> -> memref<2048xf32, #tpu.memory_space<hbm>>
    tpu.enqueue_dma source(%dma_start3A_63 : memref<2048xf32, #tpu.memory_space<hbm>>) target(%dma_start3A_60 : memref<2048xf32, #tpu.memory_space<vmem>>) target_semaphore(%arg23 : memref<!tpu.dma_semaphore, #tpu.memory_space<semaphore_mem>>)
    %add3A_64 = arith.constant 5120 : i32
    %add3A_65 = arith.addi %add3A_64, %mul3A_2 : i32
    %dma_start3A_66 = arith.constant 10240 : i32
    %dma_start3A_67 = tpu.memref_slice %arg9[%dma_start3A_66] : memref<12288xf32, #tpu.memory_space<vmem>> -> memref<2048xf32, #tpu.memory_space<vmem>>
    %dma_start3A_68 = arith.constant 0 : i32
    %dma_start3A_69 = tpu.memref_slice %arg2[%add3A_65, %dma_start3A_68] : memref<6144x2048xf32, #tpu.memory_space<hbm>> -> memref<1x2048xf32, #tpu.memory_space<hbm>>
    %dma_start3A_70 = tpu.memref_squeeze %dma_start3A_69 : memref<1x2048xf32, #tpu.memory_space<hbm>> -> memref<2048xf32, #tpu.memory_space<hbm>>
    %dma_start3A_71 = arith.constant 10240 : i32
    %dma_start3A_72 = tpu.memref_slice %arg9[%dma_start3A_71] : memref<12288xf32, #tpu.memory_space<vmem>> -> memref<2048xf32, #tpu.memory_space<vmem>>
    %dma_start3A_73 = arith.constant 0 : i32
    %dma_start3A_74 = tpu.memref_slice %arg2[%add3A_65, %dma_start3A_73] : memref<6144x2048xf32, #tpu.memory_space<hbm>> -> memref<1x2048xf32, #tpu.memory_space<hbm>>
    %dma_start3A_75 = tpu.memref_squeeze %dma_start3A_74 : memref<1x2048xf32, #tpu.memory_space<hbm>> -> memref<2048xf32, #tpu.memory_space<hbm>>
    tpu.enqueue_dma source(%dma_start3A_75 : memref<2048xf32, #tpu.memory_space<hbm>>) target(%dma_start3A_72 : memref<2048xf32, #tpu.memory_space<vmem>>) target_semaphore(%arg23 : memref<!tpu.dma_semaphore, #tpu.memory_space<semaphore_mem>>)
    %dma_start3A_76 = arith.constant 0 : i32
    %dma_start3A_77 = tpu.memref_slice %arg3[%mul3A_2, %dma_start3A_76] : memref<1024x2048xi32, #tpu.memory_space<hbm>> -> memref<1x2048xi32, #tpu.memory_space<hbm>>
    %dma_start3A_78 = tpu.memref_squeeze %dma_start3A_77 : memref<1x2048xi32, #tpu.memory_space<hbm>> -> memref<2048xi32, #tpu.memory_space<hbm>>
    %dma_start3A_79 = arith.constant 0 : i32
    %dma_start3A_80 = tpu.memref_slice %arg3[%mul3A_2, %dma_start3A_79] : memref<1024x2048xi32, #tpu.memory_space<hbm>> -> memref<1x2048xi32, #tpu.memory_space<hbm>>
    %dma_start3A_81 = tpu.memref_squeeze %dma_start3A_80 : memref<1x2048xi32, #tpu.memory_space<hbm>> -> memref<2048xi32, #tpu.memory_space<hbm>>
    tpu.enqueue_dma source(%dma_start3A_81 : memref<2048xi32, #tpu.memory_space<hbm>>) target(%arg11 : memref<2048xi32, #tpu.memory_space<vmem>>) target_semaphore(%arg23 : memref<!tpu.dma_semaphore, #tpu.memory_space<semaphore_mem>>)
    %add3A_82 = arith.constant 1 : i32
    %add3A_83 = arith.addi %mul3A_2, %add3A_82 : i32
    %add3A_84 = arith.constant 0 : i32
    %add3A_85 = arith.addi %add3A_84, %add3A_83 : i32
    %dma_start3A_86 = arith.constant 0 : i32
    %dma_start3A_87 = tpu.memref_slice %arg10[%dma_start3A_86] : memref<12288xf32, #tpu.memory_space<vmem>> -> memref<2048xf32, #tpu.memory_space<vmem>>
    %dma_start3A_88 = arith.constant 0 : i32
    %dma_start3A_89 = tpu.memref_slice %arg2[%add3A_85, %dma_start3A_88] : memref<6144x2048xf32, #tpu.memory_space<hbm>> -> memref<1x2048xf32, #tpu.memory_space<hbm>>
    %dma_start3A_90 = tpu.memref_squeeze %dma_start3A_89 : memref<1x2048xf32, #tpu.memory_space<hbm>> -> memref<2048xf32, #tpu.memory_space<hbm>>
    %dma_start3A_91 = arith.constant 0 : i32
    %dma_start3A_92 = tpu.memref_slice %arg10[%dma_start3A_91] : memref<12288xf32, #tpu.memory_space<vmem>> -> memref<2048xf32, #tpu.memory_space<vmem>>
    %dma_start3A_93 = arith.constant 0 : i32
    %dma_start3A_94 = tpu.memref_slice %arg2[%add3A_85, %dma_start3A_93] : memref<6144x2048xf32, #tpu.memory_space<hbm>> -> memref<1x2048xf32, #tpu.memory_space<hbm>>
    %dma_start3A_95 = tpu.memref_squeeze %dma_start3A_94 : memref<1x2048xf32, #tpu.memory_space<hbm>> -> memref<2048xf32, #tpu.memory_space<hbm>>
    tpu.enqueue_dma source(%dma_start3A_95 : memref<2048xf32, #tpu.memory_space<hbm>>) target(%dma_start3A_92 : memref<2048xf32, #tpu.memory_space<vmem>>) target_semaphore(%arg24 : memref<!tpu.dma_semaphore, #tpu.memory_space<semaphore_mem>>)
    %add3A_96 = arith.constant 1024 : i32
    %add3A_97 = arith.addi %add3A_96, %add3A_83 : i32
    %dma_start3A_98 = arith.constant 2048 : i32
    %dma_start3A_99 = tpu.memref_slice %arg10[%dma_start3A_98] : memref<12288xf32, #tpu.memory_space<vmem>> -> memref<2048xf32, #tpu.memory_space<vmem>>
    %dma_start3A_100 = arith.constant 0 : i32
    %dma_start3A_101 = tpu.memref_slice %arg2[%add3A_97, %dma_start3A_100] : memref<6144x2048xf32, #tpu.memory_space<hbm>> -> memref<1x2048xf32, #tpu.memory_space<hbm>>
    %dma_start3A_102 = tpu.memref_squeeze %dma_start3A_101 : memref<1x2048xf32, #tpu.memory_space<hbm>> -> memref<2048xf32, #tpu.memory_space<hbm>>
    %dma_start3A_103 = arith.constant 2048 : i32
    %dma_start3A_104 = tpu.memref_slice %arg10[%dma_start3A_103] : memref<12288xf32, #tpu.memory_space<vmem>> -> memref<2048xf32, #tpu.memory_space<vmem>>
    %dma_start3A_105 = arith.constant 0 : i32
    %dma_start3A_106 = tpu.memref_slice %arg2[%add3A_97, %dma_start3A_105] : memref<6144x2048xf32, #tpu.memory_space<hbm>> -> memref<1x2048xf32, #tpu.memory_space<hbm>>
    %dma_start3A_107 = tpu.memref_squeeze %dma_start3A_106 : memref<1x2048xf32, #tpu.memory_space<hbm>> -> memref<2048xf32, #tpu.memory_space<hbm>>
    tpu.enqueue_dma source(%dma_start3A_107 : memref<2048xf32, #tpu.memory_space<hbm>>) target(%dma_start3A_104 : memref<2048xf32, #tpu.memory_space<vmem>>) target_semaphore(%arg24 : memref<!tpu.dma_semaphore, #tpu.memory_space<semaphore_mem>>)
    %add3A_108 = arith.constant 2048 : i32
    %add3A_109 = arith.addi %add3A_108, %add3A_83 : i32
    %dma_start3A_110 = arith.constant 4096 : i32
    %dma_start3A_111 = tpu.memref_slice %arg10[%dma_start3A_110] : memref<12288xf32, #tpu.memory_space<vmem>> -> memref<2048xf32, #tpu.memory_space<vmem>>
    %dma_start3A_112 = arith.constant 0 : i32
    %dma_start3A_113 = tpu.memref_slice %arg2[%add3A_109, %dma_start3A_112] : memref<6144x2048xf32, #tpu.memory_space<hbm>> -> memref<1x2048xf32, #tpu.memory_space<hbm>>
    %dma_start3A_114 = tpu.memref_squeeze %dma_start3A_113 : memref<1x2048xf32, #tpu.memory_space<hbm>> -> memref<2048xf32, #tpu.memory_space<hbm>>
    %dma_start3A_115 = arith.constant 4096 : i32
    %dma_start3A_116 = tpu.memref_slice %arg10[%dma_start3A_115] : memref<12288xf32, #tpu.memory_space<vmem>> -> memref<2048xf32, #tpu.memory_space<vmem>>
    %dma_start3A_117 = arith.constant 0 : i32
    %dma_start3A_118 = tpu.memref_slice %arg2[%add3A_109, %dma_start3A_117] : memref<6144x2048xf32, #tpu.memory_space<hbm>> -> memref<1x2048xf32, #tpu.memory_space<hbm>>
    %dma_start3A_119 = tpu.memref_squeeze %dma_start3A_118 : memref<1x2048xf32, #tpu.memory_space<hbm>> -> memref<2048xf32, #tpu.memory_space<hbm>>
    tpu.enqueue_dma source(%dma_start3A_119 : memref<2048xf32, #tpu.memory_space<hbm>>) target(%dma_start3A_116 : memref<2048xf32, #tpu.memory_space<vmem>>) target_semaphore(%arg24 : memref<!tpu.dma_semaphore, #tpu.memory_space<semaphore_mem>>)
    %add3A_120 = arith.constant 3072 : i32
    %add3A_121 = arith.addi %add3A_120, %add3A_83 : i32
    %dma_start3A_122 = arith.constant 6144 : i32
    %dma_start3A_123 = tpu.memref_slice %arg10[%dma_start3A_122] : memref<12288xf32, #tpu.memory_space<vmem>> -> memref<2048xf32, #tpu.memory_space<vmem>>
    %dma_start3A_124 = arith.constant 0 : i32
    %dma_start3A_125 = tpu.memref_slice %arg2[%add3A_121, %dma_start3A_124] : memref<6144x2048xf32, #tpu.memory_space<hbm>> -> memref<1x2048xf32, #tpu.memory_space<hbm>>
    %dma_start3A_126 = tpu.memref_squeeze %dma_start3A_125 : memref<1x2048xf32, #tpu.memory_space<hbm>> -> memref<2048xf32, #tpu.memory_space<hbm>>
    %dma_start3A_127 = arith.constant 6144 : i32
    %dma_start3A_128 = tpu.memref_slice %arg10[%dma_start3A_127] : memref<12288xf32, #tpu.memory_space<vmem>> -> memref<2048xf32, #tpu.memory_space<vmem>>
    %dma_start3A_129 = arith.constant 0 : i32
    %dma_start3A_130 = tpu.memref_slice %arg2[%add3A_121, %dma_start3A_129] : memref<6144x2048xf32, #tpu.memory_space<hbm>> -> memref<1x2048xf32, #tpu.memory_space<hbm>>
    %dma_start3A_131 = tpu.memref_squeeze %dma_start3A_130 : memref<1x2048xf32, #tpu.memory_space<hbm>> -> memref<2048xf32, #tpu.memory_space<hbm>>
    tpu.enqueue_dma source(%dma_start3A_131 : memref<2048xf32, #tpu.memory_space<hbm>>) target(%dma_start3A_128 : memref<2048xf32, #tpu.memory_space<vmem>>) target_semaphore(%arg24 : memref<!tpu.dma_semaphore, #tpu.memory_space<semaphore_mem>>)
    %add3A_132 = arith.constant 4096 : i32
    %add3A_133 = arith.addi %add3A_132, %add3A_83 : i32
    %dma_start3A_134 = arith.constant 8192 : i32
    %dma_start3A_135 = tpu.memref_slice %arg10[%dma_start3A_134] : memref<12288xf32, #tpu.memory_space<vmem>> -> memref<2048xf32, #tpu.memory_space<vmem>>
    %dma_start3A_136 = arith.constant 0 : i32
    %dma_start3A_137 = tpu.memref_slice %arg2[%add3A_133, %dma_start3A_136] : memref<6144x2048xf32, #tpu.memory_space<hbm>> -> memref<1x2048xf32, #tpu.memory_space<hbm>>
    %dma_start3A_138 = tpu.memref_squeeze %dma_start3A_137 : memref<1x2048xf32, #tpu.memory_space<hbm>> -> memref<2048xf32, #tpu.memory_space<hbm>>
    %dma_start3A_139 = arith.constant 8192 : i32
    %dma_start3A_140 = tpu.memref_slice %arg10[%dma_start3A_139] : memref<12288xf32, #tpu.memory_space<vmem>> -> memref<2048xf32, #tpu.memory_space<vmem>>
    %dma_start3A_141 = arith.constant 0 : i32
    %dma_start3A_142 = tpu.memref_slice %arg2[%add3A_133, %dma_start3A_141] : memref<6144x2048xf32, #tpu.memory_space<hbm>> -> memref<1x2048xf32, #tpu.memory_space<hbm>>
    %dma_start3A_143 = tpu.memref_squeeze %dma_start3A_142 : memref<1x2048xf32, #tpu.memory_space<hbm>> -> memref<2048xf32, #tpu.memory_space<hbm>>
    tpu.enqueue_dma source(%dma_start3A_143 : memref<2048xf32, #tpu.memory_space<hbm>>) target(%dma_start3A_140 : memref<2048xf32, #tpu.memory_space<vmem>>) target_semaphore(%arg24 : memref<!tpu.dma_semaphore, #tpu.memory_space<semaphore_mem>>)
    %add3A_144 = arith.constant 5120 : i32
    %add3A_145 = arith.addi %add3A_144, %add3A_83 : i32
    %dma_start3A_146 = arith.constant 10240 : i32
    %dma_start3A_147 = tpu.memref_slice %arg10[%dma_start3A_146] : memref<12288xf32, #tpu.memory_space<vmem>> -> memref<2048xf32, #tpu.memory_space<vmem>>
    %dma_start3A_148 = arith.constant 0 : i32
    %dma_start3A_149 = tpu.memref_slice %arg2[%add3A_145, %dma_start3A_148] : memref<6144x2048xf32, #tpu.memory_space<hbm>> -> memref<1x2048xf32, #tpu.memory_space<hbm>>
    %dma_start3A_150 = tpu.memref_squeeze %dma_start3A_149 : memref<1x2048xf32, #tpu.memory_space<hbm>> -> memref<2048xf32, #tpu.memory_space<hbm>>
    %dma_start3A_151 = arith.constant 10240 : i32
    %dma_start3A_152 = tpu.memref_slice %arg10[%dma_start3A_151] : memref<12288xf32, #tpu.memory_space<vmem>> -> memref<2048xf32, #tpu.memory_space<vmem>>
    %dma_start3A_153 = arith.constant 0 : i32
    %dma_start3A_154 = tpu.memref_slice %arg2[%add3A_145, %dma_start3A_153] : memref<6144x2048xf32, #tpu.memory_space<hbm>> -> memref<1x2048xf32, #tpu.memory_space<hbm>>
    %dma_start3A_155 = tpu.memref_squeeze %dma_start3A_154 : memref<1x2048xf32, #tpu.memory_space<hbm>> -> memref<2048xf32, #tpu.memory_space<hbm>>
    tpu.enqueue_dma source(%dma_start3A_155 : memref<2048xf32, #tpu.memory_space<hbm>>) target(%dma_start3A_152 : memref<2048xf32, #tpu.memory_space<vmem>>) target_semaphore(%arg24 : memref<!tpu.dma_semaphore, #tpu.memory_space<semaphore_mem>>)
    %dma_start3A_156 = arith.constant 0 : i32
    %dma_start3A_157 = tpu.memref_slice %arg3[%add3A_83, %dma_start3A_156] : memref<1024x2048xi32, #tpu.memory_space<hbm>> -> memref<1x2048xi32, #tpu.memory_space<hbm>>
    %dma_start3A_158 = tpu.memref_squeeze %dma_start3A_157 : memref<1x2048xi32, #tpu.memory_space<hbm>> -> memref<2048xi32, #tpu.memory_space<hbm>>
    %dma_start3A_159 = arith.constant 0 : i32
    %dma_start3A_160 = tpu.memref_slice %arg3[%add3A_83, %dma_start3A_159] : memref<1024x2048xi32, #tpu.memory_space<hbm>> -> memref<1x2048xi32, #tpu.memory_space<hbm>>
    %dma_start3A_161 = tpu.memref_squeeze %dma_start3A_160 : memref<1x2048xi32, #tpu.memory_space<hbm>> -> memref<2048xi32, #tpu.memory_space<hbm>>
    tpu.enqueue_dma source(%dma_start3A_161 : memref<2048xi32, #tpu.memory_space<hbm>>) target(%arg12 : memref<2048xi32, #tpu.memory_space<vmem>>) target_semaphore(%arg24 : memref<!tpu.dma_semaphore, #tpu.memory_space<semaphore_mem>>)
    "tpu.region"() ({
      %run_scoped3A = tpu.sem_alloc : memref<!tpu.dma_semaphore, #tpu.memory_space<semaphore_mem>>
      %dma_start3A_341 = arith.constant 0 : i32
      %dma_start3A_342 = tpu.memref_slice %arg4[%mul3A_2, %dma_start3A_341] : memref<1024x12xf32, #tpu.memory_space<hbm>> -> memref<32x12xf32, #tpu.memory_space<hbm>>
      %dma_start3A_343 = arith.constant 0 : i32
      %dma_start3A_344 = tpu.memref_slice %arg4[%mul3A_2, %dma_start3A_343] : memref<1024x12xf32, #tpu.memory_space<hbm>> -> memref<32x12xf32, #tpu.memory_space<hbm>>
      tpu.enqueue_dma source(%dma_start3A_344 : memref<32x12xf32, #tpu.memory_space<hbm>>) target(%arg13 : memref<32x12xf32, #tpu.memory_space<vmem>>) target_semaphore(%run_scoped3A : memref<!tpu.dma_semaphore, #tpu.memory_space<semaphore_mem>>)
      %dma_wait3A_345 = arith.constant 0 : i32
      %dma_wait3A_346 = tpu.memref_slice %arg4[%mul3A_2, %dma_wait3A_345] : memref<1024x12xf32, #tpu.memory_space<hbm>> -> memref<32x12xf32, #tpu.memory_space<hbm>>
      %dma_wait3A_347 = arith.constant 0 : i32
      %dma_wait3A_348 = tpu.memref_slice %arg4[%mul3A_2, %dma_wait3A_347] : memref<1024x12xf32, #tpu.memory_space<hbm>> -> memref<32x12xf32, #tpu.memory_space<hbm>>
      tpu.wait_dma2 semaphore(%run_scoped3A : memref<!tpu.dma_semaphore, #tpu.memory_space<semaphore_mem>>) src(%dma_wait3A_348 : memref<32x12xf32, #tpu.memory_space<hbm>>) dst(%arg13 : memref<32x12xf32, #tpu.memory_space<vmem>>)
      tpu.yield
    }) : () -> ()
    %scan3A = arith.constant 0 : i32
    %scan3A_162 = arith.constant 0 : i32
    %scan3A_163 = arith.constant 16 : i32
    %scan3A_164 = arith.addi %scan3A_162, %scan3A_163 : i32
    %scan3A_165 = arith.constant 1 : i32
    scf.for %scan3A_341 = %scan3A_162 to %scan3A_164 step %scan3A_165  : i32 {
      %mul3A_342 = arith.constant 2 : i32
      %mul3A_343 = arith.muli %mul3A_342, %scan3A_341 : i32
      %add3A_344 = arith.addi %mul3A_2, %mul3A_343 : i32
      %add3A_345 = arith.constant 0 : i32
      %add3A_346 = arith.addi %add3A_345, %add3A_344 : i32
      %dma_wait3A_347 = arith.constant 0 : i32
      %dma_wait3A_348 = tpu.memref_slice %arg9[%dma_wait3A_347] : memref<12288xf32, #tpu.memory_space<vmem>> -> memref<2048xf32, #tpu.memory_space<vmem>>
      %dma_wait3A_349 = arith.constant 0 : i32
      %dma_wait3A_350 = tpu.memref_slice %arg2[%add3A_346, %dma_wait3A_349] : memref<6144x2048xf32, #tpu.memory_space<hbm>> -> memref<1x2048xf32, #tpu.memory_space<hbm>>
      %dma_wait3A_351 = tpu.memref_squeeze %dma_wait3A_350 : memref<1x2048xf32, #tpu.memory_space<hbm>> -> memref<2048xf32, #tpu.memory_space<hbm>>
      %dma_wait3A_352 = arith.constant 0 : i32
      %dma_wait3A_353 = tpu.memref_slice %arg9[%dma_wait3A_352] : memref<12288xf32, #tpu.memory_space<vmem>> -> memref<2048xf32, #tpu.memory_space<vmem>>
      %dma_wait3A_354 = arith.constant 0 : i32
      %dma_wait3A_355 = tpu.memref_slice %arg2[%add3A_346, %dma_wait3A_354] : memref<6144x2048xf32, #tpu.memory_space<hbm>> -> memref<1x2048xf32, #tpu.memory_space<hbm>>
      %dma_wait3A_356 = tpu.memref_squeeze %dma_wait3A_355 : memref<1x2048xf32, #tpu.memory_space<hbm>> -> memref<2048xf32, #tpu.memory_space<hbm>>
      tpu.wait_dma2 semaphore(%arg23 : memref<!tpu.dma_semaphore, #tpu.memory_space<semaphore_mem>>) src(%dma_wait3A_356 : memref<2048xf32, #tpu.memory_space<hbm>>) dst(%dma_wait3A_353 : memref<2048xf32, #tpu.memory_space<vmem>>)
      %add3A_357 = arith.constant 1024 : i32
      %add3A_358 = arith.addi %add3A_357, %add3A_344 : i32
      %dma_wait3A_359 = arith.constant 2048 : i32
      %dma_wait3A_360 = tpu.memref_slice %arg9[%dma_wait3A_359] : memref<12288xf32, #tpu.memory_space<vmem>> -> memref<2048xf32, #tpu.memory_space<vmem>>
      %dma_wait3A_361 = arith.constant 0 : i32
      %dma_wait3A_362 = tpu.memref_slice %arg2[%add3A_358, %dma_wait3A_361] : memref<6144x2048xf32, #tpu.memory_space<hbm>> -> memref<1x2048xf32, #tpu.memory_space<hbm>>
      %dma_wait3A_363 = tpu.memref_squeeze %dma_wait3A_362 : memref<1x2048xf32, #tpu.memory_space<hbm>> -> memref<2048xf32, #tpu.memory_space<hbm>>
      %dma_wait3A_364 = arith.constant 2048 : i32
      %dma_wait3A_365 = tpu.memref_slice %arg9[%dma_wait3A_364] : memref<12288xf32, #tpu.memory_space<vmem>> -> memref<2048xf32, #tpu.memory_space<vmem>>
      %dma_wait3A_366 = arith.constant 0 : i32
      %dma_wait3A_367 = tpu.memref_slice %arg2[%add3A_358, %dma_wait3A_366] : memref<6144x2048xf32, #tpu.memory_space<hbm>> -> memref<1x2048xf32, #tpu.memory_space<hbm>>
      %dma_wait3A_368 = tpu.memref_squeeze %dma_wait3A_367 : memref<1x2048xf32, #tpu.memory_space<hbm>> -> memref<2048xf32, #tpu.memory_space<hbm>>
      tpu.wait_dma2 semaphore(%arg23 : memref<!tpu.dma_semaphore, #tpu.memory_space<semaphore_mem>>) src(%dma_wait3A_368 : memref<2048xf32, #tpu.memory_space<hbm>>) dst(%dma_wait3A_365 : memref<2048xf32, #tpu.memory_space<vmem>>)
      %add3A_369 = arith.constant 2048 : i32
      %add3A_370 = arith.addi %add3A_369, %add3A_344 : i32
      %dma_wait3A_371 = arith.constant 4096 : i32
      %dma_wait3A_372 = tpu.memref_slice %arg9[%dma_wait3A_371] : memref<12288xf32, #tpu.memory_space<vmem>> -> memref<2048xf32, #tpu.memory_space<vmem>>
      %dma_wait3A_373 = arith.constant 0 : i32
      %dma_wait3A_374 = tpu.memref_slice %arg2[%add3A_370, %dma_wait3A_373] : memref<6144x2048xf32, #tpu.memory_space<hbm>> -> memref<1x2048xf32, #tpu.memory_space<hbm>>
      %dma_wait3A_375 = tpu.memref_squeeze %dma_wait3A_374 : memref<1x2048xf32, #tpu.memory_space<hbm>> -> memref<2048xf32, #tpu.memory_space<hbm>>
      %dma_wait3A_376 = arith.constant 4096 : i32
      %dma_wait3A_377 = tpu.memref_slice %arg9[%dma_wait3A_376] : memref<12288xf32, #tpu.memory_space<vmem>> -> memref<2048xf32, #tpu.memory_space<vmem>>
      %dma_wait3A_378 = arith.constant 0 : i32
      %dma_wait3A_379 = tpu.memref_slice %arg2[%add3A_370, %dma_wait3A_378] : memref<6144x2048xf32, #tpu.memory_space<hbm>> -> memref<1x2048xf32, #tpu.memory_space<hbm>>
      %dma_wait3A_380 = tpu.memref_squeeze %dma_wait3A_379 : memref<1x2048xf32, #tpu.memory_space<hbm>> -> memref<2048xf32, #tpu.memory_space<hbm>>
      tpu.wait_dma2 semaphore(%arg23 : memref<!tpu.dma_semaphore, #tpu.memory_space<semaphore_mem>>) src(%dma_wait3A_380 : memref<2048xf32, #tpu.memory_space<hbm>>) dst(%dma_wait3A_377 : memref<2048xf32, #tpu.memory_space<vmem>>)
      %add3A_381 = arith.constant 3072 : i32
      %add3A_382 = arith.addi %add3A_381, %add3A_344 : i32
      %dma_wait3A_383 = arith.constant 6144 : i32
      %dma_wait3A_384 = tpu.memref_slice %arg9[%dma_wait3A_383] : memref<12288xf32, #tpu.memory_space<vmem>> -> memref<2048xf32, #tpu.memory_space<vmem>>
      %dma_wait3A_385 = arith.constant 0 : i32
      %dma_wait3A_386 = tpu.memref_slice %arg2[%add3A_382, %dma_wait3A_385] : memref<6144x2048xf32, #tpu.memory_space<hbm>> -> memref<1x2048xf32, #tpu.memory_space<hbm>>
      %dma_wait3A_387 = tpu.memref_squeeze %dma_wait3A_386 : memref<1x2048xf32, #tpu.memory_space<hbm>> -> memref<2048xf32, #tpu.memory_space<hbm>>
      %dma_wait3A_388 = arith.constant 6144 : i32
      %dma_wait3A_389 = tpu.memref_slice %arg9[%dma_wait3A_388] : memref<12288xf32, #tpu.memory_space<vmem>> -> memref<2048xf32, #tpu.memory_space<vmem>>
      %dma_wait3A_390 = arith.constant 0 : i32
      %dma_wait3A_391 = tpu.memref_slice %arg2[%add3A_382, %dma_wait3A_390] : memref<6144x2048xf32, #tpu.memory_space<hbm>> -> memref<1x2048xf32, #tpu.memory_space<hbm>>
      %dma_wait3A_392 = tpu.memref_squeeze %dma_wait3A_391 : memref<1x2048xf32, #tpu.memory_space<hbm>> -> memref<2048xf32, #tpu.memory_space<hbm>>
      tpu.wait_dma2 semaphore(%arg23 : memref<!tpu.dma_semaphore, #tpu.memory_space<semaphore_mem>>) src(%dma_wait3A_392 : memref<2048xf32, #tpu.memory_space<hbm>>) dst(%dma_wait3A_389 : memref<2048xf32, #tpu.memory_space<vmem>>)
      %add3A_393 = arith.constant 4096 : i32
      %add3A_394 = arith.addi %add3A_393, %add3A_344 : i32
      %dma_wait3A_395 = arith.constant 8192 : i32
      %dma_wait3A_396 = tpu.memref_slice %arg9[%dma_wait3A_395] : memref<12288xf32, #tpu.memory_space<vmem>> -> memref<2048xf32, #tpu.memory_space<vmem>>
      %dma_wait3A_397 = arith.constant 0 : i32
      %dma_wait3A_398 = tpu.memref_slice %arg2[%add3A_394, %dma_wait3A_397] : memref<6144x2048xf32, #tpu.memory_space<hbm>> -> memref<1x2048xf32, #tpu.memory_space<hbm>>
      %dma_wait3A_399 = tpu.memref_squeeze %dma_wait3A_398 : memref<1x2048xf32, #tpu.memory_space<hbm>> -> memref<2048xf32, #tpu.memory_space<hbm>>
      %dma_wait3A_400 = arith.constant 8192 : i32
      %dma_wait3A_401 = tpu.memref_slice %arg9[%dma_wait3A_400] : memref<12288xf32, #tpu.memory_space<vmem>> -> memref<2048xf32, #tpu.memory_space<vmem>>
      %dma_wait3A_402 = arith.constant 0 : i32
      %dma_wait3A_403 = tpu.memref_slice %arg2[%add3A_394, %dma_wait3A_402] : memref<6144x2048xf32, #tpu.memory_space<hbm>> -> memref<1x2048xf32, #tpu.memory_space<hbm>>
      %dma_wait3A_404 = tpu.memref_squeeze %dma_wait3A_403 : memref<1x2048xf32, #tpu.memory_space<hbm>> -> memref<2048xf32, #tpu.memory_space<hbm>>
      tpu.wait_dma2 semaphore(%arg23 : memref<!tpu.dma_semaphore, #tpu.memory_space<semaphore_mem>>) src(%dma_wait3A_404 : memref<2048xf32, #tpu.memory_space<hbm>>) dst(%dma_wait3A_401 : memref<2048xf32, #tpu.memory_space<vmem>>)
      %add3A_405 = arith.constant 5120 : i32
      %add3A_406 = arith.addi %add3A_405, %add3A_344 : i32
      %dma_wait3A_407 = arith.constant 10240 : i32
      %dma_wait3A_408 = tpu.memref_slice %arg9[%dma_wait3A_407] : memref<12288xf32, #tpu.memory_space<vmem>> -> memref<2048xf32, #tpu.memory_space<vmem>>
      %dma_wait3A_409 = arith.constant 0 : i32
      %dma_wait3A_410 = tpu.memref_slice %arg2[%add3A_406, %dma_wait3A_409] : memref<6144x2048xf32, #tpu.memory_space<hbm>> -> memref<1x2048xf32, #tpu.memory_space<hbm>>
      %dma_wait3A_411 = tpu.memref_squeeze %dma_wait3A_410 : memref<1x2048xf32, #tpu.memory_space<hbm>> -> memref<2048xf32, #tpu.memory_space<hbm>>
      %dma_wait3A_412 = arith.constant 10240 : i32
      %dma_wait3A_413 = tpu.memref_slice %arg9[%dma_wait3A_412] : memref<12288xf32, #tpu.memory_space<vmem>> -> memref<2048xf32, #tpu.memory_space<vmem>>
      %dma_wait3A_414 = arith.constant 0 : i32
      %dma_wait3A_415 = tpu.memref_slice %arg2[%add3A_406, %dma_wait3A_414] : memref<6144x2048xf32, #tpu.memory_space<hbm>> -> memref<1x2048xf32, #tpu.memory_space<hbm>>
      %dma_wait3A_416 = tpu.memref_squeeze %dma_wait3A_415 : memref<1x2048xf32, #tpu.memory_space<hbm>> -> memref<2048xf32, #tpu.memory_space<hbm>>
      tpu.wait_dma2 semaphore(%arg23 : memref<!tpu.dma_semaphore, #tpu.memory_space<semaphore_mem>>) src(%dma_wait3A_416 : memref<2048xf32, #tpu.memory_space<hbm>>) dst(%dma_wait3A_413 : memref<2048xf32, #tpu.memory_space<vmem>>)
      %dma_wait3A_417 = arith.constant 0 : i32
      %dma_wait3A_418 = tpu.memref_slice %arg3[%add3A_344, %dma_wait3A_417] : memref<1024x2048xi32, #tpu.memory_space<hbm>> -> memref<1x2048xi32, #tpu.memory_space<hbm>>
      %dma_wait3A_419 = tpu.memref_squeeze %dma_wait3A_418 : memref<1x2048xi32, #tpu.memory_space<hbm>> -> memref<2048xi32, #tpu.memory_space<hbm>>
      %dma_wait3A_420 = arith.constant 0 : i32
      %dma_wait3A_421 = tpu.memref_slice %arg3[%add3A_344, %dma_wait3A_420] : memref<1024x2048xi32, #tpu.memory_space<hbm>> -> memref<1x2048xi32, #tpu.memory_space<hbm>>
      %dma_wait3A_422 = tpu.memref_squeeze %dma_wait3A_421 : memref<1x2048xi32, #tpu.memory_space<hbm>> -> memref<2048xi32, #tpu.memory_space<hbm>>
      tpu.wait_dma2 semaphore(%arg23 : memref<!tpu.dma_semaphore, #tpu.memory_space<semaphore_mem>>) src(%dma_wait3A_422 : memref<2048xi32, #tpu.memory_space<hbm>>) dst(%arg11 : memref<2048xi32, #tpu.memory_space<vmem>>)
      %broadcast_in_dim3A = vector.broadcast %mul3A_343 : i32 to vector<16xi32>
      %broadcast_in_dim3A_423 = arith.constant 0 : i32
      %broadcast_in_dim3A_424 = vector.broadcast %broadcast_in_dim3A_423 : i32 to vector<16xi32>
      %gather3A = tpu.vector_load_idx %arg13[%broadcast_in_dim3A, %broadcast_in_dim3A_424] : memref<32x12xf32, #tpu.memory_space<vmem>>[vector<16xi32>, vector<16xi32>], vector<16xf32>,
      %broadcast_in_dim3A_425 = arith.constant 1 : i32
      %broadcast_in_dim3A_426 = vector.broadcast %broadcast_in_dim3A_425 : i32 to vector<16xi32>
      %gather3A_427 = tpu.vector_load_idx %arg13[%broadcast_in_dim3A, %broadcast_in_dim3A_426] : memref<32x12xf32, #tpu.memory_space<vmem>>[vector<16xi32>, vector<16xi32>], vector<16xf32>,
      %broadcast_in_dim3A_428 = arith.constant 2 : i32
      %broadcast_in_dim3A_429 = vector.broadcast %broadcast_in_dim3A_428 : i32 to vector<16xi32>
      %gather3A_430 = tpu.vector_load_idx %arg13[%broadcast_in_dim3A, %broadcast_in_dim3A_429] : memref<32x12xf32, #tpu.memory_space<vmem>>[vector<16xi32>, vector<16xi32>], vector<16xf32>,
      %broadcast_in_dim3A_431 = arith.constant 3 : i32
      %broadcast_in_dim3A_432 = vector.broadcast %broadcast_in_dim3A_431 : i32 to vector<16xi32>
      %gather3A_433 = tpu.vector_load_idx %arg13[%broadcast_in_dim3A, %broadcast_in_dim3A_432] : memref<32x12xf32, #tpu.memory_space<vmem>>[vector<16xi32>, vector<16xi32>], vector<16xf32>,
      %broadcast_in_dim3A_434 = arith.constant 4 : i32
      %broadcast_in_dim3A_435 = vector.broadcast %broadcast_in_dim3A_434 : i32 to vector<16xi32>
      %gather3A_436 = tpu.vector_load_idx %arg13[%broadcast_in_dim3A, %broadcast_in_dim3A_435] : memref<32x12xf32, #tpu.memory_space<vmem>>[vector<16xi32>, vector<16xi32>], vector<16xf32>,
      %broadcast_in_dim3A_437 = arith.constant 5 : i32
      %broadcast_in_dim3A_438 = vector.broadcast %broadcast_in_dim3A_437 : i32 to vector<16xi32>
      %gather3A_439 = tpu.vector_load_idx %arg13[%broadcast_in_dim3A, %broadcast_in_dim3A_438] : memref<32x12xf32, #tpu.memory_space<vmem>>[vector<16xi32>, vector<16xi32>], vector<16xf32>,
      %broadcast_in_dim3A_440 = arith.constant 6 : i32
      %broadcast_in_dim3A_441 = vector.broadcast %broadcast_in_dim3A_440 : i32 to vector<16xi32>
      %gather3A_442 = tpu.vector_load_idx %arg13[%broadcast_in_dim3A, %broadcast_in_dim3A_441] : memref<32x12xf32, #tpu.memory_space<vmem>>[vector<16xi32>, vector<16xi32>], vector<16xf32>,
      %broadcast_in_dim3A_443 = arith.constant 7 : i32
      %broadcast_in_dim3A_444 = vector.broadcast %broadcast_in_dim3A_443 : i32 to vector<16xi32>
      %gather3A_445 = tpu.vector_load_idx %arg13[%broadcast_in_dim3A, %broadcast_in_dim3A_444] : memref<32x12xf32, #tpu.memory_space<vmem>>[vector<16xi32>, vector<16xi32>], vector<16xf32>,
      %broadcast_in_dim3A_446 = arith.constant 8 : i32
      %broadcast_in_dim3A_447 = vector.broadcast %broadcast_in_dim3A_446 : i32 to vector<16xi32>
      %gather3A_448 = tpu.vector_load_idx %arg13[%broadcast_in_dim3A, %broadcast_in_dim3A_447] : memref<32x12xf32, #tpu.memory_space<vmem>>[vector<16xi32>, vector<16xi32>], vector<16xf32>,
      %broadcast_in_dim3A_449 = arith.constant 9 : i32
      %broadcast_in_dim3A_450 = vector.broadcast %broadcast_in_dim3A_449 : i32 to vector<16xi32>
      %gather3A_451 = tpu.vector_load_idx %arg13[%broadcast_in_dim3A, %broadcast_in_dim3A_450] : memref<32x12xf32, #tpu.memory_space<vmem>>[vector<16xi32>, vector<16xi32>], vector<16xf32>,
      %broadcast_in_dim3A_452 = arith.constant 10 : i32
      %broadcast_in_dim3A_453 = vector.broadcast %broadcast_in_dim3A_452 : i32 to vector<16xi32>
      %gather3A_454 = tpu.vector_load_idx %arg13[%broadcast_in_dim3A, %broadcast_in_dim3A_453] : memref<32x12xf32, #tpu.memory_space<vmem>>[vector<16xi32>, vector<16xi32>], vector<16xf32>,
      %broadcast_in_dim3A_455 = arith.constant 11 : i32
      %broadcast_in_dim3A_456 = vector.broadcast %broadcast_in_dim3A_455 : i32 to vector<16xi32>
      %gather3A_457 = tpu.vector_load_idx %arg13[%broadcast_in_dim3A, %broadcast_in_dim3A_456] : memref<32x12xf32, #tpu.memory_space<vmem>>[vector<16xi32>, vector<16xi32>], vector<16xf32>,
      %scan3A_458 = arith.constant 0 : i32
      %scan3A_459 = arith.constant 0 : i32
      %scan3A_460 = arith.constant 32 : i32
      %scan3A_461 = arith.addi %scan3A_459, %scan3A_460 : i32
      %scan3A_462 = arith.constant 1 : i32
      %scan3A_463 = scf.for %scan3A_843 = %scan3A_459 to %scan3A_461 step %scan3A_462 iter_args(%scan3A_844 = %scan3A_458) -> (i32)  : i32 {
        %mul3A_845 = arith.constant 4 : i32
        %mul3A_846 = arith.muli %scan3A_843, %mul3A_845 : i32
        %add3A_847 = arith.constant 0 : i32
        %add3A_848 = arith.addi %mul3A_846, %add3A_847 : i32
        %mul3A_849 = arith.constant 16 : i32
        %mul3A_850 = arith.muli %add3A_848, %mul3A_849 : i32
        %add3A_851 = vector.broadcast %mul3A_850 : i32 to vector<16xi32>
        %add3A_852 = arith.addi %iota3A, %add3A_851 : vector<16xi32>
        %get3A = arith.index_cast %mul3A_850 : i32 to index
        %get3A_853 = tpu.vector_load %arg9[%get3A] {strides = array<i32>} : memref<12288xf32, #tpu.memory_space<vmem>>, vector<16xf32>,
        %add3A_854 = arith.constant 2048 : i32
        %add3A_855 = arith.addi %add3A_854, %mul3A_850 : i32
        %get3A_856 = arith.index_cast %add3A_855 : i32 to index
        %get3A_857 = tpu.vector_load %arg9[%get3A_856] {strides = array<i32>} : memref<12288xf32, #tpu.memory_space<vmem>>, vector<16xf32>,
        %add3A_858 = arith.constant 4096 : i32
        %add3A_859 = arith.addi %add3A_858, %mul3A_850 : i32
        %get3A_860 = arith.index_cast %add3A_859 : i32 to index
        %get3A_861 = tpu.vector_load %arg9[%get3A_860] {strides = array<i32>} : memref<12288xf32, #tpu.memory_space<vmem>>, vector<16xf32>,
        %sub3A_862 = arith.subf %get3A_853, %gather3A_451 : vector<16xf32>
        %bitcast3A = vector.bitcast %sub3A_862 : vector<16xf32> to vector<16xi32>
        %broadcast_in_dim3A_863 = arith.constant 1 : i32
        %broadcast_in_dim3A_864 = vector.broadcast %broadcast_in_dim3A_863 : i32 to vector<16xi32>
        %broadcast_in_dim3A_865 = arith.constant 16 : i32
        %broadcast_in_dim3A_866 = vector.broadcast %broadcast_in_dim3A_865 : i32 to vector<16xi32>
        %shift_right_logical3A = arith.shrui %bitcast3A, %broadcast_in_dim3A_866 : vector<16xi32>
        %and3A = arith.andi %shift_right_logical3A, %broadcast_in_dim3A_864 : vector<16xi32>
        %broadcast_in_dim3A_867 = arith.constant 32767 : i32
        %broadcast_in_dim3A_868 = vector.broadcast %broadcast_in_dim3A_867 : i32 to vector<16xi32>
        %add3A_869 = arith.addi %bitcast3A, %broadcast_in_dim3A_868 : vector<16xi32>
        %add3A_870 = arith.addi %add3A_869, %and3A : vector<16xi32>
        %broadcast_in_dim3A_871 = arith.constant -65536 : i32
        %broadcast_in_dim3A_872 = vector.broadcast %broadcast_in_dim3A_871 : i32 to vector<16xi32>
        %and3A_873 = arith.andi %add3A_870, %broadcast_in_dim3A_872 : vector<16xi32>
        %bitcast3A_874 = vector.bitcast %and3A_873 : vector<16xi32> to vector<16xf32>
        %sub3A_875 = arith.subf %get3A_857, %gather3A_454 : vector<16xf32>
        %bitcast3A_876 = vector.bitcast %sub3A_875 : vector<16xf32> to vector<16xi32>
        %broadcast_in_dim3A_877 = arith.constant 1 : i32
        %broadcast_in_dim3A_878 = vector.broadcast %broadcast_in_dim3A_877 : i32 to vector<16xi32>
        %broadcast_in_dim3A_879 = arith.constant 16 : i32
        %broadcast_in_dim3A_880 = vector.broadcast %broadcast_in_dim3A_879 : i32 to vector<16xi32>
        %shift_right_logical3A_881 = arith.shrui %bitcast3A_876, %broadcast_in_dim3A_880 : vector<16xi32>
        %and3A_882 = arith.andi %shift_right_logical3A_881, %broadcast_in_dim3A_878 : vector<16xi32>
        %broadcast_in_dim3A_883 = arith.constant 32767 : i32
        %broadcast_in_dim3A_884 = vector.broadcast %broadcast_in_dim3A_883 : i32 to vector<16xi32>
        %add3A_885 = arith.addi %bitcast3A_876, %broadcast_in_dim3A_884 : vector<16xi32>
        %add3A_886 = arith.addi %add3A_885, %and3A_882 : vector<16xi32>
        %broadcast_in_dim3A_887 = arith.constant -65536 : i32
        %broadcast_in_dim3A_888 = vector.broadcast %broadcast_in_dim3A_887 : i32 to vector<16xi32>
        %and3A_889 = arith.andi %add3A_886, %broadcast_in_dim3A_888 : vector<16xi32>
        %bitcast3A_890 = vector.bitcast %and3A_889 : vector<16xi32> to vector<16xf32>
        %sub3A_891 = arith.subf %get3A_861, %gather3A_457 : vector<16xf32>
        %bitcast3A_892 = vector.bitcast %sub3A_891 : vector<16xf32> to vector<16xi32>
        %broadcast_in_dim3A_893 = arith.constant 1 : i32
        %broadcast_in_dim3A_894 = vector.broadcast %broadcast_in_dim3A_893 : i32 to vector<16xi32>
        %broadcast_in_dim3A_895 = arith.constant 16 : i32
        %broadcast_in_dim3A_896 = vector.broadcast %broadcast_in_dim3A_895 : i32 to vector<16xi32>
        %shift_right_logical3A_897 = arith.shrui %bitcast3A_892, %broadcast_in_dim3A_896 : vector<16xi32>
        %and3A_898 = arith.andi %shift_right_logical3A_897, %broadcast_in_dim3A_894 : vector<16xi32>
        %broadcast_in_dim3A_899 = arith.constant 32767 : i32
        %broadcast_in_dim3A_900 = vector.broadcast %broadcast_in_dim3A_899 : i32 to vector<16xi32>
        %add3A_901 = arith.addi %bitcast3A_892, %broadcast_in_dim3A_900 : vector<16xi32>
        %add3A_902 = arith.addi %add3A_901, %and3A_898 : vector<16xi32>
        %broadcast_in_dim3A_903 = arith.constant -65536 : i32
        %broadcast_in_dim3A_904 = vector.broadcast %broadcast_in_dim3A_903 : i32 to vector<16xi32>
        %and3A_905 = arith.andi %add3A_902, %broadcast_in_dim3A_904 : vector<16xi32>
        %bitcast3A_906 = vector.bitcast %and3A_905 : vector<16xi32> to vector<16xf32>
        %mul3A_907 = arith.mulf %gather3A, %bitcast3A_874 : vector<16xf32>
        %mul3A_908 = arith.mulf %gather3A_427, %bitcast3A_890 : vector<16xf32>
        %mul3A_909 = arith.mulf %gather3A_430, %bitcast3A_906 : vector<16xf32>
        %add3A_910 = arith.addf %mul3A_908, %mul3A_909 : vector<16xf32>
        %add3A_911 = arith.addf %mul3A_907, %add3A_910 : vector<16xf32>
        %mul3A_912 = arith.mulf %gather3A_433, %bitcast3A_874 : vector<16xf32>
        %mul3A_913 = arith.mulf %gather3A_436, %bitcast3A_890 : vector<16xf32>
        %mul3A_914 = arith.mulf %gather3A_439, %bitcast3A_906 : vector<16xf32>
        %add3A_915 = arith.addf %mul3A_913, %mul3A_914 : vector<16xf32>
        %add3A_916 = arith.addf %mul3A_912, %add3A_915 : vector<16xf32>
        %mul3A_917 = arith.mulf %gather3A_442, %bitcast3A_874 : vector<16xf32>
        %mul3A_918 = arith.mulf %gather3A_445, %bitcast3A_890 : vector<16xf32>
        %mul3A_919 = arith.mulf %gather3A_448, %bitcast3A_906 : vector<16xf32>
        %add3A_920 = arith.addf %mul3A_918, %mul3A_919 : vector<16xf32>
        %add3A_921 = arith.addf %mul3A_917, %add3A_920 : vector<16xf32>
        %gt3A_922 = arith.constant 0.000000e+00 : f32
        %gt3A_923 = vector.broadcast %gt3A_922 : f32 to vector<16xf32>
        %gt3A_924 = arith.cmpf ogt, %add3A_911, %gt3A_923 : vector<16xf32>
        %lt3A_925 = arith.constant 3.000000e-02 : f32
        %lt3A_926 = vector.broadcast %lt3A_925 : f32 to vector<16xf32>
        %lt3A_927 = arith.cmpf olt, %add3A_911, %lt3A_926 : vector<16xf32>
        %and3A_928 = arith.andi %gt3A_924, %lt3A_927 : vector<16xi1>
        %gt3A_929 = arith.constant -4.000000e-02 : f32
        %gt3A_930 = vector.broadcast %gt3A_929 : f32 to vector<16xf32>
        %gt3A_931 = arith.cmpf ogt, %add3A_916, %gt3A_930 : vector<16xf32>
        %and3A_932 = arith.andi %and3A_928, %gt3A_931 : vector<16xi1>
        %lt3A_933 = arith.constant 4.000000e-02 : f32
        %lt3A_934 = vector.broadcast %lt3A_933 : f32 to vector<16xf32>
        %lt3A_935 = arith.cmpf olt, %add3A_916, %lt3A_934 : vector<16xf32>
        %and3A_936 = arith.andi %and3A_932, %lt3A_935 : vector<16xi1>
        %gt3A_937 = arith.constant -0.00999999977 : f32
        %gt3A_938 = vector.broadcast %gt3A_937 : f32 to vector<16xf32>
        %gt3A_939 = arith.cmpf ogt, %add3A_921, %gt3A_938 : vector<16xf32>
        %and3A_940 = arith.andi %and3A_936, %gt3A_939 : vector<16xi1>
        %lt3A_941 = arith.constant 0.00999999977 : f32
        %lt3A_942 = vector.broadcast %lt3A_941 : f32 to vector<16xf32>
        %lt3A_943 = arith.cmpf olt, %add3A_921, %lt3A_942 : vector<16xf32>
        %and3A_944 = arith.andi %and3A_940, %lt3A_943 : vector<16xi1>
        %swap3A = arith.index_cast %mul3A_850 : i32 to index
        %swap3A_945 = tpu.vector_load %arg14[%swap3A] {strides = array<i32>} : memref<6144xf32, #tpu.memory_space<vmem>>, vector<16xf32>,
        tpu.vector_store %arg14[%swap3A], %add3A_911 {strides = array<i32>} : memref<6144xf32, #tpu.memory_space<vmem>>, vector<16xf32>,
        %add3A_946 = arith.constant 2048 : i32
        %add3A_947 = arith.addi %add3A_946, %mul3A_850 : i32
        %swap3A_948 = arith.index_cast %add3A_947 : i32 to index
        %swap3A_949 = tpu.vector_load %arg14[%swap3A_948] {strides = array<i32>} : memref<6144xf32, #tpu.memory_space<vmem>>, vector<16xf32>,
        tpu.vector_store %arg14[%swap3A_948], %add3A_916 {strides = array<i32>} : memref<6144xf32, #tpu.memory_space<vmem>>, vector<16xf32>,
        %add3A_950 = arith.constant 4096 : i32
        %add3A_951 = arith.addi %add3A_950, %mul3A_850 : i32
        %swap3A_952 = arith.index_cast %add3A_951 : i32 to index
        %swap3A_953 = tpu.vector_load %arg14[%swap3A_952] {strides = array<i32>} : memref<6144xf32, #tpu.memory_space<vmem>>, vector<16xf32>,
        tpu.vector_store %arg14[%swap3A_952], %add3A_921 {strides = array<i32>} : memref<6144xf32, #tpu.memory_space<vmem>>, vector<16xf32>,
        %swap3A_954 = arith.index_cast %scan3A_844 : i32 to index
        %swap3A_955 = tpu.vector_load %arg15[%swap3A_954] masked %and3A_944 {strides = array<i32>} : memref<2064xi32, #tpu.memory_space<vmem>>, vector<16xi32>, vector<16xi1>
        tpu.vector_store %arg15[%swap3A_954], %add3A_852 masked %and3A_944 {strides = array<i32>} : memref<2064xi32, #tpu.memory_space<vmem>>, vector<16xi32>, vector<16xi1>
        %all_reduce_population_count3A = tpu.all_reduce %and3A_944 {dim = 0 : i64, kind = #tpu.reduction_kind<sum>} : vector<16xi1> -> vector<16xi32>
        %slice3A = vector.extract_strided_slice %all_reduce_population_count3A {offsets = [0], sizes = [1], strides = [1]} : vector<16xi32> to vector<1xi32>
        %squeeze3A = vector.extract %slice3A[0] : i32 from vector<1xi32>
        %add3A_956 = arith.addi %scan3A_844, %squeeze3A : i32
        %mul3A_957 = arith.constant 4 : i32
        %mul3A_958 = arith.muli %scan3A_843, %mul3A_957 : i32
        %add3A_959 = arith.constant 1 : i32
        %add3A_960 = arith.addi %mul3A_958, %add3A_959 : i32
        %mul3A_961 = arith.constant 16 : i32
        %mul3A_962 = arith.muli %add3A_960, %mul3A_961 : i32
        %add3A_963 = vector.broadcast %mul3A_962 : i32 to vector<16xi32>
        %add3A_964 = arith.addi %iota3A, %add3A_963 : vector<16xi32>
        %get3A_965 = arith.index_cast %mul3A_962 : i32 to index
        %get3A_966 = tpu.vector_load %arg9[%get3A_965] {strides = array<i32>} : memref<12288xf32, #tpu.memory_space<vmem>>, vector<16xf32>,
        %add3A_967 = arith.constant 2048 : i32
        %add3A_968 = arith.addi %add3A_967, %mul3A_962 : i32
        %get3A_969 = arith.index_cast %add3A_968 : i32 to index
        %get3A_970 = tpu.vector_load %arg9[%get3A_969] {strides = array<i32>} : memref<12288xf32, #tpu.memory_space<vmem>>, vector<16xf32>,
        %add3A_971 = arith.constant 4096 : i32
        %add3A_972 = arith.addi %add3A_971, %mul3A_962 : i32
        %get3A_973 = arith.index_cast %add3A_972 : i32 to index
        %get3A_974 = tpu.vector_load %arg9[%get3A_973] {strides = array<i32>} : memref<12288xf32, #tpu.memory_space<vmem>>, vector<16xf32>,
        %sub3A_975 = arith.subf %get3A_966, %gather3A_451 : vector<16xf32>
        %bitcast3A_976 = vector.bitcast %sub3A_975 : vector<16xf32> to vector<16xi32>
        %broadcast_in_dim3A_977 = arith.constant 1 : i32
        %broadcast_in_dim3A_978 = vector.broadcast %broadcast_in_dim3A_977 : i32 to vector<16xi32>
        %broadcast_in_dim3A_979 = arith.constant 16 : i32
        %broadcast_in_dim3A_980 = vector.broadcast %broadcast_in_dim3A_979 : i32 to vector<16xi32>
        %shift_right_logical3A_981 = arith.shrui %bitcast3A_976, %broadcast_in_dim3A_980 : vector<16xi32>
        %and3A_982 = arith.andi %shift_right_logical3A_981, %broadcast_in_dim3A_978 : vector<16xi32>
        %broadcast_in_dim3A_983 = arith.constant 32767 : i32
        %broadcast_in_dim3A_984 = vector.broadcast %broadcast_in_dim3A_983 : i32 to vector<16xi32>
        %add3A_985 = arith.addi %bitcast3A_976, %broadcast_in_dim3A_984 : vector<16xi32>
        %add3A_986 = arith.addi %add3A_985, %and3A_982 : vector<16xi32>
        %broadcast_in_dim3A_987 = arith.constant -65536 : i32
        %broadcast_in_dim3A_988 = vector.broadcast %broadcast_in_dim3A_987 : i32 to vector<16xi32>
        %and3A_989 = arith.andi %add3A_986, %broadcast_in_dim3A_988 : vector<16xi32>
        %bitcast3A_990 = vector.bitcast %and3A_989 : vector<16xi32> to vector<16xf32>
        %sub3A_991 = arith.subf %get3A_970, %gather3A_454 : vector<16xf32>
        %bitcast3A_992 = vector.bitcast %sub3A_991 : vector<16xf32> to vector<16xi32>
        %broadcast_in_dim3A_993 = arith.constant 1 : i32
        %broadcast_in_dim3A_994 = vector.broadcast %broadcast_in_dim3A_993 : i32 to vector<16xi32>
        %broadcast_in_dim3A_995 = arith.constant 16 : i32
        %broadcast_in_dim3A_996 = vector.broadcast %broadcast_in_dim3A_995 : i32 to vector<16xi32>
        %shift_right_logical3A_997 = arith.shrui %bitcast3A_992, %broadcast_in_dim3A_996 : vector<16xi32>
        %and3A_998 = arith.andi %shift_right_logical3A_997, %broadcast_in_dim3A_994 : vector<16xi32>
        %broadcast_in_dim3A_999 = arith.constant 32767 : i32
        %broadcast_in_dim3A_1000 = vector.broadcast %broadcast_in_dim3A_999 : i32 to vector<16xi32>
        %add3A_1001 = arith.addi %bitcast3A_992, %broadcast_in_dim3A_1000 : vector<16xi32>
        %add3A_1002 = arith.addi %add3A_1001, %and3A_998 : vector<16xi32>
        %broadcast_in_dim3A_1003 = arith.constant -65536 : i32
        %broadcast_in_dim3A_1004 = vector.broadcast %broadcast_in_dim3A_1003 : i32 to vector<16xi32>
        %and3A_1005 = arith.andi %add3A_1002, %broadcast_in_dim3A_1004 : vector<16xi32>
        %bitcast3A_1006 = vector.bitcast %and3A_1005 : vector<16xi32> to vector<16xf32>
        %sub3A_1007 = arith.subf %get3A_974, %gather3A_457 : vector<16xf32>
        %bitcast3A_1008 = vector.bitcast %sub3A_1007 : vector<16xf32> to vector<16xi32>
        %broadcast_in_dim3A_1009 = arith.constant 1 : i32
        %broadcast_in_dim3A_1010 = vector.broadcast %broadcast_in_dim3A_1009 : i32 to vector<16xi32>
        %broadcast_in_dim3A_1011 = arith.constant 16 : i32
        %broadcast_in_dim3A_1012 = vector.broadcast %broadcast_in_dim3A_1011 : i32 to vector<16xi32>
        %shift_right_logical3A_1013 = arith.shrui %bitcast3A_1008, %broadcast_in_dim3A_1012 : vector<16xi32>
        %and3A_1014 = arith.andi %shift_right_logical3A_1013, %broadcast_in_dim3A_1010 : vector<16xi32>
        %broadcast_in_dim3A_1015 = arith.constant 32767 : i32
        %broadcast_in_dim3A_1016 = vector.broadcast %broadcast_in_dim3A_1015 : i32 to vector<16xi32>
        %add3A_1017 = arith.addi %bitcast3A_1008, %broadcast_in_dim3A_1016 : vector<16xi32>
        %add3A_1018 = arith.addi %add3A_1017, %and3A_1014 : vector<16xi32>
        %broadcast_in_dim3A_1019 = arith.constant -65536 : i32
        %broadcast_in_dim3A_1020 = vector.broadcast %broadcast_in_dim3A_1019 : i32 to vector<16xi32>
        %and3A_1021 = arith.andi %add3A_1018, %broadcast_in_dim3A_1020 : vector<16xi32>
        %bitcast3A_1022 = vector.bitcast %and3A_1021 : vector<16xi32> to vector<16xf32>
        %mul3A_1023 = arith.mulf %gather3A, %bitcast3A_990 : vector<16xf32>
        %mul3A_1024 = arith.mulf %gather3A_427, %bitcast3A_1006 : vector<16xf32>
        %mul3A_1025 = arith.mulf %gather3A_430, %bitcast3A_1022 : vector<16xf32>
        %add3A_1026 = arith.addf %mul3A_1024, %mul3A_1025 : vector<16xf32>
        %add3A_1027 = arith.addf %mul3A_1023, %add3A_1026 : vector<16xf32>
        %mul3A_1028 = arith.mulf %gather3A_433, %bitcast3A_990 : vector<16xf32>
        %mul3A_1029 = arith.mulf %gather3A_436, %bitcast3A_1006 : vector<16xf32>
        %mul3A_1030 = arith.mulf %gather3A_439, %bitcast3A_1022 : vector<16xf32>
        %add3A_1031 = arith.addf %mul3A_1029, %mul3A_1030 : vector<16xf32>
        %add3A_1032 = arith.addf %mul3A_1028, %add3A_1031 : vector<16xf32>
        %mul3A_1033 = arith.mulf %gather3A_442, %bitcast3A_990 : vector<16xf32>
        %mul3A_1034 = arith.mulf %gather3A_445, %bitcast3A_1006 : vector<16xf32>
        %mul3A_1035 = arith.mulf %gather3A_448, %bitcast3A_1022 : vector<16xf32>
        %add3A_1036 = arith.addf %mul3A_1034, %mul3A_1035 : vector<16xf32>
        %add3A_1037 = arith.addf %mul3A_1033, %add3A_1036 : vector<16xf32>
        %gt3A_1038 = arith.constant 0.000000e+00 : f32
        %gt3A_1039 = vector.broadcast %gt3A_1038 : f32 to vector<16xf32>
        %gt3A_1040 = arith.cmpf ogt, %add3A_1027, %gt3A_1039 : vector<16xf32>
        %lt3A_1041 = arith.constant 3.000000e-02 : f32
        %lt3A_1042 = vector.broadcast %lt3A_1041 : f32 to vector<16xf32>
        %lt3A_1043 = arith.cmpf olt, %add3A_1027, %lt3A_1042 : vector<16xf32>
        %and3A_1044 = arith.andi %gt3A_1040, %lt3A_1043 : vector<16xi1>
        %gt3A_1045 = arith.constant -4.000000e-02 : f32
        %gt3A_1046 = vector.broadcast %gt3A_1045 : f32 to vector<16xf32>
        %gt3A_1047 = arith.cmpf ogt, %add3A_1032, %gt3A_1046 : vector<16xf32>
        %and3A_1048 = arith.andi %and3A_1044, %gt3A_1047 : vector<16xi1>
        %lt3A_1049 = arith.constant 4.000000e-02 : f32
        %lt3A_1050 = vector.broadcast %lt3A_1049 : f32 to vector<16xf32>
        %lt3A_1051 = arith.cmpf olt, %add3A_1032, %lt3A_1050 : vector<16xf32>
        %and3A_1052 = arith.andi %and3A_1048, %lt3A_1051 : vector<16xi1>
        %gt3A_1053 = arith.constant -0.00999999977 : f32
        %gt3A_1054 = vector.broadcast %gt3A_1053 : f32 to vector<16xf32>
        %gt3A_1055 = arith.cmpf ogt, %add3A_1037, %gt3A_1054 : vector<16xf32>
        %and3A_1056 = arith.andi %and3A_1052, %gt3A_1055 : vector<16xi1>
        %lt3A_1057 = arith.constant 0.00999999977 : f32
        %lt3A_1058 = vector.broadcast %lt3A_1057 : f32 to vector<16xf32>
        %lt3A_1059 = arith.cmpf olt, %add3A_1037, %lt3A_1058 : vector<16xf32>
        %and3A_1060 = arith.andi %and3A_1056, %lt3A_1059 : vector<16xi1>
        %swap3A_1061 = arith.index_cast %mul3A_962 : i32 to index
        %swap3A_1062 = tpu.vector_load %arg14[%swap3A_1061] {strides = array<i32>} : memref<6144xf32, #tpu.memory_space<vmem>>, vector<16xf32>,
        tpu.vector_store %arg14[%swap3A_1061], %add3A_1027 {strides = array<i32>} : memref<6144xf32, #tpu.memory_space<vmem>>, vector<16xf32>,
        %add3A_1063 = arith.constant 2048 : i32
        %add3A_1064 = arith.addi %add3A_1063, %mul3A_962 : i32
        %swap3A_1065 = arith.index_cast %add3A_1064 : i32 to index
        %swap3A_1066 = tpu.vector_load %arg14[%swap3A_1065] {strides = array<i32>} : memref<6144xf32, #tpu.memory_space<vmem>>, vector<16xf32>,
        tpu.vector_store %arg14[%swap3A_1065], %add3A_1032 {strides = array<i32>} : memref<6144xf32, #tpu.memory_space<vmem>>, vector<16xf32>,
        %add3A_1067 = arith.constant 4096 : i32
        %add3A_1068 = arith.addi %add3A_1067, %mul3A_962 : i32
        %swap3A_1069 = arith.index_cast %add3A_1068 : i32 to index
        %swap3A_1070 = tpu.vector_load %arg14[%swap3A_1069] {strides = array<i32>} : memref<6144xf32, #tpu.memory_space<vmem>>, vector<16xf32>,
        tpu.vector_store %arg14[%swap3A_1069], %add3A_1037 {strides = array<i32>} : memref<6144xf32, #tpu.memory_space<vmem>>, vector<16xf32>,
        %swap3A_1071 = arith.index_cast %add3A_956 : i32 to index
        %swap3A_1072 = tpu.vector_load %arg15[%swap3A_1071] masked %and3A_1060 {strides = array<i32>} : memref<2064xi32, #tpu.memory_space<vmem>>, vector<16xi32>, vector<16xi1>
        tpu.vector_store %arg15[%swap3A_1071], %add3A_964 masked %and3A_1060 {strides = array<i32>} : memref<2064xi32, #tpu.memory_space<vmem>>, vector<16xi32>, vector<16xi1>
        %all_reduce_population_count3A_1073 = tpu.all_reduce %and3A_1060 {dim = 0 : i64, kind = #tpu.reduction_kind<sum>} : vector<16xi1> -> vector<16xi32>
        %slice3A_1074 = vector.extract_strided_slice %all_reduce_population_count3A_1073 {offsets = [0], sizes = [1], strides = [1]} : vector<16xi32> to vector<1xi32>
        %squeeze3A_1075 = vector.extract %slice3A_1074[0] : i32 from vector<1xi32>
        %add3A_1076 = arith.addi %add3A_956, %squeeze3A_1075 : i32
        %mul3A_1077 = arith.constant 4 : i32
        %mul3A_1078 = arith.muli %scan3A_843, %mul3A_1077 : i32
        %add3A_1079 = arith.constant 2 : i32
        %add3A_1080 = arith.addi %mul3A_1078, %add3A_1079 : i32
        %mul3A_1081 = arith.constant 16 : i32
        %mul3A_1082 = arith.muli %add3A_1080, %mul3A_1081 : i32
        %add3A_1083 = vector.broadcast %mul3A_1082 : i32 to vector<16xi32>
        %add3A_1084 = arith.addi %iota3A, %add3A_1083 : vector<16xi32>
        %get3A_1085 = arith.index_cast %mul3A_1082 : i32 to index
        %get3A_1086 = tpu.vector_load %arg9[%get3A_1085] {strides = array<i32>} : memref<12288xf32, #tpu.memory_space<vmem>>, vector<16xf32>,
        %add3A_1087 = arith.constant 2048 : i32
        %add3A_1088 = arith.addi %add3A_1087, %mul3A_1082 : i32
        %get3A_1089 = arith.index_cast %add3A_1088 : i32 to index
        %get3A_1090 = tpu.vector_load %arg9[%get3A_1089] {strides = array<i32>} : memref<12288xf32, #tpu.memory_space<vmem>>, vector<16xf32>,
        %add3A_1091 = arith.constant 4096 : i32
        %add3A_1092 = arith.addi %add3A_1091, %mul3A_1082 : i32
        %get3A_1093 = arith.index_cast %add3A_1092 : i32 to index
        %get3A_1094 = tpu.vector_load %arg9[%get3A_1093] {strides = array<i32>} : memref<12288xf32, #tpu.memory_space<vmem>>, vector<16xf32>,
        %sub3A_1095 = arith.subf %get3A_1086, %gather3A_451 : vector<16xf32>
        %bitcast3A_1096 = vector.bitcast %sub3A_1095 : vector<16xf32> to vector<16xi32>
        %broadcast_in_dim3A_1097 = arith.constant 1 : i32
        %broadcast_in_dim3A_1098 = vector.broadcast %broadcast_in_dim3A_1097 : i32 to vector<16xi32>
        %broadcast_in_dim3A_1099 = arith.constant 16 : i32
        %broadcast_in_dim3A_1100 = vector.broadcast %broadcast_in_dim3A_1099 : i32 to vector<16xi32>
        %shift_right_logical3A_1101 = arith.shrui %bitcast3A_1096, %broadcast_in_dim3A_1100 : vector<16xi32>
        %and3A_1102 = arith.andi %shift_right_logical3A_1101, %broadcast_in_dim3A_1098 : vector<16xi32>
        %broadcast_in_dim3A_1103 = arith.constant 32767 : i32
        %broadcast_in_dim3A_1104 = vector.broadcast %broadcast_in_dim3A_1103 : i32 to vector<16xi32>
        %add3A_1105 = arith.addi %bitcast3A_1096, %broadcast_in_dim3A_1104 : vector<16xi32>
        %add3A_1106 = arith.addi %add3A_1105, %and3A_1102 : vector<16xi32>
        %broadcast_in_dim3A_1107 = arith.constant -65536 : i32
        %broadcast_in_dim3A_1108 = vector.broadcast %broadcast_in_dim3A_1107 : i32 to vector<16xi32>
        %and3A_1109 = arith.andi %add3A_1106, %broadcast_in_dim3A_1108 : vector<16xi32>
        %bitcast3A_1110 = vector.bitcast %and3A_1109 : vector<16xi32> to vector<16xf32>
        %sub3A_1111 = arith.subf %get3A_1090, %gather3A_454 : vector<16xf32>
        %bitcast3A_1112 = vector.bitcast %sub3A_1111 : vector<16xf32> to vector<16xi32>
        %broadcast_in_dim3A_1113 = arith.constant 1 : i32
        %broadcast_in_dim3A_1114 = vector.broadcast %broadcast_in_dim3A_1113 : i32 to vector<16xi32>
        %broadcast_in_dim3A_1115 = arith.constant 16 : i32
        %broadcast_in_dim3A_1116 = vector.broadcast %broadcast_in_dim3A_1115 : i32 to vector<16xi32>
        %shift_right_logical3A_1117 = arith.shrui %bitcast3A_1112, %broadcast_in_dim3A_1116 : vector<16xi32>
        %and3A_1118 = arith.andi %shift_right_logical3A_1117, %broadcast_in_dim3A_1114 : vector<16xi32>
        %broadcast_in_dim3A_1119 = arith.constant 32767 : i32
        %broadcast_in_dim3A_1120 = vector.broadcast %broadcast_in_dim3A_1119 : i32 to vector<16xi32>
        %add3A_1121 = arith.addi %bitcast3A_1112, %broadcast_in_dim3A_1120 : vector<16xi32>
        %add3A_1122 = arith.addi %add3A_1121, %and3A_1118 : vector<16xi32>
        %broadcast_in_dim3A_1123 = arith.constant -65536 : i32
        %broadcast_in_dim3A_1124 = vector.broadcast %broadcast_in_dim3A_1123 : i32 to vector<16xi32>
        %and3A_1125 = arith.andi %add3A_1122, %broadcast_in_dim3A_1124 : vector<16xi32>
        %bitcast3A_1126 = vector.bitcast %and3A_1125 : vector<16xi32> to vector<16xf32>
        %sub3A_1127 = arith.subf %get3A_1094, %gather3A_457 : vector<16xf32>
        %bitcast3A_1128 = vector.bitcast %sub3A_1127 : vector<16xf32> to vector<16xi32>
        %broadcast_in_dim3A_1129 = arith.constant 1 : i32
        %broadcast_in_dim3A_1130 = vector.broadcast %broadcast_in_dim3A_1129 : i32 to vector<16xi32>
        %broadcast_in_dim3A_1131 = arith.constant 16 : i32
        %broadcast_in_dim3A_1132 = vector.broadcast %broadcast_in_dim3A_1131 : i32 to vector<16xi32>
        %shift_right_logical3A_1133 = arith.shrui %bitcast3A_1128, %broadcast_in_dim3A_1132 : vector<16xi32>
        %and3A_1134 = arith.andi %shift_right_logical3A_1133, %broadcast_in_dim3A_1130 : vector<16xi32>
        %broadcast_in_dim3A_1135 = arith.constant 32767 : i32
        %broadcast_in_dim3A_1136 = vector.broadcast %broadcast_in_dim3A_1135 : i32 to vector<16xi32>
        %add3A_1137 = arith.addi %bitcast3A_1128, %broadcast_in_dim3A_1136 : vector<16xi32>
        %add3A_1138 = arith.addi %add3A_1137, %and3A_1134 : vector<16xi32>
        %broadcast_in_dim3A_1139 = arith.constant -65536 : i32
        %broadcast_in_dim3A_1140 = vector.broadcast %broadcast_in_dim3A_1139 : i32 to vector<16xi32>
        %and3A_1141 = arith.andi %add3A_1138, %broadcast_in_dim3A_1140 : vector<16xi32>
        %bitcast3A_1142 = vector.bitcast %and3A_1141 : vector<16xi32> to vector<16xf32>
        %mul3A_1143 = arith.mulf %gather3A, %bitcast3A_1110 : vector<16xf32>
        %mul3A_1144 = arith.mulf %gather3A_427, %bitcast3A_1126 : vector<16xf32>
        %mul3A_1145 = arith.mulf %gather3A_430, %bitcast3A_1142 : vector<16xf32>
        %add3A_1146 = arith.addf %mul3A_1144, %mul3A_1145 : vector<16xf32>
        %add3A_1147 = arith.addf %mul3A_1143, %add3A_1146 : vector<16xf32>
        %mul3A_1148 = arith.mulf %gather3A_433, %bitcast3A_1110 : vector<16xf32>
        %mul3A_1149 = arith.mulf %gather3A_436, %bitcast3A_1126 : vector<16xf32>
        %mul3A_1150 = arith.mulf %gather3A_439, %bitcast3A_1142 : vector<16xf32>
        %add3A_1151 = arith.addf %mul3A_1149, %mul3A_1150 : vector<16xf32>
        %add3A_1152 = arith.addf %mul3A_1148, %add3A_1151 : vector<16xf32>
        %mul3A_1153 = arith.mulf %gather3A_442, %bitcast3A_1110 : vector<16xf32>
        %mul3A_1154 = arith.mulf %gather3A_445, %bitcast3A_1126 : vector<16xf32>
        %mul3A_1155 = arith.mulf %gather3A_448, %bitcast3A_1142 : vector<16xf32>
        %add3A_1156 = arith.addf %mul3A_1154, %mul3A_1155 : vector<16xf32>
        %add3A_1157 = arith.addf %mul3A_1153, %add3A_1156 : vector<16xf32>
        %gt3A_1158 = arith.constant 0.000000e+00 : f32
        %gt3A_1159 = vector.broadcast %gt3A_1158 : f32 to vector<16xf32>
        %gt3A_1160 = arith.cmpf ogt, %add3A_1147, %gt3A_1159 : vector<16xf32>
        %lt3A_1161 = arith.constant 3.000000e-02 : f32
        %lt3A_1162 = vector.broadcast %lt3A_1161 : f32 to vector<16xf32>
        %lt3A_1163 = arith.cmpf olt, %add3A_1147, %lt3A_1162 : vector<16xf32>
        %and3A_1164 = arith.andi %gt3A_1160, %lt3A_1163 : vector<16xi1>
        %gt3A_1165 = arith.constant -4.000000e-02 : f32
        %gt3A_1166 = vector.broadcast %gt3A_1165 : f32 to vector<16xf32>
        %gt3A_1167 = arith.cmpf ogt, %add3A_1152, %gt3A_1166 : vector<16xf32>
        %and3A_1168 = arith.andi %and3A_1164, %gt3A_1167 : vector<16xi1>
        %lt3A_1169 = arith.constant 4.000000e-02 : f32
        %lt3A_1170 = vector.broadcast %lt3A_1169 : f32 to vector<16xf32>
        %lt3A_1171 = arith.cmpf olt, %add3A_1152, %lt3A_1170 : vector<16xf32>
        %and3A_1172 = arith.andi %and3A_1168, %lt3A_1171 : vector<16xi1>
        %gt3A_1173 = arith.constant -0.00999999977 : f32
        %gt3A_1174 = vector.broadcast %gt3A_1173 : f32 to vector<16xf32>
        %gt3A_1175 = arith.cmpf ogt, %add3A_1157, %gt3A_1174 : vector<16xf32>
        %and3A_1176 = arith.andi %and3A_1172, %gt3A_1175 : vector<16xi1>
        %lt3A_1177 = arith.constant 0.00999999977 : f32
        %lt3A_1178 = vector.broadcast %lt3A_1177 : f32 to vector<16xf32>
        %lt3A_1179 = arith.cmpf olt, %add3A_1157, %lt3A_1178 : vector<16xf32>
        %and3A_1180 = arith.andi %and3A_1176, %lt3A_1179 : vector<16xi1>
        %swap3A_1181 = arith.index_cast %mul3A_1082 : i32 to index
        %swap3A_1182 = tpu.vector_load %arg14[%swap3A_1181] {strides = array<i32>} : memref<6144xf32, #tpu.memory_space<vmem>>, vector<16xf32>,
        tpu.vector_store %arg14[%swap3A_1181], %add3A_1147 {strides = array<i32>} : memref<6144xf32, #tpu.memory_space<vmem>>, vector<16xf32>,
        %add3A_1183 = arith.constant 2048 : i32
        %add3A_1184 = arith.addi %add3A_1183, %mul3A_1082 : i32
        %swap3A_1185 = arith.index_cast %add3A_1184 : i32 to index
        %swap3A_1186 = tpu.vector_load %arg14[%swap3A_1185] {strides = array<i32>} : memref<6144xf32, #tpu.memory_space<vmem>>, vector<16xf32>,
        tpu.vector_store %arg14[%swap3A_1185], %add3A_1152 {strides = array<i32>} : memref<6144xf32, #tpu.memory_space<vmem>>, vector<16xf32>,
        %add3A_1187 = arith.constant 4096 : i32
        %add3A_1188 = arith.addi %add3A_1187, %mul3A_1082 : i32
        %swap3A_1189 = arith.index_cast %add3A_1188 : i32 to index
        %swap3A_1190 = tpu.vector_load %arg14[%swap3A_1189] {strides = array<i32>} : memref<6144xf32, #tpu.memory_space<vmem>>, vector<16xf32>,
        tpu.vector_store %arg14[%swap3A_1189], %add3A_1157 {strides = array<i32>} : memref<6144xf32, #tpu.memory_space<vmem>>, vector<16xf32>,
        %swap3A_1191 = arith.index_cast %add3A_1076 : i32 to index
        %swap3A_1192 = tpu.vector_load %arg15[%swap3A_1191] masked %and3A_1180 {strides = array<i32>} : memref<2064xi32, #tpu.memory_space<vmem>>, vector<16xi32>, vector<16xi1>
        tpu.vector_store %arg15[%swap3A_1191], %add3A_1084 masked %and3A_1180 {strides = array<i32>} : memref<2064xi32, #tpu.memory_space<vmem>>, vector<16xi32>, vector<16xi1>
        %all_reduce_population_count3A_1193 = tpu.all_reduce %and3A_1180 {dim = 0 : i64, kind = #tpu.reduction_kind<sum>} : vector<16xi1> -> vector<16xi32>
        %slice3A_1194 = vector.extract_strided_slice %all_reduce_population_count3A_1193 {offsets = [0], sizes = [1], strides = [1]} : vector<16xi32> to vector<1xi32>
        %squeeze3A_1195 = vector.extract %slice3A_1194[0] : i32 from vector<1xi32>
        %add3A_1196 = arith.addi %add3A_1076, %squeeze3A_1195 : i32
        %mul3A_1197 = arith.constant 4 : i32
        %mul3A_1198 = arith.muli %scan3A_843, %mul3A_1197 : i32
        %add3A_1199 = arith.constant 3 : i32
        %add3A_1200 = arith.addi %mul3A_1198, %add3A_1199 : i32
        %mul3A_1201 = arith.constant 16 : i32
        %mul3A_1202 = arith.muli %add3A_1200, %mul3A_1201 : i32
        %add3A_1203 = vector.broadcast %mul3A_1202 : i32 to vector<16xi32>
        %add3A_1204 = arith.addi %iota3A, %add3A_1203 : vector<16xi32>
        %get3A_1205 = arith.index_cast %mul3A_1202 : i32 to index
        %get3A_1206 = tpu.vector_load %arg9[%get3A_1205] {strides = array<i32>} : memref<12288xf32, #tpu.memory_space<vmem>>, vector<16xf32>,
        %add3A_1207 = arith.constant 2048 : i32
        %add3A_1208 = arith.addi %add3A_1207, %mul3A_1202 : i32
        %get3A_1209 = arith.index_cast %add3A_1208 : i32 to index
        %get3A_1210 = tpu.vector_load %arg9[%get3A_1209] {strides = array<i32>} : memref<12288xf32, #tpu.memory_space<vmem>>, vector<16xf32>,
        %add3A_1211 = arith.constant 4096 : i32
        %add3A_1212 = arith.addi %add3A_1211, %mul3A_1202 : i32
        %get3A_1213 = arith.index_cast %add3A_1212 : i32 to index
        %get3A_1214 = tpu.vector_load %arg9[%get3A_1213] {strides = array<i32>} : memref<12288xf32, #tpu.memory_space<vmem>>, vector<16xf32>,
        %sub3A_1215 = arith.subf %get3A_1206, %gather3A_451 : vector<16xf32>
        %bitcast3A_1216 = vector.bitcast %sub3A_1215 : vector<16xf32> to vector<16xi32>
        %broadcast_in_dim3A_1217 = arith.constant 1 : i32
        %broadcast_in_dim3A_1218 = vector.broadcast %broadcast_in_dim3A_1217 : i32 to vector<16xi32>
        %broadcast_in_dim3A_1219 = arith.constant 16 : i32
        %broadcast_in_dim3A_1220 = vector.broadcast %broadcast_in_dim3A_1219 : i32 to vector<16xi32>
        %shift_right_logical3A_1221 = arith.shrui %bitcast3A_1216, %broadcast_in_dim3A_1220 : vector<16xi32>
        %and3A_1222 = arith.andi %shift_right_logical3A_1221, %broadcast_in_dim3A_1218 : vector<16xi32>
        %broadcast_in_dim3A_1223 = arith.constant 32767 : i32
        %broadcast_in_dim3A_1224 = vector.broadcast %broadcast_in_dim3A_1223 : i32 to vector<16xi32>
        %add3A_1225 = arith.addi %bitcast3A_1216, %broadcast_in_dim3A_1224 : vector<16xi32>
        %add3A_1226 = arith.addi %add3A_1225, %and3A_1222 : vector<16xi32>
        %broadcast_in_dim3A_1227 = arith.constant -65536 : i32
        %broadcast_in_dim3A_1228 = vector.broadcast %broadcast_in_dim3A_1227 : i32 to vector<16xi32>
        %and3A_1229 = arith.andi %add3A_1226, %broadcast_in_dim3A_1228 : vector<16xi32>
        %bitcast3A_1230 = vector.bitcast %and3A_1229 : vector<16xi32> to vector<16xf32>
        %sub3A_1231 = arith.subf %get3A_1210, %gather3A_454 : vector<16xf32>
        %bitcast3A_1232 = vector.bitcast %sub3A_1231 : vector<16xf32> to vector<16xi32>
        %broadcast_in_dim3A_1233 = arith.constant 1 : i32
        %broadcast_in_dim3A_1234 = vector.broadcast %broadcast_in_dim3A_1233 : i32 to vector<16xi32>
        %broadcast_in_dim3A_1235 = arith.constant 16 : i32
        %broadcast_in_dim3A_1236 = vector.broadcast %broadcast_in_dim3A_1235 : i32 to vector<16xi32>
        %shift_right_logical3A_1237 = arith.shrui %bitcast3A_1232, %broadcast_in_dim3A_1236 : vector<16xi32>
        %and3A_1238 = arith.andi %shift_right_logical3A_1237, %broadcast_in_dim3A_1234 : vector<16xi32>
        %broadcast_in_dim3A_1239 = arith.constant 32767 : i32
        %broadcast_in_dim3A_1240 = vector.broadcast %broadcast_in_dim3A_1239 : i32 to vector<16xi32>
        %add3A_1241 = arith.addi %bitcast3A_1232, %broadcast_in_dim3A_1240 : vector<16xi32>
        %add3A_1242 = arith.addi %add3A_1241, %and3A_1238 : vector<16xi32>
        %broadcast_in_dim3A_1243 = arith.constant -65536 : i32
        %broadcast_in_dim3A_1244 = vector.broadcast %broadcast_in_dim3A_1243 : i32 to vector<16xi32>
        %and3A_1245 = arith.andi %add3A_1242, %broadcast_in_dim3A_1244 : vector<16xi32>
        %bitcast3A_1246 = vector.bitcast %and3A_1245 : vector<16xi32> to vector<16xf32>
        %sub3A_1247 = arith.subf %get3A_1214, %gather3A_457 : vector<16xf32>
        %bitcast3A_1248 = vector.bitcast %sub3A_1247 : vector<16xf32> to vector<16xi32>
        %broadcast_in_dim3A_1249 = arith.constant 1 : i32
        %broadcast_in_dim3A_1250 = vector.broadcast %broadcast_in_dim3A_1249 : i32 to vector<16xi32>
        %broadcast_in_dim3A_1251 = arith.constant 16 : i32
        %broadcast_in_dim3A_1252 = vector.broadcast %broadcast_in_dim3A_1251 : i32 to vector<16xi32>
        %shift_right_logical3A_1253 = arith.shrui %bitcast3A_1248, %broadcast_in_dim3A_1252 : vector<16xi32>
        %and3A_1254 = arith.andi %shift_right_logical3A_1253, %broadcast_in_dim3A_1250 : vector<16xi32>
        %broadcast_in_dim3A_1255 = arith.constant 32767 : i32
        %broadcast_in_dim3A_1256 = vector.broadcast %broadcast_in_dim3A_1255 : i32 to vector<16xi32>
        %add3A_1257 = arith.addi %bitcast3A_1248, %broadcast_in_dim3A_1256 : vector<16xi32>
        %add3A_1258 = arith.addi %add3A_1257, %and3A_1254 : vector<16xi32>
        %broadcast_in_dim3A_1259 = arith.constant -65536 : i32
        %broadcast_in_dim3A_1260 = vector.broadcast %broadcast_in_dim3A_1259 : i32 to vector<16xi32>
        %and3A_1261 = arith.andi %add3A_1258, %broadcast_in_dim3A_1260 : vector<16xi32>
        %bitcast3A_1262 = vector.bitcast %and3A_1261 : vector<16xi32> to vector<16xf32>
        %mul3A_1263 = arith.mulf %gather3A, %bitcast3A_1230 : vector<16xf32>
        %mul3A_1264 = arith.mulf %gather3A_427, %bitcast3A_1246 : vector<16xf32>
        %mul3A_1265 = arith.mulf %gather3A_430, %bitcast3A_1262 : vector<16xf32>
        %add3A_1266 = arith.addf %mul3A_1264, %mul3A_1265 : vector<16xf32>
        %add3A_1267 = arith.addf %mul3A_1263, %add3A_1266 : vector<16xf32>
        %mul3A_1268 = arith.mulf %gather3A_433, %bitcast3A_1230 : vector<16xf32>
        %mul3A_1269 = arith.mulf %gather3A_436, %bitcast3A_1246 : vector<16xf32>
        %mul3A_1270 = arith.mulf %gather3A_439, %bitcast3A_1262 : vector<16xf32>
        %add3A_1271 = arith.addf %mul3A_1269, %mul3A_1270 : vector<16xf32>
        %add3A_1272 = arith.addf %mul3A_1268, %add3A_1271 : vector<16xf32>
        %mul3A_1273 = arith.mulf %gather3A_442, %bitcast3A_1230 : vector<16xf32>
        %mul3A_1274 = arith.mulf %gather3A_445, %bitcast3A_1246 : vector<16xf32>
        %mul3A_1275 = arith.mulf %gather3A_448, %bitcast3A_1262 : vector<16xf32>
        %add3A_1276 = arith.addf %mul3A_1274, %mul3A_1275 : vector<16xf32>
        %add3A_1277 = arith.addf %mul3A_1273, %add3A_1276 : vector<16xf32>
        %gt3A_1278 = arith.constant 0.000000e+00 : f32
        %gt3A_1279 = vector.broadcast %gt3A_1278 : f32 to vector<16xf32>
        %gt3A_1280 = arith.cmpf ogt, %add3A_1267, %gt3A_1279 : vector<16xf32>
        %lt3A_1281 = arith.constant 3.000000e-02 : f32
        %lt3A_1282 = vector.broadcast %lt3A_1281 : f32 to vector<16xf32>
        %lt3A_1283 = arith.cmpf olt, %add3A_1267, %lt3A_1282 : vector<16xf32>
        %and3A_1284 = arith.andi %gt3A_1280, %lt3A_1283 : vector<16xi1>
        %gt3A_1285 = arith.constant -4.000000e-02 : f32
        %gt3A_1286 = vector.broadcast %gt3A_1285 : f32 to vector<16xf32>
        %gt3A_1287 = arith.cmpf ogt, %add3A_1272, %gt3A_1286 : vector<16xf32>
        %and3A_1288 = arith.andi %and3A_1284, %gt3A_1287 : vector<16xi1>
        %lt3A_1289 = arith.constant 4.000000e-02 : f32
        %lt3A_1290 = vector.broadcast %lt3A_1289 : f32 to vector<16xf32>
        %lt3A_1291 = arith.cmpf olt, %add3A_1272, %lt3A_1290 : vector<16xf32>
        %and3A_1292 = arith.andi %and3A_1288, %lt3A_1291 : vector<16xi1>
        %gt3A_1293 = arith.constant -0.00999999977 : f32
        %gt3A_1294 = vector.broadcast %gt3A_1293 : f32 to vector<16xf32>
        %gt3A_1295 = arith.cmpf ogt, %add3A_1277, %gt3A_1294 : vector<16xf32>
        %and3A_1296 = arith.andi %and3A_1292, %gt3A_1295 : vector<16xi1>
        %lt3A_1297 = arith.constant 0.00999999977 : f32
        %lt3A_1298 = vector.broadcast %lt3A_1297 : f32 to vector<16xf32>
        %lt3A_1299 = arith.cmpf olt, %add3A_1277, %lt3A_1298 : vector<16xf32>
        %and3A_1300 = arith.andi %and3A_1296, %lt3A_1299 : vector<16xi1>
        %swap3A_1301 = arith.index_cast %mul3A_1202 : i32 to index
        %swap3A_1302 = tpu.vector_load %arg14[%swap3A_1301] {strides = array<i32>} : memref<6144xf32, #tpu.memory_space<vmem>>, vector<16xf32>,
        tpu.vector_store %arg14[%swap3A_1301], %add3A_1267 {strides = array<i32>} : memref<6144xf32, #tpu.memory_space<vmem>>, vector<16xf32>,
        %add3A_1303 = arith.constant 2048 : i32
        %add3A_1304 = arith.addi %add3A_1303, %mul3A_1202 : i32
        %swap3A_1305 = arith.index_cast %add3A_1304 : i32 to index
        %swap3A_1306 = tpu.vector_load %arg14[%swap3A_1305] {strides = array<i32>} : memref<6144xf32, #tpu.memory_space<vmem>>, vector<16xf32>,
        tpu.vector_store %arg14[%swap3A_1305], %add3A_1272 {strides = array<i32>} : memref<6144xf32, #tpu.memory_space<vmem>>, vector<16xf32>,
        %add3A_1307 = arith.constant 4096 : i32
        %add3A_1308 = arith.addi %add3A_1307, %mul3A_1202 : i32
        %swap3A_1309 = arith.index_cast %add3A_1308 : i32 to index
        %swap3A_1310 = tpu.vector_load %arg14[%swap3A_1309] {strides = array<i32>} : memref<6144xf32, #tpu.memory_space<vmem>>, vector<16xf32>,
        tpu.vector_store %arg14[%swap3A_1309], %add3A_1277 {strides = array<i32>} : memref<6144xf32, #tpu.memory_space<vmem>>, vector<16xf32>,
        %swap3A_1311 = arith.index_cast %add3A_1196 : i32 to index
        %swap3A_1312 = tpu.vector_load %arg15[%swap3A_1311] masked %and3A_1300 {strides = array<i32>} : memref<2064xi32, #tpu.memory_space<vmem>>, vector<16xi32>, vector<16xi1>
        tpu.vector_store %arg15[%swap3A_1311], %add3A_1204 masked %and3A_1300 {strides = array<i32>} : memref<2064xi32, #tpu.memory_space<vmem>>, vector<16xi32>, vector<16xi1>
        %all_reduce_population_count3A_1313 = tpu.all_reduce %and3A_1300 {dim = 0 : i64, kind = #tpu.reduction_kind<sum>} : vector<16xi1> -> vector<16xi32>
        %slice3A_1314 = vector.extract_strided_slice %all_reduce_population_count3A_1313 {offsets = [0], sizes = [1], strides = [1]} : vector<16xi32> to vector<1xi32>
        %squeeze3A_1315 = vector.extract %slice3A_1314[0] : i32 from vector<1xi32>
        %add3A_1316 = arith.addi %add3A_1196, %squeeze3A_1315 : i32
        scf.yield %add3A_1316 : i32
      }
      %scan3A_464 = arith.constant 32 : i32
      %broadcast_in_dim3A_465 = vector.broadcast %scan3A_463 : i32 to vector<16xi32>
      %gt3A = arith.constant 5 : i32
      %gt3A_466 = vector.broadcast %gt3A : i32 to vector<16xi32>
      %gt3A_467 = arith.cmpi sgt, %broadcast_in_dim3A_465, %gt3A_466 : vector<16xi32>
      %jit3A = arith.constant 1 : i32
      %jit3A_468 = arith.constant 0 : i32
      %broadcast_in_dim3A_469 = vector.broadcast %jit3A : i32 to vector<16xi32>
      %broadcast_in_dim3A_470 = vector.broadcast %jit3A_468 : i32 to vector<16xi32>
      %select_n3A = arith.select %gt3A_467, %broadcast_in_dim3A_469, %broadcast_in_dim3A_470 : vector<16xi1>, vector<16xi32>
      tpu.vector_store_idx %arg22[%broadcast_in_dim3A], %select_n3A masked %eq3A_4 : memref<32xi32, #tpu.memory_space<vmem>>[vector<16xi32>], vector<16xi32>, vector<16xi1>
      %max3A = arith.constant 1 : i32
      %max3A_471 = vector.broadcast %max3A : i32 to vector<16xi32>
      %max3A_472 = arith.maxsi %broadcast_in_dim3A_465, %max3A_471 : vector<16xi32>
      %broadcast_in_dim3A_473 = arith.constant -1.000000e+00 : f32
      %broadcast_in_dim3A_474 = vector.broadcast %broadcast_in_dim3A_473 : f32 to vector<16xf32>
      %broadcast_in_dim3A_475 = arith.constant -1 : i32
      %broadcast_in_dim3A_476 = vector.broadcast %broadcast_in_dim3A_475 : i32 to vector<16xi32>
      %gt3A_477 = arith.constant 0 : i32
      %gt3A_478 = arith.cmpi sgt, %scan3A_341, %gt3A_477 : i32
      %convert_element_type3A = arith.extui %gt3A_478 : i1 to i32
      %cond3A = arith.constant 0 : i32
      %cond3A_479 = arith.cmpi ne, %convert_element_type3A, %cond3A : i32
      scf.if %cond3A_479 {
        %add3A_843 = arith.constant 0 : i32
        %add3A_844 = arith.addi %add3A_843, %add3A_344 : i32
        %dma_wait3A_845 = arith.constant 0 : i32
        %dma_wait3A_846 = tpu.memref_slice %arg16[%dma_wait3A_845] : memref<3072xf32, #tpu.memory_space<vmem>> -> memref<512xf32, #tpu.memory_space<vmem>>
        %dma_wait3A_847 = arith.constant 0 : i32
        %dma_wait3A_848 = tpu.memref_slice %arg5[%add3A_844, %dma_wait3A_847] : memref<6144x512xf32, #tpu.memory_space<hbm>> -> memref<1x512xf32, #tpu.memory_space<hbm>>
        %dma_wait3A_849 = tpu.memref_squeeze %dma_wait3A_848 : memref<1x512xf32, #tpu.memory_space<hbm>> -> memref<512xf32, #tpu.memory_space<hbm>>
        %dma_wait3A_850 = arith.constant 0 : i32
        %dma_wait3A_851 = tpu.memref_slice %arg5[%add3A_844, %dma_wait3A_850] : memref<6144x512xf32, #tpu.memory_space<hbm>> -> memref<1x512xf32, #tpu.memory_space<hbm>>
        %dma_wait3A_852 = tpu.memref_squeeze %dma_wait3A_851 : memref<1x512xf32, #tpu.memory_space<hbm>> -> memref<512xf32, #tpu.memory_space<hbm>>
        %dma_wait3A_853 = arith.constant 0 : i32
        %dma_wait3A_854 = tpu.memref_slice %arg16[%dma_wait3A_853] : memref<3072xf32, #tpu.memory_space<vmem>> -> memref<512xf32, #tpu.memory_space<vmem>>
        tpu.wait_dma2 semaphore(%arg25 : memref<!tpu.dma_semaphore, #tpu.memory_space<semaphore_mem>>) src(%dma_wait3A_854 : memref<512xf32, #tpu.memory_space<vmem>>) dst(%dma_wait3A_852 : memref<512xf32, #tpu.memory_space<hbm>>)
        %add3A_855 = arith.constant 1024 : i32
        %add3A_856 = arith.addi %add3A_855, %add3A_344 : i32
        %dma_wait3A_857 = arith.constant 512 : i32
        %dma_wait3A_858 = tpu.memref_slice %arg16[%dma_wait3A_857] : memref<3072xf32, #tpu.memory_space<vmem>> -> memref<512xf32, #tpu.memory_space<vmem>>
        %dma_wait3A_859 = arith.constant 0 : i32
        %dma_wait3A_860 = tpu.memref_slice %arg5[%add3A_856, %dma_wait3A_859] : memref<6144x512xf32, #tpu.memory_space<hbm>> -> memref<1x512xf32, #tpu.memory_space<hbm>>
        %dma_wait3A_861 = tpu.memref_squeeze %dma_wait3A_860 : memref<1x512xf32, #tpu.memory_space<hbm>> -> memref<512xf32, #tpu.memory_space<hbm>>
        %dma_wait3A_862 = arith.constant 0 : i32
        %dma_wait3A_863 = tpu.memref_slice %arg5[%add3A_856, %dma_wait3A_862] : memref<6144x512xf32, #tpu.memory_space<hbm>> -> memref<1x512xf32, #tpu.memory_space<hbm>>
        %dma_wait3A_864 = tpu.memref_squeeze %dma_wait3A_863 : memref<1x512xf32, #tpu.memory_space<hbm>> -> memref<512xf32, #tpu.memory_space<hbm>>
        %dma_wait3A_865 = arith.constant 512 : i32
        %dma_wait3A_866 = tpu.memref_slice %arg16[%dma_wait3A_865] : memref<3072xf32, #tpu.memory_space<vmem>> -> memref<512xf32, #tpu.memory_space<vmem>>
        tpu.wait_dma2 semaphore(%arg25 : memref<!tpu.dma_semaphore, #tpu.memory_space<semaphore_mem>>) src(%dma_wait3A_866 : memref<512xf32, #tpu.memory_space<vmem>>) dst(%dma_wait3A_864 : memref<512xf32, #tpu.memory_space<hbm>>)
        %add3A_867 = arith.constant 2048 : i32
        %add3A_868 = arith.addi %add3A_867, %add3A_344 : i32
        %dma_wait3A_869 = arith.constant 1024 : i32
        %dma_wait3A_870 = tpu.memref_slice %arg16[%dma_wait3A_869] : memref<3072xf32, #tpu.memory_space<vmem>> -> memref<512xf32, #tpu.memory_space<vmem>>
        %dma_wait3A_871 = arith.constant 0 : i32
        %dma_wait3A_872 = tpu.memref_slice %arg5[%add3A_868, %dma_wait3A_871] : memref<6144x512xf32, #tpu.memory_space<hbm>> -> memref<1x512xf32, #tpu.memory_space<hbm>>
        %dma_wait3A_873 = tpu.memref_squeeze %dma_wait3A_872 : memref<1x512xf32, #tpu.memory_space<hbm>> -> memref<512xf32, #tpu.memory_space<hbm>>
        %dma_wait3A_874 = arith.constant 0 : i32
        %dma_wait3A_875 = tpu.memref_slice %arg5[%add3A_868, %dma_wait3A_874] : memref<6144x512xf32, #tpu.memory_space<hbm>> -> memref<1x512xf32, #tpu.memory_space<hbm>>
        %dma_wait3A_876 = tpu.memref_squeeze %dma_wait3A_875 : memref<1x512xf32, #tpu.memory_space<hbm>> -> memref<512xf32, #tpu.memory_space<hbm>>
        %dma_wait3A_877 = arith.constant 1024 : i32
        %dma_wait3A_878 = tpu.memref_slice %arg16[%dma_wait3A_877] : memref<3072xf32, #tpu.memory_space<vmem>> -> memref<512xf32, #tpu.memory_space<vmem>>
        tpu.wait_dma2 semaphore(%arg25 : memref<!tpu.dma_semaphore, #tpu.memory_space<semaphore_mem>>) src(%dma_wait3A_878 : memref<512xf32, #tpu.memory_space<vmem>>) dst(%dma_wait3A_876 : memref<512xf32, #tpu.memory_space<hbm>>)
        %add3A_879 = arith.constant 3072 : i32
        %add3A_880 = arith.addi %add3A_879, %add3A_344 : i32
        %dma_wait3A_881 = arith.constant 1536 : i32
        %dma_wait3A_882 = tpu.memref_slice %arg16[%dma_wait3A_881] : memref<3072xf32, #tpu.memory_space<vmem>> -> memref<512xf32, #tpu.memory_space<vmem>>
        %dma_wait3A_883 = arith.constant 0 : i32
        %dma_wait3A_884 = tpu.memref_slice %arg5[%add3A_880, %dma_wait3A_883] : memref<6144x512xf32, #tpu.memory_space<hbm>> -> memref<1x512xf32, #tpu.memory_space<hbm>>
        %dma_wait3A_885 = tpu.memref_squeeze %dma_wait3A_884 : memref<1x512xf32, #tpu.memory_space<hbm>> -> memref<512xf32, #tpu.memory_space<hbm>>
        %dma_wait3A_886 = arith.constant 0 : i32
        %dma_wait3A_887 = tpu.memref_slice %arg5[%add3A_880, %dma_wait3A_886] : memref<6144x512xf32, #tpu.memory_space<hbm>> -> memref<1x512xf32, #tpu.memory_space<hbm>>
        %dma_wait3A_888 = tpu.memref_squeeze %dma_wait3A_887 : memref<1x512xf32, #tpu.memory_space<hbm>> -> memref<512xf32, #tpu.memory_space<hbm>>
        %dma_wait3A_889 = arith.constant 1536 : i32
        %dma_wait3A_890 = tpu.memref_slice %arg16[%dma_wait3A_889] : memref<3072xf32, #tpu.memory_space<vmem>> -> memref<512xf32, #tpu.memory_space<vmem>>
        tpu.wait_dma2 semaphore(%arg25 : memref<!tpu.dma_semaphore, #tpu.memory_space<semaphore_mem>>) src(%dma_wait3A_890 : memref<512xf32, #tpu.memory_space<vmem>>) dst(%dma_wait3A_888 : memref<512xf32, #tpu.memory_space<hbm>>)
        %add3A_891 = arith.constant 4096 : i32
        %add3A_892 = arith.addi %add3A_891, %add3A_344 : i32
        %dma_wait3A_893 = arith.constant 2048 : i32
        %dma_wait3A_894 = tpu.memref_slice %arg16[%dma_wait3A_893] : memref<3072xf32, #tpu.memory_space<vmem>> -> memref<512xf32, #tpu.memory_space<vmem>>
        %dma_wait3A_895 = arith.constant 0 : i32
        %dma_wait3A_896 = tpu.memref_slice %arg5[%add3A_892, %dma_wait3A_895] : memref<6144x512xf32, #tpu.memory_space<hbm>> -> memref<1x512xf32, #tpu.memory_space<hbm>>
        %dma_wait3A_897 = tpu.memref_squeeze %dma_wait3A_896 : memref<1x512xf32, #tpu.memory_space<hbm>> -> memref<512xf32, #tpu.memory_space<hbm>>
        %dma_wait3A_898 = arith.constant 0 : i32
        %dma_wait3A_899 = tpu.memref_slice %arg5[%add3A_892, %dma_wait3A_898] : memref<6144x512xf32, #tpu.memory_space<hbm>> -> memref<1x512xf32, #tpu.memory_space<hbm>>
        %dma_wait3A_900 = tpu.memref_squeeze %dma_wait3A_899 : memref<1x512xf32, #tpu.memory_space<hbm>> -> memref<512xf32, #tpu.memory_space<hbm>>
        %dma_wait3A_901 = arith.constant 2048 : i32
        %dma_wait3A_902 = tpu.memref_slice %arg16[%dma_wait3A_901] : memref<3072xf32, #tpu.memory_space<vmem>> -> memref<512xf32, #tpu.memory_space<vmem>>
        tpu.wait_dma2 semaphore(%arg25 : memref<!tpu.dma_semaphore, #tpu.memory_space<semaphore_mem>>) src(%dma_wait3A_902 : memref<512xf32, #tpu.memory_space<vmem>>) dst(%dma_wait3A_900 : memref<512xf32, #tpu.memory_space<hbm>>)
        %add3A_903 = arith.constant 5120 : i32
        %add3A_904 = arith.addi %add3A_903, %add3A_344 : i32
        %dma_wait3A_905 = arith.constant 2560 : i32
        %dma_wait3A_906 = tpu.memref_slice %arg16[%dma_wait3A_905] : memref<3072xf32, #tpu.memory_space<vmem>> -> memref<512xf32, #tpu.memory_space<vmem>>
        %dma_wait3A_907 = arith.constant 0 : i32
        %dma_wait3A_908 = tpu.memref_slice %arg5[%add3A_904, %dma_wait3A_907] : memref<6144x512xf32, #tpu.memory_space<hbm>> -> memref<1x512xf32, #tpu.memory_space<hbm>>
        %dma_wait3A_909 = tpu.memref_squeeze %dma_wait3A_908 : memref<1x512xf32, #tpu.memory_space<hbm>> -> memref<512xf32, #tpu.memory_space<hbm>>
        %dma_wait3A_910 = arith.constant 0 : i32
        %dma_wait3A_911 = tpu.memref_slice %arg5[%add3A_904, %dma_wait3A_910] : memref<6144x512xf32, #tpu.memory_space<hbm>> -> memref<1x512xf32, #tpu.memory_space<hbm>>
        %dma_wait3A_912 = tpu.memref_squeeze %dma_wait3A_911 : memref<1x512xf32, #tpu.memory_space<hbm>> -> memref<512xf32, #tpu.memory_space<hbm>>
        %dma_wait3A_913 = arith.constant 2560 : i32
        %dma_wait3A_914 = tpu.memref_slice %arg16[%dma_wait3A_913] : memref<3072xf32, #tpu.memory_space<vmem>> -> memref<512xf32, #tpu.memory_space<vmem>>
        tpu.wait_dma2 semaphore(%arg25 : memref<!tpu.dma_semaphore, #tpu.memory_space<semaphore_mem>>) src(%dma_wait3A_914 : memref<512xf32, #tpu.memory_space<vmem>>) dst(%dma_wait3A_912 : memref<512xf32, #tpu.memory_space<hbm>>)
        %dma_wait3A_915 = arith.constant 0 : i32
        %dma_wait3A_916 = tpu.memref_slice %arg6[%add3A_344, %dma_wait3A_915] : memref<1024x512xi32, #tpu.memory_space<hbm>> -> memref<1x512xi32, #tpu.memory_space<hbm>>
        %dma_wait3A_917 = tpu.memref_squeeze %dma_wait3A_916 : memref<1x512xi32, #tpu.memory_space<hbm>> -> memref<512xi32, #tpu.memory_space<hbm>>
        %dma_wait3A_918 = arith.constant 0 : i32
        %dma_wait3A_919 = tpu.memref_slice %arg6[%add3A_344, %dma_wait3A_918] : memref<1024x512xi32, #tpu.memory_space<hbm>> -> memref<1x512xi32, #tpu.memory_space<hbm>>
        %dma_wait3A_920 = tpu.memref_squeeze %dma_wait3A_919 : memref<1x512xi32, #tpu.memory_space<hbm>> -> memref<512xi32, #tpu.memory_space<hbm>>
        tpu.wait_dma2 semaphore(%arg25 : memref<!tpu.dma_semaphore, #tpu.memory_space<semaphore_mem>>) src(%arg18 : memref<512xi32, #tpu.memory_space<vmem>>) dst(%dma_wait3A_920 : memref<512xi32, #tpu.memory_space<hbm>>)
        %dma_wait3A_921 = arith.constant 0 : i32
        %dma_wait3A_922 = tpu.memref_slice %arg7[%add3A_344, %dma_wait3A_921] : memref<1024x512xi32, #tpu.memory_space<hbm>> -> memref<1x512xi32, #tpu.memory_space<hbm>>
        %dma_wait3A_923 = tpu.memref_squeeze %dma_wait3A_922 : memref<1x512xi32, #tpu.memory_space<hbm>> -> memref<512xi32, #tpu.memory_space<hbm>>
        %dma_wait3A_924 = arith.constant 0 : i32
        %dma_wait3A_925 = tpu.memref_slice %arg7[%add3A_344, %dma_wait3A_924] : memref<1024x512xi32, #tpu.memory_space<hbm>> -> memref<1x512xi32, #tpu.memory_space<hbm>>
        %dma_wait3A_926 = tpu.memref_squeeze %dma_wait3A_925 : memref<1x512xi32, #tpu.memory_space<hbm>> -> memref<512xi32, #tpu.memory_space<hbm>>
        tpu.wait_dma2 semaphore(%arg25 : memref<!tpu.dma_semaphore, #tpu.memory_space<semaphore_mem>>) src(%arg20 : memref<512xi32, #tpu.memory_space<vmem>>) dst(%dma_wait3A_926 : memref<512xi32, #tpu.memory_space<hbm>>)
      } else {
      }
      %ge3A = arith.cmpi sge, %iota3A, %max3A_472 : vector<16xi32>
      %sub3A_480 = arith.subi %iota3A, %max3A_472 : vector<16xi32>
      %select_n3A_481 = arith.select %ge3A, %sub3A_480, %iota3A : vector<16xi1>, vector<16xi32>
      %ge3A_482 = arith.cmpi sge, %select_n3A_481, %max3A_472 : vector<16xi32>
      %sub3A_483 = arith.subi %select_n3A_481, %max3A_472 : vector<16xi32>
      %select_n3A_484 = arith.select %ge3A_482, %sub3A_483, %select_n3A_481 : vector<16xi1>, vector<16xi32>
      %ge3A_485 = arith.cmpi sge, %select_n3A_484, %max3A_472 : vector<16xi32>
      %sub3A_486 = arith.subi %select_n3A_484, %max3A_472 : vector<16xi32>
      %select_n3A_487 = arith.select %ge3A_485, %sub3A_486, %select_n3A_484 : vector<16xi1>, vector<16xi32>
      %scan3A_488 = arith.constant 0 : i32
      %scan3A_489 = arith.constant 8 : i32
      %scan3A_490 = arith.addi %scan3A_488, %scan3A_489 : i32
      %scan3A_491 = arith.constant 1 : i32
      %scan3A_492 = scf.for %scan3A_843 = %scan3A_488 to %scan3A_490 step %scan3A_491 iter_args(%scan3A_844 = %select_n3A_487) -> (vector<16xi32>)  : i32 {
        %mul3A_845 = arith.constant 4 : i32
        %mul3A_846 = arith.muli %scan3A_843, %mul3A_845 : i32
        %add3A_847 = arith.constant 0 : i32
        %add3A_848 = arith.addi %mul3A_846, %add3A_847 : i32
        %mul3A_849 = arith.constant 16 : i32
        %mul3A_850 = arith.muli %add3A_848, %mul3A_849 : i32
        %gather3A_851 = tpu.vector_load_idx %arg15[%scan3A_844] : memref<2064xi32, #tpu.memory_space<vmem>>[vector<16xi32>], vector<16xi32>,
        %gather3A_852 = tpu.vector_load_idx %arg14[%gather3A_851] : memref<6144xf32, #tpu.memory_space<vmem>>[vector<16xi32>], vector<16xf32>,
        %broadcast_in_dim3A_853 = arith.constant 2048 : i32
        %broadcast_in_dim3A_854 = vector.broadcast %broadcast_in_dim3A_853 : i32 to vector<16xi32>
        %add3A_855 = arith.addi %gather3A_851, %broadcast_in_dim3A_854 : vector<16xi32>
        %gather3A_856 = tpu.vector_load_idx %arg14[%add3A_855] : memref<6144xf32, #tpu.memory_space<vmem>>[vector<16xi32>], vector<16xf32>,
        %broadcast_in_dim3A_857 = arith.constant 4096 : i32
        %broadcast_in_dim3A_858 = vector.broadcast %broadcast_in_dim3A_857 : i32 to vector<16xi32>
        %add3A_859 = arith.addi %gather3A_851, %broadcast_in_dim3A_858 : vector<16xi32>
        %gather3A_860 = tpu.vector_load_idx %arg14[%add3A_859] : memref<6144xf32, #tpu.memory_space<vmem>>[vector<16xi32>], vector<16xf32>,
        %broadcast_in_dim3A_861 = arith.constant 6144 : i32
        %broadcast_in_dim3A_862 = vector.broadcast %broadcast_in_dim3A_861 : i32 to vector<16xi32>
        %add3A_863 = arith.addi %gather3A_851, %broadcast_in_dim3A_862 : vector<16xi32>
        %gather3A_864 = tpu.vector_load_idx %arg9[%add3A_863] : memref<12288xf32, #tpu.memory_space<vmem>>[vector<16xi32>], vector<16xf32>,
        %broadcast_in_dim3A_865 = arith.constant 8192 : i32
        %broadcast_in_dim3A_866 = vector.broadcast %broadcast_in_dim3A_865 : i32 to vector<16xi32>
        %add3A_867 = arith.addi %gather3A_851, %broadcast_in_dim3A_866 : vector<16xi32>
        %gather3A_868 = tpu.vector_load_idx %arg9[%add3A_867] : memref<12288xf32, #tpu.memory_space<vmem>>[vector<16xi32>], vector<16xf32>,
        %broadcast_in_dim3A_869 = arith.constant 10240 : i32
        %broadcast_in_dim3A_870 = vector.broadcast %broadcast_in_dim3A_869 : i32 to vector<16xi32>
        %add3A_871 = arith.addi %gather3A_851, %broadcast_in_dim3A_870 : vector<16xi32>
        %gather3A_872 = tpu.vector_load_idx %arg9[%add3A_871] : memref<12288xf32, #tpu.memory_space<vmem>>[vector<16xi32>], vector<16xf32>,
        %swap3A = arith.index_cast %mul3A_850 : i32 to index
        %swap3A_873 = tpu.vector_load %arg16[%swap3A] {strides = array<i32>} : memref<3072xf32, #tpu.memory_space<vmem>>, vector<16xf32>,
        tpu.vector_store %arg16[%swap3A], %gather3A_852 {strides = array<i32>} : memref<3072xf32, #tpu.memory_space<vmem>>, vector<16xf32>,
        %add3A_874 = arith.constant 512 : i32
        %add3A_875 = arith.addi %add3A_874, %mul3A_850 : i32
        %swap3A_876 = arith.index_cast %add3A_875 : i32 to index
        %swap3A_877 = tpu.vector_load %arg16[%swap3A_876] {strides = array<i32>} : memref<3072xf32, #tpu.memory_space<vmem>>, vector<16xf32>,
        tpu.vector_store %arg16[%swap3A_876], %gather3A_856 {strides = array<i32>} : memref<3072xf32, #tpu.memory_space<vmem>>, vector<16xf32>,
        %add3A_878 = arith.constant 1024 : i32
        %add3A_879 = arith.addi %add3A_878, %mul3A_850 : i32
        %swap3A_880 = arith.index_cast %add3A_879 : i32 to index
        %swap3A_881 = tpu.vector_load %arg16[%swap3A_880] {strides = array<i32>} : memref<3072xf32, #tpu.memory_space<vmem>>, vector<16xf32>,
        tpu.vector_store %arg16[%swap3A_880], %gather3A_860 {strides = array<i32>} : memref<3072xf32, #tpu.memory_space<vmem>>, vector<16xf32>,
        %add3A_882 = arith.constant 1536 : i32
        %add3A_883 = arith.addi %add3A_882, %mul3A_850 : i32
        %swap3A_884 = arith.index_cast %add3A_883 : i32 to index
        %swap3A_885 = tpu.vector_load %arg16[%swap3A_884] {strides = array<i32>} : memref<3072xf32, #tpu.memory_space<vmem>>, vector<16xf32>,
        tpu.vector_store %arg16[%swap3A_884], %gather3A_864 {strides = array<i32>} : memref<3072xf32, #tpu.memory_space<vmem>>, vector<16xf32>,
        %add3A_886 = arith.constant 2048 : i32
        %add3A_887 = arith.addi %add3A_886, %mul3A_850 : i32
        %swap3A_888 = arith.index_cast %add3A_887 : i32 to index
        %swap3A_889 = tpu.vector_load %arg16[%swap3A_888] {strides = array<i32>} : memref<3072xf32, #tpu.memory_space<vmem>>, vector<16xf32>,
        tpu.vector_store %arg16[%swap3A_888], %gather3A_868 {strides = array<i32>} : memref<3072xf32, #tpu.memory_space<vmem>>, vector<16xf32>,
        %add3A_890 = arith.constant 2560 : i32
        %add3A_891 = arith.addi %add3A_890, %mul3A_850 : i32
        %swap3A_892 = arith.index_cast %add3A_891 : i32 to index
        %swap3A_893 = tpu.vector_load %arg16[%swap3A_892] {strides = array<i32>} : memref<3072xf32, #tpu.memory_space<vmem>>, vector<16xf32>,
        tpu.vector_store %arg16[%swap3A_892], %gather3A_872 {strides = array<i32>} : memref<3072xf32, #tpu.memory_space<vmem>>, vector<16xf32>,
        %swap3A_894 = arith.index_cast %mul3A_850 : i32 to index
        %swap3A_895 = tpu.vector_load %arg18[%swap3A_894] {strides = array<i32>} : memref<512xi32, #tpu.memory_space<vmem>>, vector<16xi32>,
        tpu.vector_store %arg18[%swap3A_894], %gather3A_851 {strides = array<i32>} : memref<512xi32, #tpu.memory_space<vmem>>, vector<16xi32>,
        %gather3A_896 = tpu.vector_load_idx %arg11[%gather3A_851] : memref<2048xi32, #tpu.memory_space<vmem>>[vector<16xi32>], vector<16xi32>,
        %swap3A_897 = arith.index_cast %mul3A_850 : i32 to index
        %swap3A_898 = tpu.vector_load %arg20[%swap3A_897] {strides = array<i32>} : memref<512xi32, #tpu.memory_space<vmem>>, vector<16xi32>,
        tpu.vector_store %arg20[%swap3A_897], %gather3A_896 {strides = array<i32>} : memref<512xi32, #tpu.memory_space<vmem>>, vector<16xi32>,
        %add3A_899 = arith.constant 16 : i32
        %add3A_900 = vector.broadcast %add3A_899 : i32 to vector<16xi32>
        %add3A_901 = arith.addi %scan3A_844, %add3A_900 : vector<16xi32>
        %ge3A_902 = arith.cmpi sge, %add3A_901, %max3A_472 : vector<16xi32>
        %sub3A_903 = arith.subi %add3A_901, %max3A_472 : vector<16xi32>
        %select_n3A_904 = arith.select %ge3A_902, %sub3A_903, %add3A_901 : vector<16xi1>, vector<16xi32>
        %ge3A_905 = arith.cmpi sge, %select_n3A_904, %max3A_472 : vector<16xi32>
        %sub3A_906 = arith.subi %select_n3A_904, %max3A_472 : vector<16xi32>
        %select_n3A_907 = arith.select %ge3A_905, %sub3A_906, %select_n3A_904 : vector<16xi1>, vector<16xi32>
        %ge3A_908 = arith.cmpi sge, %select_n3A_907, %max3A_472 : vector<16xi32>
        %sub3A_909 = arith.subi %select_n3A_907, %max3A_472 : vector<16xi32>
        %select_n3A_910 = arith.select %ge3A_908, %sub3A_909, %select_n3A_907 : vector<16xi1>, vector<16xi32>
        %mul3A_911 = arith.constant 4 : i32
        %mul3A_912 = arith.muli %scan3A_843, %mul3A_911 : i32
        %add3A_913 = arith.constant 1 : i32
        %add3A_914 = arith.addi %mul3A_912, %add3A_913 : i32
        %mul3A_915 = arith.constant 16 : i32
        %mul3A_916 = arith.muli %add3A_914, %mul3A_915 : i32
        %gather3A_917 = tpu.vector_load_idx %arg15[%select_n3A_910] : memref<2064xi32, #tpu.memory_space<vmem>>[vector<16xi32>], vector<16xi32>,
        %gather3A_918 = tpu.vector_load_idx %arg14[%gather3A_917] : memref<6144xf32, #tpu.memory_space<vmem>>[vector<16xi32>], vector<16xf32>,
        %broadcast_in_dim3A_919 = arith.constant 2048 : i32
        %broadcast_in_dim3A_920 = vector.broadcast %broadcast_in_dim3A_919 : i32 to vector<16xi32>
        %add3A_921 = arith.addi %gather3A_917, %broadcast_in_dim3A_920 : vector<16xi32>
        %gather3A_922 = tpu.vector_load_idx %arg14[%add3A_921] : memref<6144xf32, #tpu.memory_space<vmem>>[vector<16xi32>], vector<16xf32>,
        %broadcast_in_dim3A_923 = arith.constant 4096 : i32
        %broadcast_in_dim3A_924 = vector.broadcast %broadcast_in_dim3A_923 : i32 to vector<16xi32>
        %add3A_925 = arith.addi %gather3A_917, %broadcast_in_dim3A_924 : vector<16xi32>
        %gather3A_926 = tpu.vector_load_idx %arg14[%add3A_925] : memref<6144xf32, #tpu.memory_space<vmem>>[vector<16xi32>], vector<16xf32>,
        %broadcast_in_dim3A_927 = arith.constant 6144 : i32
        %broadcast_in_dim3A_928 = vector.broadcast %broadcast_in_dim3A_927 : i32 to vector<16xi32>
        %add3A_929 = arith.addi %gather3A_917, %broadcast_in_dim3A_928 : vector<16xi32>
        %gather3A_930 = tpu.vector_load_idx %arg9[%add3A_929] : memref<12288xf32, #tpu.memory_space<vmem>>[vector<16xi32>], vector<16xf32>,
        %broadcast_in_dim3A_931 = arith.constant 8192 : i32
        %broadcast_in_dim3A_932 = vector.broadcast %broadcast_in_dim3A_931 : i32 to vector<16xi32>
        %add3A_933 = arith.addi %gather3A_917, %broadcast_in_dim3A_932 : vector<16xi32>
        %gather3A_934 = tpu.vector_load_idx %arg9[%add3A_933] : memref<12288xf32, #tpu.memory_space<vmem>>[vector<16xi32>], vector<16xf32>,
        %broadcast_in_dim3A_935 = arith.constant 10240 : i32
        %broadcast_in_dim3A_936 = vector.broadcast %broadcast_in_dim3A_935 : i32 to vector<16xi32>
        %add3A_937 = arith.addi %gather3A_917, %broadcast_in_dim3A_936 : vector<16xi32>
        %gather3A_938 = tpu.vector_load_idx %arg9[%add3A_937] : memref<12288xf32, #tpu.memory_space<vmem>>[vector<16xi32>], vector<16xf32>,
        %swap3A_939 = arith.index_cast %mul3A_916 : i32 to index
        %swap3A_940 = tpu.vector_load %arg16[%swap3A_939] {strides = array<i32>} : memref<3072xf32, #tpu.memory_space<vmem>>, vector<16xf32>,
        tpu.vector_store %arg16[%swap3A_939], %gather3A_918 {strides = array<i32>} : memref<3072xf32, #tpu.memory_space<vmem>>, vector<16xf32>,
        %add3A_941 = arith.constant 512 : i32
        %add3A_942 = arith.addi %add3A_941, %mul3A_916 : i32
        %swap3A_943 = arith.index_cast %add3A_942 : i32 to index
        %swap3A_944 = tpu.vector_load %arg16[%swap3A_943] {strides = array<i32>} : memref<3072xf32, #tpu.memory_space<vmem>>, vector<16xf32>,
        tpu.vector_store %arg16[%swap3A_943], %gather3A_922 {strides = array<i32>} : memref<3072xf32, #tpu.memory_space<vmem>>, vector<16xf32>,
        %add3A_945 = arith.constant 1024 : i32
        %add3A_946 = arith.addi %add3A_945, %mul3A_916 : i32
        %swap3A_947 = arith.index_cast %add3A_946 : i32 to index
        %swap3A_948 = tpu.vector_load %arg16[%swap3A_947] {strides = array<i32>} : memref<3072xf32, #tpu.memory_space<vmem>>, vector<16xf32>,
        tpu.vector_store %arg16[%swap3A_947], %gather3A_926 {strides = array<i32>} : memref<3072xf32, #tpu.memory_space<vmem>>, vector<16xf32>,
        %add3A_949 = arith.constant 1536 : i32
        %add3A_950 = arith.addi %add3A_949, %mul3A_916 : i32
        %swap3A_951 = arith.index_cast %add3A_950 : i32 to index
        %swap3A_952 = tpu.vector_load %arg16[%swap3A_951] {strides = array<i32>} : memref<3072xf32, #tpu.memory_space<vmem>>, vector<16xf32>,
        tpu.vector_store %arg16[%swap3A_951], %gather3A_930 {strides = array<i32>} : memref<3072xf32, #tpu.memory_space<vmem>>, vector<16xf32>,
        %add3A_953 = arith.constant 2048 : i32
        %add3A_954 = arith.addi %add3A_953, %mul3A_916 : i32
        %swap3A_955 = arith.index_cast %add3A_954 : i32 to index
        %swap3A_956 = tpu.vector_load %arg16[%swap3A_955] {strides = array<i32>} : memref<3072xf32, #tpu.memory_space<vmem>>, vector<16xf32>,
        tpu.vector_store %arg16[%swap3A_955], %gather3A_934 {strides = array<i32>} : memref<3072xf32, #tpu.memory_space<vmem>>, vector<16xf32>,
        %add3A_957 = arith.constant 2560 : i32
        %add3A_958 = arith.addi %add3A_957, %mul3A_916 : i32
        %swap3A_959 = arith.index_cast %add3A_958 : i32 to index
        %swap3A_960 = tpu.vector_load %arg16[%swap3A_959] {strides = array<i32>} : memref<3072xf32, #tpu.memory_space<vmem>>, vector<16xf32>,
        tpu.vector_store %arg16[%swap3A_959], %gather3A_938 {strides = array<i32>} : memref<3072xf32, #tpu.memory_space<vmem>>, vector<16xf32>,
        %swap3A_961 = arith.index_cast %mul3A_916 : i32 to index
        %swap3A_962 = tpu.vector_load %arg18[%swap3A_961] {strides = array<i32>} : memref<512xi32, #tpu.memory_space<vmem>>, vector<16xi32>,
        tpu.vector_store %arg18[%swap3A_961], %gather3A_917 {strides = array<i32>} : memref<512xi32, #tpu.memory_space<vmem>>, vector<16xi32>,
        %gather3A_963 = tpu.vector_load_idx %arg11[%gather3A_917] : memref<2048xi32, #tpu.memory_space<vmem>>[vector<16xi32>], vector<16xi32>,
        %swap3A_964 = arith.index_cast %mul3A_916 : i32 to index
        %swap3A_965 = tpu.vector_load %arg20[%swap3A_964] {strides = array<i32>} : memref<512xi32, #tpu.memory_space<vmem>>, vector<16xi32>,
        tpu.vector_store %arg20[%swap3A_964], %gather3A_963 {strides = array<i32>} : memref<512xi32, #tpu.memory_space<vmem>>, vector<16xi32>,
        %add3A_966 = arith.constant 16 : i32
        %add3A_967 = vector.broadcast %add3A_966 : i32 to vector<16xi32>
        %add3A_968 = arith.addi %select_n3A_910, %add3A_967 : vector<16xi32>
        %ge3A_969 = arith.cmpi sge, %add3A_968, %max3A_472 : vector<16xi32>
        %sub3A_970 = arith.subi %add3A_968, %max3A_472 : vector<16xi32>
        %select_n3A_971 = arith.select %ge3A_969, %sub3A_970, %add3A_968 : vector<16xi1>, vector<16xi32>
        %ge3A_972 = arith.cmpi sge, %select_n3A_971, %max3A_472 : vector<16xi32>
        %sub3A_973 = arith.subi %select_n3A_971, %max3A_472 : vector<16xi32>
        %select_n3A_974 = arith.select %ge3A_972, %sub3A_973, %select_n3A_971 : vector<16xi1>, vector<16xi32>
        %ge3A_975 = arith.cmpi sge, %select_n3A_974, %max3A_472 : vector<16xi32>
        %sub3A_976 = arith.subi %select_n3A_974, %max3A_472 : vector<16xi32>
        %select_n3A_977 = arith.select %ge3A_975, %sub3A_976, %select_n3A_974 : vector<16xi1>, vector<16xi32>
        %mul3A_978 = arith.constant 4 : i32
        %mul3A_979 = arith.muli %scan3A_843, %mul3A_978 : i32
        %add3A_980 = arith.constant 2 : i32
        %add3A_981 = arith.addi %mul3A_979, %add3A_980 : i32
        %mul3A_982 = arith.constant 16 : i32
        %mul3A_983 = arith.muli %add3A_981, %mul3A_982 : i32
        %gather3A_984 = tpu.vector_load_idx %arg15[%select_n3A_977] : memref<2064xi32, #tpu.memory_space<vmem>>[vector<16xi32>], vector<16xi32>,
        %gather3A_985 = tpu.vector_load_idx %arg14[%gather3A_984] : memref<6144xf32, #tpu.memory_space<vmem>>[vector<16xi32>], vector<16xf32>,
        %broadcast_in_dim3A_986 = arith.constant 2048 : i32
        %broadcast_in_dim3A_987 = vector.broadcast %broadcast_in_dim3A_986 : i32 to vector<16xi32>
        %add3A_988 = arith.addi %gather3A_984, %broadcast_in_dim3A_987 : vector<16xi32>
        %gather3A_989 = tpu.vector_load_idx %arg14[%add3A_988] : memref<6144xf32, #tpu.memory_space<vmem>>[vector<16xi32>], vector<16xf32>,
        %broadcast_in_dim3A_990 = arith.constant 4096 : i32
        %broadcast_in_dim3A_991 = vector.broadcast %broadcast_in_dim3A_990 : i32 to vector<16xi32>
        %add3A_992 = arith.addi %gather3A_984, %broadcast_in_dim3A_991 : vector<16xi32>
        %gather3A_993 = tpu.vector_load_idx %arg14[%add3A_992] : memref<6144xf32, #tpu.memory_space<vmem>>[vector<16xi32>], vector<16xf32>,
        %broadcast_in_dim3A_994 = arith.constant 6144 : i32
        %broadcast_in_dim3A_995 = vector.broadcast %broadcast_in_dim3A_994 : i32 to vector<16xi32>
        %add3A_996 = arith.addi %gather3A_984, %broadcast_in_dim3A_995 : vector<16xi32>
        %gather3A_997 = tpu.vector_load_idx %arg9[%add3A_996] : memref<12288xf32, #tpu.memory_space<vmem>>[vector<16xi32>], vector<16xf32>,
        %broadcast_in_dim3A_998 = arith.constant 8192 : i32
        %broadcast_in_dim3A_999 = vector.broadcast %broadcast_in_dim3A_998 : i32 to vector<16xi32>
        %add3A_1000 = arith.addi %gather3A_984, %broadcast_in_dim3A_999 : vector<16xi32>
        %gather3A_1001 = tpu.vector_load_idx %arg9[%add3A_1000] : memref<12288xf32, #tpu.memory_space<vmem>>[vector<16xi32>], vector<16xf32>,
        %broadcast_in_dim3A_1002 = arith.constant 10240 : i32
        %broadcast_in_dim3A_1003 = vector.broadcast %broadcast_in_dim3A_1002 : i32 to vector<16xi32>
        %add3A_1004 = arith.addi %gather3A_984, %broadcast_in_dim3A_1003 : vector<16xi32>
        %gather3A_1005 = tpu.vector_load_idx %arg9[%add3A_1004] : memref<12288xf32, #tpu.memory_space<vmem>>[vector<16xi32>], vector<16xf32>,
        %swap3A_1006 = arith.index_cast %mul3A_983 : i32 to index
        %swap3A_1007 = tpu.vector_load %arg16[%swap3A_1006] {strides = array<i32>} : memref<3072xf32, #tpu.memory_space<vmem>>, vector<16xf32>,
        tpu.vector_store %arg16[%swap3A_1006], %gather3A_985 {strides = array<i32>} : memref<3072xf32, #tpu.memory_space<vmem>>, vector<16xf32>,
        %add3A_1008 = arith.constant 512 : i32
        %add3A_1009 = arith.addi %add3A_1008, %mul3A_983 : i32
        %swap3A_1010 = arith.index_cast %add3A_1009 : i32 to index
        %swap3A_1011 = tpu.vector_load %arg16[%swap3A_1010] {strides = array<i32>} : memref<3072xf32, #tpu.memory_space<vmem>>, vector<16xf32>,
        tpu.vector_store %arg16[%swap3A_1010], %gather3A_989 {strides = array<i32>} : memref<3072xf32, #tpu.memory_space<vmem>>, vector<16xf32>,
        %add3A_1012 = arith.constant 1024 : i32
        %add3A_1013 = arith.addi %add3A_1012, %mul3A_983 : i32
        %swap3A_1014 = arith.index_cast %add3A_1013 : i32 to index
        %swap3A_1015 = tpu.vector_load %arg16[%swap3A_1014] {strides = array<i32>} : memref<3072xf32, #tpu.memory_space<vmem>>, vector<16xf32>,
        tpu.vector_store %arg16[%swap3A_1014], %gather3A_993 {strides = array<i32>} : memref<3072xf32, #tpu.memory_space<vmem>>, vector<16xf32>,
        %add3A_1016 = arith.constant 1536 : i32
        %add3A_1017 = arith.addi %add3A_1016, %mul3A_983 : i32
        %swap3A_1018 = arith.index_cast %add3A_1017 : i32 to index
        %swap3A_1019 = tpu.vector_load %arg16[%swap3A_1018] {strides = array<i32>} : memref<3072xf32, #tpu.memory_space<vmem>>, vector<16xf32>,
        tpu.vector_store %arg16[%swap3A_1018], %gather3A_997 {strides = array<i32>} : memref<3072xf32, #tpu.memory_space<vmem>>, vector<16xf32>,
        %add3A_1020 = arith.constant 2048 : i32
        %add3A_1021 = arith.addi %add3A_1020, %mul3A_983 : i32
        %swap3A_1022 = arith.index_cast %add3A_1021 : i32 to index
        %swap3A_1023 = tpu.vector_load %arg16[%swap3A_1022] {strides = array<i32>} : memref<3072xf32, #tpu.memory_space<vmem>>, vector<16xf32>,
        tpu.vector_store %arg16[%swap3A_1022], %gather3A_1001 {strides = array<i32>} : memref<3072xf32, #tpu.memory_space<vmem>>, vector<16xf32>,
        %add3A_1024 = arith.constant 2560 : i32
        %add3A_1025 = arith.addi %add3A_1024, %mul3A_983 : i32
        %swap3A_1026 = arith.index_cast %add3A_1025 : i32 to index
        %swap3A_1027 = tpu.vector_load %arg16[%swap3A_1026] {strides = array<i32>} : memref<3072xf32, #tpu.memory_space<vmem>>, vector<16xf32>,
        tpu.vector_store %arg16[%swap3A_1026], %gather3A_1005 {strides = array<i32>} : memref<3072xf32, #tpu.memory_space<vmem>>, vector<16xf32>,
        %swap3A_1028 = arith.index_cast %mul3A_983 : i32 to index
        %swap3A_1029 = tpu.vector_load %arg18[%swap3A_1028] {strides = array<i32>} : memref<512xi32, #tpu.memory_space<vmem>>, vector<16xi32>,
        tpu.vector_store %arg18[%swap3A_1028], %gather3A_984 {strides = array<i32>} : memref<512xi32, #tpu.memory_space<vmem>>, vector<16xi32>,
        %gather3A_1030 = tpu.vector_load_idx %arg11[%gather3A_984] : memref<2048xi32, #tpu.memory_space<vmem>>[vector<16xi32>], vector<16xi32>,
        %swap3A_1031 = arith.index_cast %mul3A_983 : i32 to index
        %swap3A_1032 = tpu.vector_load %arg20[%swap3A_1031] {strides = array<i32>} : memref<512xi32, #tpu.memory_space<vmem>>, vector<16xi32>,
        tpu.vector_store %arg20[%swap3A_1031], %gather3A_1030 {strides = array<i32>} : memref<512xi32, #tpu.memory_space<vmem>>, vector<16xi32>,
        %add3A_1033 = arith.constant 16 : i32
        %add3A_1034 = vector.broadcast %add3A_1033 : i32 to vector<16xi32>
        %add3A_1035 = arith.addi %select_n3A_977, %add3A_1034 : vector<16xi32>
        %ge3A_1036 = arith.cmpi sge, %add3A_1035, %max3A_472 : vector<16xi32>
        %sub3A_1037 = arith.subi %add3A_1035, %max3A_472 : vector<16xi32>
        %select_n3A_1038 = arith.select %ge3A_1036, %sub3A_1037, %add3A_1035 : vector<16xi1>, vector<16xi32>
        %ge3A_1039 = arith.cmpi sge, %select_n3A_1038, %max3A_472 : vector<16xi32>
        %sub3A_1040 = arith.subi %select_n3A_1038, %max3A_472 : vector<16xi32>
        %select_n3A_1041 = arith.select %ge3A_1039, %sub3A_1040, %select_n3A_1038 : vector<16xi1>, vector<16xi32>
        %ge3A_1042 = arith.cmpi sge, %select_n3A_1041, %max3A_472 : vector<16xi32>
        %sub3A_1043 = arith.subi %select_n3A_1041, %max3A_472 : vector<16xi32>
        %select_n3A_1044 = arith.select %ge3A_1042, %sub3A_1043, %select_n3A_1041 : vector<16xi1>, vector<16xi32>
        %mul3A_1045 = arith.constant 4 : i32
        %mul3A_1046 = arith.muli %scan3A_843, %mul3A_1045 : i32
        %add3A_1047 = arith.constant 3 : i32
        %add3A_1048 = arith.addi %mul3A_1046, %add3A_1047 : i32
        %mul3A_1049 = arith.constant 16 : i32
        %mul3A_1050 = arith.muli %add3A_1048, %mul3A_1049 : i32
        %gather3A_1051 = tpu.vector_load_idx %arg15[%select_n3A_1044] : memref<2064xi32, #tpu.memory_space<vmem>>[vector<16xi32>], vector<16xi32>,
        %gather3A_1052 = tpu.vector_load_idx %arg14[%gather3A_1051] : memref<6144xf32, #tpu.memory_space<vmem>>[vector<16xi32>], vector<16xf32>,
        %broadcast_in_dim3A_1053 = arith.constant 2048 : i32
        %broadcast_in_dim3A_1054 = vector.broadcast %broadcast_in_dim3A_1053 : i32 to vector<16xi32>
        %add3A_1055 = arith.addi %gather3A_1051, %broadcast_in_dim3A_1054 : vector<16xi32>
        %gather3A_1056 = tpu.vector_load_idx %arg14[%add3A_1055] : memref<6144xf32, #tpu.memory_space<vmem>>[vector<16xi32>], vector<16xf32>,
        %broadcast_in_dim3A_1057 = arith.constant 4096 : i32
        %broadcast_in_dim3A_1058 = vector.broadcast %broadcast_in_dim3A_1057 : i32 to vector<16xi32>
        %add3A_1059 = arith.addi %gather3A_1051, %broadcast_in_dim3A_1058 : vector<16xi32>
        %gather3A_1060 = tpu.vector_load_idx %arg14[%add3A_1059] : memref<6144xf32, #tpu.memory_space<vmem>>[vector<16xi32>], vector<16xf32>,
        %broadcast_in_dim3A_1061 = arith.constant 6144 : i32
        %broadcast_in_dim3A_1062 = vector.broadcast %broadcast_in_dim3A_1061 : i32 to vector<16xi32>
        %add3A_1063 = arith.addi %gather3A_1051, %broadcast_in_dim3A_1062 : vector<16xi32>
        %gather3A_1064 = tpu.vector_load_idx %arg9[%add3A_1063] : memref<12288xf32, #tpu.memory_space<vmem>>[vector<16xi32>], vector<16xf32>,
        %broadcast_in_dim3A_1065 = arith.constant 8192 : i32
        %broadcast_in_dim3A_1066 = vector.broadcast %broadcast_in_dim3A_1065 : i32 to vector<16xi32>
        %add3A_1067 = arith.addi %gather3A_1051, %broadcast_in_dim3A_1066 : vector<16xi32>
        %gather3A_1068 = tpu.vector_load_idx %arg9[%add3A_1067] : memref<12288xf32, #tpu.memory_space<vmem>>[vector<16xi32>], vector<16xf32>,
        %broadcast_in_dim3A_1069 = arith.constant 10240 : i32
        %broadcast_in_dim3A_1070 = vector.broadcast %broadcast_in_dim3A_1069 : i32 to vector<16xi32>
        %add3A_1071 = arith.addi %gather3A_1051, %broadcast_in_dim3A_1070 : vector<16xi32>
        %gather3A_1072 = tpu.vector_load_idx %arg9[%add3A_1071] : memref<12288xf32, #tpu.memory_space<vmem>>[vector<16xi32>], vector<16xf32>,
        %swap3A_1073 = arith.index_cast %mul3A_1050 : i32 to index
        %swap3A_1074 = tpu.vector_load %arg16[%swap3A_1073] {strides = array<i32>} : memref<3072xf32, #tpu.memory_space<vmem>>, vector<16xf32>,
        tpu.vector_store %arg16[%swap3A_1073], %gather3A_1052 {strides = array<i32>} : memref<3072xf32, #tpu.memory_space<vmem>>, vector<16xf32>,
        %add3A_1075 = arith.constant 512 : i32
        %add3A_1076 = arith.addi %add3A_1075, %mul3A_1050 : i32
        %swap3A_1077 = arith.index_cast %add3A_1076 : i32 to index
        %swap3A_1078 = tpu.vector_load %arg16[%swap3A_1077] {strides = array<i32>} : memref<3072xf32, #tpu.memory_space<vmem>>, vector<16xf32>,
        tpu.vector_store %arg16[%swap3A_1077], %gather3A_1056 {strides = array<i32>} : memref<3072xf32, #tpu.memory_space<vmem>>, vector<16xf32>,
        %add3A_1079 = arith.constant 1024 : i32
        %add3A_1080 = arith.addi %add3A_1079, %mul3A_1050 : i32
        %swap3A_1081 = arith.index_cast %add3A_1080 : i32 to index
        %swap3A_1082 = tpu.vector_load %arg16[%swap3A_1081] {strides = array<i32>} : memref<3072xf32, #tpu.memory_space<vmem>>, vector<16xf32>,
        tpu.vector_store %arg16[%swap3A_1081], %gather3A_1060 {strides = array<i32>} : memref<3072xf32, #tpu.memory_space<vmem>>, vector<16xf32>,
        %add3A_1083 = arith.constant 1536 : i32
        %add3A_1084 = arith.addi %add3A_1083, %mul3A_1050 : i32
        %swap3A_1085 = arith.index_cast %add3A_1084 : i32 to index
        %swap3A_1086 = tpu.vector_load %arg16[%swap3A_1085] {strides = array<i32>} : memref<3072xf32, #tpu.memory_space<vmem>>, vector<16xf32>,
        tpu.vector_store %arg16[%swap3A_1085], %gather3A_1064 {strides = array<i32>} : memref<3072xf32, #tpu.memory_space<vmem>>, vector<16xf32>,
        %add3A_1087 = arith.constant 2048 : i32
        %add3A_1088 = arith.addi %add3A_1087, %mul3A_1050 : i32
        %swap3A_1089 = arith.index_cast %add3A_1088 : i32 to index
        %swap3A_1090 = tpu.vector_load %arg16[%swap3A_1089] {strides = array<i32>} : memref<3072xf32, #tpu.memory_space<vmem>>, vector<16xf32>,
        tpu.vector_store %arg16[%swap3A_1089], %gather3A_1068 {strides = array<i32>} : memref<3072xf32, #tpu.memory_space<vmem>>, vector<16xf32>,
        %add3A_1091 = arith.constant 2560 : i32
        %add3A_1092 = arith.addi %add3A_1091, %mul3A_1050 : i32
        %swap3A_1093 = arith.index_cast %add3A_1092 : i32 to index
        %swap3A_1094 = tpu.vector_load %arg16[%swap3A_1093] {strides = array<i32>} : memref<3072xf32, #tpu.memory_space<vmem>>, vector<16xf32>,
        tpu.vector_store %arg16[%swap3A_1093], %gather3A_1072 {strides = array<i32>} : memref<3072xf32, #tpu.memory_space<vmem>>, vector<16xf32>,
        %swap3A_1095 = arith.index_cast %mul3A_1050 : i32 to index
        %swap3A_1096 = tpu.vector_load %arg18[%swap3A_1095] {strides = array<i32>} : memref<512xi32, #tpu.memory_space<vmem>>, vector<16xi32>,
        tpu.vector_store %arg18[%swap3A_1095], %gather3A_1051 {strides = array<i32>} : memref<512xi32, #tpu.memory_space<vmem>>, vector<16xi32>,
        %gather3A_1097 = tpu.vector_load_idx %arg11[%gather3A_1051] : memref<2048xi32, #tpu.memory_space<vmem>>[vector<16xi32>], vector<16xi32>,
        %swap3A_1098 = arith.index_cast %mul3A_1050 : i32 to index
        %swap3A_1099 = tpu.vector_load %arg20[%swap3A_1098] {strides = array<i32>} : memref<512xi32, #tpu.memory_space<vmem>>, vector<16xi32>,
        tpu.vector_store %arg20[%swap3A_1098], %gather3A_1097 {strides = array<i32>} : memref<512xi32, #tpu.memory_space<vmem>>, vector<16xi32>,
        %add3A_1100 = arith.constant 16 : i32
        %add3A_1101 = vector.broadcast %add3A_1100 : i32 to vector<16xi32>
        %add3A_1102 = arith.addi %select_n3A_1044, %add3A_1101 : vector<16xi32>
        %ge3A_1103 = arith.cmpi sge, %add3A_1102, %max3A_472 : vector<16xi32>
        %sub3A_1104 = arith.subi %add3A_1102, %max3A_472 : vector<16xi32>
        %select_n3A_1105 = arith.select %ge3A_1103, %sub3A_1104, %add3A_1102 : vector<16xi1>, vector<16xi32>
        %ge3A_1106 = arith.cmpi sge, %select_n3A_1105, %max3A_472 : vector<16xi32>
        %sub3A_1107 = arith.subi %select_n3A_1105, %max3A_472 : vector<16xi32>
        %select_n3A_1108 = arith.select %ge3A_1106, %sub3A_1107, %select_n3A_1105 : vector<16xi1>, vector<16xi32>
        %ge3A_1109 = arith.cmpi sge, %select_n3A_1108, %max3A_472 : vector<16xi32>
        %sub3A_1110 = arith.subi %select_n3A_1108, %max3A_472 : vector<16xi32>
        %select_n3A_1111 = arith.select %ge3A_1109, %sub3A_1110, %select_n3A_1108 : vector<16xi1>, vector<16xi32>
        scf.yield %select_n3A_1111 : vector<16xi32>
      }
      %scan3A_493 = arith.constant 8 : i32
      %le3A = arith.constant 5 : i32
      %le3A_494 = arith.cmpi sle, %scan3A_463, %le3A : i32
      %convert_element_type3A_495 = arith.extui %le3A_494 : i1 to i32
      %cond3A_496 = arith.constant 0 : i32
      %cond3A_497 = arith.cmpi ne, %convert_element_type3A_495, %cond3A_496 : i32
      scf.if %cond3A_497 {
        %scan3A_843 = arith.constant 0 : i32
        %scan3A_844 = arith.constant 0 : i32
        %scan3A_845 = arith.constant 32 : i32
        %scan3A_846 = arith.addi %scan3A_844, %scan3A_845 : i32
        %scan3A_847 = arith.constant 1 : i32
        scf.for %scan3A_849 = %scan3A_844 to %scan3A_846 step %scan3A_847  : i32 {
          %mul3A_850 = arith.constant 16 : i32
          %mul3A_851 = arith.muli %scan3A_849, %mul3A_850 : i32
          %add3A_852 = arith.constant 0 : i32
          %add3A_853 = arith.addi %add3A_852, %mul3A_851 : i32
          %swap3A = arith.index_cast %add3A_853 : i32 to index
          %swap3A_854 = tpu.vector_load %arg16[%swap3A] {strides = array<i32>} : memref<3072xf32, #tpu.memory_space<vmem>>, vector<16xf32>,
          tpu.vector_store %arg16[%swap3A], %broadcast_in_dim3A_474 {strides = array<i32>} : memref<3072xf32, #tpu.memory_space<vmem>>, vector<16xf32>,
          %add3A_855 = arith.constant 512 : i32
          %add3A_856 = arith.addi %add3A_855, %mul3A_851 : i32
          %swap3A_857 = arith.index_cast %add3A_856 : i32 to index
          %swap3A_858 = tpu.vector_load %arg16[%swap3A_857] {strides = array<i32>} : memref<3072xf32, #tpu.memory_space<vmem>>, vector<16xf32>,
          tpu.vector_store %arg16[%swap3A_857], %broadcast_in_dim3A_474 {strides = array<i32>} : memref<3072xf32, #tpu.memory_space<vmem>>, vector<16xf32>,
          %add3A_859 = arith.constant 1024 : i32
          %add3A_860 = arith.addi %add3A_859, %mul3A_851 : i32
          %swap3A_861 = arith.index_cast %add3A_860 : i32 to index
          %swap3A_862 = tpu.vector_load %arg16[%swap3A_861] {strides = array<i32>} : memref<3072xf32, #tpu.memory_space<vmem>>, vector<16xf32>,
          tpu.vector_store %arg16[%swap3A_861], %broadcast_in_dim3A_474 {strides = array<i32>} : memref<3072xf32, #tpu.memory_space<vmem>>, vector<16xf32>,
          %add3A_863 = arith.constant 1536 : i32
          %add3A_864 = arith.addi %add3A_863, %mul3A_851 : i32
          %swap3A_865 = arith.index_cast %add3A_864 : i32 to index
          %swap3A_866 = tpu.vector_load %arg16[%swap3A_865] {strides = array<i32>} : memref<3072xf32, #tpu.memory_space<vmem>>, vector<16xf32>,
          tpu.vector_store %arg16[%swap3A_865], %broadcast_in_dim3A_474 {strides = array<i32>} : memref<3072xf32, #tpu.memory_space<vmem>>, vector<16xf32>,
          %add3A_867 = arith.constant 2048 : i32
          %add3A_868 = arith.addi %add3A_867, %mul3A_851 : i32
          %swap3A_869 = arith.index_cast %add3A_868 : i32 to index
          %swap3A_870 = tpu.vector_load %arg16[%swap3A_869] {strides = array<i32>} : memref<3072xf32, #tpu.memory_space<vmem>>, vector<16xf32>,
          tpu.vector_store %arg16[%swap3A_869], %broadcast_in_dim3A_474 {strides = array<i32>} : memref<3072xf32, #tpu.memory_space<vmem>>, vector<16xf32>,
          %add3A_871 = arith.constant 2560 : i32
          %add3A_872 = arith.addi %add3A_871, %mul3A_851 : i32
          %swap3A_873 = arith.index_cast %add3A_872 : i32 to index
          %swap3A_874 = tpu.vector_load %arg16[%swap3A_873] {strides = array<i32>} : memref<3072xf32, #tpu.memory_space<vmem>>, vector<16xf32>,
          tpu.vector_store %arg16[%swap3A_873], %broadcast_in_dim3A_474 {strides = array<i32>} : memref<3072xf32, #tpu.memory_space<vmem>>, vector<16xf32>,
          %swap3A_875 = arith.index_cast %mul3A_851 : i32 to index
          %swap3A_876 = tpu.vector_load %arg18[%swap3A_875] {strides = array<i32>} : memref<512xi32, #tpu.memory_space<vmem>>, vector<16xi32>,
          tpu.vector_store %arg18[%swap3A_875], %broadcast_in_dim3A_476 {strides = array<i32>} : memref<512xi32, #tpu.memory_space<vmem>>, vector<16xi32>,
          %swap3A_877 = arith.index_cast %mul3A_851 : i32 to index
          %swap3A_878 = tpu.vector_load %arg20[%swap3A_877] {strides = array<i32>} : memref<512xi32, #tpu.memory_space<vmem>>, vector<16xi32>,
          tpu.vector_store %arg20[%swap3A_877], %broadcast_in_dim3A_476 {strides = array<i32>} : memref<512xi32, #tpu.memory_space<vmem>>, vector<16xi32>,
        }
        %scan3A_848 = arith.constant 32 : i32
      } else {
      }
      %add3A_498 = arith.constant 0 : i32
      %add3A_499 = arith.addi %add3A_498, %add3A_344 : i32
      %dma_start3A_500 = arith.constant 0 : i32
      %dma_start3A_501 = tpu.memref_slice %arg16[%dma_start3A_500] : memref<3072xf32, #tpu.memory_space<vmem>> -> memref<512xf32, #tpu.memory_space<vmem>>
      %dma_start3A_502 = arith.constant 0 : i32
      %dma_start3A_503 = tpu.memref_slice %arg5[%add3A_499, %dma_start3A_502] : memref<6144x512xf32, #tpu.memory_space<hbm>> -> memref<1x512xf32, #tpu.memory_space<hbm>>
      %dma_start3A_504 = tpu.memref_squeeze %dma_start3A_503 : memref<1x512xf32, #tpu.memory_space<hbm>> -> memref<512xf32, #tpu.memory_space<hbm>>
      %dma_start3A_505 = arith.constant 0 : i32
      %dma_start3A_506 = tpu.memref_slice %arg5[%add3A_499, %dma_start3A_505] : memref<6144x512xf32, #tpu.memory_space<hbm>> -> memref<1x512xf32, #tpu.memory_space<hbm>>
      %dma_start3A_507 = tpu.memref_squeeze %dma_start3A_506 : memref<1x512xf32, #tpu.memory_space<hbm>> -> memref<512xf32, #tpu.memory_space<hbm>>
      %dma_start3A_508 = arith.constant 0 : i32
      %dma_start3A_509 = tpu.memref_slice %arg16[%dma_start3A_508] : memref<3072xf32, #tpu.memory_space<vmem>> -> memref<512xf32, #tpu.memory_space<vmem>>
      tpu.enqueue_dma source(%dma_start3A_509 : memref<512xf32, #tpu.memory_space<vmem>>) target(%dma_start3A_507 : memref<512xf32, #tpu.memory_space<hbm>>) target_semaphore(%arg25 : memref<!tpu.dma_semaphore, #tpu.memory_space<semaphore_mem>>)
      %add3A_510 = arith.constant 1024 : i32
      %add3A_511 = arith.addi %add3A_510, %add3A_344 : i32
      %dma_start3A_512 = arith.constant 512 : i32
      %dma_start3A_513 = tpu.memref_slice %arg16[%dma_start3A_512] : memref<3072xf32, #tpu.memory_space<vmem>> -> memref<512xf32, #tpu.memory_space<vmem>>
      %dma_start3A_514 = arith.constant 0 : i32
      %dma_start3A_515 = tpu.memref_slice %arg5[%add3A_511, %dma_start3A_514] : memref<6144x512xf32, #tpu.memory_space<hbm>> -> memref<1x512xf32, #tpu.memory_space<hbm>>
      %dma_start3A_516 = tpu.memref_squeeze %dma_start3A_515 : memref<1x512xf32, #tpu.memory_space<hbm>> -> memref<512xf32, #tpu.memory_space<hbm>>
      %dma_start3A_517 = arith.constant 0 : i32
      %dma_start3A_518 = tpu.memref_slice %arg5[%add3A_511, %dma_start3A_517] : memref<6144x512xf32, #tpu.memory_space<hbm>> -> memref<1x512xf32, #tpu.memory_space<hbm>>
      %dma_start3A_519 = tpu.memref_squeeze %dma_start3A_518 : memref<1x512xf32, #tpu.memory_space<hbm>> -> memref<512xf32, #tpu.memory_space<hbm>>
      %dma_start3A_520 = arith.constant 512 : i32
      %dma_start3A_521 = tpu.memref_slice %arg16[%dma_start3A_520] : memref<3072xf32, #tpu.memory_space<vmem>> -> memref<512xf32, #tpu.memory_space<vmem>>
      tpu.enqueue_dma source(%dma_start3A_521 : memref<512xf32, #tpu.memory_space<vmem>>) target(%dma_start3A_519 : memref<512xf32, #tpu.memory_space<hbm>>) target_semaphore(%arg25 : memref<!tpu.dma_semaphore, #tpu.memory_space<semaphore_mem>>)
      %add3A_522 = arith.constant 2048 : i32
      %add3A_523 = arith.addi %add3A_522, %add3A_344 : i32
      %dma_start3A_524 = arith.constant 1024 : i32
      %dma_start3A_525 = tpu.memref_slice %arg16[%dma_start3A_524] : memref<3072xf32, #tpu.memory_space<vmem>> -> memref<512xf32, #tpu.memory_space<vmem>>
      %dma_start3A_526 = arith.constant 0 : i32
      %dma_start3A_527 = tpu.memref_slice %arg5[%add3A_523, %dma_start3A_526] : memref<6144x512xf32, #tpu.memory_space<hbm>> -> memref<1x512xf32, #tpu.memory_space<hbm>>
      %dma_start3A_528 = tpu.memref_squeeze %dma_start3A_527 : memref<1x512xf32, #tpu.memory_space<hbm>> -> memref<512xf32, #tpu.memory_space<hbm>>
      %dma_start3A_529 = arith.constant 0 : i32
      %dma_start3A_530 = tpu.memref_slice %arg5[%add3A_523, %dma_start3A_529] : memref<6144x512xf32, #tpu.memory_space<hbm>> -> memref<1x512xf32, #tpu.memory_space<hbm>>
      %dma_start3A_531 = tpu.memref_squeeze %dma_start3A_530 : memref<1x512xf32, #tpu.memory_space<hbm>> -> memref<512xf32, #tpu.memory_space<hbm>>
      %dma_start3A_532 = arith.constant 1024 : i32
      %dma_start3A_533 = tpu.memref_slice %arg16[%dma_start3A_532] : memref<3072xf32, #tpu.memory_space<vmem>> -> memref<512xf32, #tpu.memory_space<vmem>>
      tpu.enqueue_dma source(%dma_start3A_533 : memref<512xf32, #tpu.memory_space<vmem>>) target(%dma_start3A_531 : memref<512xf32, #tpu.memory_space<hbm>>) target_semaphore(%arg25 : memref<!tpu.dma_semaphore, #tpu.memory_space<semaphore_mem>>)
      %add3A_534 = arith.constant 3072 : i32
      %add3A_535 = arith.addi %add3A_534, %add3A_344 : i32
      %dma_start3A_536 = arith.constant 1536 : i32
      %dma_start3A_537 = tpu.memref_slice %arg16[%dma_start3A_536] : memref<3072xf32, #tpu.memory_space<vmem>> -> memref<512xf32, #tpu.memory_space<vmem>>
      %dma_start3A_538 = arith.constant 0 : i32
      %dma_start3A_539 = tpu.memref_slice %arg5[%add3A_535, %dma_start3A_538] : memref<6144x512xf32, #tpu.memory_space<hbm>> -> memref<1x512xf32, #tpu.memory_space<hbm>>
      %dma_start3A_540 = tpu.memref_squeeze %dma_start3A_539 : memref<1x512xf32, #tpu.memory_space<hbm>> -> memref<512xf32, #tpu.memory_space<hbm>>
      %dma_start3A_541 = arith.constant 0 : i32
      %dma_start3A_542 = tpu.memref_slice %arg5[%add3A_535, %dma_start3A_541] : memref<6144x512xf32, #tpu.memory_space<hbm>> -> memref<1x512xf32, #tpu.memory_space<hbm>>
      %dma_start3A_543 = tpu.memref_squeeze %dma_start3A_542 : memref<1x512xf32, #tpu.memory_space<hbm>> -> memref<512xf32, #tpu.memory_space<hbm>>
      %dma_start3A_544 = arith.constant 1536 : i32
      %dma_start3A_545 = tpu.memref_slice %arg16[%dma_start3A_544] : memref<3072xf32, #tpu.memory_space<vmem>> -> memref<512xf32, #tpu.memory_space<vmem>>
      tpu.enqueue_dma source(%dma_start3A_545 : memref<512xf32, #tpu.memory_space<vmem>>) target(%dma_start3A_543 : memref<512xf32, #tpu.memory_space<hbm>>) target_semaphore(%arg25 : memref<!tpu.dma_semaphore, #tpu.memory_space<semaphore_mem>>)
      %add3A_546 = arith.constant 4096 : i32
      %add3A_547 = arith.addi %add3A_546, %add3A_344 : i32
      %dma_start3A_548 = arith.constant 2048 : i32
      %dma_start3A_549 = tpu.memref_slice %arg16[%dma_start3A_548] : memref<3072xf32, #tpu.memory_space<vmem>> -> memref<512xf32, #tpu.memory_space<vmem>>
      %dma_start3A_550 = arith.constant 0 : i32
      %dma_start3A_551 = tpu.memref_slice %arg5[%add3A_547, %dma_start3A_550] : memref<6144x512xf32, #tpu.memory_space<hbm>> -> memref<1x512xf32, #tpu.memory_space<hbm>>
      %dma_start3A_552 = tpu.memref_squeeze %dma_start3A_551 : memref<1x512xf32, #tpu.memory_space<hbm>> -> memref<512xf32, #tpu.memory_space<hbm>>
      %dma_start3A_553 = arith.constant 0 : i32
      %dma_start3A_554 = tpu.memref_slice %arg5[%add3A_547, %dma_start3A_553] : memref<6144x512xf32, #tpu.memory_space<hbm>> -> memref<1x512xf32, #tpu.memory_space<hbm>>
      %dma_start3A_555 = tpu.memref_squeeze %dma_start3A_554 : memref<1x512xf32, #tpu.memory_space<hbm>> -> memref<512xf32, #tpu.memory_space<hbm>>
      %dma_start3A_556 = arith.constant 2048 : i32
      %dma_start3A_557 = tpu.memref_slice %arg16[%dma_start3A_556] : memref<3072xf32, #tpu.memory_space<vmem>> -> memref<512xf32, #tpu.memory_space<vmem>>
      tpu.enqueue_dma source(%dma_start3A_557 : memref<512xf32, #tpu.memory_space<vmem>>) target(%dma_start3A_555 : memref<512xf32, #tpu.memory_space<hbm>>) target_semaphore(%arg25 : memref<!tpu.dma_semaphore, #tpu.memory_space<semaphore_mem>>)
      %add3A_558 = arith.constant 5120 : i32
      %add3A_559 = arith.addi %add3A_558, %add3A_344 : i32
      %dma_start3A_560 = arith.constant 2560 : i32
      %dma_start3A_561 = tpu.memref_slice %arg16[%dma_start3A_560] : memref<3072xf32, #tpu.memory_space<vmem>> -> memref<512xf32, #tpu.memory_space<vmem>>
      %dma_start3A_562 = arith.constant 0 : i32
      %dma_start3A_563 = tpu.memref_slice %arg5[%add3A_559, %dma_start3A_562] : memref<6144x512xf32, #tpu.memory_space<hbm>> -> memref<1x512xf32, #tpu.memory_space<hbm>>
      %dma_start3A_564 = tpu.memref_squeeze %dma_start3A_563 : memref<1x512xf32, #tpu.memory_space<hbm>> -> memref<512xf32, #tpu.memory_space<hbm>>
      %dma_start3A_565 = arith.constant 0 : i32
      %dma_start3A_566 = tpu.memref_slice %arg5[%add3A_559, %dma_start3A_565] : memref<6144x512xf32, #tpu.memory_space<hbm>> -> memref<1x512xf32, #tpu.memory_space<hbm>>
      %dma_start3A_567 = tpu.memref_squeeze %dma_start3A_566 : memref<1x512xf32, #tpu.memory_space<hbm>> -> memref<512xf32, #tpu.memory_space<hbm>>
      %dma_start3A_568 = arith.constant 2560 : i32
      %dma_start3A_569 = tpu.memref_slice %arg16[%dma_start3A_568] : memref<3072xf32, #tpu.memory_space<vmem>> -> memref<512xf32, #tpu.memory_space<vmem>>
      tpu.enqueue_dma source(%dma_start3A_569 : memref<512xf32, #tpu.memory_space<vmem>>) target(%dma_start3A_567 : memref<512xf32, #tpu.memory_space<hbm>>) target_semaphore(%arg25 : memref<!tpu.dma_semaphore, #tpu.memory_space<semaphore_mem>>)
      %dma_start3A_570 = arith.constant 0 : i32
      %dma_start3A_571 = tpu.memref_slice %arg6[%add3A_344, %dma_start3A_570] : memref<1024x512xi32, #tpu.memory_space<hbm>> -> memref<1x512xi32, #tpu.memory_space<hbm>>
      %dma_start3A_572 = tpu.memref_squeeze %dma_start3A_571 : memref<1x512xi32, #tpu.memory_space<hbm>> -> memref<512xi32, #tpu.memory_space<hbm>>
      %dma_start3A_573 = arith.constant 0 : i32
      %dma_start3A_574 = tpu.memref_slice %arg6[%add3A_344, %dma_start3A_573] : memref<1024x512xi32, #tpu.memory_space<hbm>> -> memref<1x512xi32, #tpu.memory_space<hbm>>
      %dma_start3A_575 = tpu.memref_squeeze %dma_start3A_574 : memref<1x512xi32, #tpu.memory_space<hbm>> -> memref<512xi32, #tpu.memory_space<hbm>>
      tpu.enqueue_dma source(%arg18 : memref<512xi32, #tpu.memory_space<vmem>>) target(%dma_start3A_575 : memref<512xi32, #tpu.memory_space<hbm>>) target_semaphore(%arg25 : memref<!tpu.dma_semaphore, #tpu.memory_space<semaphore_mem>>)
      %dma_start3A_576 = arith.constant 0 : i32
      %dma_start3A_577 = tpu.memref_slice %arg7[%add3A_344, %dma_start3A_576] : memref<1024x512xi32, #tpu.memory_space<hbm>> -> memref<1x512xi32, #tpu.memory_space<hbm>>
      %dma_start3A_578 = tpu.memref_squeeze %dma_start3A_577 : memref<1x512xi32, #tpu.memory_space<hbm>> -> memref<512xi32, #tpu.memory_space<hbm>>
      %dma_start3A_579 = arith.constant 0 : i32
      %dma_start3A_580 = tpu.memref_slice %arg7[%add3A_344, %dma_start3A_579] : memref<1024x512xi32, #tpu.memory_space<hbm>> -> memref<1x512xi32, #tpu.memory_space<hbm>>
      %dma_start3A_581 = tpu.memref_squeeze %dma_start3A_580 : memref<1x512xi32, #tpu.memory_space<hbm>> -> memref<512xi32, #tpu.memory_space<hbm>>
      tpu.enqueue_dma source(%arg20 : memref<512xi32, #tpu.memory_space<vmem>>) target(%dma_start3A_581 : memref<512xi32, #tpu.memory_space<hbm>>) target_semaphore(%arg25 : memref<!tpu.dma_semaphore, #tpu.memory_space<semaphore_mem>>)
      %lt3A = arith.constant 15 : i32
      %lt3A_582 = arith.cmpi slt, %scan3A_341, %lt3A : i32
      %convert_element_type3A_583 = arith.extui %lt3A_582 : i1 to i32
      %cond3A_584 = arith.constant 0 : i32
      %cond3A_585 = arith.cmpi ne, %convert_element_type3A_583, %cond3A_584 : i32
      scf.if %cond3A_585 {
        %add3A_843 = arith.constant 2 : i32
        %add3A_844 = arith.addi %add3A_344, %add3A_843 : i32
        %add3A_845 = arith.constant 0 : i32
        %add3A_846 = arith.addi %add3A_845, %add3A_844 : i32
        %dma_start3A_847 = arith.constant 0 : i32
        %dma_start3A_848 = tpu.memref_slice %arg9[%dma_start3A_847] : memref<12288xf32, #tpu.memory_space<vmem>> -> memref<2048xf32, #tpu.memory_space<vmem>>
        %dma_start3A_849 = arith.constant 0 : i32
        %dma_start3A_850 = tpu.memref_slice %arg2[%add3A_846, %dma_start3A_849] : memref<6144x2048xf32, #tpu.memory_space<hbm>> -> memref<1x2048xf32, #tpu.memory_space<hbm>>
        %dma_start3A_851 = tpu.memref_squeeze %dma_start3A_850 : memref<1x2048xf32, #tpu.memory_space<hbm>> -> memref<2048xf32, #tpu.memory_space<hbm>>
        %dma_start3A_852 = arith.constant 0 : i32
        %dma_start3A_853 = tpu.memref_slice %arg9[%dma_start3A_852] : memref<12288xf32, #tpu.memory_space<vmem>> -> memref<2048xf32, #tpu.memory_space<vmem>>
        %dma_start3A_854 = arith.constant 0 : i32
        %dma_start3A_855 = tpu.memref_slice %arg2[%add3A_846, %dma_start3A_854] : memref<6144x2048xf32, #tpu.memory_space<hbm>> -> memref<1x2048xf32, #tpu.memory_space<hbm>>
        %dma_start3A_856 = tpu.memref_squeeze %dma_start3A_855 : memref<1x2048xf32, #tpu.memory_space<hbm>> -> memref<2048xf32, #tpu.memory_space<hbm>>
        tpu.enqueue_dma source(%dma_start3A_856 : memref<2048xf32, #tpu.memory_space<hbm>>) target(%dma_start3A_853 : memref<2048xf32, #tpu.memory_space<vmem>>) target_semaphore(%arg23 : memref<!tpu.dma_semaphore, #tpu.memory_space<semaphore_mem>>)
        %add3A_857 = arith.constant 1024 : i32
        %add3A_858 = arith.addi %add3A_857, %add3A_844 : i32
        %dma_start3A_859 = arith.constant 2048 : i32
        %dma_start3A_860 = tpu.memref_slice %arg9[%dma_start3A_859] : memref<12288xf32, #tpu.memory_space<vmem>> -> memref<2048xf32, #tpu.memory_space<vmem>>
        %dma_start3A_861 = arith.constant 0 : i32
        %dma_start3A_862 = tpu.memref_slice %arg2[%add3A_858, %dma_start3A_861] : memref<6144x2048xf32, #tpu.memory_space<hbm>> -> memref<1x2048xf32, #tpu.memory_space<hbm>>
        %dma_start3A_863 = tpu.memref_squeeze %dma_start3A_862 : memref<1x2048xf32, #tpu.memory_space<hbm>> -> memref<2048xf32, #tpu.memory_space<hbm>>
        %dma_start3A_864 = arith.constant 2048 : i32
        %dma_start3A_865 = tpu.memref_slice %arg9[%dma_start3A_864] : memref<12288xf32, #tpu.memory_space<vmem>> -> memref<2048xf32, #tpu.memory_space<vmem>>
        %dma_start3A_866 = arith.constant 0 : i32
        %dma_start3A_867 = tpu.memref_slice %arg2[%add3A_858, %dma_start3A_866] : memref<6144x2048xf32, #tpu.memory_space<hbm>> -> memref<1x2048xf32, #tpu.memory_space<hbm>>
        %dma_start3A_868 = tpu.memref_squeeze %dma_start3A_867 : memref<1x2048xf32, #tpu.memory_space<hbm>> -> memref<2048xf32, #tpu.memory_space<hbm>>
        tpu.enqueue_dma source(%dma_start3A_868 : memref<2048xf32, #tpu.memory_space<hbm>>) target(%dma_start3A_865 : memref<2048xf32, #tpu.memory_space<vmem>>) target_semaphore(%arg23 : memref<!tpu.dma_semaphore, #tpu.memory_space<semaphore_mem>>)
        %add3A_869 = arith.constant 2048 : i32
        %add3A_870 = arith.addi %add3A_869, %add3A_844 : i32
        %dma_start3A_871 = arith.constant 4096 : i32
        %dma_start3A_872 = tpu.memref_slice %arg9[%dma_start3A_871] : memref<12288xf32, #tpu.memory_space<vmem>> -> memref<2048xf32, #tpu.memory_space<vmem>>
        %dma_start3A_873 = arith.constant 0 : i32
        %dma_start3A_874 = tpu.memref_slice %arg2[%add3A_870, %dma_start3A_873] : memref<6144x2048xf32, #tpu.memory_space<hbm>> -> memref<1x2048xf32, #tpu.memory_space<hbm>>
        %dma_start3A_875 = tpu.memref_squeeze %dma_start3A_874 : memref<1x2048xf32, #tpu.memory_space<hbm>> -> memref<2048xf32, #tpu.memory_space<hbm>>
        %dma_start3A_876 = arith.constant 4096 : i32
        %dma_start3A_877 = tpu.memref_slice %arg9[%dma_start3A_876] : memref<12288xf32, #tpu.memory_space<vmem>> -> memref<2048xf32, #tpu.memory_space<vmem>>
        %dma_start3A_878 = arith.constant 0 : i32
        %dma_start3A_879 = tpu.memref_slice %arg2[%add3A_870, %dma_start3A_878] : memref<6144x2048xf32, #tpu.memory_space<hbm>> -> memref<1x2048xf32, #tpu.memory_space<hbm>>
        %dma_start3A_880 = tpu.memref_squeeze %dma_start3A_879 : memref<1x2048xf32, #tpu.memory_space<hbm>> -> memref<2048xf32, #tpu.memory_space<hbm>>
        tpu.enqueue_dma source(%dma_start3A_880 : memref<2048xf32, #tpu.memory_space<hbm>>) target(%dma_start3A_877 : memref<2048xf32, #tpu.memory_space<vmem>>) target_semaphore(%arg23 : memref<!tpu.dma_semaphore, #tpu.memory_space<semaphore_mem>>)
        %add3A_881 = arith.constant 3072 : i32
        %add3A_882 = arith.addi %add3A_881, %add3A_844 : i32
        %dma_start3A_883 = arith.constant 6144 : i32
        %dma_start3A_884 = tpu.memref_slice %arg9[%dma_start3A_883] : memref<12288xf32, #tpu.memory_space<vmem>> -> memref<2048xf32, #tpu.memory_space<vmem>>
        %dma_start3A_885 = arith.constant 0 : i32
        %dma_start3A_886 = tpu.memref_slice %arg2[%add3A_882, %dma_start3A_885] : memref<6144x2048xf32, #tpu.memory_space<hbm>> -> memref<1x2048xf32, #tpu.memory_space<hbm>>
        %dma_start3A_887 = tpu.memref_squeeze %dma_start3A_886 : memref<1x2048xf32, #tpu.memory_space<hbm>> -> memref<2048xf32, #tpu.memory_space<hbm>>
        %dma_start3A_888 = arith.constant 6144 : i32
        %dma_start3A_889 = tpu.memref_slice %arg9[%dma_start3A_888] : memref<12288xf32, #tpu.memory_space<vmem>> -> memref<2048xf32, #tpu.memory_space<vmem>>
        %dma_start3A_890 = arith.constant 0 : i32
        %dma_start3A_891 = tpu.memref_slice %arg2[%add3A_882, %dma_start3A_890] : memref<6144x2048xf32, #tpu.memory_space<hbm>> -> memref<1x2048xf32, #tpu.memory_space<hbm>>
        %dma_start3A_892 = tpu.memref_squeeze %dma_start3A_891 : memref<1x2048xf32, #tpu.memory_space<hbm>> -> memref<2048xf32, #tpu.memory_space<hbm>>
        tpu.enqueue_dma source(%dma_start3A_892 : memref<2048xf32, #tpu.memory_space<hbm>>) target(%dma_start3A_889 : memref<2048xf32, #tpu.memory_space<vmem>>) target_semaphore(%arg23 : memref<!tpu.dma_semaphore, #tpu.memory_space<semaphore_mem>>)
        %add3A_893 = arith.constant 4096 : i32
        %add3A_894 = arith.addi %add3A_893, %add3A_844 : i32
        %dma_start3A_895 = arith.constant 8192 : i32
        %dma_start3A_896 = tpu.memref_slice %arg9[%dma_start3A_895] : memref<12288xf32, #tpu.memory_space<vmem>> -> memref<2048xf32, #tpu.memory_space<vmem>>
        %dma_start3A_897 = arith.constant 0 : i32
        %dma_start3A_898 = tpu.memref_slice %arg2[%add3A_894, %dma_start3A_897] : memref<6144x2048xf32, #tpu.memory_space<hbm>> -> memref<1x2048xf32, #tpu.memory_space<hbm>>
        %dma_start3A_899 = tpu.memref_squeeze %dma_start3A_898 : memref<1x2048xf32, #tpu.memory_space<hbm>> -> memref<2048xf32, #tpu.memory_space<hbm>>
        %dma_start3A_900 = arith.constant 8192 : i32
        %dma_start3A_901 = tpu.memref_slice %arg9[%dma_start3A_900] : memref<12288xf32, #tpu.memory_space<vmem>> -> memref<2048xf32, #tpu.memory_space<vmem>>
        %dma_start3A_902 = arith.constant 0 : i32
        %dma_start3A_903 = tpu.memref_slice %arg2[%add3A_894, %dma_start3A_902] : memref<6144x2048xf32, #tpu.memory_space<hbm>> -> memref<1x2048xf32, #tpu.memory_space<hbm>>
        %dma_start3A_904 = tpu.memref_squeeze %dma_start3A_903 : memref<1x2048xf32, #tpu.memory_space<hbm>> -> memref<2048xf32, #tpu.memory_space<hbm>>
        tpu.enqueue_dma source(%dma_start3A_904 : memref<2048xf32, #tpu.memory_space<hbm>>) target(%dma_start3A_901 : memref<2048xf32, #tpu.memory_space<vmem>>) target_semaphore(%arg23 : memref<!tpu.dma_semaphore, #tpu.memory_space<semaphore_mem>>)
        %add3A_905 = arith.constant 5120 : i32
        %add3A_906 = arith.addi %add3A_905, %add3A_844 : i32
        %dma_start3A_907 = arith.constant 10240 : i32
        %dma_start3A_908 = tpu.memref_slice %arg9[%dma_start3A_907] : memref<12288xf32, #tpu.memory_space<vmem>> -> memref<2048xf32, #tpu.memory_space<vmem>>
        %dma_start3A_909 = arith.constant 0 : i32
        %dma_start3A_910 = tpu.memref_slice %arg2[%add3A_906, %dma_start3A_909] : memref<6144x2048xf32, #tpu.memory_space<hbm>> -> memref<1x2048xf32, #tpu.memory_space<hbm>>
        %dma_start3A_911 = tpu.memref_squeeze %dma_start3A_910 : memref<1x2048xf32, #tpu.memory_space<hbm>> -> memref<2048xf32, #tpu.memory_space<hbm>>
        %dma_start3A_912 = arith.constant 10240 : i32
        %dma_start3A_913 = tpu.memref_slice %arg9[%dma_start3A_912] : memref<12288xf32, #tpu.memory_space<vmem>> -> memref<2048xf32, #tpu.memory_space<vmem>>
        %dma_start3A_914 = arith.constant 0 : i32
        %dma_start3A_915 = tpu.memref_slice %arg2[%add3A_906, %dma_start3A_914] : memref<6144x2048xf32, #tpu.memory_space<hbm>> -> memref<1x2048xf32, #tpu.memory_space<hbm>>
        %dma_start3A_916 = tpu.memref_squeeze %dma_start3A_915 : memref<1x2048xf32, #tpu.memory_space<hbm>> -> memref<2048xf32, #tpu.memory_space<hbm>>
        tpu.enqueue_dma source(%dma_start3A_916 : memref<2048xf32, #tpu.memory_space<hbm>>) target(%dma_start3A_913 : memref<2048xf32, #tpu.memory_space<vmem>>) target_semaphore(%arg23 : memref<!tpu.dma_semaphore, #tpu.memory_space<semaphore_mem>>)
        %dma_start3A_917 = arith.constant 0 : i32
        %dma_start3A_918 = tpu.memref_slice %arg3[%add3A_844, %dma_start3A_917] : memref<1024x2048xi32, #tpu.memory_space<hbm>> -> memref<1x2048xi32, #tpu.memory_space<hbm>>
        %dma_start3A_919 = tpu.memref_squeeze %dma_start3A_918 : memref<1x2048xi32, #tpu.memory_space<hbm>> -> memref<2048xi32, #tpu.memory_space<hbm>>
        %dma_start3A_920 = arith.constant 0 : i32
        %dma_start3A_921 = tpu.memref_slice %arg3[%add3A_844, %dma_start3A_920] : memref<1024x2048xi32, #tpu.memory_space<hbm>> -> memref<1x2048xi32, #tpu.memory_space<hbm>>
        %dma_start3A_922 = tpu.memref_squeeze %dma_start3A_921 : memref<1x2048xi32, #tpu.memory_space<hbm>> -> memref<2048xi32, #tpu.memory_space<hbm>>
        tpu.enqueue_dma source(%dma_start3A_922 : memref<2048xi32, #tpu.memory_space<hbm>>) target(%arg11 : memref<2048xi32, #tpu.memory_space<vmem>>) target_semaphore(%arg23 : memref<!tpu.dma_semaphore, #tpu.memory_space<semaphore_mem>>)
      } else {
      }
      %mul3A_586 = arith.constant 2 : i32
      %mul3A_587 = arith.muli %mul3A_586, %scan3A_341 : i32
      %add3A_588 = arith.constant 1 : i32
      %add3A_589 = arith.addi %mul3A_587, %add3A_588 : i32
      %add3A_590 = arith.addi %mul3A_2, %add3A_589 : i32
      %add3A_591 = arith.constant 0 : i32
      %add3A_592 = arith.addi %add3A_591, %add3A_590 : i32
      %dma_wait3A_593 = arith.constant 0 : i32
      %dma_wait3A_594 = tpu.memref_slice %arg10[%dma_wait3A_593] : memref<12288xf32, #tpu.memory_space<vmem>> -> memref<2048xf32, #tpu.memory_space<vmem>>
      %dma_wait3A_595 = arith.constant 0 : i32
      %dma_wait3A_596 = tpu.memref_slice %arg2[%add3A_592, %dma_wait3A_595] : memref<6144x2048xf32, #tpu.memory_space<hbm>> -> memref<1x2048xf32, #tpu.memory_space<hbm>>
      %dma_wait3A_597 = tpu.memref_squeeze %dma_wait3A_596 : memref<1x2048xf32, #tpu.memory_space<hbm>> -> memref<2048xf32, #tpu.memory_space<hbm>>
      %dma_wait3A_598 = arith.constant 0 : i32
      %dma_wait3A_599 = tpu.memref_slice %arg10[%dma_wait3A_598] : memref<12288xf32, #tpu.memory_space<vmem>> -> memref<2048xf32, #tpu.memory_space<vmem>>
      %dma_wait3A_600 = arith.constant 0 : i32
      %dma_wait3A_601 = tpu.memref_slice %arg2[%add3A_592, %dma_wait3A_600] : memref<6144x2048xf32, #tpu.memory_space<hbm>> -> memref<1x2048xf32, #tpu.memory_space<hbm>>
      %dma_wait3A_602 = tpu.memref_squeeze %dma_wait3A_601 : memref<1x2048xf32, #tpu.memory_space<hbm>> -> memref<2048xf32, #tpu.memory_space<hbm>>
      tpu.wait_dma2 semaphore(%arg24 : memref<!tpu.dma_semaphore, #tpu.memory_space<semaphore_mem>>) src(%dma_wait3A_602 : memref<2048xf32, #tpu.memory_space<hbm>>) dst(%dma_wait3A_599 : memref<2048xf32, #tpu.memory_space<vmem>>)
      %add3A_603 = arith.constant 1024 : i32
      %add3A_604 = arith.addi %add3A_603, %add3A_590 : i32
      %dma_wait3A_605 = arith.constant 2048 : i32
      %dma_wait3A_606 = tpu.memref_slice %arg10[%dma_wait3A_605] : memref<12288xf32, #tpu.memory_space<vmem>> -> memref<2048xf32, #tpu.memory_space<vmem>>
      %dma_wait3A_607 = arith.constant 0 : i32
      %dma_wait3A_608 = tpu.memref_slice %arg2[%add3A_604, %dma_wait3A_607] : memref<6144x2048xf32, #tpu.memory_space<hbm>> -> memref<1x2048xf32, #tpu.memory_space<hbm>>
      %dma_wait3A_609 = tpu.memref_squeeze %dma_wait3A_608 : memref<1x2048xf32, #tpu.memory_space<hbm>> -> memref<2048xf32, #tpu.memory_space<hbm>>
      %dma_wait3A_610 = arith.constant 2048 : i32
      %dma_wait3A_611 = tpu.memref_slice %arg10[%dma_wait3A_610] : memref<12288xf32, #tpu.memory_space<vmem>> -> memref<2048xf32, #tpu.memory_space<vmem>>
      %dma_wait3A_612 = arith.constant 0 : i32
      %dma_wait3A_613 = tpu.memref_slice %arg2[%add3A_604, %dma_wait3A_612] : memref<6144x2048xf32, #tpu.memory_space<hbm>> -> memref<1x2048xf32, #tpu.memory_space<hbm>>
      %dma_wait3A_614 = tpu.memref_squeeze %dma_wait3A_613 : memref<1x2048xf32, #tpu.memory_space<hbm>> -> memref<2048xf32, #tpu.memory_space<hbm>>
      tpu.wait_dma2 semaphore(%arg24 : memref<!tpu.dma_semaphore, #tpu.memory_space<semaphore_mem>>) src(%dma_wait3A_614 : memref<2048xf32, #tpu.memory_space<hbm>>) dst(%dma_wait3A_611 : memref<2048xf32, #tpu.memory_space<vmem>>)
      %add3A_615 = arith.constant 2048 : i32
      %add3A_616 = arith.addi %add3A_615, %add3A_590 : i32
      %dma_wait3A_617 = arith.constant 4096 : i32
      %dma_wait3A_618 = tpu.memref_slice %arg10[%dma_wait3A_617] : memref<12288xf32, #tpu.memory_space<vmem>> -> memref<2048xf32, #tpu.memory_space<vmem>>
      %dma_wait3A_619 = arith.constant 0 : i32
      %dma_wait3A_620 = tpu.memref_slice %arg2[%add3A_616, %dma_wait3A_619] : memref<6144x2048xf32, #tpu.memory_space<hbm>> -> memref<1x2048xf32, #tpu.memory_space<hbm>>
      %dma_wait3A_621 = tpu.memref_squeeze %dma_wait3A_620 : memref<1x2048xf32, #tpu.memory_space<hbm>> -> memref<2048xf32, #tpu.memory_space<hbm>>
      %dma_wait3A_622 = arith.constant 4096 : i32
      %dma_wait3A_623 = tpu.memref_slice %arg10[%dma_wait3A_622] : memref<12288xf32, #tpu.memory_space<vmem>> -> memref<2048xf32, #tpu.memory_space<vmem>>
      %dma_wait3A_624 = arith.constant 0 : i32
      %dma_wait3A_625 = tpu.memref_slice %arg2[%add3A_616, %dma_wait3A_624] : memref<6144x2048xf32, #tpu.memory_space<hbm>> -> memref<1x2048xf32, #tpu.memory_space<hbm>>
      %dma_wait3A_626 = tpu.memref_squeeze %dma_wait3A_625 : memref<1x2048xf32, #tpu.memory_space<hbm>> -> memref<2048xf32, #tpu.memory_space<hbm>>
      tpu.wait_dma2 semaphore(%arg24 : memref<!tpu.dma_semaphore, #tpu.memory_space<semaphore_mem>>) src(%dma_wait3A_626 : memref<2048xf32, #tpu.memory_space<hbm>>) dst(%dma_wait3A_623 : memref<2048xf32, #tpu.memory_space<vmem>>)
      %add3A_627 = arith.constant 3072 : i32
      %add3A_628 = arith.addi %add3A_627, %add3A_590 : i32
      %dma_wait3A_629 = arith.constant 6144 : i32
      %dma_wait3A_630 = tpu.memref_slice %arg10[%dma_wait3A_629] : memref<12288xf32, #tpu.memory_space<vmem>> -> memref<2048xf32, #tpu.memory_space<vmem>>
      %dma_wait3A_631 = arith.constant 0 : i32
      %dma_wait3A_632 = tpu.memref_slice %arg2[%add3A_628, %dma_wait3A_631] : memref<6144x2048xf32, #tpu.memory_space<hbm>> -> memref<1x2048xf32, #tpu.memory_space<hbm>>
      %dma_wait3A_633 = tpu.memref_squeeze %dma_wait3A_632 : memref<1x2048xf32, #tpu.memory_space<hbm>> -> memref<2048xf32, #tpu.memory_space<hbm>>
      %dma_wait3A_634 = arith.constant 6144 : i32
      %dma_wait3A_635 = tpu.memref_slice %arg10[%dma_wait3A_634] : memref<12288xf32, #tpu.memory_space<vmem>> -> memref<2048xf32, #tpu.memory_space<vmem>>
      %dma_wait3A_636 = arith.constant 0 : i32
      %dma_wait3A_637 = tpu.memref_slice %arg2[%add3A_628, %dma_wait3A_636] : memref<6144x2048xf32, #tpu.memory_space<hbm>> -> memref<1x2048xf32, #tpu.memory_space<hbm>>
      %dma_wait3A_638 = tpu.memref_squeeze %dma_wait3A_637 : memref<1x2048xf32, #tpu.memory_space<hbm>> -> memref<2048xf32, #tpu.memory_space<hbm>>
      tpu.wait_dma2 semaphore(%arg24 : memref<!tpu.dma_semaphore, #tpu.memory_space<semaphore_mem>>) src(%dma_wait3A_638 : memref<2048xf32, #tpu.memory_space<hbm>>) dst(%dma_wait3A_635 : memref<2048xf32, #tpu.memory_space<vmem>>)
      %add3A_639 = arith.constant 4096 : i32
      %add3A_640 = arith.addi %add3A_639, %add3A_590 : i32
      %dma_wait3A_641 = arith.constant 8192 : i32
      %dma_wait3A_642 = tpu.memref_slice %arg10[%dma_wait3A_641] : memref<12288xf32, #tpu.memory_space<vmem>> -> memref<2048xf32, #tpu.memory_space<vmem>>
      %dma_wait3A_643 = arith.constant 0 : i32
      %dma_wait3A_644 = tpu.memref_slice %arg2[%add3A_640, %dma_wait3A_643] : memref<6144x2048xf32, #tpu.memory_space<hbm>> -> memref<1x2048xf32, #tpu.memory_space<hbm>>
      %dma_wait3A_645 = tpu.memref_squeeze %dma_wait3A_644 : memref<1x2048xf32, #tpu.memory_space<hbm>> -> memref<2048xf32, #tpu.memory_space<hbm>>
      %dma_wait3A_646 = arith.constant 8192 : i32
      %dma_wait3A_647 = tpu.memref_slice %arg10[%dma_wait3A_646] : memref<12288xf32, #tpu.memory_space<vmem>> -> memref<2048xf32, #tpu.memory_space<vmem>>
      %dma_wait3A_648 = arith.constant 0 : i32
      %dma_wait3A_649 = tpu.memref_slice %arg2[%add3A_640, %dma_wait3A_648] : memref<6144x2048xf32, #tpu.memory_space<hbm>> -> memref<1x2048xf32, #tpu.memory_space<hbm>>
      %dma_wait3A_650 = tpu.memref_squeeze %dma_wait3A_649 : memref<1x2048xf32, #tpu.memory_space<hbm>> -> memref<2048xf32, #tpu.memory_space<hbm>>
      tpu.wait_dma2 semaphore(%arg24 : memref<!tpu.dma_semaphore, #tpu.memory_space<semaphore_mem>>) src(%dma_wait3A_650 : memref<2048xf32, #tpu.memory_space<hbm>>) dst(%dma_wait3A_647 : memref<2048xf32, #tpu.memory_space<vmem>>)
      %add3A_651 = arith.constant 5120 : i32
      %add3A_652 = arith.addi %add3A_651, %add3A_590 : i32
      %dma_wait3A_653 = arith.constant 10240 : i32
      %dma_wait3A_654 = tpu.memref_slice %arg10[%dma_wait3A_653] : memref<12288xf32, #tpu.memory_space<vmem>> -> memref<2048xf32, #tpu.memory_space<vmem>>
      %dma_wait3A_655 = arith.constant 0 : i32
      %dma_wait3A_656 = tpu.memref_slice %arg2[%add3A_652, %dma_wait3A_655] : memref<6144x2048xf32, #tpu.memory_space<hbm>> -> memref<1x2048xf32, #tpu.memory_space<hbm>>
      %dma_wait3A_657 = tpu.memref_squeeze %dma_wait3A_656 : memref<1x2048xf32, #tpu.memory_space<hbm>> -> memref<2048xf32, #tpu.memory_space<hbm>>
      %dma_wait3A_658 = arith.constant 10240 : i32
      %dma_wait3A_659 = tpu.memref_slice %arg10[%dma_wait3A_658] : memref<12288xf32, #tpu.memory_space<vmem>> -> memref<2048xf32, #tpu.memory_space<vmem>>
      %dma_wait3A_660 = arith.constant 0 : i32
      %dma_wait3A_661 = tpu.memref_slice %arg2[%add3A_652, %dma_wait3A_660] : memref<6144x2048xf32, #tpu.memory_space<hbm>> -> memref<1x2048xf32, #tpu.memory_space<hbm>>
      %dma_wait3A_662 = tpu.memref_squeeze %dma_wait3A_661 : memref<1x2048xf32, #tpu.memory_space<hbm>> -> memref<2048xf32, #tpu.memory_space<hbm>>
      tpu.wait_dma2 semaphore(%arg24 : memref<!tpu.dma_semaphore, #tpu.memory_space<semaphore_mem>>) src(%dma_wait3A_662 : memref<2048xf32, #tpu.memory_space<hbm>>) dst(%dma_wait3A_659 : memref<2048xf32, #tpu.memory_space<vmem>>)
      %dma_wait3A_663 = arith.constant 0 : i32
      %dma_wait3A_664 = tpu.memref_slice %arg3[%add3A_590, %dma_wait3A_663] : memref<1024x2048xi32, #tpu.memory_space<hbm>> -> memref<1x2048xi32, #tpu.memory_space<hbm>>
      %dma_wait3A_665 = tpu.memref_squeeze %dma_wait3A_664 : memref<1x2048xi32, #tpu.memory_space<hbm>> -> memref<2048xi32, #tpu.memory_space<hbm>>
      %dma_wait3A_666 = arith.constant 0 : i32
      %dma_wait3A_667 = tpu.memref_slice %arg3[%add3A_590, %dma_wait3A_666] : memref<1024x2048xi32, #tpu.memory_space<hbm>> -> memref<1x2048xi32, #tpu.memory_space<hbm>>
      %dma_wait3A_668 = tpu.memref_squeeze %dma_wait3A_667 : memref<1x2048xi32, #tpu.memory_space<hbm>> -> memref<2048xi32, #tpu.memory_space<hbm>>
      tpu.wait_dma2 semaphore(%arg24 : memref<!tpu.dma_semaphore, #tpu.memory_space<semaphore_mem>>) src(%dma_wait3A_668 : memref<2048xi32, #tpu.memory_space<hbm>>) dst(%arg12 : memref<2048xi32, #tpu.memory_space<vmem>>)
      %broadcast_in_dim3A_669 = vector.broadcast %add3A_589 : i32 to vector<16xi32>
      %broadcast_in_dim3A_670 = arith.constant 0 : i32
      %broadcast_in_dim3A_671 = vector.broadcast %broadcast_in_dim3A_670 : i32 to vector<16xi32>
      %gather3A_672 = tpu.vector_load_idx %arg13[%broadcast_in_dim3A_669, %broadcast_in_dim3A_671] : memref<32x12xf32, #tpu.memory_space<vmem>>[vector<16xi32>, vector<16xi32>], vector<16xf32>,
      %broadcast_in_dim3A_673 = arith.constant 1 : i32
      %broadcast_in_dim3A_674 = vector.broadcast %broadcast_in_dim3A_673 : i32 to vector<16xi32>
      %gather3A_675 = tpu.vector_load_idx %arg13[%broadcast_in_dim3A_669, %broadcast_in_dim3A_674] : memref<32x12xf32, #tpu.memory_space<vmem>>[vector<16xi32>, vector<16xi32>], vector<16xf32>,
      %broadcast_in_dim3A_676 = arith.constant 2 : i32
      %broadcast_in_dim3A_677 = vector.broadcast %broadcast_in_dim3A_676 : i32 to vector<16xi32>
      %gather3A_678 = tpu.vector_load_idx %arg13[%broadcast_in_dim3A_669, %broadcast_in_dim3A_677] : memref<32x12xf32, #tpu.memory_space<vmem>>[vector<16xi32>, vector<16xi32>], vector<16xf32>,
      %broadcast_in_dim3A_679 = arith.constant 3 : i32
      %broadcast_in_dim3A_680 = vector.broadcast %broadcast_in_dim3A_679 : i32 to vector<16xi32>
      %gather3A_681 = tpu.vector_load_idx %arg13[%broadcast_in_dim3A_669, %broadcast_in_dim3A_680] : memref<32x12xf32, #tpu.memory_space<vmem>>[vector<16xi32>, vector<16xi32>], vector<16xf32>,
      %broadcast_in_dim3A_682 = arith.constant 4 : i32
      %broadcast_in_dim3A_683 = vector.broadcast %broadcast_in_dim3A_682 : i32 to vector<16xi32>
      %gather3A_684 = tpu.vector_load_idx %arg13[%broadcast_in_dim3A_669, %broadcast_in_dim3A_683] : memref<32x12xf32, #tpu.memory_space<vmem>>[vector<16xi32>, vector<16xi32>], vector<16xf32>,
      %broadcast_in_dim3A_685 = arith.constant 5 : i32
      %broadcast_in_dim3A_686 = vector.broadcast %broadcast_in_dim3A_685 : i32 to vector<16xi32>
      %gather3A_687 = tpu.vector_load_idx %arg13[%broadcast_in_dim3A_669, %broadcast_in_dim3A_686] : memref<32x12xf32, #tpu.memory_space<vmem>>[vector<16xi32>, vector<16xi32>], vector<16xf32>,
      %broadcast_in_dim3A_688 = arith.constant 6 : i32
      %broadcast_in_dim3A_689 = vector.broadcast %broadcast_in_dim3A_688 : i32 to vector<16xi32>
      %gather3A_690 = tpu.vector_load_idx %arg13[%broadcast_in_dim3A_669, %broadcast_in_dim3A_689] : memref<32x12xf32, #tpu.memory_space<vmem>>[vector<16xi32>, vector<16xi32>], vector<16xf32>,
      %broadcast_in_dim3A_691 = arith.constant 7 : i32
      %broadcast_in_dim3A_692 = vector.broadcast %broadcast_in_dim3A_691 : i32 to vector<16xi32>
      %gather3A_693 = tpu.vector_load_idx %arg13[%broadcast_in_dim3A_669, %broadcast_in_dim3A_692] : memref<32x12xf32, #tpu.memory_space<vmem>>[vector<16xi32>, vector<16xi32>], vector<16xf32>,
      %broadcast_in_dim3A_694 = arith.constant 8 : i32
      %broadcast_in_dim3A_695 = vector.broadcast %broadcast_in_dim3A_694 : i32 to vector<16xi32>
      %gather3A_696 = tpu.vector_load_idx %arg13[%broadcast_in_dim3A_669, %broadcast_in_dim3A_695] : memref<32x12xf32, #tpu.memory_space<vmem>>[vector<16xi32>, vector<16xi32>], vector<16xf32>,
      %broadcast_in_dim3A_697 = arith.constant 9 : i32
      %broadcast_in_dim3A_698 = vector.broadcast %broadcast_in_dim3A_697 : i32 to vector<16xi32>
      %gather3A_699 = tpu.vector_load_idx %arg13[%broadcast_in_dim3A_669, %broadcast_in_dim3A_698] : memref<32x12xf32, #tpu.memory_space<vmem>>[vector<16xi32>, vector<16xi32>], vector<16xf32>,
      %broadcast_in_dim3A_700 = arith.constant 10 : i32
      %broadcast_in_dim3A_701 = vector.broadcast %broadcast_in_dim3A_700 : i32 to vector<16xi32>
      %gather3A_702 = tpu.vector_load_idx %arg13[%broadcast_in_dim3A_669, %broadcast_in_dim3A_701] : memref<32x12xf32, #tpu.memory_space<vmem>>[vector<16xi32>, vector<16xi32>], vector<16xf32>,
      %broadcast_in_dim3A_703 = arith.constant 11 : i32
      %broadcast_in_dim3A_704 = vector.broadcast %broadcast_in_dim3A_703 : i32 to vector<16xi32>
      %gather3A_705 = tpu.vector_load_idx %arg13[%broadcast_in_dim3A_669, %broadcast_in_dim3A_704] : memref<32x12xf32, #tpu.memory_space<vmem>>[vector<16xi32>, vector<16xi32>], vector<16xf32>,
      %scan3A_706 = arith.constant 0 : i32
      %scan3A_707 = arith.constant 0 : i32
      %scan3A_708 = arith.constant 32 : i32
      %scan3A_709 = arith.addi %scan3A_707, %scan3A_708 : i32
      %scan3A_710 = arith.constant 1 : i32
      %scan3A_711 = scf.for %scan3A_843 = %scan3A_707 to %scan3A_709 step %scan3A_710 iter_args(%scan3A_844 = %scan3A_706) -> (i32)  : i32 {
        %mul3A_845 = arith.constant 4 : i32
        %mul3A_846 = arith.muli %scan3A_843, %mul3A_845 : i32
        %add3A_847 = arith.constant 0 : i32
        %add3A_848 = arith.addi %mul3A_846, %add3A_847 : i32
        %mul3A_849 = arith.constant 16 : i32
        %mul3A_850 = arith.muli %add3A_848, %mul3A_849 : i32
        %add3A_851 = vector.broadcast %mul3A_850 : i32 to vector<16xi32>
        %add3A_852 = arith.addi %iota3A, %add3A_851 : vector<16xi32>
        %get3A = arith.index_cast %mul3A_850 : i32 to index
        %get3A_853 = tpu.vector_load %arg10[%get3A] {strides = array<i32>} : memref<12288xf32, #tpu.memory_space<vmem>>, vector<16xf32>,
        %add3A_854 = arith.constant 2048 : i32
        %add3A_855 = arith.addi %add3A_854, %mul3A_850 : i32
        %get3A_856 = arith.index_cast %add3A_855 : i32 to index
        %get3A_857 = tpu.vector_load %arg10[%get3A_856] {strides = array<i32>} : memref<12288xf32, #tpu.memory_space<vmem>>, vector<16xf32>,
        %add3A_858 = arith.constant 4096 : i32
        %add3A_859 = arith.addi %add3A_858, %mul3A_850 : i32
        %get3A_860 = arith.index_cast %add3A_859 : i32 to index
        %get3A_861 = tpu.vector_load %arg10[%get3A_860] {strides = array<i32>} : memref<12288xf32, #tpu.memory_space<vmem>>, vector<16xf32>,
        %sub3A_862 = arith.subf %get3A_853, %gather3A_699 : vector<16xf32>
        %bitcast3A = vector.bitcast %sub3A_862 : vector<16xf32> to vector<16xi32>
        %broadcast_in_dim3A_863 = arith.constant 1 : i32
        %broadcast_in_dim3A_864 = vector.broadcast %broadcast_in_dim3A_863 : i32 to vector<16xi32>
        %broadcast_in_dim3A_865 = arith.constant 16 : i32
        %broadcast_in_dim3A_866 = vector.broadcast %broadcast_in_dim3A_865 : i32 to vector<16xi32>
        %shift_right_logical3A = arith.shrui %bitcast3A, %broadcast_in_dim3A_866 : vector<16xi32>
        %and3A = arith.andi %shift_right_logical3A, %broadcast_in_dim3A_864 : vector<16xi32>
        %broadcast_in_dim3A_867 = arith.constant 32767 : i32
        %broadcast_in_dim3A_868 = vector.broadcast %broadcast_in_dim3A_867 : i32 to vector<16xi32>
        %add3A_869 = arith.addi %bitcast3A, %broadcast_in_dim3A_868 : vector<16xi32>
        %add3A_870 = arith.addi %add3A_869, %and3A : vector<16xi32>
        %broadcast_in_dim3A_871 = arith.constant -65536 : i32
        %broadcast_in_dim3A_872 = vector.broadcast %broadcast_in_dim3A_871 : i32 to vector<16xi32>
        %and3A_873 = arith.andi %add3A_870, %broadcast_in_dim3A_872 : vector<16xi32>
        %bitcast3A_874 = vector.bitcast %and3A_873 : vector<16xi32> to vector<16xf32>
        %sub3A_875 = arith.subf %get3A_857, %gather3A_702 : vector<16xf32>
        %bitcast3A_876 = vector.bitcast %sub3A_875 : vector<16xf32> to vector<16xi32>
        %broadcast_in_dim3A_877 = arith.constant 1 : i32
        %broadcast_in_dim3A_878 = vector.broadcast %broadcast_in_dim3A_877 : i32 to vector<16xi32>
        %broadcast_in_dim3A_879 = arith.constant 16 : i32
        %broadcast_in_dim3A_880 = vector.broadcast %broadcast_in_dim3A_879 : i32 to vector<16xi32>
        %shift_right_logical3A_881 = arith.shrui %bitcast3A_876, %broadcast_in_dim3A_880 : vector<16xi32>
        %and3A_882 = arith.andi %shift_right_logical3A_881, %broadcast_in_dim3A_878 : vector<16xi32>
        %broadcast_in_dim3A_883 = arith.constant 32767 : i32
        %broadcast_in_dim3A_884 = vector.broadcast %broadcast_in_dim3A_883 : i32 to vector<16xi32>
        %add3A_885 = arith.addi %bitcast3A_876, %broadcast_in_dim3A_884 : vector<16xi32>
        %add3A_886 = arith.addi %add3A_885, %and3A_882 : vector<16xi32>
        %broadcast_in_dim3A_887 = arith.constant -65536 : i32
        %broadcast_in_dim3A_888 = vector.broadcast %broadcast_in_dim3A_887 : i32 to vector<16xi32>
        %and3A_889 = arith.andi %add3A_886, %broadcast_in_dim3A_888 : vector<16xi32>
        %bitcast3A_890 = vector.bitcast %and3A_889 : vector<16xi32> to vector<16xf32>
        %sub3A_891 = arith.subf %get3A_861, %gather3A_705 : vector<16xf32>
        %bitcast3A_892 = vector.bitcast %sub3A_891 : vector<16xf32> to vector<16xi32>
        %broadcast_in_dim3A_893 = arith.constant 1 : i32
        %broadcast_in_dim3A_894 = vector.broadcast %broadcast_in_dim3A_893 : i32 to vector<16xi32>
        %broadcast_in_dim3A_895 = arith.constant 16 : i32
        %broadcast_in_dim3A_896 = vector.broadcast %broadcast_in_dim3A_895 : i32 to vector<16xi32>
        %shift_right_logical3A_897 = arith.shrui %bitcast3A_892, %broadcast_in_dim3A_896 : vector<16xi32>
        %and3A_898 = arith.andi %shift_right_logical3A_897, %broadcast_in_dim3A_894 : vector<16xi32>
        %broadcast_in_dim3A_899 = arith.constant 32767 : i32
        %broadcast_in_dim3A_900 = vector.broadcast %broadcast_in_dim3A_899 : i32 to vector<16xi32>
        %add3A_901 = arith.addi %bitcast3A_892, %broadcast_in_dim3A_900 : vector<16xi32>
        %add3A_902 = arith.addi %add3A_901, %and3A_898 : vector<16xi32>
        %broadcast_in_dim3A_903 = arith.constant -65536 : i32
        %broadcast_in_dim3A_904 = vector.broadcast %broadcast_in_dim3A_903 : i32 to vector<16xi32>
        %and3A_905 = arith.andi %add3A_902, %broadcast_in_dim3A_904 : vector<16xi32>
        %bitcast3A_906 = vector.bitcast %and3A_905 : vector<16xi32> to vector<16xf32>
        %mul3A_907 = arith.mulf %gather3A_672, %bitcast3A_874 : vector<16xf32>
        %mul3A_908 = arith.mulf %gather3A_675, %bitcast3A_890 : vector<16xf32>
        %mul3A_909 = arith.mulf %gather3A_678, %bitcast3A_906 : vector<16xf32>
        %add3A_910 = arith.addf %mul3A_908, %mul3A_909 : vector<16xf32>
        %add3A_911 = arith.addf %mul3A_907, %add3A_910 : vector<16xf32>
        %mul3A_912 = arith.mulf %gather3A_681, %bitcast3A_874 : vector<16xf32>
        %mul3A_913 = arith.mulf %gather3A_684, %bitcast3A_890 : vector<16xf32>
        %mul3A_914 = arith.mulf %gather3A_687, %bitcast3A_906 : vector<16xf32>
        %add3A_915 = arith.addf %mul3A_913, %mul3A_914 : vector<16xf32>
        %add3A_916 = arith.addf %mul3A_912, %add3A_915 : vector<16xf32>
        %mul3A_917 = arith.mulf %gather3A_690, %bitcast3A_874 : vector<16xf32>
        %mul3A_918 = arith.mulf %gather3A_693, %bitcast3A_890 : vector<16xf32>
        %mul3A_919 = arith.mulf %gather3A_696, %bitcast3A_906 : vector<16xf32>
        %add3A_920 = arith.addf %mul3A_918, %mul3A_919 : vector<16xf32>
        %add3A_921 = arith.addf %mul3A_917, %add3A_920 : vector<16xf32>
        %gt3A_922 = arith.constant 0.000000e+00 : f32
        %gt3A_923 = vector.broadcast %gt3A_922 : f32 to vector<16xf32>
        %gt3A_924 = arith.cmpf ogt, %add3A_911, %gt3A_923 : vector<16xf32>
        %lt3A_925 = arith.constant 3.000000e-02 : f32
        %lt3A_926 = vector.broadcast %lt3A_925 : f32 to vector<16xf32>
        %lt3A_927 = arith.cmpf olt, %add3A_911, %lt3A_926 : vector<16xf32>
        %and3A_928 = arith.andi %gt3A_924, %lt3A_927 : vector<16xi1>
        %gt3A_929 = arith.constant -4.000000e-02 : f32
        %gt3A_930 = vector.broadcast %gt3A_929 : f32 to vector<16xf32>
        %gt3A_931 = arith.cmpf ogt, %add3A_916, %gt3A_930 : vector<16xf32>
        %and3A_932 = arith.andi %and3A_928, %gt3A_931 : vector<16xi1>
        %lt3A_933 = arith.constant 4.000000e-02 : f32
        %lt3A_934 = vector.broadcast %lt3A_933 : f32 to vector<16xf32>
        %lt3A_935 = arith.cmpf olt, %add3A_916, %lt3A_934 : vector<16xf32>
        %and3A_936 = arith.andi %and3A_932, %lt3A_935 : vector<16xi1>
        %gt3A_937 = arith.constant -0.00999999977 : f32
        %gt3A_938 = vector.broadcast %gt3A_937 : f32 to vector<16xf32>
        %gt3A_939 = arith.cmpf ogt, %add3A_921, %gt3A_938 : vector<16xf32>
        %and3A_940 = arith.andi %and3A_936, %gt3A_939 : vector<16xi1>
        %lt3A_941 = arith.constant 0.00999999977 : f32
        %lt3A_942 = vector.broadcast %lt3A_941 : f32 to vector<16xf32>
        %lt3A_943 = arith.cmpf olt, %add3A_921, %lt3A_942 : vector<16xf32>
        %and3A_944 = arith.andi %and3A_940, %lt3A_943 : vector<16xi1>
        %swap3A = arith.index_cast %mul3A_850 : i32 to index
        %swap3A_945 = tpu.vector_load %arg14[%swap3A] {strides = array<i32>} : memref<6144xf32, #tpu.memory_space<vmem>>, vector<16xf32>,
        tpu.vector_store %arg14[%swap3A], %add3A_911 {strides = array<i32>} : memref<6144xf32, #tpu.memory_space<vmem>>, vector<16xf32>,
        %add3A_946 = arith.constant 2048 : i32
        %add3A_947 = arith.addi %add3A_946, %mul3A_850 : i32
        %swap3A_948 = arith.index_cast %add3A_947 : i32 to index
        %swap3A_949 = tpu.vector_load %arg14[%swap3A_948] {strides = array<i32>} : memref<6144xf32, #tpu.memory_space<vmem>>, vector<16xf32>,
        tpu.vector_store %arg14[%swap3A_948], %add3A_916 {strides = array<i32>} : memref<6144xf32, #tpu.memory_space<vmem>>, vector<16xf32>,
        %add3A_950 = arith.constant 4096 : i32
        %add3A_951 = arith.addi %add3A_950, %mul3A_850 : i32
        %swap3A_952 = arith.index_cast %add3A_951 : i32 to index
        %swap3A_953 = tpu.vector_load %arg14[%swap3A_952] {strides = array<i32>} : memref<6144xf32, #tpu.memory_space<vmem>>, vector<16xf32>,
        tpu.vector_store %arg14[%swap3A_952], %add3A_921 {strides = array<i32>} : memref<6144xf32, #tpu.memory_space<vmem>>, vector<16xf32>,
        %swap3A_954 = arith.index_cast %scan3A_844 : i32 to index
        %swap3A_955 = tpu.vector_load %arg15[%swap3A_954] masked %and3A_944 {strides = array<i32>} : memref<2064xi32, #tpu.memory_space<vmem>>, vector<16xi32>, vector<16xi1>
        tpu.vector_store %arg15[%swap3A_954], %add3A_852 masked %and3A_944 {strides = array<i32>} : memref<2064xi32, #tpu.memory_space<vmem>>, vector<16xi32>, vector<16xi1>
        %all_reduce_population_count3A = tpu.all_reduce %and3A_944 {dim = 0 : i64, kind = #tpu.reduction_kind<sum>} : vector<16xi1> -> vector<16xi32>
        %slice3A = vector.extract_strided_slice %all_reduce_population_count3A {offsets = [0], sizes = [1], strides = [1]} : vector<16xi32> to vector<1xi32>
        %squeeze3A = vector.extract %slice3A[0] : i32 from vector<1xi32>
        %add3A_956 = arith.addi %scan3A_844, %squeeze3A : i32
        %mul3A_957 = arith.constant 4 : i32
        %mul3A_958 = arith.muli %scan3A_843, %mul3A_957 : i32
        %add3A_959 = arith.constant 1 : i32
        %add3A_960 = arith.addi %mul3A_958, %add3A_959 : i32
        %mul3A_961 = arith.constant 16 : i32
        %mul3A_962 = arith.muli %add3A_960, %mul3A_961 : i32
        %add3A_963 = vector.broadcast %mul3A_962 : i32 to vector<16xi32>
        %add3A_964 = arith.addi %iota3A, %add3A_963 : vector<16xi32>
        %get3A_965 = arith.index_cast %mul3A_962 : i32 to index
        %get3A_966 = tpu.vector_load %arg10[%get3A_965] {strides = array<i32>} : memref<12288xf32, #tpu.memory_space<vmem>>, vector<16xf32>,
        %add3A_967 = arith.constant 2048 : i32
        %add3A_968 = arith.addi %add3A_967, %mul3A_962 : i32
        %get3A_969 = arith.index_cast %add3A_968 : i32 to index
        %get3A_970 = tpu.vector_load %arg10[%get3A_969] {strides = array<i32>} : memref<12288xf32, #tpu.memory_space<vmem>>, vector<16xf32>,
        %add3A_971 = arith.constant 4096 : i32
        %add3A_972 = arith.addi %add3A_971, %mul3A_962 : i32
        %get3A_973 = arith.index_cast %add3A_972 : i32 to index
        %get3A_974 = tpu.vector_load %arg10[%get3A_973] {strides = array<i32>} : memref<12288xf32, #tpu.memory_space<vmem>>, vector<16xf32>,
        %sub3A_975 = arith.subf %get3A_966, %gather3A_699 : vector<16xf32>
        %bitcast3A_976 = vector.bitcast %sub3A_975 : vector<16xf32> to vector<16xi32>
        %broadcast_in_dim3A_977 = arith.constant 1 : i32
        %broadcast_in_dim3A_978 = vector.broadcast %broadcast_in_dim3A_977 : i32 to vector<16xi32>
        %broadcast_in_dim3A_979 = arith.constant 16 : i32
        %broadcast_in_dim3A_980 = vector.broadcast %broadcast_in_dim3A_979 : i32 to vector<16xi32>
        %shift_right_logical3A_981 = arith.shrui %bitcast3A_976, %broadcast_in_dim3A_980 : vector<16xi32>
        %and3A_982 = arith.andi %shift_right_logical3A_981, %broadcast_in_dim3A_978 : vector<16xi32>
        %broadcast_in_dim3A_983 = arith.constant 32767 : i32
        %broadcast_in_dim3A_984 = vector.broadcast %broadcast_in_dim3A_983 : i32 to vector<16xi32>
        %add3A_985 = arith.addi %bitcast3A_976, %broadcast_in_dim3A_984 : vector<16xi32>
        %add3A_986 = arith.addi %add3A_985, %and3A_982 : vector<16xi32>
        %broadcast_in_dim3A_987 = arith.constant -65536 : i32
        %broadcast_in_dim3A_988 = vector.broadcast %broadcast_in_dim3A_987 : i32 to vector<16xi32>
        %and3A_989 = arith.andi %add3A_986, %broadcast_in_dim3A_988 : vector<16xi32>
        %bitcast3A_990 = vector.bitcast %and3A_989 : vector<16xi32> to vector<16xf32>
        %sub3A_991 = arith.subf %get3A_970, %gather3A_702 : vector<16xf32>
        %bitcast3A_992 = vector.bitcast %sub3A_991 : vector<16xf32> to vector<16xi32>
        %broadcast_in_dim3A_993 = arith.constant 1 : i32
        %broadcast_in_dim3A_994 = vector.broadcast %broadcast_in_dim3A_993 : i32 to vector<16xi32>
        %broadcast_in_dim3A_995 = arith.constant 16 : i32
        %broadcast_in_dim3A_996 = vector.broadcast %broadcast_in_dim3A_995 : i32 to vector<16xi32>
        %shift_right_logical3A_997 = arith.shrui %bitcast3A_992, %broadcast_in_dim3A_996 : vector<16xi32>
        %and3A_998 = arith.andi %shift_right_logical3A_997, %broadcast_in_dim3A_994 : vector<16xi32>
        %broadcast_in_dim3A_999 = arith.constant 32767 : i32
        %broadcast_in_dim3A_1000 = vector.broadcast %broadcast_in_dim3A_999 : i32 to vector<16xi32>
        %add3A_1001 = arith.addi %bitcast3A_992, %broadcast_in_dim3A_1000 : vector<16xi32>
        %add3A_1002 = arith.addi %add3A_1001, %and3A_998 : vector<16xi32>
        %broadcast_in_dim3A_1003 = arith.constant -65536 : i32
        %broadcast_in_dim3A_1004 = vector.broadcast %broadcast_in_dim3A_1003 : i32 to vector<16xi32>
        %and3A_1005 = arith.andi %add3A_1002, %broadcast_in_dim3A_1004 : vector<16xi32>
        %bitcast3A_1006 = vector.bitcast %and3A_1005 : vector<16xi32> to vector<16xf32>
        %sub3A_1007 = arith.subf %get3A_974, %gather3A_705 : vector<16xf32>
        %bitcast3A_1008 = vector.bitcast %sub3A_1007 : vector<16xf32> to vector<16xi32>
        %broadcast_in_dim3A_1009 = arith.constant 1 : i32
        %broadcast_in_dim3A_1010 = vector.broadcast %broadcast_in_dim3A_1009 : i32 to vector<16xi32>
        %broadcast_in_dim3A_1011 = arith.constant 16 : i32
        %broadcast_in_dim3A_1012 = vector.broadcast %broadcast_in_dim3A_1011 : i32 to vector<16xi32>
        %shift_right_logical3A_1013 = arith.shrui %bitcast3A_1008, %broadcast_in_dim3A_1012 : vector<16xi32>
        %and3A_1014 = arith.andi %shift_right_logical3A_1013, %broadcast_in_dim3A_1010 : vector<16xi32>
        %broadcast_in_dim3A_1015 = arith.constant 32767 : i32
        %broadcast_in_dim3A_1016 = vector.broadcast %broadcast_in_dim3A_1015 : i32 to vector<16xi32>
        %add3A_1017 = arith.addi %bitcast3A_1008, %broadcast_in_dim3A_1016 : vector<16xi32>
        %add3A_1018 = arith.addi %add3A_1017, %and3A_1014 : vector<16xi32>
        %broadcast_in_dim3A_1019 = arith.constant -65536 : i32
        %broadcast_in_dim3A_1020 = vector.broadcast %broadcast_in_dim3A_1019 : i32 to vector<16xi32>
        %and3A_1021 = arith.andi %add3A_1018, %broadcast_in_dim3A_1020 : vector<16xi32>
        %bitcast3A_1022 = vector.bitcast %and3A_1021 : vector<16xi32> to vector<16xf32>
        %mul3A_1023 = arith.mulf %gather3A_672, %bitcast3A_990 : vector<16xf32>
        %mul3A_1024 = arith.mulf %gather3A_675, %bitcast3A_1006 : vector<16xf32>
        %mul3A_1025 = arith.mulf %gather3A_678, %bitcast3A_1022 : vector<16xf32>
        %add3A_1026 = arith.addf %mul3A_1024, %mul3A_1025 : vector<16xf32>
        %add3A_1027 = arith.addf %mul3A_1023, %add3A_1026 : vector<16xf32>
        %mul3A_1028 = arith.mulf %gather3A_681, %bitcast3A_990 : vector<16xf32>
        %mul3A_1029 = arith.mulf %gather3A_684, %bitcast3A_1006 : vector<16xf32>
        %mul3A_1030 = arith.mulf %gather3A_687, %bitcast3A_1022 : vector<16xf32>
        %add3A_1031 = arith.addf %mul3A_1029, %mul3A_1030 : vector<16xf32>
        %add3A_1032 = arith.addf %mul3A_1028, %add3A_1031 : vector<16xf32>
        %mul3A_1033 = arith.mulf %gather3A_690, %bitcast3A_990 : vector<16xf32>
        %mul3A_1034 = arith.mulf %gather3A_693, %bitcast3A_1006 : vector<16xf32>
        %mul3A_1035 = arith.mulf %gather3A_696, %bitcast3A_1022 : vector<16xf32>
        %add3A_1036 = arith.addf %mul3A_1034, %mul3A_1035 : vector<16xf32>
        %add3A_1037 = arith.addf %mul3A_1033, %add3A_1036 : vector<16xf32>
        %gt3A_1038 = arith.constant 0.000000e+00 : f32
        %gt3A_1039 = vector.broadcast %gt3A_1038 : f32 to vector<16xf32>
        %gt3A_1040 = arith.cmpf ogt, %add3A_1027, %gt3A_1039 : vector<16xf32>
        %lt3A_1041 = arith.constant 3.000000e-02 : f32
        %lt3A_1042 = vector.broadcast %lt3A_1041 : f32 to vector<16xf32>
        %lt3A_1043 = arith.cmpf olt, %add3A_1027, %lt3A_1042 : vector<16xf32>
        %and3A_1044 = arith.andi %gt3A_1040, %lt3A_1043 : vector<16xi1>
        %gt3A_1045 = arith.constant -4.000000e-02 : f32
        %gt3A_1046 = vector.broadcast %gt3A_1045 : f32 to vector<16xf32>
        %gt3A_1047 = arith.cmpf ogt, %add3A_1032, %gt3A_1046 : vector<16xf32>
        %and3A_1048 = arith.andi %and3A_1044, %gt3A_1047 : vector<16xi1>
        %lt3A_1049 = arith.constant 4.000000e-02 : f32
        %lt3A_1050 = vector.broadcast %lt3A_1049 : f32 to vector<16xf32>
        %lt3A_1051 = arith.cmpf olt, %add3A_1032, %lt3A_1050 : vector<16xf32>
        %and3A_1052 = arith.andi %and3A_1048, %lt3A_1051 : vector<16xi1>
        %gt3A_1053 = arith.constant -0.00999999977 : f32
        %gt3A_1054 = vector.broadcast %gt3A_1053 : f32 to vector<16xf32>
        %gt3A_1055 = arith.cmpf ogt, %add3A_1037, %gt3A_1054 : vector<16xf32>
        %and3A_1056 = arith.andi %and3A_1052, %gt3A_1055 : vector<16xi1>
        %lt3A_1057 = arith.constant 0.00999999977 : f32
        %lt3A_1058 = vector.broadcast %lt3A_1057 : f32 to vector<16xf32>
        %lt3A_1059 = arith.cmpf olt, %add3A_1037, %lt3A_1058 : vector<16xf32>
        %and3A_1060 = arith.andi %and3A_1056, %lt3A_1059 : vector<16xi1>
        %swap3A_1061 = arith.index_cast %mul3A_962 : i32 to index
        %swap3A_1062 = tpu.vector_load %arg14[%swap3A_1061] {strides = array<i32>} : memref<6144xf32, #tpu.memory_space<vmem>>, vector<16xf32>,
        tpu.vector_store %arg14[%swap3A_1061], %add3A_1027 {strides = array<i32>} : memref<6144xf32, #tpu.memory_space<vmem>>, vector<16xf32>,
        %add3A_1063 = arith.constant 2048 : i32
        %add3A_1064 = arith.addi %add3A_1063, %mul3A_962 : i32
        %swap3A_1065 = arith.index_cast %add3A_1064 : i32 to index
        %swap3A_1066 = tpu.vector_load %arg14[%swap3A_1065] {strides = array<i32>} : memref<6144xf32, #tpu.memory_space<vmem>>, vector<16xf32>,
        tpu.vector_store %arg14[%swap3A_1065], %add3A_1032 {strides = array<i32>} : memref<6144xf32, #tpu.memory_space<vmem>>, vector<16xf32>,
        %add3A_1067 = arith.constant 4096 : i32
        %add3A_1068 = arith.addi %add3A_1067, %mul3A_962 : i32
        %swap3A_1069 = arith.index_cast %add3A_1068 : i32 to index
        %swap3A_1070 = tpu.vector_load %arg14[%swap3A_1069] {strides = array<i32>} : memref<6144xf32, #tpu.memory_space<vmem>>, vector<16xf32>,
        tpu.vector_store %arg14[%swap3A_1069], %add3A_1037 {strides = array<i32>} : memref<6144xf32, #tpu.memory_space<vmem>>, vector<16xf32>,
        %swap3A_1071 = arith.index_cast %add3A_956 : i32 to index
        %swap3A_1072 = tpu.vector_load %arg15[%swap3A_1071] masked %and3A_1060 {strides = array<i32>} : memref<2064xi32, #tpu.memory_space<vmem>>, vector<16xi32>, vector<16xi1>
        tpu.vector_store %arg15[%swap3A_1071], %add3A_964 masked %and3A_1060 {strides = array<i32>} : memref<2064xi32, #tpu.memory_space<vmem>>, vector<16xi32>, vector<16xi1>
        %all_reduce_population_count3A_1073 = tpu.all_reduce %and3A_1060 {dim = 0 : i64, kind = #tpu.reduction_kind<sum>} : vector<16xi1> -> vector<16xi32>
        %slice3A_1074 = vector.extract_strided_slice %all_reduce_population_count3A_1073 {offsets = [0], sizes = [1], strides = [1]} : vector<16xi32> to vector<1xi32>
        %squeeze3A_1075 = vector.extract %slice3A_1074[0] : i32 from vector<1xi32>
        %add3A_1076 = arith.addi %add3A_956, %squeeze3A_1075 : i32
        %mul3A_1077 = arith.constant 4 : i32
        %mul3A_1078 = arith.muli %scan3A_843, %mul3A_1077 : i32
        %add3A_1079 = arith.constant 2 : i32
        %add3A_1080 = arith.addi %mul3A_1078, %add3A_1079 : i32
        %mul3A_1081 = arith.constant 16 : i32
        %mul3A_1082 = arith.muli %add3A_1080, %mul3A_1081 : i32
        %add3A_1083 = vector.broadcast %mul3A_1082 : i32 to vector<16xi32>
        %add3A_1084 = arith.addi %iota3A, %add3A_1083 : vector<16xi32>
        %get3A_1085 = arith.index_cast %mul3A_1082 : i32 to index
        %get3A_1086 = tpu.vector_load %arg10[%get3A_1085] {strides = array<i32>} : memref<12288xf32, #tpu.memory_space<vmem>>, vector<16xf32>,
        %add3A_1087 = arith.constant 2048 : i32
        %add3A_1088 = arith.addi %add3A_1087, %mul3A_1082 : i32
        %get3A_1089 = arith.index_cast %add3A_1088 : i32 to index
        %get3A_1090 = tpu.vector_load %arg10[%get3A_1089] {strides = array<i32>} : memref<12288xf32, #tpu.memory_space<vmem>>, vector<16xf32>,
        %add3A_1091 = arith.constant 4096 : i32
        %add3A_1092 = arith.addi %add3A_1091, %mul3A_1082 : i32
        %get3A_1093 = arith.index_cast %add3A_1092 : i32 to index
        %get3A_1094 = tpu.vector_load %arg10[%get3A_1093] {strides = array<i32>} : memref<12288xf32, #tpu.memory_space<vmem>>, vector<16xf32>,
        %sub3A_1095 = arith.subf %get3A_1086, %gather3A_699 : vector<16xf32>
        %bitcast3A_1096 = vector.bitcast %sub3A_1095 : vector<16xf32> to vector<16xi32>
        %broadcast_in_dim3A_1097 = arith.constant 1 : i32
        %broadcast_in_dim3A_1098 = vector.broadcast %broadcast_in_dim3A_1097 : i32 to vector<16xi32>
        %broadcast_in_dim3A_1099 = arith.constant 16 : i32
        %broadcast_in_dim3A_1100 = vector.broadcast %broadcast_in_dim3A_1099 : i32 to vector<16xi32>
        %shift_right_logical3A_1101 = arith.shrui %bitcast3A_1096, %broadcast_in_dim3A_1100 : vector<16xi32>
        %and3A_1102 = arith.andi %shift_right_logical3A_1101, %broadcast_in_dim3A_1098 : vector<16xi32>
        %broadcast_in_dim3A_1103 = arith.constant 32767 : i32
        %broadcast_in_dim3A_1104 = vector.broadcast %broadcast_in_dim3A_1103 : i32 to vector<16xi32>
        %add3A_1105 = arith.addi %bitcast3A_1096, %broadcast_in_dim3A_1104 : vector<16xi32>
        %add3A_1106 = arith.addi %add3A_1105, %and3A_1102 : vector<16xi32>
        %broadcast_in_dim3A_1107 = arith.constant -65536 : i32
        %broadcast_in_dim3A_1108 = vector.broadcast %broadcast_in_dim3A_1107 : i32 to vector<16xi32>
        %and3A_1109 = arith.andi %add3A_1106, %broadcast_in_dim3A_1108 : vector<16xi32>
        %bitcast3A_1110 = vector.bitcast %and3A_1109 : vector<16xi32> to vector<16xf32>
        %sub3A_1111 = arith.subf %get3A_1090, %gather3A_702 : vector<16xf32>
        %bitcast3A_1112 = vector.bitcast %sub3A_1111 : vector<16xf32> to vector<16xi32>
        %broadcast_in_dim3A_1113 = arith.constant 1 : i32
        %broadcast_in_dim3A_1114 = vector.broadcast %broadcast_in_dim3A_1113 : i32 to vector<16xi32>
        %broadcast_in_dim3A_1115 = arith.constant 16 : i32
        %broadcast_in_dim3A_1116 = vector.broadcast %broadcast_in_dim3A_1115 : i32 to vector<16xi32>
        %shift_right_logical3A_1117 = arith.shrui %bitcast3A_1112, %broadcast_in_dim3A_1116 : vector<16xi32>
        %and3A_1118 = arith.andi %shift_right_logical3A_1117, %broadcast_in_dim3A_1114 : vector<16xi32>
        %broadcast_in_dim3A_1119 = arith.constant 32767 : i32
        %broadcast_in_dim3A_1120 = vector.broadcast %broadcast_in_dim3A_1119 : i32 to vector<16xi32>
        %add3A_1121 = arith.addi %bitcast3A_1112, %broadcast_in_dim3A_1120 : vector<16xi32>
        %add3A_1122 = arith.addi %add3A_1121, %and3A_1118 : vector<16xi32>
        %broadcast_in_dim3A_1123 = arith.constant -65536 : i32
        %broadcast_in_dim3A_1124 = vector.broadcast %broadcast_in_dim3A_1123 : i32 to vector<16xi32>
        %and3A_1125 = arith.andi %add3A_1122, %broadcast_in_dim3A_1124 : vector<16xi32>
        %bitcast3A_1126 = vector.bitcast %and3A_1125 : vector<16xi32> to vector<16xf32>
        %sub3A_1127 = arith.subf %get3A_1094, %gather3A_705 : vector<16xf32>
        %bitcast3A_1128 = vector.bitcast %sub3A_1127 : vector<16xf32> to vector<16xi32>
        %broadcast_in_dim3A_1129 = arith.constant 1 : i32
        %broadcast_in_dim3A_1130 = vector.broadcast %broadcast_in_dim3A_1129 : i32 to vector<16xi32>
        %broadcast_in_dim3A_1131 = arith.constant 16 : i32
        %broadcast_in_dim3A_1132 = vector.broadcast %broadcast_in_dim3A_1131 : i32 to vector<16xi32>
        %shift_right_logical3A_1133 = arith.shrui %bitcast3A_1128, %broadcast_in_dim3A_1132 : vector<16xi32>
        %and3A_1134 = arith.andi %shift_right_logical3A_1133, %broadcast_in_dim3A_1130 : vector<16xi32>
        %broadcast_in_dim3A_1135 = arith.constant 32767 : i32
        %broadcast_in_dim3A_1136 = vector.broadcast %broadcast_in_dim3A_1135 : i32 to vector<16xi32>
        %add3A_1137 = arith.addi %bitcast3A_1128, %broadcast_in_dim3A_1136 : vector<16xi32>
        %add3A_1138 = arith.addi %add3A_1137, %and3A_1134 : vector<16xi32>
        %broadcast_in_dim3A_1139 = arith.constant -65536 : i32
        %broadcast_in_dim3A_1140 = vector.broadcast %broadcast_in_dim3A_1139 : i32 to vector<16xi32>
        %and3A_1141 = arith.andi %add3A_1138, %broadcast_in_dim3A_1140 : vector<16xi32>
        %bitcast3A_1142 = vector.bitcast %and3A_1141 : vector<16xi32> to vector<16xf32>
        %mul3A_1143 = arith.mulf %gather3A_672, %bitcast3A_1110 : vector<16xf32>
        %mul3A_1144 = arith.mulf %gather3A_675, %bitcast3A_1126 : vector<16xf32>
        %mul3A_1145 = arith.mulf %gather3A_678, %bitcast3A_1142 : vector<16xf32>
        %add3A_1146 = arith.addf %mul3A_1144, %mul3A_1145 : vector<16xf32>
        %add3A_1147 = arith.addf %mul3A_1143, %add3A_1146 : vector<16xf32>
        %mul3A_1148 = arith.mulf %gather3A_681, %bitcast3A_1110 : vector<16xf32>
        %mul3A_1149 = arith.mulf %gather3A_684, %bitcast3A_1126 : vector<16xf32>
        %mul3A_1150 = arith.mulf %gather3A_687, %bitcast3A_1142 : vector<16xf32>
        %add3A_1151 = arith.addf %mul3A_1149, %mul3A_1150 : vector<16xf32>
        %add3A_1152 = arith.addf %mul3A_1148, %add3A_1151 : vector<16xf32>
        %mul3A_1153 = arith.mulf %gather3A_690, %bitcast3A_1110 : vector<16xf32>
        %mul3A_1154 = arith.mulf %gather3A_693, %bitcast3A_1126 : vector<16xf32>
        %mul3A_1155 = arith.mulf %gather3A_696, %bitcast3A_1142 : vector<16xf32>
        %add3A_1156 = arith.addf %mul3A_1154, %mul3A_1155 : vector<16xf32>
        %add3A_1157 = arith.addf %mul3A_1153, %add3A_1156 : vector<16xf32>
        %gt3A_1158 = arith.constant 0.000000e+00 : f32
        %gt3A_1159 = vector.broadcast %gt3A_1158 : f32 to vector<16xf32>
        %gt3A_1160 = arith.cmpf ogt, %add3A_1147, %gt3A_1159 : vector<16xf32>
        %lt3A_1161 = arith.constant 3.000000e-02 : f32
        %lt3A_1162 = vector.broadcast %lt3A_1161 : f32 to vector<16xf32>
        %lt3A_1163 = arith.cmpf olt, %add3A_1147, %lt3A_1162 : vector<16xf32>
        %and3A_1164 = arith.andi %gt3A_1160, %lt3A_1163 : vector<16xi1>
        %gt3A_1165 = arith.constant -4.000000e-02 : f32
        %gt3A_1166 = vector.broadcast %gt3A_1165 : f32 to vector<16xf32>
        %gt3A_1167 = arith.cmpf ogt, %add3A_1152, %gt3A_1166 : vector<16xf32>
        %and3A_1168 = arith.andi %and3A_1164, %gt3A_1167 : vector<16xi1>
        %lt3A_1169 = arith.constant 4.000000e-02 : f32
        %lt3A_1170 = vector.broadcast %lt3A_1169 : f32 to vector<16xf32>
        %lt3A_1171 = arith.cmpf olt, %add3A_1152, %lt3A_1170 : vector<16xf32>
        %and3A_1172 = arith.andi %and3A_1168, %lt3A_1171 : vector<16xi1>
        %gt3A_1173 = arith.constant -0.00999999977 : f32
        %gt3A_1174 = vector.broadcast %gt3A_1173 : f32 to vector<16xf32>
        %gt3A_1175 = arith.cmpf ogt, %add3A_1157, %gt3A_1174 : vector<16xf32>
        %and3A_1176 = arith.andi %and3A_1172, %gt3A_1175 : vector<16xi1>
        %lt3A_1177 = arith.constant 0.00999999977 : f32
        %lt3A_1178 = vector.broadcast %lt3A_1177 : f32 to vector<16xf32>
        %lt3A_1179 = arith.cmpf olt, %add3A_1157, %lt3A_1178 : vector<16xf32>
        %and3A_1180 = arith.andi %and3A_1176, %lt3A_1179 : vector<16xi1>
        %swap3A_1181 = arith.index_cast %mul3A_1082 : i32 to index
        %swap3A_1182 = tpu.vector_load %arg14[%swap3A_1181] {strides = array<i32>} : memref<6144xf32, #tpu.memory_space<vmem>>, vector<16xf32>,
        tpu.vector_store %arg14[%swap3A_1181], %add3A_1147 {strides = array<i32>} : memref<6144xf32, #tpu.memory_space<vmem>>, vector<16xf32>,
        %add3A_1183 = arith.constant 2048 : i32
        %add3A_1184 = arith.addi %add3A_1183, %mul3A_1082 : i32
        %swap3A_1185 = arith.index_cast %add3A_1184 : i32 to index
        %swap3A_1186 = tpu.vector_load %arg14[%swap3A_1185] {strides = array<i32>} : memref<6144xf32, #tpu.memory_space<vmem>>, vector<16xf32>,
        tpu.vector_store %arg14[%swap3A_1185], %add3A_1152 {strides = array<i32>} : memref<6144xf32, #tpu.memory_space<vmem>>, vector<16xf32>,
        %add3A_1187 = arith.constant 4096 : i32
        %add3A_1188 = arith.addi %add3A_1187, %mul3A_1082 : i32
        %swap3A_1189 = arith.index_cast %add3A_1188 : i32 to index
        %swap3A_1190 = tpu.vector_load %arg14[%swap3A_1189] {strides = array<i32>} : memref<6144xf32, #tpu.memory_space<vmem>>, vector<16xf32>,
        tpu.vector_store %arg14[%swap3A_1189], %add3A_1157 {strides = array<i32>} : memref<6144xf32, #tpu.memory_space<vmem>>, vector<16xf32>,
        %swap3A_1191 = arith.index_cast %add3A_1076 : i32 to index
        %swap3A_1192 = tpu.vector_load %arg15[%swap3A_1191] masked %and3A_1180 {strides = array<i32>} : memref<2064xi32, #tpu.memory_space<vmem>>, vector<16xi32>, vector<16xi1>
        tpu.vector_store %arg15[%swap3A_1191], %add3A_1084 masked %and3A_1180 {strides = array<i32>} : memref<2064xi32, #tpu.memory_space<vmem>>, vector<16xi32>, vector<16xi1>
        %all_reduce_population_count3A_1193 = tpu.all_reduce %and3A_1180 {dim = 0 : i64, kind = #tpu.reduction_kind<sum>} : vector<16xi1> -> vector<16xi32>
        %slice3A_1194 = vector.extract_strided_slice %all_reduce_population_count3A_1193 {offsets = [0], sizes = [1], strides = [1]} : vector<16xi32> to vector<1xi32>
        %squeeze3A_1195 = vector.extract %slice3A_1194[0] : i32 from vector<1xi32>
        %add3A_1196 = arith.addi %add3A_1076, %squeeze3A_1195 : i32
        %mul3A_1197 = arith.constant 4 : i32
        %mul3A_1198 = arith.muli %scan3A_843, %mul3A_1197 : i32
        %add3A_1199 = arith.constant 3 : i32
        %add3A_1200 = arith.addi %mul3A_1198, %add3A_1199 : i32
        %mul3A_1201 = arith.constant 16 : i32
        %mul3A_1202 = arith.muli %add3A_1200, %mul3A_1201 : i32
        %add3A_1203 = vector.broadcast %mul3A_1202 : i32 to vector<16xi32>
        %add3A_1204 = arith.addi %iota3A, %add3A_1203 : vector<16xi32>
        %get3A_1205 = arith.index_cast %mul3A_1202 : i32 to index
        %get3A_1206 = tpu.vector_load %arg10[%get3A_1205] {strides = array<i32>} : memref<12288xf32, #tpu.memory_space<vmem>>, vector<16xf32>,
        %add3A_1207 = arith.constant 2048 : i32
        %add3A_1208 = arith.addi %add3A_1207, %mul3A_1202 : i32
        %get3A_1209 = arith.index_cast %add3A_1208 : i32 to index
        %get3A_1210 = tpu.vector_load %arg10[%get3A_1209] {strides = array<i32>} : memref<12288xf32, #tpu.memory_space<vmem>>, vector<16xf32>,
        %add3A_1211 = arith.constant 4096 : i32
        %add3A_1212 = arith.addi %add3A_1211, %mul3A_1202 : i32
        %get3A_1213 = arith.index_cast %add3A_1212 : i32 to index
        %get3A_1214 = tpu.vector_load %arg10[%get3A_1213] {strides = array<i32>} : memref<12288xf32, #tpu.memory_space<vmem>>, vector<16xf32>,
        %sub3A_1215 = arith.subf %get3A_1206, %gather3A_699 : vector<16xf32>
        %bitcast3A_1216 = vector.bitcast %sub3A_1215 : vector<16xf32> to vector<16xi32>
        %broadcast_in_dim3A_1217 = arith.constant 1 : i32
        %broadcast_in_dim3A_1218 = vector.broadcast %broadcast_in_dim3A_1217 : i32 to vector<16xi32>
        %broadcast_in_dim3A_1219 = arith.constant 16 : i32
        %broadcast_in_dim3A_1220 = vector.broadcast %broadcast_in_dim3A_1219 : i32 to vector<16xi32>
        %shift_right_logical3A_1221 = arith.shrui %bitcast3A_1216, %broadcast_in_dim3A_1220 : vector<16xi32>
        %and3A_1222 = arith.andi %shift_right_logical3A_1221, %broadcast_in_dim3A_1218 : vector<16xi32>
        %broadcast_in_dim3A_1223 = arith.constant 32767 : i32
        %broadcast_in_dim3A_1224 = vector.broadcast %broadcast_in_dim3A_1223 : i32 to vector<16xi32>
        %add3A_1225 = arith.addi %bitcast3A_1216, %broadcast_in_dim3A_1224 : vector<16xi32>
        %add3A_1226 = arith.addi %add3A_1225, %and3A_1222 : vector<16xi32>
        %broadcast_in_dim3A_1227 = arith.constant -65536 : i32
        %broadcast_in_dim3A_1228 = vector.broadcast %broadcast_in_dim3A_1227 : i32 to vector<16xi32>
        %and3A_1229 = arith.andi %add3A_1226, %broadcast_in_dim3A_1228 : vector<16xi32>
        %bitcast3A_1230 = vector.bitcast %and3A_1229 : vector<16xi32> to vector<16xf32>
        %sub3A_1231 = arith.subf %get3A_1210, %gather3A_702 : vector<16xf32>
        %bitcast3A_1232 = vector.bitcast %sub3A_1231 : vector<16xf32> to vector<16xi32>
        %broadcast_in_dim3A_1233 = arith.constant 1 : i32
        %broadcast_in_dim3A_1234 = vector.broadcast %broadcast_in_dim3A_1233 : i32 to vector<16xi32>
        %broadcast_in_dim3A_1235 = arith.constant 16 : i32
        %broadcast_in_dim3A_1236 = vector.broadcast %broadcast_in_dim3A_1235 : i32 to vector<16xi32>
        %shift_right_logical3A_1237 = arith.shrui %bitcast3A_1232, %broadcast_in_dim3A_1236 : vector<16xi32>
        %and3A_1238 = arith.andi %shift_right_logical3A_1237, %broadcast_in_dim3A_1234 : vector<16xi32>
        %broadcast_in_dim3A_1239 = arith.constant 32767 : i32
        %broadcast_in_dim3A_1240 = vector.broadcast %broadcast_in_dim3A_1239 : i32 to vector<16xi32>
        %add3A_1241 = arith.addi %bitcast3A_1232, %broadcast_in_dim3A_1240 : vector<16xi32>
        %add3A_1242 = arith.addi %add3A_1241, %and3A_1238 : vector<16xi32>
        %broadcast_in_dim3A_1243 = arith.constant -65536 : i32
        %broadcast_in_dim3A_1244 = vector.broadcast %broadcast_in_dim3A_1243 : i32 to vector<16xi32>
        %and3A_1245 = arith.andi %add3A_1242, %broadcast_in_dim3A_1244 : vector<16xi32>
        %bitcast3A_1246 = vector.bitcast %and3A_1245 : vector<16xi32> to vector<16xf32>
        %sub3A_1247 = arith.subf %get3A_1214, %gather3A_705 : vector<16xf32>
        %bitcast3A_1248 = vector.bitcast %sub3A_1247 : vector<16xf32> to vector<16xi32>
        %broadcast_in_dim3A_1249 = arith.constant 1 : i32
        %broadcast_in_dim3A_1250 = vector.broadcast %broadcast_in_dim3A_1249 : i32 to vector<16xi32>
        %broadcast_in_dim3A_1251 = arith.constant 16 : i32
        %broadcast_in_dim3A_1252 = vector.broadcast %broadcast_in_dim3A_1251 : i32 to vector<16xi32>
        %shift_right_logical3A_1253 = arith.shrui %bitcast3A_1248, %broadcast_in_dim3A_1252 : vector<16xi32>
        %and3A_1254 = arith.andi %shift_right_logical3A_1253, %broadcast_in_dim3A_1250 : vector<16xi32>
        %broadcast_in_dim3A_1255 = arith.constant 32767 : i32
        %broadcast_in_dim3A_1256 = vector.broadcast %broadcast_in_dim3A_1255 : i32 to vector<16xi32>
        %add3A_1257 = arith.addi %bitcast3A_1248, %broadcast_in_dim3A_1256 : vector<16xi32>
        %add3A_1258 = arith.addi %add3A_1257, %and3A_1254 : vector<16xi32>
        %broadcast_in_dim3A_1259 = arith.constant -65536 : i32
        %broadcast_in_dim3A_1260 = vector.broadcast %broadcast_in_dim3A_1259 : i32 to vector<16xi32>
        %and3A_1261 = arith.andi %add3A_1258, %broadcast_in_dim3A_1260 : vector<16xi32>
        %bitcast3A_1262 = vector.bitcast %and3A_1261 : vector<16xi32> to vector<16xf32>
        %mul3A_1263 = arith.mulf %gather3A_672, %bitcast3A_1230 : vector<16xf32>
        %mul3A_1264 = arith.mulf %gather3A_675, %bitcast3A_1246 : vector<16xf32>
        %mul3A_1265 = arith.mulf %gather3A_678, %bitcast3A_1262 : vector<16xf32>
        %add3A_1266 = arith.addf %mul3A_1264, %mul3A_1265 : vector<16xf32>
        %add3A_1267 = arith.addf %mul3A_1263, %add3A_1266 : vector<16xf32>
        %mul3A_1268 = arith.mulf %gather3A_681, %bitcast3A_1230 : vector<16xf32>
        %mul3A_1269 = arith.mulf %gather3A_684, %bitcast3A_1246 : vector<16xf32>
        %mul3A_1270 = arith.mulf %gather3A_687, %bitcast3A_1262 : vector<16xf32>
        %add3A_1271 = arith.addf %mul3A_1269, %mul3A_1270 : vector<16xf32>
        %add3A_1272 = arith.addf %mul3A_1268, %add3A_1271 : vector<16xf32>
        %mul3A_1273 = arith.mulf %gather3A_690, %bitcast3A_1230 : vector<16xf32>
        %mul3A_1274 = arith.mulf %gather3A_693, %bitcast3A_1246 : vector<16xf32>
        %mul3A_1275 = arith.mulf %gather3A_696, %bitcast3A_1262 : vector<16xf32>
        %add3A_1276 = arith.addf %mul3A_1274, %mul3A_1275 : vector<16xf32>
        %add3A_1277 = arith.addf %mul3A_1273, %add3A_1276 : vector<16xf32>
        %gt3A_1278 = arith.constant 0.000000e+00 : f32
        %gt3A_1279 = vector.broadcast %gt3A_1278 : f32 to vector<16xf32>
        %gt3A_1280 = arith.cmpf ogt, %add3A_1267, %gt3A_1279 : vector<16xf32>
        %lt3A_1281 = arith.constant 3.000000e-02 : f32
        %lt3A_1282 = vector.broadcast %lt3A_1281 : f32 to vector<16xf32>
        %lt3A_1283 = arith.cmpf olt, %add3A_1267, %lt3A_1282 : vector<16xf32>
        %and3A_1284 = arith.andi %gt3A_1280, %lt3A_1283 : vector<16xi1>
        %gt3A_1285 = arith.constant -4.000000e-02 : f32
        %gt3A_1286 = vector.broadcast %gt3A_1285 : f32 to vector<16xf32>
        %gt3A_1287 = arith.cmpf ogt, %add3A_1272, %gt3A_1286 : vector<16xf32>
        %and3A_1288 = arith.andi %and3A_1284, %gt3A_1287 : vector<16xi1>
        %lt3A_1289 = arith.constant 4.000000e-02 : f32
        %lt3A_1290 = vector.broadcast %lt3A_1289 : f32 to vector<16xf32>
        %lt3A_1291 = arith.cmpf olt, %add3A_1272, %lt3A_1290 : vector<16xf32>
        %and3A_1292 = arith.andi %and3A_1288, %lt3A_1291 : vector<16xi1>
        %gt3A_1293 = arith.constant -0.00999999977 : f32
        %gt3A_1294 = vector.broadcast %gt3A_1293 : f32 to vector<16xf32>
        %gt3A_1295 = arith.cmpf ogt, %add3A_1277, %gt3A_1294 : vector<16xf32>
        %and3A_1296 = arith.andi %and3A_1292, %gt3A_1295 : vector<16xi1>
        %lt3A_1297 = arith.constant 0.00999999977 : f32
        %lt3A_1298 = vector.broadcast %lt3A_1297 : f32 to vector<16xf32>
        %lt3A_1299 = arith.cmpf olt, %add3A_1277, %lt3A_1298 : vector<16xf32>
        %and3A_1300 = arith.andi %and3A_1296, %lt3A_1299 : vector<16xi1>
        %swap3A_1301 = arith.index_cast %mul3A_1202 : i32 to index
        %swap3A_1302 = tpu.vector_load %arg14[%swap3A_1301] {strides = array<i32>} : memref<6144xf32, #tpu.memory_space<vmem>>, vector<16xf32>,
        tpu.vector_store %arg14[%swap3A_1301], %add3A_1267 {strides = array<i32>} : memref<6144xf32, #tpu.memory_space<vmem>>, vector<16xf32>,
        %add3A_1303 = arith.constant 2048 : i32
        %add3A_1304 = arith.addi %add3A_1303, %mul3A_1202 : i32
        %swap3A_1305 = arith.index_cast %add3A_1304 : i32 to index
        %swap3A_1306 = tpu.vector_load %arg14[%swap3A_1305] {strides = array<i32>} : memref<6144xf32, #tpu.memory_space<vmem>>, vector<16xf32>,
        tpu.vector_store %arg14[%swap3A_1305], %add3A_1272 {strides = array<i32>} : memref<6144xf32, #tpu.memory_space<vmem>>, vector<16xf32>,
        %add3A_1307 = arith.constant 4096 : i32
        %add3A_1308 = arith.addi %add3A_1307, %mul3A_1202 : i32
        %swap3A_1309 = arith.index_cast %add3A_1308 : i32 to index
        %swap3A_1310 = tpu.vector_load %arg14[%swap3A_1309] {strides = array<i32>} : memref<6144xf32, #tpu.memory_space<vmem>>, vector<16xf32>,
        tpu.vector_store %arg14[%swap3A_1309], %add3A_1277 {strides = array<i32>} : memref<6144xf32, #tpu.memory_space<vmem>>, vector<16xf32>,
        %swap3A_1311 = arith.index_cast %add3A_1196 : i32 to index
        %swap3A_1312 = tpu.vector_load %arg15[%swap3A_1311] masked %and3A_1300 {strides = array<i32>} : memref<2064xi32, #tpu.memory_space<vmem>>, vector<16xi32>, vector<16xi1>
        tpu.vector_store %arg15[%swap3A_1311], %add3A_1204 masked %and3A_1300 {strides = array<i32>} : memref<2064xi32, #tpu.memory_space<vmem>>, vector<16xi32>, vector<16xi1>
        %all_reduce_population_count3A_1313 = tpu.all_reduce %and3A_1300 {dim = 0 : i64, kind = #tpu.reduction_kind<sum>} : vector<16xi1> -> vector<16xi32>
        %slice3A_1314 = vector.extract_strided_slice %all_reduce_population_count3A_1313 {offsets = [0], sizes = [1], strides = [1]} : vector<16xi32> to vector<1xi32>
        %squeeze3A_1315 = vector.extract %slice3A_1314[0] : i32 from vector<1xi32>
        %add3A_1316 = arith.addi %add3A_1196, %squeeze3A_1315 : i32
        scf.yield %add3A_1316 : i32
      }
      %scan3A_712 = arith.constant 32 : i32
      %broadcast_in_dim3A_713 = vector.broadcast %scan3A_711 : i32 to vector<16xi32>
      %gt3A_714 = arith.constant 5 : i32
      %gt3A_715 = vector.broadcast %gt3A_714 : i32 to vector<16xi32>
      %gt3A_716 = arith.cmpi sgt, %broadcast_in_dim3A_713, %gt3A_715 : vector<16xi32>
      %jit3A_717 = arith.constant 1 : i32
      %jit3A_718 = arith.constant 0 : i32
      %broadcast_in_dim3A_719 = vector.broadcast %jit3A_717 : i32 to vector<16xi32>
      %broadcast_in_dim3A_720 = vector.broadcast %jit3A_718 : i32 to vector<16xi32>
      %select_n3A_721 = arith.select %gt3A_716, %broadcast_in_dim3A_719, %broadcast_in_dim3A_720 : vector<16xi1>, vector<16xi32>
      tpu.vector_store_idx %arg22[%broadcast_in_dim3A_669], %select_n3A_721 masked %eq3A_4 : memref<32xi32, #tpu.memory_space<vmem>>[vector<16xi32>], vector<16xi32>, vector<16xi1>
      %max3A_722 = arith.constant 1 : i32
      %max3A_723 = vector.broadcast %max3A_722 : i32 to vector<16xi32>
      %max3A_724 = arith.maxsi %broadcast_in_dim3A_713, %max3A_723 : vector<16xi32>
      %broadcast_in_dim3A_725 = arith.constant -1.000000e+00 : f32
      %broadcast_in_dim3A_726 = vector.broadcast %broadcast_in_dim3A_725 : f32 to vector<16xf32>
      %broadcast_in_dim3A_727 = arith.constant -1 : i32
      %broadcast_in_dim3A_728 = vector.broadcast %broadcast_in_dim3A_727 : i32 to vector<16xi32>
      %gt3A_729 = arith.constant 0 : i32
      %gt3A_730 = arith.cmpi sgt, %scan3A_341, %gt3A_729 : i32
      %convert_element_type3A_731 = arith.extui %gt3A_730 : i1 to i32
      %cond3A_732 = arith.constant 0 : i32
      %cond3A_733 = arith.cmpi ne, %convert_element_type3A_731, %cond3A_732 : i32
      scf.if %cond3A_733 {
        %add3A_843 = arith.constant 0 : i32
        %add3A_844 = arith.addi %add3A_843, %add3A_590 : i32
        %dma_wait3A_845 = arith.constant 0 : i32
        %dma_wait3A_846 = tpu.memref_slice %arg17[%dma_wait3A_845] : memref<3072xf32, #tpu.memory_space<vmem>> -> memref<512xf32, #tpu.memory_space<vmem>>
        %dma_wait3A_847 = arith.constant 0 : i32
        %dma_wait3A_848 = tpu.memref_slice %arg5[%add3A_844, %dma_wait3A_847] : memref<6144x512xf32, #tpu.memory_space<hbm>> -> memref<1x512xf32, #tpu.memory_space<hbm>>
        %dma_wait3A_849 = tpu.memref_squeeze %dma_wait3A_848 : memref<1x512xf32, #tpu.memory_space<hbm>> -> memref<512xf32, #tpu.memory_space<hbm>>
        %dma_wait3A_850 = arith.constant 0 : i32
        %dma_wait3A_851 = tpu.memref_slice %arg5[%add3A_844, %dma_wait3A_850] : memref<6144x512xf32, #tpu.memory_space<hbm>> -> memref<1x512xf32, #tpu.memory_space<hbm>>
        %dma_wait3A_852 = tpu.memref_squeeze %dma_wait3A_851 : memref<1x512xf32, #tpu.memory_space<hbm>> -> memref<512xf32, #tpu.memory_space<hbm>>
        %dma_wait3A_853 = arith.constant 0 : i32
        %dma_wait3A_854 = tpu.memref_slice %arg17[%dma_wait3A_853] : memref<3072xf32, #tpu.memory_space<vmem>> -> memref<512xf32, #tpu.memory_space<vmem>>
        tpu.wait_dma2 semaphore(%arg26 : memref<!tpu.dma_semaphore, #tpu.memory_space<semaphore_mem>>) src(%dma_wait3A_854 : memref<512xf32, #tpu.memory_space<vmem>>) dst(%dma_wait3A_852 : memref<512xf32, #tpu.memory_space<hbm>>)
        %add3A_855 = arith.constant 1024 : i32
        %add3A_856 = arith.addi %add3A_855, %add3A_590 : i32
        %dma_wait3A_857 = arith.constant 512 : i32
        %dma_wait3A_858 = tpu.memref_slice %arg17[%dma_wait3A_857] : memref<3072xf32, #tpu.memory_space<vmem>> -> memref<512xf32, #tpu.memory_space<vmem>>
        %dma_wait3A_859 = arith.constant 0 : i32
        %dma_wait3A_860 = tpu.memref_slice %arg5[%add3A_856, %dma_wait3A_859] : memref<6144x512xf32, #tpu.memory_space<hbm>> -> memref<1x512xf32, #tpu.memory_space<hbm>>
        %dma_wait3A_861 = tpu.memref_squeeze %dma_wait3A_860 : memref<1x512xf32, #tpu.memory_space<hbm>> -> memref<512xf32, #tpu.memory_space<hbm>>
        %dma_wait3A_862 = arith.constant 0 : i32
        %dma_wait3A_863 = tpu.memref_slice %arg5[%add3A_856, %dma_wait3A_862] : memref<6144x512xf32, #tpu.memory_space<hbm>> -> memref<1x512xf32, #tpu.memory_space<hbm>>
        %dma_wait3A_864 = tpu.memref_squeeze %dma_wait3A_863 : memref<1x512xf32, #tpu.memory_space<hbm>> -> memref<512xf32, #tpu.memory_space<hbm>>
        %dma_wait3A_865 = arith.constant 512 : i32
        %dma_wait3A_866 = tpu.memref_slice %arg17[%dma_wait3A_865] : memref<3072xf32, #tpu.memory_space<vmem>> -> memref<512xf32, #tpu.memory_space<vmem>>
        tpu.wait_dma2 semaphore(%arg26 : memref<!tpu.dma_semaphore, #tpu.memory_space<semaphore_mem>>) src(%dma_wait3A_866 : memref<512xf32, #tpu.memory_space<vmem>>) dst(%dma_wait3A_864 : memref<512xf32, #tpu.memory_space<hbm>>)
        %add3A_867 = arith.constant 2048 : i32
        %add3A_868 = arith.addi %add3A_867, %add3A_590 : i32
        %dma_wait3A_869 = arith.constant 1024 : i32
        %dma_wait3A_870 = tpu.memref_slice %arg17[%dma_wait3A_869] : memref<3072xf32, #tpu.memory_space<vmem>> -> memref<512xf32, #tpu.memory_space<vmem>>
        %dma_wait3A_871 = arith.constant 0 : i32
        %dma_wait3A_872 = tpu.memref_slice %arg5[%add3A_868, %dma_wait3A_871] : memref<6144x512xf32, #tpu.memory_space<hbm>> -> memref<1x512xf32, #tpu.memory_space<hbm>>
        %dma_wait3A_873 = tpu.memref_squeeze %dma_wait3A_872 : memref<1x512xf32, #tpu.memory_space<hbm>> -> memref<512xf32, #tpu.memory_space<hbm>>
        %dma_wait3A_874 = arith.constant 0 : i32
        %dma_wait3A_875 = tpu.memref_slice %arg5[%add3A_868, %dma_wait3A_874] : memref<6144x512xf32, #tpu.memory_space<hbm>> -> memref<1x512xf32, #tpu.memory_space<hbm>>
        %dma_wait3A_876 = tpu.memref_squeeze %dma_wait3A_875 : memref<1x512xf32, #tpu.memory_space<hbm>> -> memref<512xf32, #tpu.memory_space<hbm>>
        %dma_wait3A_877 = arith.constant 1024 : i32
        %dma_wait3A_878 = tpu.memref_slice %arg17[%dma_wait3A_877] : memref<3072xf32, #tpu.memory_space<vmem>> -> memref<512xf32, #tpu.memory_space<vmem>>
        tpu.wait_dma2 semaphore(%arg26 : memref<!tpu.dma_semaphore, #tpu.memory_space<semaphore_mem>>) src(%dma_wait3A_878 : memref<512xf32, #tpu.memory_space<vmem>>) dst(%dma_wait3A_876 : memref<512xf32, #tpu.memory_space<hbm>>)
        %add3A_879 = arith.constant 3072 : i32
        %add3A_880 = arith.addi %add3A_879, %add3A_590 : i32
        %dma_wait3A_881 = arith.constant 1536 : i32
        %dma_wait3A_882 = tpu.memref_slice %arg17[%dma_wait3A_881] : memref<3072xf32, #tpu.memory_space<vmem>> -> memref<512xf32, #tpu.memory_space<vmem>>
        %dma_wait3A_883 = arith.constant 0 : i32
        %dma_wait3A_884 = tpu.memref_slice %arg5[%add3A_880, %dma_wait3A_883] : memref<6144x512xf32, #tpu.memory_space<hbm>> -> memref<1x512xf32, #tpu.memory_space<hbm>>
        %dma_wait3A_885 = tpu.memref_squeeze %dma_wait3A_884 : memref<1x512xf32, #tpu.memory_space<hbm>> -> memref<512xf32, #tpu.memory_space<hbm>>
        %dma_wait3A_886 = arith.constant 0 : i32
        %dma_wait3A_887 = tpu.memref_slice %arg5[%add3A_880, %dma_wait3A_886] : memref<6144x512xf32, #tpu.memory_space<hbm>> -> memref<1x512xf32, #tpu.memory_space<hbm>>
        %dma_wait3A_888 = tpu.memref_squeeze %dma_wait3A_887 : memref<1x512xf32, #tpu.memory_space<hbm>> -> memref<512xf32, #tpu.memory_space<hbm>>
        %dma_wait3A_889 = arith.constant 1536 : i32
        %dma_wait3A_890 = tpu.memref_slice %arg17[%dma_wait3A_889] : memref<3072xf32, #tpu.memory_space<vmem>> -> memref<512xf32, #tpu.memory_space<vmem>>
        tpu.wait_dma2 semaphore(%arg26 : memref<!tpu.dma_semaphore, #tpu.memory_space<semaphore_mem>>) src(%dma_wait3A_890 : memref<512xf32, #tpu.memory_space<vmem>>) dst(%dma_wait3A_888 : memref<512xf32, #tpu.memory_space<hbm>>)
        %add3A_891 = arith.constant 4096 : i32
        %add3A_892 = arith.addi %add3A_891, %add3A_590 : i32
        %dma_wait3A_893 = arith.constant 2048 : i32
        %dma_wait3A_894 = tpu.memref_slice %arg17[%dma_wait3A_893] : memref<3072xf32, #tpu.memory_space<vmem>> -> memref<512xf32, #tpu.memory_space<vmem>>
        %dma_wait3A_895 = arith.constant 0 : i32
        %dma_wait3A_896 = tpu.memref_slice %arg5[%add3A_892, %dma_wait3A_895] : memref<6144x512xf32, #tpu.memory_space<hbm>> -> memref<1x512xf32, #tpu.memory_space<hbm>>
        %dma_wait3A_897 = tpu.memref_squeeze %dma_wait3A_896 : memref<1x512xf32, #tpu.memory_space<hbm>> -> memref<512xf32, #tpu.memory_space<hbm>>
        %dma_wait3A_898 = arith.constant 0 : i32
        %dma_wait3A_899 = tpu.memref_slice %arg5[%add3A_892, %dma_wait3A_898] : memref<6144x512xf32, #tpu.memory_space<hbm>> -> memref<1x512xf32, #tpu.memory_space<hbm>>
        %dma_wait3A_900 = tpu.memref_squeeze %dma_wait3A_899 : memref<1x512xf32, #tpu.memory_space<hbm>> -> memref<512xf32, #tpu.memory_space<hbm>>
        %dma_wait3A_901 = arith.constant 2048 : i32
        %dma_wait3A_902 = tpu.memref_slice %arg17[%dma_wait3A_901] : memref<3072xf32, #tpu.memory_space<vmem>> -> memref<512xf32, #tpu.memory_space<vmem>>
        tpu.wait_dma2 semaphore(%arg26 : memref<!tpu.dma_semaphore, #tpu.memory_space<semaphore_mem>>) src(%dma_wait3A_902 : memref<512xf32, #tpu.memory_space<vmem>>) dst(%dma_wait3A_900 : memref<512xf32, #tpu.memory_space<hbm>>)
        %add3A_903 = arith.constant 5120 : i32
        %add3A_904 = arith.addi %add3A_903, %add3A_590 : i32
        %dma_wait3A_905 = arith.constant 2560 : i32
        %dma_wait3A_906 = tpu.memref_slice %arg17[%dma_wait3A_905] : memref<3072xf32, #tpu.memory_space<vmem>> -> memref<512xf32, #tpu.memory_space<vmem>>
        %dma_wait3A_907 = arith.constant 0 : i32
        %dma_wait3A_908 = tpu.memref_slice %arg5[%add3A_904, %dma_wait3A_907] : memref<6144x512xf32, #tpu.memory_space<hbm>> -> memref<1x512xf32, #tpu.memory_space<hbm>>
        %dma_wait3A_909 = tpu.memref_squeeze %dma_wait3A_908 : memref<1x512xf32, #tpu.memory_space<hbm>> -> memref<512xf32, #tpu.memory_space<hbm>>
        %dma_wait3A_910 = arith.constant 0 : i32
        %dma_wait3A_911 = tpu.memref_slice %arg5[%add3A_904, %dma_wait3A_910] : memref<6144x512xf32, #tpu.memory_space<hbm>> -> memref<1x512xf32, #tpu.memory_space<hbm>>
        %dma_wait3A_912 = tpu.memref_squeeze %dma_wait3A_911 : memref<1x512xf32, #tpu.memory_space<hbm>> -> memref<512xf32, #tpu.memory_space<hbm>>
        %dma_wait3A_913 = arith.constant 2560 : i32
        %dma_wait3A_914 = tpu.memref_slice %arg17[%dma_wait3A_913] : memref<3072xf32, #tpu.memory_space<vmem>> -> memref<512xf32, #tpu.memory_space<vmem>>
        tpu.wait_dma2 semaphore(%arg26 : memref<!tpu.dma_semaphore, #tpu.memory_space<semaphore_mem>>) src(%dma_wait3A_914 : memref<512xf32, #tpu.memory_space<vmem>>) dst(%dma_wait3A_912 : memref<512xf32, #tpu.memory_space<hbm>>)
        %dma_wait3A_915 = arith.constant 0 : i32
        %dma_wait3A_916 = tpu.memref_slice %arg6[%add3A_590, %dma_wait3A_915] : memref<1024x512xi32, #tpu.memory_space<hbm>> -> memref<1x512xi32, #tpu.memory_space<hbm>>
        %dma_wait3A_917 = tpu.memref_squeeze %dma_wait3A_916 : memref<1x512xi32, #tpu.memory_space<hbm>> -> memref<512xi32, #tpu.memory_space<hbm>>
        %dma_wait3A_918 = arith.constant 0 : i32
        %dma_wait3A_919 = tpu.memref_slice %arg6[%add3A_590, %dma_wait3A_918] : memref<1024x512xi32, #tpu.memory_space<hbm>> -> memref<1x512xi32, #tpu.memory_space<hbm>>
        %dma_wait3A_920 = tpu.memref_squeeze %dma_wait3A_919 : memref<1x512xi32, #tpu.memory_space<hbm>> -> memref<512xi32, #tpu.memory_space<hbm>>
        tpu.wait_dma2 semaphore(%arg26 : memref<!tpu.dma_semaphore, #tpu.memory_space<semaphore_mem>>) src(%arg19 : memref<512xi32, #tpu.memory_space<vmem>>) dst(%dma_wait3A_920 : memref<512xi32, #tpu.memory_space<hbm>>)
        %dma_wait3A_921 = arith.constant 0 : i32
        %dma_wait3A_922 = tpu.memref_slice %arg7[%add3A_590, %dma_wait3A_921] : memref<1024x512xi32, #tpu.memory_space<hbm>> -> memref<1x512xi32, #tpu.memory_space<hbm>>
        %dma_wait3A_923 = tpu.memref_squeeze %dma_wait3A_922 : memref<1x512xi32, #tpu.memory_space<hbm>> -> memref<512xi32, #tpu.memory_space<hbm>>
        %dma_wait3A_924 = arith.constant 0 : i32
        %dma_wait3A_925 = tpu.memref_slice %arg7[%add3A_590, %dma_wait3A_924] : memref<1024x512xi32, #tpu.memory_space<hbm>> -> memref<1x512xi32, #tpu.memory_space<hbm>>
        %dma_wait3A_926 = tpu.memref_squeeze %dma_wait3A_925 : memref<1x512xi32, #tpu.memory_space<hbm>> -> memref<512xi32, #tpu.memory_space<hbm>>
        tpu.wait_dma2 semaphore(%arg26 : memref<!tpu.dma_semaphore, #tpu.memory_space<semaphore_mem>>) src(%arg21 : memref<512xi32, #tpu.memory_space<vmem>>) dst(%dma_wait3A_926 : memref<512xi32, #tpu.memory_space<hbm>>)
      } else {
      }
      %ge3A_734 = arith.cmpi sge, %iota3A, %max3A_724 : vector<16xi32>
      %sub3A_735 = arith.subi %iota3A, %max3A_724 : vector<16xi32>
      %select_n3A_736 = arith.select %ge3A_734, %sub3A_735, %iota3A : vector<16xi1>, vector<16xi32>
      %ge3A_737 = arith.cmpi sge, %select_n3A_736, %max3A_724 : vector<16xi32>
      %sub3A_738 = arith.subi %select_n3A_736, %max3A_724 : vector<16xi32>
      %select_n3A_739 = arith.select %ge3A_737, %sub3A_738, %select_n3A_736 : vector<16xi1>, vector<16xi32>
      %ge3A_740 = arith.cmpi sge, %select_n3A_739, %max3A_724 : vector<16xi32>
      %sub3A_741 = arith.subi %select_n3A_739, %max3A_724 : vector<16xi32>
      %select_n3A_742 = arith.select %ge3A_740, %sub3A_741, %select_n3A_739 : vector<16xi1>, vector<16xi32>
      %scan3A_743 = arith.constant 0 : i32
      %scan3A_744 = arith.constant 8 : i32
      %scan3A_745 = arith.addi %scan3A_743, %scan3A_744 : i32
      %scan3A_746 = arith.constant 1 : i32
      %scan3A_747 = scf.for %scan3A_843 = %scan3A_743 to %scan3A_745 step %scan3A_746 iter_args(%scan3A_844 = %select_n3A_742) -> (vector<16xi32>)  : i32 {
        %mul3A_845 = arith.constant 4 : i32
        %mul3A_846 = arith.muli %scan3A_843, %mul3A_845 : i32
        %add3A_847 = arith.constant 0 : i32
        %add3A_848 = arith.addi %mul3A_846, %add3A_847 : i32
        %mul3A_849 = arith.constant 16 : i32
        %mul3A_850 = arith.muli %add3A_848, %mul3A_849 : i32
        %gather3A_851 = tpu.vector_load_idx %arg15[%scan3A_844] : memref<2064xi32, #tpu.memory_space<vmem>>[vector<16xi32>], vector<16xi32>,
        %gather3A_852 = tpu.vector_load_idx %arg14[%gather3A_851] : memref<6144xf32, #tpu.memory_space<vmem>>[vector<16xi32>], vector<16xf32>,
        %broadcast_in_dim3A_853 = arith.constant 2048 : i32
        %broadcast_in_dim3A_854 = vector.broadcast %broadcast_in_dim3A_853 : i32 to vector<16xi32>
        %add3A_855 = arith.addi %gather3A_851, %broadcast_in_dim3A_854 : vector<16xi32>
        %gather3A_856 = tpu.vector_load_idx %arg14[%add3A_855] : memref<6144xf32, #tpu.memory_space<vmem>>[vector<16xi32>], vector<16xf32>,
        %broadcast_in_dim3A_857 = arith.constant 4096 : i32
        %broadcast_in_dim3A_858 = vector.broadcast %broadcast_in_dim3A_857 : i32 to vector<16xi32>
        %add3A_859 = arith.addi %gather3A_851, %broadcast_in_dim3A_858 : vector<16xi32>
        %gather3A_860 = tpu.vector_load_idx %arg14[%add3A_859] : memref<6144xf32, #tpu.memory_space<vmem>>[vector<16xi32>], vector<16xf32>,
        %broadcast_in_dim3A_861 = arith.constant 6144 : i32
        %broadcast_in_dim3A_862 = vector.broadcast %broadcast_in_dim3A_861 : i32 to vector<16xi32>
        %add3A_863 = arith.addi %gather3A_851, %broadcast_in_dim3A_862 : vector<16xi32>
        %gather3A_864 = tpu.vector_load_idx %arg10[%add3A_863] : memref<12288xf32, #tpu.memory_space<vmem>>[vector<16xi32>], vector<16xf32>,
        %broadcast_in_dim3A_865 = arith.constant 8192 : i32
        %broadcast_in_dim3A_866 = vector.broadcast %broadcast_in_dim3A_865 : i32 to vector<16xi32>
        %add3A_867 = arith.addi %gather3A_851, %broadcast_in_dim3A_866 : vector<16xi32>
        %gather3A_868 = tpu.vector_load_idx %arg10[%add3A_867] : memref<12288xf32, #tpu.memory_space<vmem>>[vector<16xi32>], vector<16xf32>,
        %broadcast_in_dim3A_869 = arith.constant 10240 : i32
        %broadcast_in_dim3A_870 = vector.broadcast %broadcast_in_dim3A_869 : i32 to vector<16xi32>
        %add3A_871 = arith.addi %gather3A_851, %broadcast_in_dim3A_870 : vector<16xi32>
        %gather3A_872 = tpu.vector_load_idx %arg10[%add3A_871] : memref<12288xf32, #tpu.memory_space<vmem>>[vector<16xi32>], vector<16xf32>,
        %swap3A = arith.index_cast %mul3A_850 : i32 to index
        %swap3A_873 = tpu.vector_load %arg17[%swap3A] {strides = array<i32>} : memref<3072xf32, #tpu.memory_space<vmem>>, vector<16xf32>,
        tpu.vector_store %arg17[%swap3A], %gather3A_852 {strides = array<i32>} : memref<3072xf32, #tpu.memory_space<vmem>>, vector<16xf32>,
        %add3A_874 = arith.constant 512 : i32
        %add3A_875 = arith.addi %add3A_874, %mul3A_850 : i32
        %swap3A_876 = arith.index_cast %add3A_875 : i32 to index
        %swap3A_877 = tpu.vector_load %arg17[%swap3A_876] {strides = array<i32>} : memref<3072xf32, #tpu.memory_space<vmem>>, vector<16xf32>,
        tpu.vector_store %arg17[%swap3A_876], %gather3A_856 {strides = array<i32>} : memref<3072xf32, #tpu.memory_space<vmem>>, vector<16xf32>,
        %add3A_878 = arith.constant 1024 : i32
        %add3A_879 = arith.addi %add3A_878, %mul3A_850 : i32
        %swap3A_880 = arith.index_cast %add3A_879 : i32 to index
        %swap3A_881 = tpu.vector_load %arg17[%swap3A_880] {strides = array<i32>} : memref<3072xf32, #tpu.memory_space<vmem>>, vector<16xf32>,
        tpu.vector_store %arg17[%swap3A_880], %gather3A_860 {strides = array<i32>} : memref<3072xf32, #tpu.memory_space<vmem>>, vector<16xf32>,
        %add3A_882 = arith.constant 1536 : i32
        %add3A_883 = arith.addi %add3A_882, %mul3A_850 : i32
        %swap3A_884 = arith.index_cast %add3A_883 : i32 to index
        %swap3A_885 = tpu.vector_load %arg17[%swap3A_884] {strides = array<i32>} : memref<3072xf32, #tpu.memory_space<vmem>>, vector<16xf32>,
        tpu.vector_store %arg17[%swap3A_884], %gather3A_864 {strides = array<i32>} : memref<3072xf32, #tpu.memory_space<vmem>>, vector<16xf32>,
        %add3A_886 = arith.constant 2048 : i32
        %add3A_887 = arith.addi %add3A_886, %mul3A_850 : i32
        %swap3A_888 = arith.index_cast %add3A_887 : i32 to index
        %swap3A_889 = tpu.vector_load %arg17[%swap3A_888] {strides = array<i32>} : memref<3072xf32, #tpu.memory_space<vmem>>, vector<16xf32>,
        tpu.vector_store %arg17[%swap3A_888], %gather3A_868 {strides = array<i32>} : memref<3072xf32, #tpu.memory_space<vmem>>, vector<16xf32>,
        %add3A_890 = arith.constant 2560 : i32
        %add3A_891 = arith.addi %add3A_890, %mul3A_850 : i32
        %swap3A_892 = arith.index_cast %add3A_891 : i32 to index
        %swap3A_893 = tpu.vector_load %arg17[%swap3A_892] {strides = array<i32>} : memref<3072xf32, #tpu.memory_space<vmem>>, vector<16xf32>,
        tpu.vector_store %arg17[%swap3A_892], %gather3A_872 {strides = array<i32>} : memref<3072xf32, #tpu.memory_space<vmem>>, vector<16xf32>,
        %swap3A_894 = arith.index_cast %mul3A_850 : i32 to index
        %swap3A_895 = tpu.vector_load %arg19[%swap3A_894] {strides = array<i32>} : memref<512xi32, #tpu.memory_space<vmem>>, vector<16xi32>,
        tpu.vector_store %arg19[%swap3A_894], %gather3A_851 {strides = array<i32>} : memref<512xi32, #tpu.memory_space<vmem>>, vector<16xi32>,
        %gather3A_896 = tpu.vector_load_idx %arg12[%gather3A_851] : memref<2048xi32, #tpu.memory_space<vmem>>[vector<16xi32>], vector<16xi32>,
        %swap3A_897 = arith.index_cast %mul3A_850 : i32 to index
        %swap3A_898 = tpu.vector_load %arg21[%swap3A_897] {strides = array<i32>} : memref<512xi32, #tpu.memory_space<vmem>>, vector<16xi32>,
        tpu.vector_store %arg21[%swap3A_897], %gather3A_896 {strides = array<i32>} : memref<512xi32, #tpu.memory_space<vmem>>, vector<16xi32>,
        %add3A_899 = arith.constant 16 : i32
        %add3A_900 = vector.broadcast %add3A_899 : i32 to vector<16xi32>
        %add3A_901 = arith.addi %scan3A_844, %add3A_900 : vector<16xi32>
        %ge3A_902 = arith.cmpi sge, %add3A_901, %max3A_724 : vector<16xi32>
        %sub3A_903 = arith.subi %add3A_901, %max3A_724 : vector<16xi32>
        %select_n3A_904 = arith.select %ge3A_902, %sub3A_903, %add3A_901 : vector<16xi1>, vector<16xi32>
        %ge3A_905 = arith.cmpi sge, %select_n3A_904, %max3A_724 : vector<16xi32>
        %sub3A_906 = arith.subi %select_n3A_904, %max3A_724 : vector<16xi32>
        %select_n3A_907 = arith.select %ge3A_905, %sub3A_906, %select_n3A_904 : vector<16xi1>, vector<16xi32>
        %ge3A_908 = arith.cmpi sge, %select_n3A_907, %max3A_724 : vector<16xi32>
        %sub3A_909 = arith.subi %select_n3A_907, %max3A_724 : vector<16xi32>
        %select_n3A_910 = arith.select %ge3A_908, %sub3A_909, %select_n3A_907 : vector<16xi1>, vector<16xi32>
        %mul3A_911 = arith.constant 4 : i32
        %mul3A_912 = arith.muli %scan3A_843, %mul3A_911 : i32
        %add3A_913 = arith.constant 1 : i32
        %add3A_914 = arith.addi %mul3A_912, %add3A_913 : i32
        %mul3A_915 = arith.constant 16 : i32
        %mul3A_916 = arith.muli %add3A_914, %mul3A_915 : i32
        %gather3A_917 = tpu.vector_load_idx %arg15[%select_n3A_910] : memref<2064xi32, #tpu.memory_space<vmem>>[vector<16xi32>], vector<16xi32>,
        %gather3A_918 = tpu.vector_load_idx %arg14[%gather3A_917] : memref<6144xf32, #tpu.memory_space<vmem>>[vector<16xi32>], vector<16xf32>,
        %broadcast_in_dim3A_919 = arith.constant 2048 : i32
        %broadcast_in_dim3A_920 = vector.broadcast %broadcast_in_dim3A_919 : i32 to vector<16xi32>
        %add3A_921 = arith.addi %gather3A_917, %broadcast_in_dim3A_920 : vector<16xi32>
        %gather3A_922 = tpu.vector_load_idx %arg14[%add3A_921] : memref<6144xf32, #tpu.memory_space<vmem>>[vector<16xi32>], vector<16xf32>,
        %broadcast_in_dim3A_923 = arith.constant 4096 : i32
        %broadcast_in_dim3A_924 = vector.broadcast %broadcast_in_dim3A_923 : i32 to vector<16xi32>
        %add3A_925 = arith.addi %gather3A_917, %broadcast_in_dim3A_924 : vector<16xi32>
        %gather3A_926 = tpu.vector_load_idx %arg14[%add3A_925] : memref<6144xf32, #tpu.memory_space<vmem>>[vector<16xi32>], vector<16xf32>,
        %broadcast_in_dim3A_927 = arith.constant 6144 : i32
        %broadcast_in_dim3A_928 = vector.broadcast %broadcast_in_dim3A_927 : i32 to vector<16xi32>
        %add3A_929 = arith.addi %gather3A_917, %broadcast_in_dim3A_928 : vector<16xi32>
        %gather3A_930 = tpu.vector_load_idx %arg10[%add3A_929] : memref<12288xf32, #tpu.memory_space<vmem>>[vector<16xi32>], vector<16xf32>,
        %broadcast_in_dim3A_931 = arith.constant 8192 : i32
        %broadcast_in_dim3A_932 = vector.broadcast %broadcast_in_dim3A_931 : i32 to vector<16xi32>
        %add3A_933 = arith.addi %gather3A_917, %broadcast_in_dim3A_932 : vector<16xi32>
        %gather3A_934 = tpu.vector_load_idx %arg10[%add3A_933] : memref<12288xf32, #tpu.memory_space<vmem>>[vector<16xi32>], vector<16xf32>,
        %broadcast_in_dim3A_935 = arith.constant 10240 : i32
        %broadcast_in_dim3A_936 = vector.broadcast %broadcast_in_dim3A_935 : i32 to vector<16xi32>
        %add3A_937 = arith.addi %gather3A_917, %broadcast_in_dim3A_936 : vector<16xi32>
        %gather3A_938 = tpu.vector_load_idx %arg10[%add3A_937] : memref<12288xf32, #tpu.memory_space<vmem>>[vector<16xi32>], vector<16xf32>,
        %swap3A_939 = arith.index_cast %mul3A_916 : i32 to index
        %swap3A_940 = tpu.vector_load %arg17[%swap3A_939] {strides = array<i32>} : memref<3072xf32, #tpu.memory_space<vmem>>, vector<16xf32>,
        tpu.vector_store %arg17[%swap3A_939], %gather3A_918 {strides = array<i32>} : memref<3072xf32, #tpu.memory_space<vmem>>, vector<16xf32>,
        %add3A_941 = arith.constant 512 : i32
        %add3A_942 = arith.addi %add3A_941, %mul3A_916 : i32
        %swap3A_943 = arith.index_cast %add3A_942 : i32 to index
        %swap3A_944 = tpu.vector_load %arg17[%swap3A_943] {strides = array<i32>} : memref<3072xf32, #tpu.memory_space<vmem>>, vector<16xf32>,
        tpu.vector_store %arg17[%swap3A_943], %gather3A_922 {strides = array<i32>} : memref<3072xf32, #tpu.memory_space<vmem>>, vector<16xf32>,
        %add3A_945 = arith.constant 1024 : i32
        %add3A_946 = arith.addi %add3A_945, %mul3A_916 : i32
        %swap3A_947 = arith.index_cast %add3A_946 : i32 to index
        %swap3A_948 = tpu.vector_load %arg17[%swap3A_947] {strides = array<i32>} : memref<3072xf32, #tpu.memory_space<vmem>>, vector<16xf32>,
        tpu.vector_store %arg17[%swap3A_947], %gather3A_926 {strides = array<i32>} : memref<3072xf32, #tpu.memory_space<vmem>>, vector<16xf32>,
        %add3A_949 = arith.constant 1536 : i32
        %add3A_950 = arith.addi %add3A_949, %mul3A_916 : i32
        %swap3A_951 = arith.index_cast %add3A_950 : i32 to index
        %swap3A_952 = tpu.vector_load %arg17[%swap3A_951] {strides = array<i32>} : memref<3072xf32, #tpu.memory_space<vmem>>, vector<16xf32>,
        tpu.vector_store %arg17[%swap3A_951], %gather3A_930 {strides = array<i32>} : memref<3072xf32, #tpu.memory_space<vmem>>, vector<16xf32>,
        %add3A_953 = arith.constant 2048 : i32
        %add3A_954 = arith.addi %add3A_953, %mul3A_916 : i32
        %swap3A_955 = arith.index_cast %add3A_954 : i32 to index
        %swap3A_956 = tpu.vector_load %arg17[%swap3A_955] {strides = array<i32>} : memref<3072xf32, #tpu.memory_space<vmem>>, vector<16xf32>,
        tpu.vector_store %arg17[%swap3A_955], %gather3A_934 {strides = array<i32>} : memref<3072xf32, #tpu.memory_space<vmem>>, vector<16xf32>,
        %add3A_957 = arith.constant 2560 : i32
        %add3A_958 = arith.addi %add3A_957, %mul3A_916 : i32
        %swap3A_959 = arith.index_cast %add3A_958 : i32 to index
        %swap3A_960 = tpu.vector_load %arg17[%swap3A_959] {strides = array<i32>} : memref<3072xf32, #tpu.memory_space<vmem>>, vector<16xf32>,
        tpu.vector_store %arg17[%swap3A_959], %gather3A_938 {strides = array<i32>} : memref<3072xf32, #tpu.memory_space<vmem>>, vector<16xf32>,
        %swap3A_961 = arith.index_cast %mul3A_916 : i32 to index
        %swap3A_962 = tpu.vector_load %arg19[%swap3A_961] {strides = array<i32>} : memref<512xi32, #tpu.memory_space<vmem>>, vector<16xi32>,
        tpu.vector_store %arg19[%swap3A_961], %gather3A_917 {strides = array<i32>} : memref<512xi32, #tpu.memory_space<vmem>>, vector<16xi32>,
        %gather3A_963 = tpu.vector_load_idx %arg12[%gather3A_917] : memref<2048xi32, #tpu.memory_space<vmem>>[vector<16xi32>], vector<16xi32>,
        %swap3A_964 = arith.index_cast %mul3A_916 : i32 to index
        %swap3A_965 = tpu.vector_load %arg21[%swap3A_964] {strides = array<i32>} : memref<512xi32, #tpu.memory_space<vmem>>, vector<16xi32>,
        tpu.vector_store %arg21[%swap3A_964], %gather3A_963 {strides = array<i32>} : memref<512xi32, #tpu.memory_space<vmem>>, vector<16xi32>,
        %add3A_966 = arith.constant 16 : i32
        %add3A_967 = vector.broadcast %add3A_966 : i32 to vector<16xi32>
        %add3A_968 = arith.addi %select_n3A_910, %add3A_967 : vector<16xi32>
        %ge3A_969 = arith.cmpi sge, %add3A_968, %max3A_724 : vector<16xi32>
        %sub3A_970 = arith.subi %add3A_968, %max3A_724 : vector<16xi32>
        %select_n3A_971 = arith.select %ge3A_969, %sub3A_970, %add3A_968 : vector<16xi1>, vector<16xi32>
        %ge3A_972 = arith.cmpi sge, %select_n3A_971, %max3A_724 : vector<16xi32>
        %sub3A_973 = arith.subi %select_n3A_971, %max3A_724 : vector<16xi32>
        %select_n3A_974 = arith.select %ge3A_972, %sub3A_973, %select_n3A_971 : vector<16xi1>, vector<16xi32>
        %ge3A_975 = arith.cmpi sge, %select_n3A_974, %max3A_724 : vector<16xi32>
        %sub3A_976 = arith.subi %select_n3A_974, %max3A_724 : vector<16xi32>
        %select_n3A_977 = arith.select %ge3A_975, %sub3A_976, %select_n3A_974 : vector<16xi1>, vector<16xi32>
        %mul3A_978 = arith.constant 4 : i32
        %mul3A_979 = arith.muli %scan3A_843, %mul3A_978 : i32
        %add3A_980 = arith.constant 2 : i32
        %add3A_981 = arith.addi %mul3A_979, %add3A_980 : i32
        %mul3A_982 = arith.constant 16 : i32
        %mul3A_983 = arith.muli %add3A_981, %mul3A_982 : i32
        %gather3A_984 = tpu.vector_load_idx %arg15[%select_n3A_977] : memref<2064xi32, #tpu.memory_space<vmem>>[vector<16xi32>], vector<16xi32>,
        %gather3A_985 = tpu.vector_load_idx %arg14[%gather3A_984] : memref<6144xf32, #tpu.memory_space<vmem>>[vector<16xi32>], vector<16xf32>,
        %broadcast_in_dim3A_986 = arith.constant 2048 : i32
        %broadcast_in_dim3A_987 = vector.broadcast %broadcast_in_dim3A_986 : i32 to vector<16xi32>
        %add3A_988 = arith.addi %gather3A_984, %broadcast_in_dim3A_987 : vector<16xi32>
        %gather3A_989 = tpu.vector_load_idx %arg14[%add3A_988] : memref<6144xf32, #tpu.memory_space<vmem>>[vector<16xi32>], vector<16xf32>,
        %broadcast_in_dim3A_990 = arith.constant 4096 : i32
        %broadcast_in_dim3A_991 = vector.broadcast %broadcast_in_dim3A_990 : i32 to vector<16xi32>
        %add3A_992 = arith.addi %gather3A_984, %broadcast_in_dim3A_991 : vector<16xi32>
        %gather3A_993 = tpu.vector_load_idx %arg14[%add3A_992] : memref<6144xf32, #tpu.memory_space<vmem>>[vector<16xi32>], vector<16xf32>,
        %broadcast_in_dim3A_994 = arith.constant 6144 : i32
        %broadcast_in_dim3A_995 = vector.broadcast %broadcast_in_dim3A_994 : i32 to vector<16xi32>
        %add3A_996 = arith.addi %gather3A_984, %broadcast_in_dim3A_995 : vector<16xi32>
        %gather3A_997 = tpu.vector_load_idx %arg10[%add3A_996] : memref<12288xf32, #tpu.memory_space<vmem>>[vector<16xi32>], vector<16xf32>,
        %broadcast_in_dim3A_998 = arith.constant 8192 : i32
        %broadcast_in_dim3A_999 = vector.broadcast %broadcast_in_dim3A_998 : i32 to vector<16xi32>
        %add3A_1000 = arith.addi %gather3A_984, %broadcast_in_dim3A_999 : vector<16xi32>
        %gather3A_1001 = tpu.vector_load_idx %arg10[%add3A_1000] : memref<12288xf32, #tpu.memory_space<vmem>>[vector<16xi32>], vector<16xf32>,
        %broadcast_in_dim3A_1002 = arith.constant 10240 : i32
        %broadcast_in_dim3A_1003 = vector.broadcast %broadcast_in_dim3A_1002 : i32 to vector<16xi32>
        %add3A_1004 = arith.addi %gather3A_984, %broadcast_in_dim3A_1003 : vector<16xi32>
        %gather3A_1005 = tpu.vector_load_idx %arg10[%add3A_1004] : memref<12288xf32, #tpu.memory_space<vmem>>[vector<16xi32>], vector<16xf32>,
        %swap3A_1006 = arith.index_cast %mul3A_983 : i32 to index
        %swap3A_1007 = tpu.vector_load %arg17[%swap3A_1006] {strides = array<i32>} : memref<3072xf32, #tpu.memory_space<vmem>>, vector<16xf32>,
        tpu.vector_store %arg17[%swap3A_1006], %gather3A_985 {strides = array<i32>} : memref<3072xf32, #tpu.memory_space<vmem>>, vector<16xf32>,
        %add3A_1008 = arith.constant 512 : i32
        %add3A_1009 = arith.addi %add3A_1008, %mul3A_983 : i32
        %swap3A_1010 = arith.index_cast %add3A_1009 : i32 to index
        %swap3A_1011 = tpu.vector_load %arg17[%swap3A_1010] {strides = array<i32>} : memref<3072xf32, #tpu.memory_space<vmem>>, vector<16xf32>,
        tpu.vector_store %arg17[%swap3A_1010], %gather3A_989 {strides = array<i32>} : memref<3072xf32, #tpu.memory_space<vmem>>, vector<16xf32>,
        %add3A_1012 = arith.constant 1024 : i32
        %add3A_1013 = arith.addi %add3A_1012, %mul3A_983 : i32
        %swap3A_1014 = arith.index_cast %add3A_1013 : i32 to index
        %swap3A_1015 = tpu.vector_load %arg17[%swap3A_1014] {strides = array<i32>} : memref<3072xf32, #tpu.memory_space<vmem>>, vector<16xf32>,
        tpu.vector_store %arg17[%swap3A_1014], %gather3A_993 {strides = array<i32>} : memref<3072xf32, #tpu.memory_space<vmem>>, vector<16xf32>,
        %add3A_1016 = arith.constant 1536 : i32
        %add3A_1017 = arith.addi %add3A_1016, %mul3A_983 : i32
        %swap3A_1018 = arith.index_cast %add3A_1017 : i32 to index
        %swap3A_1019 = tpu.vector_load %arg17[%swap3A_1018] {strides = array<i32>} : memref<3072xf32, #tpu.memory_space<vmem>>, vector<16xf32>,
        tpu.vector_store %arg17[%swap3A_1018], %gather3A_997 {strides = array<i32>} : memref<3072xf32, #tpu.memory_space<vmem>>, vector<16xf32>,
        %add3A_1020 = arith.constant 2048 : i32
        %add3A_1021 = arith.addi %add3A_1020, %mul3A_983 : i32
        %swap3A_1022 = arith.index_cast %add3A_1021 : i32 to index
        %swap3A_1023 = tpu.vector_load %arg17[%swap3A_1022] {strides = array<i32>} : memref<3072xf32, #tpu.memory_space<vmem>>, vector<16xf32>,
        tpu.vector_store %arg17[%swap3A_1022], %gather3A_1001 {strides = array<i32>} : memref<3072xf32, #tpu.memory_space<vmem>>, vector<16xf32>,
        %add3A_1024 = arith.constant 2560 : i32
        %add3A_1025 = arith.addi %add3A_1024, %mul3A_983 : i32
        %swap3A_1026 = arith.index_cast %add3A_1025 : i32 to index
        %swap3A_1027 = tpu.vector_load %arg17[%swap3A_1026] {strides = array<i32>} : memref<3072xf32, #tpu.memory_space<vmem>>, vector<16xf32>,
        tpu.vector_store %arg17[%swap3A_1026], %gather3A_1005 {strides = array<i32>} : memref<3072xf32, #tpu.memory_space<vmem>>, vector<16xf32>,
        %swap3A_1028 = arith.index_cast %mul3A_983 : i32 to index
        %swap3A_1029 = tpu.vector_load %arg19[%swap3A_1028] {strides = array<i32>} : memref<512xi32, #tpu.memory_space<vmem>>, vector<16xi32>,
        tpu.vector_store %arg19[%swap3A_1028], %gather3A_984 {strides = array<i32>} : memref<512xi32, #tpu.memory_space<vmem>>, vector<16xi32>,
        %gather3A_1030 = tpu.vector_load_idx %arg12[%gather3A_984] : memref<2048xi32, #tpu.memory_space<vmem>>[vector<16xi32>], vector<16xi32>,
        %swap3A_1031 = arith.index_cast %mul3A_983 : i32 to index
        %swap3A_1032 = tpu.vector_load %arg21[%swap3A_1031] {strides = array<i32>} : memref<512xi32, #tpu.memory_space<vmem>>, vector<16xi32>,
        tpu.vector_store %arg21[%swap3A_1031], %gather3A_1030 {strides = array<i32>} : memref<512xi32, #tpu.memory_space<vmem>>, vector<16xi32>,
        %add3A_1033 = arith.constant 16 : i32
        %add3A_1034 = vector.broadcast %add3A_1033 : i32 to vector<16xi32>
        %add3A_1035 = arith.addi %select_n3A_977, %add3A_1034 : vector<16xi32>
        %ge3A_1036 = arith.cmpi sge, %add3A_1035, %max3A_724 : vector<16xi32>
        %sub3A_1037 = arith.subi %add3A_1035, %max3A_724 : vector<16xi32>
        %select_n3A_1038 = arith.select %ge3A_1036, %sub3A_1037, %add3A_1035 : vector<16xi1>, vector<16xi32>
        %ge3A_1039 = arith.cmpi sge, %select_n3A_1038, %max3A_724 : vector<16xi32>
        %sub3A_1040 = arith.subi %select_n3A_1038, %max3A_724 : vector<16xi32>
        %select_n3A_1041 = arith.select %ge3A_1039, %sub3A_1040, %select_n3A_1038 : vector<16xi1>, vector<16xi32>
        %ge3A_1042 = arith.cmpi sge, %select_n3A_1041, %max3A_724 : vector<16xi32>
        %sub3A_1043 = arith.subi %select_n3A_1041, %max3A_724 : vector<16xi32>
        %select_n3A_1044 = arith.select %ge3A_1042, %sub3A_1043, %select_n3A_1041 : vector<16xi1>, vector<16xi32>
        %mul3A_1045 = arith.constant 4 : i32
        %mul3A_1046 = arith.muli %scan3A_843, %mul3A_1045 : i32
        %add3A_1047 = arith.constant 3 : i32
        %add3A_1048 = arith.addi %mul3A_1046, %add3A_1047 : i32
        %mul3A_1049 = arith.constant 16 : i32
        %mul3A_1050 = arith.muli %add3A_1048, %mul3A_1049 : i32
        %gather3A_1051 = tpu.vector_load_idx %arg15[%select_n3A_1044] : memref<2064xi32, #tpu.memory_space<vmem>>[vector<16xi32>], vector<16xi32>,
        %gather3A_1052 = tpu.vector_load_idx %arg14[%gather3A_1051] : memref<6144xf32, #tpu.memory_space<vmem>>[vector<16xi32>], vector<16xf32>,
        %broadcast_in_dim3A_1053 = arith.constant 2048 : i32
        %broadcast_in_dim3A_1054 = vector.broadcast %broadcast_in_dim3A_1053 : i32 to vector<16xi32>
        %add3A_1055 = arith.addi %gather3A_1051, %broadcast_in_dim3A_1054 : vector<16xi32>
        %gather3A_1056 = tpu.vector_load_idx %arg14[%add3A_1055] : memref<6144xf32, #tpu.memory_space<vmem>>[vector<16xi32>], vector<16xf32>,
        %broadcast_in_dim3A_1057 = arith.constant 4096 : i32
        %broadcast_in_dim3A_1058 = vector.broadcast %broadcast_in_dim3A_1057 : i32 to vector<16xi32>
        %add3A_1059 = arith.addi %gather3A_1051, %broadcast_in_dim3A_1058 : vector<16xi32>
        %gather3A_1060 = tpu.vector_load_idx %arg14[%add3A_1059] : memref<6144xf32, #tpu.memory_space<vmem>>[vector<16xi32>], vector<16xf32>,
        %broadcast_in_dim3A_1061 = arith.constant 6144 : i32
        %broadcast_in_dim3A_1062 = vector.broadcast %broadcast_in_dim3A_1061 : i32 to vector<16xi32>
        %add3A_1063 = arith.addi %gather3A_1051, %broadcast_in_dim3A_1062 : vector<16xi32>
        %gather3A_1064 = tpu.vector_load_idx %arg10[%add3A_1063] : memref<12288xf32, #tpu.memory_space<vmem>>[vector<16xi32>], vector<16xf32>,
        %broadcast_in_dim3A_1065 = arith.constant 8192 : i32
        %broadcast_in_dim3A_1066 = vector.broadcast %broadcast_in_dim3A_1065 : i32 to vector<16xi32>
        %add3A_1067 = arith.addi %gather3A_1051, %broadcast_in_dim3A_1066 : vector<16xi32>
        %gather3A_1068 = tpu.vector_load_idx %arg10[%add3A_1067] : memref<12288xf32, #tpu.memory_space<vmem>>[vector<16xi32>], vector<16xf32>,
        %broadcast_in_dim3A_1069 = arith.constant 10240 : i32
        %broadcast_in_dim3A_1070 = vector.broadcast %broadcast_in_dim3A_1069 : i32 to vector<16xi32>
        %add3A_1071 = arith.addi %gather3A_1051, %broadcast_in_dim3A_1070 : vector<16xi32>
        %gather3A_1072 = tpu.vector_load_idx %arg10[%add3A_1071] : memref<12288xf32, #tpu.memory_space<vmem>>[vector<16xi32>], vector<16xf32>,
        %swap3A_1073 = arith.index_cast %mul3A_1050 : i32 to index
        %swap3A_1074 = tpu.vector_load %arg17[%swap3A_1073] {strides = array<i32>} : memref<3072xf32, #tpu.memory_space<vmem>>, vector<16xf32>,
        tpu.vector_store %arg17[%swap3A_1073], %gather3A_1052 {strides = array<i32>} : memref<3072xf32, #tpu.memory_space<vmem>>, vector<16xf32>,
        %add3A_1075 = arith.constant 512 : i32
        %add3A_1076 = arith.addi %add3A_1075, %mul3A_1050 : i32
        %swap3A_1077 = arith.index_cast %add3A_1076 : i32 to index
        %swap3A_1078 = tpu.vector_load %arg17[%swap3A_1077] {strides = array<i32>} : memref<3072xf32, #tpu.memory_space<vmem>>, vector<16xf32>,
        tpu.vector_store %arg17[%swap3A_1077], %gather3A_1056 {strides = array<i32>} : memref<3072xf32, #tpu.memory_space<vmem>>, vector<16xf32>,
        %add3A_1079 = arith.constant 1024 : i32
        %add3A_1080 = arith.addi %add3A_1079, %mul3A_1050 : i32
        %swap3A_1081 = arith.index_cast %add3A_1080 : i32 to index
        %swap3A_1082 = tpu.vector_load %arg17[%swap3A_1081] {strides = array<i32>} : memref<3072xf32, #tpu.memory_space<vmem>>, vector<16xf32>,
        tpu.vector_store %arg17[%swap3A_1081], %gather3A_1060 {strides = array<i32>} : memref<3072xf32, #tpu.memory_space<vmem>>, vector<16xf32>,
        %add3A_1083 = arith.constant 1536 : i32
        %add3A_1084 = arith.addi %add3A_1083, %mul3A_1050 : i32
        %swap3A_1085 = arith.index_cast %add3A_1084 : i32 to index
        %swap3A_1086 = tpu.vector_load %arg17[%swap3A_1085] {strides = array<i32>} : memref<3072xf32, #tpu.memory_space<vmem>>, vector<16xf32>,
        tpu.vector_store %arg17[%swap3A_1085], %gather3A_1064 {strides = array<i32>} : memref<3072xf32, #tpu.memory_space<vmem>>, vector<16xf32>,
        %add3A_1087 = arith.constant 2048 : i32
        %add3A_1088 = arith.addi %add3A_1087, %mul3A_1050 : i32
        %swap3A_1089 = arith.index_cast %add3A_1088 : i32 to index
        %swap3A_1090 = tpu.vector_load %arg17[%swap3A_1089] {strides = array<i32>} : memref<3072xf32, #tpu.memory_space<vmem>>, vector<16xf32>,
        tpu.vector_store %arg17[%swap3A_1089], %gather3A_1068 {strides = array<i32>} : memref<3072xf32, #tpu.memory_space<vmem>>, vector<16xf32>,
        %add3A_1091 = arith.constant 2560 : i32
        %add3A_1092 = arith.addi %add3A_1091, %mul3A_1050 : i32
        %swap3A_1093 = arith.index_cast %add3A_1092 : i32 to index
        %swap3A_1094 = tpu.vector_load %arg17[%swap3A_1093] {strides = array<i32>} : memref<3072xf32, #tpu.memory_space<vmem>>, vector<16xf32>,
        tpu.vector_store %arg17[%swap3A_1093], %gather3A_1072 {strides = array<i32>} : memref<3072xf32, #tpu.memory_space<vmem>>, vector<16xf32>,
        %swap3A_1095 = arith.index_cast %mul3A_1050 : i32 to index
        %swap3A_1096 = tpu.vector_load %arg19[%swap3A_1095] {strides = array<i32>} : memref<512xi32, #tpu.memory_space<vmem>>, vector<16xi32>,
        tpu.vector_store %arg19[%swap3A_1095], %gather3A_1051 {strides = array<i32>} : memref<512xi32, #tpu.memory_space<vmem>>, vector<16xi32>,
        %gather3A_1097 = tpu.vector_load_idx %arg12[%gather3A_1051] : memref<2048xi32, #tpu.memory_space<vmem>>[vector<16xi32>], vector<16xi32>,
        %swap3A_1098 = arith.index_cast %mul3A_1050 : i32 to index
        %swap3A_1099 = tpu.vector_load %arg21[%swap3A_1098] {strides = array<i32>} : memref<512xi32, #tpu.memory_space<vmem>>, vector<16xi32>,
        tpu.vector_store %arg21[%swap3A_1098], %gather3A_1097 {strides = array<i32>} : memref<512xi32, #tpu.memory_space<vmem>>, vector<16xi32>,
        %add3A_1100 = arith.constant 16 : i32
        %add3A_1101 = vector.broadcast %add3A_1100 : i32 to vector<16xi32>
        %add3A_1102 = arith.addi %select_n3A_1044, %add3A_1101 : vector<16xi32>
        %ge3A_1103 = arith.cmpi sge, %add3A_1102, %max3A_724 : vector<16xi32>
        %sub3A_1104 = arith.subi %add3A_1102, %max3A_724 : vector<16xi32>
        %select_n3A_1105 = arith.select %ge3A_1103, %sub3A_1104, %add3A_1102 : vector<16xi1>, vector<16xi32>
        %ge3A_1106 = arith.cmpi sge, %select_n3A_1105, %max3A_724 : vector<16xi32>
        %sub3A_1107 = arith.subi %select_n3A_1105, %max3A_724 : vector<16xi32>
        %select_n3A_1108 = arith.select %ge3A_1106, %sub3A_1107, %select_n3A_1105 : vector<16xi1>, vector<16xi32>
        %ge3A_1109 = arith.cmpi sge, %select_n3A_1108, %max3A_724 : vector<16xi32>
        %sub3A_1110 = arith.subi %select_n3A_1108, %max3A_724 : vector<16xi32>
        %select_n3A_1111 = arith.select %ge3A_1109, %sub3A_1110, %select_n3A_1108 : vector<16xi1>, vector<16xi32>
        scf.yield %select_n3A_1111 : vector<16xi32>
      }
      %scan3A_748 = arith.constant 8 : i32
      %le3A_749 = arith.constant 5 : i32
      %le3A_750 = arith.cmpi sle, %scan3A_711, %le3A_749 : i32
      %convert_element_type3A_751 = arith.extui %le3A_750 : i1 to i32
      %cond3A_752 = arith.constant 0 : i32
      %cond3A_753 = arith.cmpi ne, %convert_element_type3A_751, %cond3A_752 : i32
      scf.if %cond3A_753 {
        %scan3A_843 = arith.constant 0 : i32
        %scan3A_844 = arith.constant 0 : i32
        %scan3A_845 = arith.constant 32 : i32
        %scan3A_846 = arith.addi %scan3A_844, %scan3A_845 : i32
        %scan3A_847 = arith.constant 1 : i32
        scf.for %scan3A_849 = %scan3A_844 to %scan3A_846 step %scan3A_847  : i32 {
          %mul3A_850 = arith.constant 16 : i32
          %mul3A_851 = arith.muli %scan3A_849, %mul3A_850 : i32
          %add3A_852 = arith.constant 0 : i32
          %add3A_853 = arith.addi %add3A_852, %mul3A_851 : i32
          %swap3A = arith.index_cast %add3A_853 : i32 to index
          %swap3A_854 = tpu.vector_load %arg17[%swap3A] {strides = array<i32>} : memref<3072xf32, #tpu.memory_space<vmem>>, vector<16xf32>,
          tpu.vector_store %arg17[%swap3A], %broadcast_in_dim3A_726 {strides = array<i32>} : memref<3072xf32, #tpu.memory_space<vmem>>, vector<16xf32>,
          %add3A_855 = arith.constant 512 : i32
          %add3A_856 = arith.addi %add3A_855, %mul3A_851 : i32
          %swap3A_857 = arith.index_cast %add3A_856 : i32 to index
          %swap3A_858 = tpu.vector_load %arg17[%swap3A_857] {strides = array<i32>} : memref<3072xf32, #tpu.memory_space<vmem>>, vector<16xf32>,
          tpu.vector_store %arg17[%swap3A_857], %broadcast_in_dim3A_726 {strides = array<i32>} : memref<3072xf32, #tpu.memory_space<vmem>>, vector<16xf32>,
          %add3A_859 = arith.constant 1024 : i32
          %add3A_860 = arith.addi %add3A_859, %mul3A_851 : i32
          %swap3A_861 = arith.index_cast %add3A_860 : i32 to index
          %swap3A_862 = tpu.vector_load %arg17[%swap3A_861] {strides = array<i32>} : memref<3072xf32, #tpu.memory_space<vmem>>, vector<16xf32>,
          tpu.vector_store %arg17[%swap3A_861], %broadcast_in_dim3A_726 {strides = array<i32>} : memref<3072xf32, #tpu.memory_space<vmem>>, vector<16xf32>,
          %add3A_863 = arith.constant 1536 : i32
          %add3A_864 = arith.addi %add3A_863, %mul3A_851 : i32
          %swap3A_865 = arith.index_cast %add3A_864 : i32 to index
          %swap3A_866 = tpu.vector_load %arg17[%swap3A_865] {strides = array<i32>} : memref<3072xf32, #tpu.memory_space<vmem>>, vector<16xf32>,
          tpu.vector_store %arg17[%swap3A_865], %broadcast_in_dim3A_726 {strides = array<i32>} : memref<3072xf32, #tpu.memory_space<vmem>>, vector<16xf32>,
          %add3A_867 = arith.constant 2048 : i32
          %add3A_868 = arith.addi %add3A_867, %mul3A_851 : i32
          %swap3A_869 = arith.index_cast %add3A_868 : i32 to index
          %swap3A_870 = tpu.vector_load %arg17[%swap3A_869] {strides = array<i32>} : memref<3072xf32, #tpu.memory_space<vmem>>, vector<16xf32>,
          tpu.vector_store %arg17[%swap3A_869], %broadcast_in_dim3A_726 {strides = array<i32>} : memref<3072xf32, #tpu.memory_space<vmem>>, vector<16xf32>,
          %add3A_871 = arith.constant 2560 : i32
          %add3A_872 = arith.addi %add3A_871, %mul3A_851 : i32
          %swap3A_873 = arith.index_cast %add3A_872 : i32 to index
          %swap3A_874 = tpu.vector_load %arg17[%swap3A_873] {strides = array<i32>} : memref<3072xf32, #tpu.memory_space<vmem>>, vector<16xf32>,
          tpu.vector_store %arg17[%swap3A_873], %broadcast_in_dim3A_726 {strides = array<i32>} : memref<3072xf32, #tpu.memory_space<vmem>>, vector<16xf32>,
          %swap3A_875 = arith.index_cast %mul3A_851 : i32 to index
          %swap3A_876 = tpu.vector_load %arg19[%swap3A_875] {strides = array<i32>} : memref<512xi32, #tpu.memory_space<vmem>>, vector<16xi32>,
          tpu.vector_store %arg19[%swap3A_875], %broadcast_in_dim3A_728 {strides = array<i32>} : memref<512xi32, #tpu.memory_space<vmem>>, vector<16xi32>,
          %swap3A_877 = arith.index_cast %mul3A_851 : i32 to index
          %swap3A_878 = tpu.vector_load %arg21[%swap3A_877] {strides = array<i32>} : memref<512xi32, #tpu.memory_space<vmem>>, vector<16xi32>,
          tpu.vector_store %arg21[%swap3A_877], %broadcast_in_dim3A_728 {strides = array<i32>} : memref<512xi32, #tpu.memory_space<vmem>>, vector<16xi32>,
        }
        %scan3A_848 = arith.constant 32 : i32
      } else {
      }
      %add3A_754 = arith.constant 0 : i32
      %add3A_755 = arith.addi %add3A_754, %add3A_590 : i32
      %dma_start3A_756 = arith.constant 0 : i32
      %dma_start3A_757 = tpu.memref_slice %arg17[%dma_start3A_756] : memref<3072xf32, #tpu.memory_space<vmem>> -> memref<512xf32, #tpu.memory_space<vmem>>
      %dma_start3A_758 = arith.constant 0 : i32
      %dma_start3A_759 = tpu.memref_slice %arg5[%add3A_755, %dma_start3A_758] : memref<6144x512xf32, #tpu.memory_space<hbm>> -> memref<1x512xf32, #tpu.memory_space<hbm>>
      %dma_start3A_760 = tpu.memref_squeeze %dma_start3A_759 : memref<1x512xf32, #tpu.memory_space<hbm>> -> memref<512xf32, #tpu.memory_space<hbm>>
      %dma_start3A_761 = arith.constant 0 : i32
      %dma_start3A_762 = tpu.memref_slice %arg5[%add3A_755, %dma_start3A_761] : memref<6144x512xf32, #tpu.memory_space<hbm>> -> memref<1x512xf32, #tpu.memory_space<hbm>>
      %dma_start3A_763 = tpu.memref_squeeze %dma_start3A_762 : memref<1x512xf32, #tpu.memory_space<hbm>> -> memref<512xf32, #tpu.memory_space<hbm>>
      %dma_start3A_764 = arith.constant 0 : i32
      %dma_start3A_765 = tpu.memref_slice %arg17[%dma_start3A_764] : memref<3072xf32, #tpu.memory_space<vmem>> -> memref<512xf32, #tpu.memory_space<vmem>>
      tpu.enqueue_dma source(%dma_start3A_765 : memref<512xf32, #tpu.memory_space<vmem>>) target(%dma_start3A_763 : memref<512xf32, #tpu.memory_space<hbm>>) target_semaphore(%arg26 : memref<!tpu.dma_semaphore, #tpu.memory_space<semaphore_mem>>)
      %add3A_766 = arith.constant 1024 : i32
      %add3A_767 = arith.addi %add3A_766, %add3A_590 : i32
      %dma_start3A_768 = arith.constant 512 : i32
      %dma_start3A_769 = tpu.memref_slice %arg17[%dma_start3A_768] : memref<3072xf32, #tpu.memory_space<vmem>> -> memref<512xf32, #tpu.memory_space<vmem>>
      %dma_start3A_770 = arith.constant 0 : i32
      %dma_start3A_771 = tpu.memref_slice %arg5[%add3A_767, %dma_start3A_770] : memref<6144x512xf32, #tpu.memory_space<hbm>> -> memref<1x512xf32, #tpu.memory_space<hbm>>
      %dma_start3A_772 = tpu.memref_squeeze %dma_start3A_771 : memref<1x512xf32, #tpu.memory_space<hbm>> -> memref<512xf32, #tpu.memory_space<hbm>>
      %dma_start3A_773 = arith.constant 0 : i32
      %dma_start3A_774 = tpu.memref_slice %arg5[%add3A_767, %dma_start3A_773] : memref<6144x512xf32, #tpu.memory_space<hbm>> -> memref<1x512xf32, #tpu.memory_space<hbm>>
      %dma_start3A_775 = tpu.memref_squeeze %dma_start3A_774 : memref<1x512xf32, #tpu.memory_space<hbm>> -> memref<512xf32, #tpu.memory_space<hbm>>
      %dma_start3A_776 = arith.constant 512 : i32
      %dma_start3A_777 = tpu.memref_slice %arg17[%dma_start3A_776] : memref<3072xf32, #tpu.memory_space<vmem>> -> memref<512xf32, #tpu.memory_space<vmem>>
      tpu.enqueue_dma source(%dma_start3A_777 : memref<512xf32, #tpu.memory_space<vmem>>) target(%dma_start3A_775 : memref<512xf32, #tpu.memory_space<hbm>>) target_semaphore(%arg26 : memref<!tpu.dma_semaphore, #tpu.memory_space<semaphore_mem>>)
      %add3A_778 = arith.constant 2048 : i32
      %add3A_779 = arith.addi %add3A_778, %add3A_590 : i32
      %dma_start3A_780 = arith.constant 1024 : i32
      %dma_start3A_781 = tpu.memref_slice %arg17[%dma_start3A_780] : memref<3072xf32, #tpu.memory_space<vmem>> -> memref<512xf32, #tpu.memory_space<vmem>>
      %dma_start3A_782 = arith.constant 0 : i32
      %dma_start3A_783 = tpu.memref_slice %arg5[%add3A_779, %dma_start3A_782] : memref<6144x512xf32, #tpu.memory_space<hbm>> -> memref<1x512xf32, #tpu.memory_space<hbm>>
      %dma_start3A_784 = tpu.memref_squeeze %dma_start3A_783 : memref<1x512xf32, #tpu.memory_space<hbm>> -> memref<512xf32, #tpu.memory_space<hbm>>
      %dma_start3A_785 = arith.constant 0 : i32
      %dma_start3A_786 = tpu.memref_slice %arg5[%add3A_779, %dma_start3A_785] : memref<6144x512xf32, #tpu.memory_space<hbm>> -> memref<1x512xf32, #tpu.memory_space<hbm>>
      %dma_start3A_787 = tpu.memref_squeeze %dma_start3A_786 : memref<1x512xf32, #tpu.memory_space<hbm>> -> memref<512xf32, #tpu.memory_space<hbm>>
      %dma_start3A_788 = arith.constant 1024 : i32
      %dma_start3A_789 = tpu.memref_slice %arg17[%dma_start3A_788] : memref<3072xf32, #tpu.memory_space<vmem>> -> memref<512xf32, #tpu.memory_space<vmem>>
      tpu.enqueue_dma source(%dma_start3A_789 : memref<512xf32, #tpu.memory_space<vmem>>) target(%dma_start3A_787 : memref<512xf32, #tpu.memory_space<hbm>>) target_semaphore(%arg26 : memref<!tpu.dma_semaphore, #tpu.memory_space<semaphore_mem>>)
      %add3A_790 = arith.constant 3072 : i32
      %add3A_791 = arith.addi %add3A_790, %add3A_590 : i32
      %dma_start3A_792 = arith.constant 1536 : i32
      %dma_start3A_793 = tpu.memref_slice %arg17[%dma_start3A_792] : memref<3072xf32, #tpu.memory_space<vmem>> -> memref<512xf32, #tpu.memory_space<vmem>>
      %dma_start3A_794 = arith.constant 0 : i32
      %dma_start3A_795 = tpu.memref_slice %arg5[%add3A_791, %dma_start3A_794] : memref<6144x512xf32, #tpu.memory_space<hbm>> -> memref<1x512xf32, #tpu.memory_space<hbm>>
      %dma_start3A_796 = tpu.memref_squeeze %dma_start3A_795 : memref<1x512xf32, #tpu.memory_space<hbm>> -> memref<512xf32, #tpu.memory_space<hbm>>
      %dma_start3A_797 = arith.constant 0 : i32
      %dma_start3A_798 = tpu.memref_slice %arg5[%add3A_791, %dma_start3A_797] : memref<6144x512xf32, #tpu.memory_space<hbm>> -> memref<1x512xf32, #tpu.memory_space<hbm>>
      %dma_start3A_799 = tpu.memref_squeeze %dma_start3A_798 : memref<1x512xf32, #tpu.memory_space<hbm>> -> memref<512xf32, #tpu.memory_space<hbm>>
      %dma_start3A_800 = arith.constant 1536 : i32
      %dma_start3A_801 = tpu.memref_slice %arg17[%dma_start3A_800] : memref<3072xf32, #tpu.memory_space<vmem>> -> memref<512xf32, #tpu.memory_space<vmem>>
      tpu.enqueue_dma source(%dma_start3A_801 : memref<512xf32, #tpu.memory_space<vmem>>) target(%dma_start3A_799 : memref<512xf32, #tpu.memory_space<hbm>>) target_semaphore(%arg26 : memref<!tpu.dma_semaphore, #tpu.memory_space<semaphore_mem>>)
      %add3A_802 = arith.constant 4096 : i32
      %add3A_803 = arith.addi %add3A_802, %add3A_590 : i32
      %dma_start3A_804 = arith.constant 2048 : i32
      %dma_start3A_805 = tpu.memref_slice %arg17[%dma_start3A_804] : memref<3072xf32, #tpu.memory_space<vmem>> -> memref<512xf32, #tpu.memory_space<vmem>>
      %dma_start3A_806 = arith.constant 0 : i32
      %dma_start3A_807 = tpu.memref_slice %arg5[%add3A_803, %dma_start3A_806] : memref<6144x512xf32, #tpu.memory_space<hbm>> -> memref<1x512xf32, #tpu.memory_space<hbm>>
      %dma_start3A_808 = tpu.memref_squeeze %dma_start3A_807 : memref<1x512xf32, #tpu.memory_space<hbm>> -> memref<512xf32, #tpu.memory_space<hbm>>
      %dma_start3A_809 = arith.constant 0 : i32
      %dma_start3A_810 = tpu.memref_slice %arg5[%add3A_803, %dma_start3A_809] : memref<6144x512xf32, #tpu.memory_space<hbm>> -> memref<1x512xf32, #tpu.memory_space<hbm>>
      %dma_start3A_811 = tpu.memref_squeeze %dma_start3A_810 : memref<1x512xf32, #tpu.memory_space<hbm>> -> memref<512xf32, #tpu.memory_space<hbm>>
      %dma_start3A_812 = arith.constant 2048 : i32
      %dma_start3A_813 = tpu.memref_slice %arg17[%dma_start3A_812] : memref<3072xf32, #tpu.memory_space<vmem>> -> memref<512xf32, #tpu.memory_space<vmem>>
      tpu.enqueue_dma source(%dma_start3A_813 : memref<512xf32, #tpu.memory_space<vmem>>) target(%dma_start3A_811 : memref<512xf32, #tpu.memory_space<hbm>>) target_semaphore(%arg26 : memref<!tpu.dma_semaphore, #tpu.memory_space<semaphore_mem>>)
      %add3A_814 = arith.constant 5120 : i32
      %add3A_815 = arith.addi %add3A_814, %add3A_590 : i32
      %dma_start3A_816 = arith.constant 2560 : i32
      %dma_start3A_817 = tpu.memref_slice %arg17[%dma_start3A_816] : memref<3072xf32, #tpu.memory_space<vmem>> -> memref<512xf32, #tpu.memory_space<vmem>>
      %dma_start3A_818 = arith.constant 0 : i32
      %dma_start3A_819 = tpu.memref_slice %arg5[%add3A_815, %dma_start3A_818] : memref<6144x512xf32, #tpu.memory_space<hbm>> -> memref<1x512xf32, #tpu.memory_space<hbm>>
      %dma_start3A_820 = tpu.memref_squeeze %dma_start3A_819 : memref<1x512xf32, #tpu.memory_space<hbm>> -> memref<512xf32, #tpu.memory_space<hbm>>
      %dma_start3A_821 = arith.constant 0 : i32
      %dma_start3A_822 = tpu.memref_slice %arg5[%add3A_815, %dma_start3A_821] : memref<6144x512xf32, #tpu.memory_space<hbm>> -> memref<1x512xf32, #tpu.memory_space<hbm>>
      %dma_start3A_823 = tpu.memref_squeeze %dma_start3A_822 : memref<1x512xf32, #tpu.memory_space<hbm>> -> memref<512xf32, #tpu.memory_space<hbm>>
      %dma_start3A_824 = arith.constant 2560 : i32
      %dma_start3A_825 = tpu.memref_slice %arg17[%dma_start3A_824] : memref<3072xf32, #tpu.memory_space<vmem>> -> memref<512xf32, #tpu.memory_space<vmem>>
      tpu.enqueue_dma source(%dma_start3A_825 : memref<512xf32, #tpu.memory_space<vmem>>) target(%dma_start3A_823 : memref<512xf32, #tpu.memory_space<hbm>>) target_semaphore(%arg26 : memref<!tpu.dma_semaphore, #tpu.memory_space<semaphore_mem>>)
      %dma_start3A_826 = arith.constant 0 : i32
      %dma_start3A_827 = tpu.memref_slice %arg6[%add3A_590, %dma_start3A_826] : memref<1024x512xi32, #tpu.memory_space<hbm>> -> memref<1x512xi32, #tpu.memory_space<hbm>>
      %dma_start3A_828 = tpu.memref_squeeze %dma_start3A_827 : memref<1x512xi32, #tpu.memory_space<hbm>> -> memref<512xi32, #tpu.memory_space<hbm>>
      %dma_start3A_829 = arith.constant 0 : i32
      %dma_start3A_830 = tpu.memref_slice %arg6[%add3A_590, %dma_start3A_829] : memref<1024x512xi32, #tpu.memory_space<hbm>> -> memref<1x512xi32, #tpu.memory_space<hbm>>
      %dma_start3A_831 = tpu.memref_squeeze %dma_start3A_830 : memref<1x512xi32, #tpu.memory_space<hbm>> -> memref<512xi32, #tpu.memory_space<hbm>>
      tpu.enqueue_dma source(%arg19 : memref<512xi32, #tpu.memory_space<vmem>>) target(%dma_start3A_831 : memref<512xi32, #tpu.memory_space<hbm>>) target_semaphore(%arg26 : memref<!tpu.dma_semaphore, #tpu.memory_space<semaphore_mem>>)
      %dma_start3A_832 = arith.constant 0 : i32
      %dma_start3A_833 = tpu.memref_slice %arg7[%add3A_590, %dma_start3A_832] : memref<1024x512xi32, #tpu.memory_space<hbm>> -> memref<1x512xi32, #tpu.memory_space<hbm>>
      %dma_start3A_834 = tpu.memref_squeeze %dma_start3A_833 : memref<1x512xi32, #tpu.memory_space<hbm>> -> memref<512xi32, #tpu.memory_space<hbm>>
      %dma_start3A_835 = arith.constant 0 : i32
      %dma_start3A_836 = tpu.memref_slice %arg7[%add3A_590, %dma_start3A_835] : memref<1024x512xi32, #tpu.memory_space<hbm>> -> memref<1x512xi32, #tpu.memory_space<hbm>>
      %dma_start3A_837 = tpu.memref_squeeze %dma_start3A_836 : memref<1x512xi32, #tpu.memory_space<hbm>> -> memref<512xi32, #tpu.memory_space<hbm>>
      tpu.enqueue_dma source(%arg21 : memref<512xi32, #tpu.memory_space<vmem>>) target(%dma_start3A_837 : memref<512xi32, #tpu.memory_space<hbm>>) target_semaphore(%arg26 : memref<!tpu.dma_semaphore, #tpu.memory_space<semaphore_mem>>)
      %lt3A_838 = arith.constant 15 : i32
      %lt3A_839 = arith.cmpi slt, %scan3A_341, %lt3A_838 : i32
      %convert_element_type3A_840 = arith.extui %lt3A_839 : i1 to i32
      %cond3A_841 = arith.constant 0 : i32
      %cond3A_842 = arith.cmpi ne, %convert_element_type3A_840, %cond3A_841 : i32
      scf.if %cond3A_842 {
        %add3A_843 = arith.constant 2 : i32
        %add3A_844 = arith.addi %add3A_590, %add3A_843 : i32
        %add3A_845 = arith.constant 0 : i32
        %add3A_846 = arith.addi %add3A_845, %add3A_844 : i32
        %dma_start3A_847 = arith.constant 0 : i32
        %dma_start3A_848 = tpu.memref_slice %arg10[%dma_start3A_847] : memref<12288xf32, #tpu.memory_space<vmem>> -> memref<2048xf32, #tpu.memory_space<vmem>>
        %dma_start3A_849 = arith.constant 0 : i32
        %dma_start3A_850 = tpu.memref_slice %arg2[%add3A_846, %dma_start3A_849] : memref<6144x2048xf32, #tpu.memory_space<hbm>> -> memref<1x2048xf32, #tpu.memory_space<hbm>>
        %dma_start3A_851 = tpu.memref_squeeze %dma_start3A_850 : memref<1x2048xf32, #tpu.memory_space<hbm>> -> memref<2048xf32, #tpu.memory_space<hbm>>
        %dma_start3A_852 = arith.constant 0 : i32
        %dma_start3A_853 = tpu.memref_slice %arg10[%dma_start3A_852] : memref<12288xf32, #tpu.memory_space<vmem>> -> memref<2048xf32, #tpu.memory_space<vmem>>
        %dma_start3A_854 = arith.constant 0 : i32
        %dma_start3A_855 = tpu.memref_slice %arg2[%add3A_846, %dma_start3A_854] : memref<6144x2048xf32, #tpu.memory_space<hbm>> -> memref<1x2048xf32, #tpu.memory_space<hbm>>
        %dma_start3A_856 = tpu.memref_squeeze %dma_start3A_855 : memref<1x2048xf32, #tpu.memory_space<hbm>> -> memref<2048xf32, #tpu.memory_space<hbm>>
        tpu.enqueue_dma source(%dma_start3A_856 : memref<2048xf32, #tpu.memory_space<hbm>>) target(%dma_start3A_853 : memref<2048xf32, #tpu.memory_space<vmem>>) target_semaphore(%arg24 : memref<!tpu.dma_semaphore, #tpu.memory_space<semaphore_mem>>)
        %add3A_857 = arith.constant 1024 : i32
        %add3A_858 = arith.addi %add3A_857, %add3A_844 : i32
        %dma_start3A_859 = arith.constant 2048 : i32
        %dma_start3A_860 = tpu.memref_slice %arg10[%dma_start3A_859] : memref<12288xf32, #tpu.memory_space<vmem>> -> memref<2048xf32, #tpu.memory_space<vmem>>
        %dma_start3A_861 = arith.constant 0 : i32
        %dma_start3A_862 = tpu.memref_slice %arg2[%add3A_858, %dma_start3A_861] : memref<6144x2048xf32, #tpu.memory_space<hbm>> -> memref<1x2048xf32, #tpu.memory_space<hbm>>
        %dma_start3A_863 = tpu.memref_squeeze %dma_start3A_862 : memref<1x2048xf32, #tpu.memory_space<hbm>> -> memref<2048xf32, #tpu.memory_space<hbm>>
        %dma_start3A_864 = arith.constant 2048 : i32
        %dma_start3A_865 = tpu.memref_slice %arg10[%dma_start3A_864] : memref<12288xf32, #tpu.memory_space<vmem>> -> memref<2048xf32, #tpu.memory_space<vmem>>
        %dma_start3A_866 = arith.constant 0 : i32
        %dma_start3A_867 = tpu.memref_slice %arg2[%add3A_858, %dma_start3A_866] : memref<6144x2048xf32, #tpu.memory_space<hbm>> -> memref<1x2048xf32, #tpu.memory_space<hbm>>
        %dma_start3A_868 = tpu.memref_squeeze %dma_start3A_867 : memref<1x2048xf32, #tpu.memory_space<hbm>> -> memref<2048xf32, #tpu.memory_space<hbm>>
        tpu.enqueue_dma source(%dma_start3A_868 : memref<2048xf32, #tpu.memory_space<hbm>>) target(%dma_start3A_865 : memref<2048xf32, #tpu.memory_space<vmem>>) target_semaphore(%arg24 : memref<!tpu.dma_semaphore, #tpu.memory_space<semaphore_mem>>)
        %add3A_869 = arith.constant 2048 : i32
        %add3A_870 = arith.addi %add3A_869, %add3A_844 : i32
        %dma_start3A_871 = arith.constant 4096 : i32
        %dma_start3A_872 = tpu.memref_slice %arg10[%dma_start3A_871] : memref<12288xf32, #tpu.memory_space<vmem>> -> memref<2048xf32, #tpu.memory_space<vmem>>
        %dma_start3A_873 = arith.constant 0 : i32
        %dma_start3A_874 = tpu.memref_slice %arg2[%add3A_870, %dma_start3A_873] : memref<6144x2048xf32, #tpu.memory_space<hbm>> -> memref<1x2048xf32, #tpu.memory_space<hbm>>
        %dma_start3A_875 = tpu.memref_squeeze %dma_start3A_874 : memref<1x2048xf32, #tpu.memory_space<hbm>> -> memref<2048xf32, #tpu.memory_space<hbm>>
        %dma_start3A_876 = arith.constant 4096 : i32
        %dma_start3A_877 = tpu.memref_slice %arg10[%dma_start3A_876] : memref<12288xf32, #tpu.memory_space<vmem>> -> memref<2048xf32, #tpu.memory_space<vmem>>
        %dma_start3A_878 = arith.constant 0 : i32
        %dma_start3A_879 = tpu.memref_slice %arg2[%add3A_870, %dma_start3A_878] : memref<6144x2048xf32, #tpu.memory_space<hbm>> -> memref<1x2048xf32, #tpu.memory_space<hbm>>
        %dma_start3A_880 = tpu.memref_squeeze %dma_start3A_879 : memref<1x2048xf32, #tpu.memory_space<hbm>> -> memref<2048xf32, #tpu.memory_space<hbm>>
        tpu.enqueue_dma source(%dma_start3A_880 : memref<2048xf32, #tpu.memory_space<hbm>>) target(%dma_start3A_877 : memref<2048xf32, #tpu.memory_space<vmem>>) target_semaphore(%arg24 : memref<!tpu.dma_semaphore, #tpu.memory_space<semaphore_mem>>)
        %add3A_881 = arith.constant 3072 : i32
        %add3A_882 = arith.addi %add3A_881, %add3A_844 : i32
        %dma_start3A_883 = arith.constant 6144 : i32
        %dma_start3A_884 = tpu.memref_slice %arg10[%dma_start3A_883] : memref<12288xf32, #tpu.memory_space<vmem>> -> memref<2048xf32, #tpu.memory_space<vmem>>
        %dma_start3A_885 = arith.constant 0 : i32
        %dma_start3A_886 = tpu.memref_slice %arg2[%add3A_882, %dma_start3A_885] : memref<6144x2048xf32, #tpu.memory_space<hbm>> -> memref<1x2048xf32, #tpu.memory_space<hbm>>
        %dma_start3A_887 = tpu.memref_squeeze %dma_start3A_886 : memref<1x2048xf32, #tpu.memory_space<hbm>> -> memref<2048xf32, #tpu.memory_space<hbm>>
        %dma_start3A_888 = arith.constant 6144 : i32
        %dma_start3A_889 = tpu.memref_slice %arg10[%dma_start3A_888] : memref<12288xf32, #tpu.memory_space<vmem>> -> memref<2048xf32, #tpu.memory_space<vmem>>
        %dma_start3A_890 = arith.constant 0 : i32
        %dma_start3A_891 = tpu.memref_slice %arg2[%add3A_882, %dma_start3A_890] : memref<6144x2048xf32, #tpu.memory_space<hbm>> -> memref<1x2048xf32, #tpu.memory_space<hbm>>
        %dma_start3A_892 = tpu.memref_squeeze %dma_start3A_891 : memref<1x2048xf32, #tpu.memory_space<hbm>> -> memref<2048xf32, #tpu.memory_space<hbm>>
        tpu.enqueue_dma source(%dma_start3A_892 : memref<2048xf32, #tpu.memory_space<hbm>>) target(%dma_start3A_889 : memref<2048xf32, #tpu.memory_space<vmem>>) target_semaphore(%arg24 : memref<!tpu.dma_semaphore, #tpu.memory_space<semaphore_mem>>)
        %add3A_893 = arith.constant 4096 : i32
        %add3A_894 = arith.addi %add3A_893, %add3A_844 : i32
        %dma_start3A_895 = arith.constant 8192 : i32
        %dma_start3A_896 = tpu.memref_slice %arg10[%dma_start3A_895] : memref<12288xf32, #tpu.memory_space<vmem>> -> memref<2048xf32, #tpu.memory_space<vmem>>
        %dma_start3A_897 = arith.constant 0 : i32
        %dma_start3A_898 = tpu.memref_slice %arg2[%add3A_894, %dma_start3A_897] : memref<6144x2048xf32, #tpu.memory_space<hbm>> -> memref<1x2048xf32, #tpu.memory_space<hbm>>
        %dma_start3A_899 = tpu.memref_squeeze %dma_start3A_898 : memref<1x2048xf32, #tpu.memory_space<hbm>> -> memref<2048xf32, #tpu.memory_space<hbm>>
        %dma_start3A_900 = arith.constant 8192 : i32
        %dma_start3A_901 = tpu.memref_slice %arg10[%dma_start3A_900] : memref<12288xf32, #tpu.memory_space<vmem>> -> memref<2048xf32, #tpu.memory_space<vmem>>
        %dma_start3A_902 = arith.constant 0 : i32
        %dma_start3A_903 = tpu.memref_slice %arg2[%add3A_894, %dma_start3A_902] : memref<6144x2048xf32, #tpu.memory_space<hbm>> -> memref<1x2048xf32, #tpu.memory_space<hbm>>
        %dma_start3A_904 = tpu.memref_squeeze %dma_start3A_903 : memref<1x2048xf32, #tpu.memory_space<hbm>> -> memref<2048xf32, #tpu.memory_space<hbm>>
        tpu.enqueue_dma source(%dma_start3A_904 : memref<2048xf32, #tpu.memory_space<hbm>>) target(%dma_start3A_901 : memref<2048xf32, #tpu.memory_space<vmem>>) target_semaphore(%arg24 : memref<!tpu.dma_semaphore, #tpu.memory_space<semaphore_mem>>)
        %add3A_905 = arith.constant 5120 : i32
        %add3A_906 = arith.addi %add3A_905, %add3A_844 : i32
        %dma_start3A_907 = arith.constant 10240 : i32
        %dma_start3A_908 = tpu.memref_slice %arg10[%dma_start3A_907] : memref<12288xf32, #tpu.memory_space<vmem>> -> memref<2048xf32, #tpu.memory_space<vmem>>
        %dma_start3A_909 = arith.constant 0 : i32
        %dma_start3A_910 = tpu.memref_slice %arg2[%add3A_906, %dma_start3A_909] : memref<6144x2048xf32, #tpu.memory_space<hbm>> -> memref<1x2048xf32, #tpu.memory_space<hbm>>
        %dma_start3A_911 = tpu.memref_squeeze %dma_start3A_910 : memref<1x2048xf32, #tpu.memory_space<hbm>> -> memref<2048xf32, #tpu.memory_space<hbm>>
        %dma_start3A_912 = arith.constant 10240 : i32
        %dma_start3A_913 = tpu.memref_slice %arg10[%dma_start3A_912] : memref<12288xf32, #tpu.memory_space<vmem>> -> memref<2048xf32, #tpu.memory_space<vmem>>
        %dma_start3A_914 = arith.constant 0 : i32
        %dma_start3A_915 = tpu.memref_slice %arg2[%add3A_906, %dma_start3A_914] : memref<6144x2048xf32, #tpu.memory_space<hbm>> -> memref<1x2048xf32, #tpu.memory_space<hbm>>
        %dma_start3A_916 = tpu.memref_squeeze %dma_start3A_915 : memref<1x2048xf32, #tpu.memory_space<hbm>> -> memref<2048xf32, #tpu.memory_space<hbm>>
        tpu.enqueue_dma source(%dma_start3A_916 : memref<2048xf32, #tpu.memory_space<hbm>>) target(%dma_start3A_913 : memref<2048xf32, #tpu.memory_space<vmem>>) target_semaphore(%arg24 : memref<!tpu.dma_semaphore, #tpu.memory_space<semaphore_mem>>)
        %dma_start3A_917 = arith.constant 0 : i32
        %dma_start3A_918 = tpu.memref_slice %arg3[%add3A_844, %dma_start3A_917] : memref<1024x2048xi32, #tpu.memory_space<hbm>> -> memref<1x2048xi32, #tpu.memory_space<hbm>>
        %dma_start3A_919 = tpu.memref_squeeze %dma_start3A_918 : memref<1x2048xi32, #tpu.memory_space<hbm>> -> memref<2048xi32, #tpu.memory_space<hbm>>
        %dma_start3A_920 = arith.constant 0 : i32
        %dma_start3A_921 = tpu.memref_slice %arg3[%add3A_844, %dma_start3A_920] : memref<1024x2048xi32, #tpu.memory_space<hbm>> -> memref<1x2048xi32, #tpu.memory_space<hbm>>
        %dma_start3A_922 = tpu.memref_squeeze %dma_start3A_921 : memref<1x2048xi32, #tpu.memory_space<hbm>> -> memref<2048xi32, #tpu.memory_space<hbm>>
        tpu.enqueue_dma source(%dma_start3A_922 : memref<2048xi32, #tpu.memory_space<hbm>>) target(%arg12 : memref<2048xi32, #tpu.memory_space<vmem>>) target_semaphore(%arg24 : memref<!tpu.dma_semaphore, #tpu.memory_space<semaphore_mem>>)
      } else {
      }
    }
    %scan3A_166 = arith.constant 16 : i32
    %add3A_167 = arith.constant 32 : i32
    %add3A_168 = arith.addi %mul3A_2, %add3A_167 : i32
    %sub3A = arith.constant 2 : i32
    %sub3A_169 = arith.subi %add3A_168, %sub3A : i32
    %add3A_170 = arith.constant 0 : i32
    %add3A_171 = arith.addi %add3A_170, %sub3A_169 : i32
    %dma_wait3A = arith.constant 0 : i32
    %dma_wait3A_172 = tpu.memref_slice %arg16[%dma_wait3A] : memref<3072xf32, #tpu.memory_space<vmem>> -> memref<512xf32, #tpu.memory_space<vmem>>
    %dma_wait3A_173 = arith.constant 0 : i32
    %dma_wait3A_174 = tpu.memref_slice %arg5[%add3A_171, %dma_wait3A_173] : memref<6144x512xf32, #tpu.memory_space<hbm>> -> memref<1x512xf32, #tpu.memory_space<hbm>>
    %dma_wait3A_175 = tpu.memref_squeeze %dma_wait3A_174 : memref<1x512xf32, #tpu.memory_space<hbm>> -> memref<512xf32, #tpu.memory_space<hbm>>
    %dma_wait3A_176 = arith.constant 0 : i32
    %dma_wait3A_177 = tpu.memref_slice %arg5[%add3A_171, %dma_wait3A_176] : memref<6144x512xf32, #tpu.memory_space<hbm>> -> memref<1x512xf32, #tpu.memory_space<hbm>>
    %dma_wait3A_178 = tpu.memref_squeeze %dma_wait3A_177 : memref<1x512xf32, #tpu.memory_space<hbm>> -> memref<512xf32, #tpu.memory_space<hbm>>
    %dma_wait3A_179 = arith.constant 0 : i32
    %dma_wait3A_180 = tpu.memref_slice %arg16[%dma_wait3A_179] : memref<3072xf32, #tpu.memory_space<vmem>> -> memref<512xf32, #tpu.memory_space<vmem>>
    tpu.wait_dma2 semaphore(%arg25 : memref<!tpu.dma_semaphore, #tpu.memory_space<semaphore_mem>>) src(%dma_wait3A_180 : memref<512xf32, #tpu.memory_space<vmem>>) dst(%dma_wait3A_178 : memref<512xf32, #tpu.memory_space<hbm>>)
    %add3A_181 = arith.constant 1024 : i32
    %add3A_182 = arith.addi %add3A_181, %sub3A_169 : i32
    %dma_wait3A_183 = arith.constant 512 : i32
    %dma_wait3A_184 = tpu.memref_slice %arg16[%dma_wait3A_183] : memref<3072xf32, #tpu.memory_space<vmem>> -> memref<512xf32, #tpu.memory_space<vmem>>
    %dma_wait3A_185 = arith.constant 0 : i32
    %dma_wait3A_186 = tpu.memref_slice %arg5[%add3A_182, %dma_wait3A_185] : memref<6144x512xf32, #tpu.memory_space<hbm>> -> memref<1x512xf32, #tpu.memory_space<hbm>>
    %dma_wait3A_187 = tpu.memref_squeeze %dma_wait3A_186 : memref<1x512xf32, #tpu.memory_space<hbm>> -> memref<512xf32, #tpu.memory_space<hbm>>
    %dma_wait3A_188 = arith.constant 0 : i32
    %dma_wait3A_189 = tpu.memref_slice %arg5[%add3A_182, %dma_wait3A_188] : memref<6144x512xf32, #tpu.memory_space<hbm>> -> memref<1x512xf32, #tpu.memory_space<hbm>>
    %dma_wait3A_190 = tpu.memref_squeeze %dma_wait3A_189 : memref<1x512xf32, #tpu.memory_space<hbm>> -> memref<512xf32, #tpu.memory_space<hbm>>
    %dma_wait3A_191 = arith.constant 512 : i32
    %dma_wait3A_192 = tpu.memref_slice %arg16[%dma_wait3A_191] : memref<3072xf32, #tpu.memory_space<vmem>> -> memref<512xf32, #tpu.memory_space<vmem>>
    tpu.wait_dma2 semaphore(%arg25 : memref<!tpu.dma_semaphore, #tpu.memory_space<semaphore_mem>>) src(%dma_wait3A_192 : memref<512xf32, #tpu.memory_space<vmem>>) dst(%dma_wait3A_190 : memref<512xf32, #tpu.memory_space<hbm>>)
    %add3A_193 = arith.constant 2048 : i32
    %add3A_194 = arith.addi %add3A_193, %sub3A_169 : i32
    %dma_wait3A_195 = arith.constant 1024 : i32
    %dma_wait3A_196 = tpu.memref_slice %arg16[%dma_wait3A_195] : memref<3072xf32, #tpu.memory_space<vmem>> -> memref<512xf32, #tpu.memory_space<vmem>>
    %dma_wait3A_197 = arith.constant 0 : i32
    %dma_wait3A_198 = tpu.memref_slice %arg5[%add3A_194, %dma_wait3A_197] : memref<6144x512xf32, #tpu.memory_space<hbm>> -> memref<1x512xf32, #tpu.memory_space<hbm>>
    %dma_wait3A_199 = tpu.memref_squeeze %dma_wait3A_198 : memref<1x512xf32, #tpu.memory_space<hbm>> -> memref<512xf32, #tpu.memory_space<hbm>>
    %dma_wait3A_200 = arith.constant 0 : i32
    %dma_wait3A_201 = tpu.memref_slice %arg5[%add3A_194, %dma_wait3A_200] : memref<6144x512xf32, #tpu.memory_space<hbm>> -> memref<1x512xf32, #tpu.memory_space<hbm>>
    %dma_wait3A_202 = tpu.memref_squeeze %dma_wait3A_201 : memref<1x512xf32, #tpu.memory_space<hbm>> -> memref<512xf32, #tpu.memory_space<hbm>>
    %dma_wait3A_203 = arith.constant 1024 : i32
    %dma_wait3A_204 = tpu.memref_slice %arg16[%dma_wait3A_203] : memref<3072xf32, #tpu.memory_space<vmem>> -> memref<512xf32, #tpu.memory_space<vmem>>
    tpu.wait_dma2 semaphore(%arg25 : memref<!tpu.dma_semaphore, #tpu.memory_space<semaphore_mem>>) src(%dma_wait3A_204 : memref<512xf32, #tpu.memory_space<vmem>>) dst(%dma_wait3A_202 : memref<512xf32, #tpu.memory_space<hbm>>)
    %add3A_205 = arith.constant 3072 : i32
    %add3A_206 = arith.addi %add3A_205, %sub3A_169 : i32
    %dma_wait3A_207 = arith.constant 1536 : i32
    %dma_wait3A_208 = tpu.memref_slice %arg16[%dma_wait3A_207] : memref<3072xf32, #tpu.memory_space<vmem>> -> memref<512xf32, #tpu.memory_space<vmem>>
    %dma_wait3A_209 = arith.constant 0 : i32
    %dma_wait3A_210 = tpu.memref_slice %arg5[%add3A_206, %dma_wait3A_209] : memref<6144x512xf32, #tpu.memory_space<hbm>> -> memref<1x512xf32, #tpu.memory_space<hbm>>
    %dma_wait3A_211 = tpu.memref_squeeze %dma_wait3A_210 : memref<1x512xf32, #tpu.memory_space<hbm>> -> memref<512xf32, #tpu.memory_space<hbm>>
    %dma_wait3A_212 = arith.constant 0 : i32
    %dma_wait3A_213 = tpu.memref_slice %arg5[%add3A_206, %dma_wait3A_212] : memref<6144x512xf32, #tpu.memory_space<hbm>> -> memref<1x512xf32, #tpu.memory_space<hbm>>
    %dma_wait3A_214 = tpu.memref_squeeze %dma_wait3A_213 : memref<1x512xf32, #tpu.memory_space<hbm>> -> memref<512xf32, #tpu.memory_space<hbm>>
    %dma_wait3A_215 = arith.constant 1536 : i32
    %dma_wait3A_216 = tpu.memref_slice %arg16[%dma_wait3A_215] : memref<3072xf32, #tpu.memory_space<vmem>> -> memref<512xf32, #tpu.memory_space<vmem>>
    tpu.wait_dma2 semaphore(%arg25 : memref<!tpu.dma_semaphore, #tpu.memory_space<semaphore_mem>>) src(%dma_wait3A_216 : memref<512xf32, #tpu.memory_space<vmem>>) dst(%dma_wait3A_214 : memref<512xf32, #tpu.memory_space<hbm>>)
    %add3A_217 = arith.constant 4096 : i32
    %add3A_218 = arith.addi %add3A_217, %sub3A_169 : i32
    %dma_wait3A_219 = arith.constant 2048 : i32
    %dma_wait3A_220 = tpu.memref_slice %arg16[%dma_wait3A_219] : memref<3072xf32, #tpu.memory_space<vmem>> -> memref<512xf32, #tpu.memory_space<vmem>>
    %dma_wait3A_221 = arith.constant 0 : i32
    %dma_wait3A_222 = tpu.memref_slice %arg5[%add3A_218, %dma_wait3A_221] : memref<6144x512xf32, #tpu.memory_space<hbm>> -> memref<1x512xf32, #tpu.memory_space<hbm>>
    %dma_wait3A_223 = tpu.memref_squeeze %dma_wait3A_222 : memref<1x512xf32, #tpu.memory_space<hbm>> -> memref<512xf32, #tpu.memory_space<hbm>>
    %dma_wait3A_224 = arith.constant 0 : i32
    %dma_wait3A_225 = tpu.memref_slice %arg5[%add3A_218, %dma_wait3A_224] : memref<6144x512xf32, #tpu.memory_space<hbm>> -> memref<1x512xf32, #tpu.memory_space<hbm>>
    %dma_wait3A_226 = tpu.memref_squeeze %dma_wait3A_225 : memref<1x512xf32, #tpu.memory_space<hbm>> -> memref<512xf32, #tpu.memory_space<hbm>>
    %dma_wait3A_227 = arith.constant 2048 : i32
    %dma_wait3A_228 = tpu.memref_slice %arg16[%dma_wait3A_227] : memref<3072xf32, #tpu.memory_space<vmem>> -> memref<512xf32, #tpu.memory_space<vmem>>
    tpu.wait_dma2 semaphore(%arg25 : memref<!tpu.dma_semaphore, #tpu.memory_space<semaphore_mem>>) src(%dma_wait3A_228 : memref<512xf32, #tpu.memory_space<vmem>>) dst(%dma_wait3A_226 : memref<512xf32, #tpu.memory_space<hbm>>)
    %add3A_229 = arith.constant 5120 : i32
    %add3A_230 = arith.addi %add3A_229, %sub3A_169 : i32
    %dma_wait3A_231 = arith.constant 2560 : i32
    %dma_wait3A_232 = tpu.memref_slice %arg16[%dma_wait3A_231] : memref<3072xf32, #tpu.memory_space<vmem>> -> memref<512xf32, #tpu.memory_space<vmem>>
    %dma_wait3A_233 = arith.constant 0 : i32
    %dma_wait3A_234 = tpu.memref_slice %arg5[%add3A_230, %dma_wait3A_233] : memref<6144x512xf32, #tpu.memory_space<hbm>> -> memref<1x512xf32, #tpu.memory_space<hbm>>
    %dma_wait3A_235 = tpu.memref_squeeze %dma_wait3A_234 : memref<1x512xf32, #tpu.memory_space<hbm>> -> memref<512xf32, #tpu.memory_space<hbm>>
    %dma_wait3A_236 = arith.constant 0 : i32
    %dma_wait3A_237 = tpu.memref_slice %arg5[%add3A_230, %dma_wait3A_236] : memref<6144x512xf32, #tpu.memory_space<hbm>> -> memref<1x512xf32, #tpu.memory_space<hbm>>
    %dma_wait3A_238 = tpu.memref_squeeze %dma_wait3A_237 : memref<1x512xf32, #tpu.memory_space<hbm>> -> memref<512xf32, #tpu.memory_space<hbm>>
    %dma_wait3A_239 = arith.constant 2560 : i32
    %dma_wait3A_240 = tpu.memref_slice %arg16[%dma_wait3A_239] : memref<3072xf32, #tpu.memory_space<vmem>> -> memref<512xf32, #tpu.memory_space<vmem>>
    tpu.wait_dma2 semaphore(%arg25 : memref<!tpu.dma_semaphore, #tpu.memory_space<semaphore_mem>>) src(%dma_wait3A_240 : memref<512xf32, #tpu.memory_space<vmem>>) dst(%dma_wait3A_238 : memref<512xf32, #tpu.memory_space<hbm>>)
    %dma_wait3A_241 = arith.constant 0 : i32
    %dma_wait3A_242 = tpu.memref_slice %arg6[%sub3A_169, %dma_wait3A_241] : memref<1024x512xi32, #tpu.memory_space<hbm>> -> memref<1x512xi32, #tpu.memory_space<hbm>>
    %dma_wait3A_243 = tpu.memref_squeeze %dma_wait3A_242 : memref<1x512xi32, #tpu.memory_space<hbm>> -> memref<512xi32, #tpu.memory_space<hbm>>
    %dma_wait3A_244 = arith.constant 0 : i32
    %dma_wait3A_245 = tpu.memref_slice %arg6[%sub3A_169, %dma_wait3A_244] : memref<1024x512xi32, #tpu.memory_space<hbm>> -> memref<1x512xi32, #tpu.memory_space<hbm>>
    %dma_wait3A_246 = tpu.memref_squeeze %dma_wait3A_245 : memref<1x512xi32, #tpu.memory_space<hbm>> -> memref<512xi32, #tpu.memory_space<hbm>>
    tpu.wait_dma2 semaphore(%arg25 : memref<!tpu.dma_semaphore, #tpu.memory_space<semaphore_mem>>) src(%arg18 : memref<512xi32, #tpu.memory_space<vmem>>) dst(%dma_wait3A_246 : memref<512xi32, #tpu.memory_space<hbm>>)
    %dma_wait3A_247 = arith.constant 0 : i32
    %dma_wait3A_248 = tpu.memref_slice %arg7[%sub3A_169, %dma_wait3A_247] : memref<1024x512xi32, #tpu.memory_space<hbm>> -> memref<1x512xi32, #tpu.memory_space<hbm>>
    %dma_wait3A_249 = tpu.memref_squeeze %dma_wait3A_248 : memref<1x512xi32, #tpu.memory_space<hbm>> -> memref<512xi32, #tpu.memory_space<hbm>>
    %dma_wait3A_250 = arith.constant 0 : i32
    %dma_wait3A_251 = tpu.memref_slice %arg7[%sub3A_169, %dma_wait3A_250] : memref<1024x512xi32, #tpu.memory_space<hbm>> -> memref<1x512xi32, #tpu.memory_space<hbm>>
    %dma_wait3A_252 = tpu.memref_squeeze %dma_wait3A_251 : memref<1x512xi32, #tpu.memory_space<hbm>> -> memref<512xi32, #tpu.memory_space<hbm>>
    tpu.wait_dma2 semaphore(%arg25 : memref<!tpu.dma_semaphore, #tpu.memory_space<semaphore_mem>>) src(%arg20 : memref<512xi32, #tpu.memory_space<vmem>>) dst(%dma_wait3A_252 : memref<512xi32, #tpu.memory_space<hbm>>)
    %add3A_253 = arith.constant 32 : i32
    %add3A_254 = arith.addi %mul3A_2, %add3A_253 : i32
    %sub3A_255 = arith.constant 1 : i32
    %sub3A_256 = arith.subi %add3A_254, %sub3A_255 : i32
    %add3A_257 = arith.constant 0 : i32
    %add3A_258 = arith.addi %add3A_257, %sub3A_256 : i32
    %dma_wait3A_259 = arith.constant 0 : i32
    %dma_wait3A_260 = tpu.memref_slice %arg17[%dma_wait3A_259] : memref<3072xf32, #tpu.memory_space<vmem>> -> memref<512xf32, #tpu.memory_space<vmem>>
    %dma_wait3A_261 = arith.constant 0 : i32
    %dma_wait3A_262 = tpu.memref_slice %arg5[%add3A_258, %dma_wait3A_261] : memref<6144x512xf32, #tpu.memory_space<hbm>> -> memref<1x512xf32, #tpu.memory_space<hbm>>
    %dma_wait3A_263 = tpu.memref_squeeze %dma_wait3A_262 : memref<1x512xf32, #tpu.memory_space<hbm>> -> memref<512xf32, #tpu.memory_space<hbm>>
    %dma_wait3A_264 = arith.constant 0 : i32
    %dma_wait3A_265 = tpu.memref_slice %arg5[%add3A_258, %dma_wait3A_264] : memref<6144x512xf32, #tpu.memory_space<hbm>> -> memref<1x512xf32, #tpu.memory_space<hbm>>
    %dma_wait3A_266 = tpu.memref_squeeze %dma_wait3A_265 : memref<1x512xf32, #tpu.memory_space<hbm>> -> memref<512xf32, #tpu.memory_space<hbm>>
    %dma_wait3A_267 = arith.constant 0 : i32
    %dma_wait3A_268 = tpu.memref_slice %arg17[%dma_wait3A_267] : memref<3072xf32, #tpu.memory_space<vmem>> -> memref<512xf32, #tpu.memory_space<vmem>>
    tpu.wait_dma2 semaphore(%arg26 : memref<!tpu.dma_semaphore, #tpu.memory_space<semaphore_mem>>) src(%dma_wait3A_268 : memref<512xf32, #tpu.memory_space<vmem>>) dst(%dma_wait3A_266 : memref<512xf32, #tpu.memory_space<hbm>>)
    %add3A_269 = arith.constant 1024 : i32
    %add3A_270 = arith.addi %add3A_269, %sub3A_256 : i32
    %dma_wait3A_271 = arith.constant 512 : i32
    %dma_wait3A_272 = tpu.memref_slice %arg17[%dma_wait3A_271] : memref<3072xf32, #tpu.memory_space<vmem>> -> memref<512xf32, #tpu.memory_space<vmem>>
    %dma_wait3A_273 = arith.constant 0 : i32
    %dma_wait3A_274 = tpu.memref_slice %arg5[%add3A_270, %dma_wait3A_273] : memref<6144x512xf32, #tpu.memory_space<hbm>> -> memref<1x512xf32, #tpu.memory_space<hbm>>
    %dma_wait3A_275 = tpu.memref_squeeze %dma_wait3A_274 : memref<1x512xf32, #tpu.memory_space<hbm>> -> memref<512xf32, #tpu.memory_space<hbm>>
    %dma_wait3A_276 = arith.constant 0 : i32
    %dma_wait3A_277 = tpu.memref_slice %arg5[%add3A_270, %dma_wait3A_276] : memref<6144x512xf32, #tpu.memory_space<hbm>> -> memref<1x512xf32, #tpu.memory_space<hbm>>
    %dma_wait3A_278 = tpu.memref_squeeze %dma_wait3A_277 : memref<1x512xf32, #tpu.memory_space<hbm>> -> memref<512xf32, #tpu.memory_space<hbm>>
    %dma_wait3A_279 = arith.constant 512 : i32
    %dma_wait3A_280 = tpu.memref_slice %arg17[%dma_wait3A_279] : memref<3072xf32, #tpu.memory_space<vmem>> -> memref<512xf32, #tpu.memory_space<vmem>>
    tpu.wait_dma2 semaphore(%arg26 : memref<!tpu.dma_semaphore, #tpu.memory_space<semaphore_mem>>) src(%dma_wait3A_280 : memref<512xf32, #tpu.memory_space<vmem>>) dst(%dma_wait3A_278 : memref<512xf32, #tpu.memory_space<hbm>>)
    %add3A_281 = arith.constant 2048 : i32
    %add3A_282 = arith.addi %add3A_281, %sub3A_256 : i32
    %dma_wait3A_283 = arith.constant 1024 : i32
    %dma_wait3A_284 = tpu.memref_slice %arg17[%dma_wait3A_283] : memref<3072xf32, #tpu.memory_space<vmem>> -> memref<512xf32, #tpu.memory_space<vmem>>
    %dma_wait3A_285 = arith.constant 0 : i32
    %dma_wait3A_286 = tpu.memref_slice %arg5[%add3A_282, %dma_wait3A_285] : memref<6144x512xf32, #tpu.memory_space<hbm>> -> memref<1x512xf32, #tpu.memory_space<hbm>>
    %dma_wait3A_287 = tpu.memref_squeeze %dma_wait3A_286 : memref<1x512xf32, #tpu.memory_space<hbm>> -> memref<512xf32, #tpu.memory_space<hbm>>
    %dma_wait3A_288 = arith.constant 0 : i32
    %dma_wait3A_289 = tpu.memref_slice %arg5[%add3A_282, %dma_wait3A_288] : memref<6144x512xf32, #tpu.memory_space<hbm>> -> memref<1x512xf32, #tpu.memory_space<hbm>>
    %dma_wait3A_290 = tpu.memref_squeeze %dma_wait3A_289 : memref<1x512xf32, #tpu.memory_space<hbm>> -> memref<512xf32, #tpu.memory_space<hbm>>
    %dma_wait3A_291 = arith.constant 1024 : i32
    %dma_wait3A_292 = tpu.memref_slice %arg17[%dma_wait3A_291] : memref<3072xf32, #tpu.memory_space<vmem>> -> memref<512xf32, #tpu.memory_space<vmem>>
    tpu.wait_dma2 semaphore(%arg26 : memref<!tpu.dma_semaphore, #tpu.memory_space<semaphore_mem>>) src(%dma_wait3A_292 : memref<512xf32, #tpu.memory_space<vmem>>) dst(%dma_wait3A_290 : memref<512xf32, #tpu.memory_space<hbm>>)
    %add3A_293 = arith.constant 3072 : i32
    %add3A_294 = arith.addi %add3A_293, %sub3A_256 : i32
    %dma_wait3A_295 = arith.constant 1536 : i32
    %dma_wait3A_296 = tpu.memref_slice %arg17[%dma_wait3A_295] : memref<3072xf32, #tpu.memory_space<vmem>> -> memref<512xf32, #tpu.memory_space<vmem>>
    %dma_wait3A_297 = arith.constant 0 : i32
    %dma_wait3A_298 = tpu.memref_slice %arg5[%add3A_294, %dma_wait3A_297] : memref<6144x512xf32, #tpu.memory_space<hbm>> -> memref<1x512xf32, #tpu.memory_space<hbm>>
    %dma_wait3A_299 = tpu.memref_squeeze %dma_wait3A_298 : memref<1x512xf32, #tpu.memory_space<hbm>> -> memref<512xf32, #tpu.memory_space<hbm>>
    %dma_wait3A_300 = arith.constant 0 : i32
    %dma_wait3A_301 = tpu.memref_slice %arg5[%add3A_294, %dma_wait3A_300] : memref<6144x512xf32, #tpu.memory_space<hbm>> -> memref<1x512xf32, #tpu.memory_space<hbm>>
    %dma_wait3A_302 = tpu.memref_squeeze %dma_wait3A_301 : memref<1x512xf32, #tpu.memory_space<hbm>> -> memref<512xf32, #tpu.memory_space<hbm>>
    %dma_wait3A_303 = arith.constant 1536 : i32
    %dma_wait3A_304 = tpu.memref_slice %arg17[%dma_wait3A_303] : memref<3072xf32, #tpu.memory_space<vmem>> -> memref<512xf32, #tpu.memory_space<vmem>>
    tpu.wait_dma2 semaphore(%arg26 : memref<!tpu.dma_semaphore, #tpu.memory_space<semaphore_mem>>) src(%dma_wait3A_304 : memref<512xf32, #tpu.memory_space<vmem>>) dst(%dma_wait3A_302 : memref<512xf32, #tpu.memory_space<hbm>>)
    %add3A_305 = arith.constant 4096 : i32
    %add3A_306 = arith.addi %add3A_305, %sub3A_256 : i32
    %dma_wait3A_307 = arith.constant 2048 : i32
    %dma_wait3A_308 = tpu.memref_slice %arg17[%dma_wait3A_307] : memref<3072xf32, #tpu.memory_space<vmem>> -> memref<512xf32, #tpu.memory_space<vmem>>
    %dma_wait3A_309 = arith.constant 0 : i32
    %dma_wait3A_310 = tpu.memref_slice %arg5[%add3A_306, %dma_wait3A_309] : memref<6144x512xf32, #tpu.memory_space<hbm>> -> memref<1x512xf32, #tpu.memory_space<hbm>>
    %dma_wait3A_311 = tpu.memref_squeeze %dma_wait3A_310 : memref<1x512xf32, #tpu.memory_space<hbm>> -> memref<512xf32, #tpu.memory_space<hbm>>
    %dma_wait3A_312 = arith.constant 0 : i32
    %dma_wait3A_313 = tpu.memref_slice %arg5[%add3A_306, %dma_wait3A_312] : memref<6144x512xf32, #tpu.memory_space<hbm>> -> memref<1x512xf32, #tpu.memory_space<hbm>>
    %dma_wait3A_314 = tpu.memref_squeeze %dma_wait3A_313 : memref<1x512xf32, #tpu.memory_space<hbm>> -> memref<512xf32, #tpu.memory_space<hbm>>
    %dma_wait3A_315 = arith.constant 2048 : i32
    %dma_wait3A_316 = tpu.memref_slice %arg17[%dma_wait3A_315] : memref<3072xf32, #tpu.memory_space<vmem>> -> memref<512xf32, #tpu.memory_space<vmem>>
    tpu.wait_dma2 semaphore(%arg26 : memref<!tpu.dma_semaphore, #tpu.memory_space<semaphore_mem>>) src(%dma_wait3A_316 : memref<512xf32, #tpu.memory_space<vmem>>) dst(%dma_wait3A_314 : memref<512xf32, #tpu.memory_space<hbm>>)
    %add3A_317 = arith.constant 5120 : i32
    %add3A_318 = arith.addi %add3A_317, %sub3A_256 : i32
    %dma_wait3A_319 = arith.constant 2560 : i32
    %dma_wait3A_320 = tpu.memref_slice %arg17[%dma_wait3A_319] : memref<3072xf32, #tpu.memory_space<vmem>> -> memref<512xf32, #tpu.memory_space<vmem>>
    %dma_wait3A_321 = arith.constant 0 : i32
    %dma_wait3A_322 = tpu.memref_slice %arg5[%add3A_318, %dma_wait3A_321] : memref<6144x512xf32, #tpu.memory_space<hbm>> -> memref<1x512xf32, #tpu.memory_space<hbm>>
    %dma_wait3A_323 = tpu.memref_squeeze %dma_wait3A_322 : memref<1x512xf32, #tpu.memory_space<hbm>> -> memref<512xf32, #tpu.memory_space<hbm>>
    %dma_wait3A_324 = arith.constant 0 : i32
    %dma_wait3A_325 = tpu.memref_slice %arg5[%add3A_318, %dma_wait3A_324] : memref<6144x512xf32, #tpu.memory_space<hbm>> -> memref<1x512xf32, #tpu.memory_space<hbm>>
    %dma_wait3A_326 = tpu.memref_squeeze %dma_wait3A_325 : memref<1x512xf32, #tpu.memory_space<hbm>> -> memref<512xf32, #tpu.memory_space<hbm>>
    %dma_wait3A_327 = arith.constant 2560 : i32
    %dma_wait3A_328 = tpu.memref_slice %arg17[%dma_wait3A_327] : memref<3072xf32, #tpu.memory_space<vmem>> -> memref<512xf32, #tpu.memory_space<vmem>>
    tpu.wait_dma2 semaphore(%arg26 : memref<!tpu.dma_semaphore, #tpu.memory_space<semaphore_mem>>) src(%dma_wait3A_328 : memref<512xf32, #tpu.memory_space<vmem>>) dst(%dma_wait3A_326 : memref<512xf32, #tpu.memory_space<hbm>>)
    %dma_wait3A_329 = arith.constant 0 : i32
    %dma_wait3A_330 = tpu.memref_slice %arg6[%sub3A_256, %dma_wait3A_329] : memref<1024x512xi32, #tpu.memory_space<hbm>> -> memref<1x512xi32, #tpu.memory_space<hbm>>
    %dma_wait3A_331 = tpu.memref_squeeze %dma_wait3A_330 : memref<1x512xi32, #tpu.memory_space<hbm>> -> memref<512xi32, #tpu.memory_space<hbm>>
    %dma_wait3A_332 = arith.constant 0 : i32
    %dma_wait3A_333 = tpu.memref_slice %arg6[%sub3A_256, %dma_wait3A_332] : memref<1024x512xi32, #tpu.memory_space<hbm>> -> memref<1x512xi32, #tpu.memory_space<hbm>>
    %dma_wait3A_334 = tpu.memref_squeeze %dma_wait3A_333 : memref<1x512xi32, #tpu.memory_space<hbm>> -> memref<512xi32, #tpu.memory_space<hbm>>
    tpu.wait_dma2 semaphore(%arg26 : memref<!tpu.dma_semaphore, #tpu.memory_space<semaphore_mem>>) src(%arg19 : memref<512xi32, #tpu.memory_space<vmem>>) dst(%dma_wait3A_334 : memref<512xi32, #tpu.memory_space<hbm>>)
    %dma_wait3A_335 = arith.constant 0 : i32
    %dma_wait3A_336 = tpu.memref_slice %arg7[%sub3A_256, %dma_wait3A_335] : memref<1024x512xi32, #tpu.memory_space<hbm>> -> memref<1x512xi32, #tpu.memory_space<hbm>>
    %dma_wait3A_337 = tpu.memref_squeeze %dma_wait3A_336 : memref<1x512xi32, #tpu.memory_space<hbm>> -> memref<512xi32, #tpu.memory_space<hbm>>
    %dma_wait3A_338 = arith.constant 0 : i32
    %dma_wait3A_339 = tpu.memref_slice %arg7[%sub3A_256, %dma_wait3A_338] : memref<1024x512xi32, #tpu.memory_space<hbm>> -> memref<1x512xi32, #tpu.memory_space<hbm>>
    %dma_wait3A_340 = tpu.memref_squeeze %dma_wait3A_339 : memref<1x512xi32, #tpu.memory_space<hbm>> -> memref<512xi32, #tpu.memory_space<hbm>>
    tpu.wait_dma2 semaphore(%arg26 : memref<!tpu.dma_semaphore, #tpu.memory_space<semaphore_mem>>) src(%arg21 : memref<512xi32, #tpu.memory_space<vmem>>) dst(%dma_wait3A_340 : memref<512xi32, #tpu.memory_space<hbm>>)
    "tpu.region"() ({
      %run_scoped3A = tpu.sem_alloc : memref<!tpu.dma_semaphore, #tpu.memory_space<semaphore_mem>>
      %dma_start3A_341 = tpu.memref_slice %arg8[%mul3A_2] : memref<1024xi32, #tpu.memory_space<hbm>> -> memref<32xi32, #tpu.memory_space<hbm>>
      %dma_start3A_342 = tpu.memref_slice %arg8[%mul3A_2] : memref<1024xi32, #tpu.memory_space<hbm>> -> memref<32xi32, #tpu.memory_space<hbm>>
      tpu.enqueue_dma source(%arg22 : memref<32xi32, #tpu.memory_space<vmem>>) target(%dma_start3A_342 : memref<32xi32, #tpu.memory_space<hbm>>) target_semaphore(%run_scoped3A : memref<!tpu.dma_semaphore, #tpu.memory_space<semaphore_mem>>)
      %dma_wait3A_343 = tpu.memref_slice %arg8[%mul3A_2] : memref<1024xi32, #tpu.memory_space<hbm>> -> memref<32xi32, #tpu.memory_space<hbm>>
      %dma_wait3A_344 = tpu.memref_slice %arg8[%mul3A_2] : memref<1024xi32, #tpu.memory_space<hbm>> -> memref<32xi32, #tpu.memory_space<hbm>>
      tpu.wait_dma2 semaphore(%run_scoped3A : memref<!tpu.dma_semaphore, #tpu.memory_space<semaphore_mem>>) src(%arg22 : memref<32xi32, #tpu.memory_space<vmem>>) dst(%dma_wait3A_344 : memref<32xi32, #tpu.memory_space<hbm>>)
      tpu.yield
    }) : () -> ()
    return
  }
}

</mosaic_0001>

<sc_bundles>
// kernel: kernel.4.cloned.1.call-start
scs
__scs_entry_jumppad:
0x0: {  	(pc) =	sbr.rel $0x88, $3  }
0x1: {  	(tag) =	ssettag $0x0;
	lr =	simm.s32 $0x1  }
0x2: {  	[smem:$0x3F9E] =	sst lr;
	_ =	strace $0xD0000000  }
0x3: {  	_ = 	snop  }
0x4: {  	_ = 	snop  }
0x5: {  	_ = 	snop  }
0x6: {  	_ = 	snop  }
0x7: {  	_ = 	snop  }
__scs_overlays_trampoline_lowered:
0x8: {  	[smem:$0x3FAD] =	sst s0  }
0x9: {  	[smem:$0x3FAE] =	sst s1  }
0xa: {  	[smem:$0x3FAF] =	sst s2  }
0xb: {  	[smem:$0x3FB0] =	sst s3  }
0xc: {  	[smem:$0x3FB1] =	sst s4  }
0xd: {  	[smem:$0x3FB2] =	sst s5  }
0xe: {  	[smem:$0x3FB3] =	sst s6  }
0xf: {  	[smem:$0x3FB4] =	sst s7  }
0x10: {  	[smem:$0x3FB5] =	sst s8  }
0x11: {  	[smem:$0x3FB6] =	sst s9;
	s0 =	simm.s32 @!p0 $0x0  }
0x12: {  	s1 =	sld [smem:$0x3F9C];
	s0 =	simm.s32 @p0 $0x1  }
0x13: {  	[smem:$0x3FB7] =	sst s0;
	s0 =	simm.s32 @!p1 $0x0  }
0x14: {  	s2 =	sld [smem:$0x3F9B];
	s0 =	simm.s32 @p1 $0x1  }
0x15: {  	[smem:$0x3FB8] =	sst s0;
	s0 =	simm.s32 @!p2 $0x0  }
0x16: {  	s3 =	sld [smem:$0x3FDB];
	s0 =	simm.s32 @p2 $0x1  }
0x17: {  	s4 =	simm.s32 $0x1BF5;
	[smem:$0x3FBA] =	sst s0  }
0x18: {  	s0 =	sld [smem:$0x3F9D];
	_ =	swait.ge [sflag:s4], $0x0  }
0x19: {  	s7 =	sld [smem:$0x3F9E]  }
0x1a: {  	s8 =	sadd.s32 $0xFFFFE003, lr  }
0x1b: {  	s9 =	sadd.s32 $0xFFFFFEF7, lr;
	s5 =	simm.s32 $0xFFFFFFFF;
	p2 =	slt.u32 s8, $0xFFFFF086  }
0x1c: {  	p1 =	slt.u32 s9, $0xF7A;
	s5 =	simm.s32 @!p2 $0x0  }
0x1d: {  	s5 =	simm.s32 @p1 $0x1;
	p0 =	seq.s32 s7, s2  }
0x1e: {  	s7 =	smul.u32 @!p0 $0xF7A, s2;
	p2 =	seq.s32 @!p0 s5, $0x0  }
0x1f: {  	s9 =	smul.u32 $0xF7A, s1;
	s8 =	simm.s32 @!p0 $0x1BF5;
	p2 =	por !p2, p0  }
0x20: {  	[sflag:s8] =	ssyncset.s32 @!p0 $0xFFFFF086;
	s6 =	sadd.s32 @!p0 s3, s7;
	s7 =	simm.s32 @!p0 $0x108  }
0x21: {  	s3 =	sadd.s32 s3, s9;
	s6 =	sadd.s32 @!p0 $0x88, s6;
	s7 =	simm.s32 @p2 $0x1082  }
0x22: {  	[simem:s7], [sflag:s8] =	dma.local @!p0 [hbm:s6], $0xF7A  }
0x23: {  	s9 =	sor.u32 $0xD0000000, s2;
	s6 =	simm.s32 $0x108;
	_ =	swait.ge @!p0 [sflag:s8], $0x0  }
0x24: {  	s3 =	sadd.s32 $0x88, s3;
	s6 =	simm.s32 @!p1 $0x1082;
	[sflag:s4] =	ssyncset.s32 $0xFFFFF086  }
0x25: {  	[simem:s6], [sflag:s4] =	dma.local [hbm:s3], $0xF7A  }
0x26: {  	[smem:$0x3F9E] =	sst s1;
	(tag) =	ssettag s2;
	_ =	strace s9  }
0x27: {  	s1 =	sld [smem:$0x3FAE]  }
0x28: {  	s2 =	sld [smem:$0x3FAF]  }
0x29: {  	s4 =	sld [smem:$0x3FB1]  }
0x2a: {  	p0 =	seq.s32 s5, $0x0;
	s5 =	sld [smem:$0x3FB2]  }
0x2b: {  	s6 =	sld [smem:$0x3FB3]  }
0x2c: {  	s7 =	sld [smem:$0x3FB4]  }
0x2d: {  	s3 =	simm.s32 $0x108;
	s8 =	sld [smem:$0x3FB5]  }
0x2e: {  	s3 =	simm.s32 @!p0 $0x1082;
	s9 =	sld [smem:$0x3FB6]  }
0x2f: {  	lr =	sadd.s32 s0, s3;
	s0 =	sld [smem:$0x3FAD]  }
0x30: {  	s3 =	sld [smem:$0x3FB0]  }
0x31: {  	[smem:$0x3FB9] =	sst s10  }
0x32: {  	s10 =	sld [smem:$0x3FB7];
	_ =	sdelay $0x3  }
0x33: {  	p0 =	seq.s32 s10, $0x1;
	s10 =	sld [smem:$0x3FB9];
	_ =	sdelay $0x3  }
0x34: {  	[smem:$0x3FB9] =	sst s10  }
0x35: {  	s10 =	sld [smem:$0x3FB8];
	_ =	sdelay $0x3  }
0x36: {  	p1 =	seq.s32 s10, $0x1;
	s10 =	sld [smem:$0x3FB9];
	_ =	sdelay $0x3  }
0x37: {  	[smem:$0x3FB9] =	sst s10  }
0x38: {  	s10 =	sld [smem:$0x3FBA]  }
0x39: {  	_ = 	snop;
	(pc) =	sbr.ind lr, $3  }
0x3a: {  	_ = 	snop  }
0x3b: {  	_ = 	snop  }
0x3c: {  	p2 =	seq.s32 s10, $0x1;
	s10 =	sld [smem:$0x3FB9]  }
0x3d: {  	_ =	shalt  }
0x3e: {  	_ =	shalt  }
0x3f: {  	_ =	shalt  }
0x40: {  	_ =	shalt  }
0x41: {  	_ =	shalt  }
0x42: {  	_ =	shalt  }
0x43: {  	_ =	shalt  }
0x44: {  	_ =	shalt  }
0x45: {  	_ =	shalt  }
0x46: {  	_ =	shalt  }
0x47: {  	_ =	shalt  }
0x48: {  	_ =	shalt  }
0x49: {  	_ =	shalt  }
0x4a: {  	_ =	shalt  }
0x4b: {  	_ =	shalt  }
0x4c: {  	_ =	shalt  }
0x4d: {  	_ =	shalt  }
0x4e: {  	_ =	shalt  }
0x4f: {  	_ =	shalt  }
0x50: {  	_ =	shalt  }
0x51: {  	_ =	shalt  }
0x52: {  	_ =	shalt  }
0x53: {  	_ =	shalt  }
0x54: {  	_ =	shalt  }
0x55: {  	_ =	shalt  }
0x56: {  	_ =	shalt  }
0x57: {  	_ =	shalt  }
0x58: {  	_ =	shalt  }
0x59: {  	_ =	shalt  }
0x5a: {  	_ =	shalt  }
0x5b: {  	_ =	shalt  }
0x5c: {  	_ =	shalt  }
0x5d: {  	_ =	shalt  }
0x5e: {  	_ =	shalt  }
0x5f: {  	_ =	shalt  }
0x60: {  	_ =	shalt  }
0x61: {  	_ =	shalt  }
0x62: {  	_ =	shalt  }
0x63: {  	_ =	shalt  }
0x64: {  	_ =	shalt  }
0x65: {  	_ =	shalt  }
0x66: {  	_ =	shalt  }
0x67: {  	_ =	shalt  }
0x68: {  	_ =	shalt  }
0x69: {  	_ =	shalt  }
0x6a: {  	_ =	shalt  }
0x6b: {  	_ =	shalt  }
0x6c: {  	_ =	shalt  }
0x6d: {  	_ =	shalt  }
0x6e: {  	_ =	shalt  }
0x6f: {  	_ =	shalt  }
0x70: {  	_ =	shalt  }
0x71: {  	_ =	shalt  }
0x72: {  	_ =	shalt  }
0x73: {  	_ =	shalt  }
0x74: {  	_ =	shalt  }
0x75: {  	_ =	shalt  }
0x76: {  	_ =	shalt  }
0x77: {  	_ =	shalt  }
0x78: {  	_ =	shalt  }
0x79: {  	_ =	shalt  }
0x7a: {  	_ =	shalt  }
0x7b: {  	_ =	shalt  }
0x7c: {  	_ =	shalt  }
0x7d: {  	_ =	shalt  }
0x7e: {  	_ =	shalt  }
0x7f: {  	_ =	shalt  }
0x80: {  	_ =	shalt  }
0x81: {  	_ =	shalt  }
0x82: {  	_ =	shalt  }
0x83: {  	_ =	shalt  }
0x84: {  	_ =	shalt  }
0x85: {  	_ =	shalt  }
0x86: {  	_ =	shalt  }
0x87: {  	_ =	shalt  }
.Lfunc_end0:
.L_simem_size_0:
called_computation_lowered:
.L_overlay_start_0:
0x88: {  	s2 =	sld [smem:$0x3FD9]  }
0x89: {  	s3 =	sld [smem:$0x3FFE];
	_ =	sdelay $0x1  }
0x8a: {  	s1 =	srdreg.scid  }
0x8b: {  	s0 =	sand.u32 $0x1, s1  }
0x8c: {  	s14 =	sshll.u32 s0, $0xA;
	s2 =	sadd.s32 s3, s2  }
0x8d: {  	s2 =	sadd.s32 s2, s14  }
0x8e: {  	[smem:$0x3FC5] =	sst s2  }
0x8f: {  	_ = 	snop  }
0x90: {  	s2 =	sld [smem:$0x3FD0];
	_ =	sdelay $0x1  }
0x91: {  	s15 =	sld [smem:$0x3FC9]  }
0x92: {  	s5 =	simm.s32 $0xA;
	s6 =	simm.s32 $0x10;
	s4 =	sld [smem:$0x3FC8]  }
0x93: {  	[smem:s6], [sflag:s5] =	dma.local [hbm:s2], $0x1  }
0x94: {  	_ =	swait.eq [sflag:s5], $0x1  }
0x95: {  	s16 =	sld [smem:$0x10];
	[sflag:s5] =	ssyncset.done $0x0  }
0x96: {  	s17 =	sld [smem:$0x11];
	[sflag:s5] =	ssyncadd.s32 $0xFFFFFFFF  }
0x97: {  	s18 =	sld [smem:$0x12];
	(tm) =	ssettm $0x1  }
0x98: {  	s7 =	sld [smem:$0x3FFB];
	_ =	sdelay $0x3  }
0x99: {  	_ =	strace s7  }
0x9a: {  	s7 =	sld [smem:$0x3FFC];
	_ =	sdelay $0x3  }
0x9b: {  	_ =	strace s7  }
0x9c: {  	s7 =	sld [smem:$0x3FFD];
	_ =	sdelay $0x3  }
0x9d: {  	_ =	strace s7  }
0x9e: {  	_ =	strace $0x8FFFFFFF  }
0x9f: {  	s19 =	sld [smem:$0x3FDB];
	_ =	sdelay $0x1  }
0xa0: {  	s8 =	simm.s32 $_scs_section_size  }
0xa1: {  	s9 =	simm.s32 $_size__tile_overlayer_lowered;
	s10 =	simm.s32 $_tile_overlayer_lowered  }
0xa2: {  	s22 =	simm.s32 $0x1BFF;
	s21 =	sshll.u32 s10, $0x1;
	s7 =	sadd.s32 s8, s19  }
0xa3: {  	s11 =	simm.s32 $0x0;
	s20 =	sshll.u32 s9, $0x1;
	s9 =	sadd.s32 s21, s7  }
0xa4: {  	[timem:s11], [sflag:s22] =	dma.local [hbm:s9], s20  }
0xa5: {  	_ =	swait.ge [sflag:s22], s20  }
0xa6: {  	s8 =	ssub.s32 $0x0, s20;
	[sflag:s22] =	ssyncset.done $0x0  }
0xa7: {  	[sflag:s22] =	ssyncadd.s32 s8;
	_ =	sdelay $0x1  }
0xa8: {  	s23 =	simm.s32 $0x1B8B  }
0xa9: {  	_ =	swait.ge [sflag:s23], $0x1  }
0xaa: {  	[sflag:s23] =	ssyncset.done $0x0  }
0xab: {  	s25 =	simm.s32 $0x1B8E;
	s24 =	sld [smem:$0x3FFE];
	[sflag:s23] =	ssyncadd.s32 $0xFFFFFFFF  }
0xac: {  	s26 =	simm.s32 $execute0_lowered;
	[smem:$0x3FD2] =	sst s25  }
0xad: {  	s9 =	sshll.u32 s26, $0x1;
	_ =	strace $0x80000046;
	[dreg:$0x1] =	wrdreg $0xFFFFFFFF  }
0xae: {  	s28 =	simm.s32 $_size_execute0_lowered;
	s7 =	sadd.s32 s7, s9;
	[dreg:$0x0] =	wrdreg $0x0  }
0xaf: {  	s9 =	sshll.u32 s28, $0x1;
	[dreg:$0x2] =	wrdreg s7  }
0xb0: {  	[dreg:$0x3] =	wrdreg s9  }
0xb1: {  	[dreg:$0x4] =	wrdreg $0xC0  }
0xb2: {  	_ =	task [dreg:s11], $0x5FFFF  }
0xb3: {  	[dreg:$0x1] =	wrdreg $0xFFFFFFFF  }
0xb4: {  	[dreg:$0x0] =	wrdreg $0x60  }
0xb5: {  	[dreg:$0x2] =	wrdreg s15  }
0xb6: {  	[dreg:$0x3] =	wrdreg s4  }
0xb7: {  	[dreg:$0x4] =	wrdreg s24  }
0xb8: {  	[dreg:$0x5] =	wrdreg s16  }
0xb9: {  	[dreg:$0x6] =	wrdreg s17  }
0xba: {  	[dreg:$0x7] =	wrdreg s18  }
0xbb: {  	[dreg:$0x8] =	wrdreg $0x9  }
0xbc: {  	_ =	task.clear_ibuf [dreg:s11], $0x9FFFF;
	_ =	strace $0x90000046  }
0xbd: {  	s29 =	simm.s32 $0x9;
	_ =	strace $0x80000048  }
0xbe: {  	_ =	swait.ge [sflag:s29], $0x1  }
0xbf: {  	[sflag:s29] =	ssyncadd.s32 $0xFFFFFFFF  }
0xc0: {  	_ =	strace $0x90000048  }
0xc1: {  	_ =	sfence  }
0xc2: {  	s30 =	sld [smem:$0x0];
	_ =	sdelay $0x2  }
0xc3: {  	s31 =	sshll.u32 s1, $0xD;
	s1 =	sshrl.u32 s1, $0x2  }
0xc4: {  	s3 =	sand.u32 $0x4000, s31;
	s1 =	sadd.s32 s1, s30  }
0xc5: {  	s0 =	sor.u32 s3, s0;
	s1 =	sshll.u32 s1, $0x11  }
0xc6: {  	s0 =	sor.u32 s1, s0  }
0xc7: {  	s0 =	sadd.s32 $0x8F2B, s0  }
0xc8: {  	[sflag:s0] =	ssyncadd.remote.s32 $0x1  }
0xc9: {  	_ =	sfence.sel $0xFFFF  }
0xca: {  	[dreg:$0x0] =	wrdreg $0xFFFFFFFF;
	(pc) =	sbr.abs _section_cstart, $3  }
0xcb: {  	[dreg:$0x1] =	wrdreg $0xFFFFFFFF  }
0xcc: {  	_ =	task.clear_ibuf [dreg:s11], $0x2FFFF;
	_ =	strace $0x9FFFFFFF  }
0xcd: {  	(tm) =	ssettm $0x7FFFFFFF  }
tec
execute0_lowered:
.L_overlay_start_1:
0x0: {  	(tag) =	ssettag $0x1  }
0x1: {  	s0 =	rddreg [dreg:$0x0]  }
0x2: {  	s5 =	rddreg [dreg:$0x1]  }
0x3: {  	s1 =	rddreg [dreg:$0x2];
	s2 =	srdreg.scid  }
0x4: {  	s3 =	rddreg [dreg:$0x3];
	s4 =	stileid.u32;
	s2 =	sand.u32 $0x1, s2  }
0x5: {  	s7 =	simm.s32 $0x0;
	s4 =	sshll.u32 s4, $0x6;
	s8 =	sshll.u32 s2, $0x5  }
0x6: {  	[smem:$0x7FF] =	sst s7;
	s28 =	sadd.s32 $0x20000, s3;
	s8 =	sor.u32 s8, s4  }
0x7: {  	s29 =	sadd.s32 $0x30000, s3;
	s2 =	ssub.s32 $0x2, s2;
	s11 =	sshll.u32 s8, $0x8  }
0x8: {  	_ =	strace $0x80000047;
	s10 =	sshrl.u32 s2, $0x1;
	s20 =	sadd.s32 s5, s11  }
0x9: {  	s2 =	ssub.s32 s2, s10;
	s6 =	sadd.s32 s0, s11;
	[dreg:$0xd] =	wrdreg s20  }
0xa: {  	s30 =	sadd.s32 $0x40000, s3;
	s26 =	smax.u32 s2, $0x1;
	[dreg:$0x7] =	wrdreg s6  }
0xb: {  	s31 =	sadd.s32 $0x50000, s3;
	s14 =	sadd.s32 $0x40000, s6;
	[dreg:$0x17] =	wrdreg s26  }
0xc: {  	s4 =	sshll.u32 s8, $0x4;
	s15 =	sadd.s32 $0x80000, s6;
	[dreg:$0x8] =	wrdreg s14  }
0xd: {  	s9 =	sshrl.u32 s8, $0x3;
	s16 =	sadd.s32 $0xC0000, s6;
	[dreg:$0x9] =	wrdreg s15  }
0xe: {  	s10 =	simm.s32 $0x6000;
	s17 =	sadd.s32 $0x100000, s6;
	[dreg:$0xa] =	wrdreg s16  }
0xf: {  	s19 =	sor.u32 $0x10, s11;
	s18 =	sadd.s32 $0x140000, s6;
	[dreg:$0xb] =	wrdreg s17  }
0x10: {  	s4 =	sadd.s32 s4, s1;
	s21 =	sadd.s32 s0, s19;
	[dreg:$0xc] =	wrdreg s18  }
0x11: {  	s1 =	sadd.s32 s9, s1;
	s22 =	sadd.s32 $0x40010, s6;
	[dreg:$0xe] =	wrdreg s21  }
0x12: {  	s2 =	simm.s32 $0x400;
	s23 =	sadd.s32 $0x80010, s6;
	[dreg:$0xf] =	wrdreg s22  }
0x13: {  	s11 =	simm.s32 $0x3000;
	s24 =	sadd.s32 $0xC0010, s6;
	[dreg:$0x10] =	wrdreg s23  }
0x14: {  	s9 =	simm.s32 $0x5;
	s25 =	sadd.s32 $0x100010, s6;
	[dreg:$0x11] =	wrdreg s24  }
0x15: {  	s6 =	sadd.s32 $0x140010, s6;
	s4 =	sadd.s32 $0x1800, s4;
	[dreg:$0x12] =	wrdreg s25  }
0x16: {  	s1 =	sadd.s32 $0x5800, s1;
	s26 =	sadd.s32 $0x10000, s3;
	[dreg:$0x13] =	wrdreg s6  }
.Ltmp0:
0x17: {  	s20 =	simm.s32 $0x1;
	[dreg:$0x15] =	wrdreg s4;
	(pc) =	sbr.rel .LBB2_1-.Ltmp0, $4  }
0x18: {  	s6 =	smov.u32 s5;
	s5 =	sadd.s32 s5, s19;
	[dreg:$0x16] =	wrdreg s1  }
0x19: {  	s4 =	simm.s32 $0x80;
	s17 =	simm.s32 $0x6800;
	s18 =	simm.s32 $0x7000  }
0x1a: {  	v0 =	vlaneseq.u32;
	s21 =	simm.s32 $0xC080;
	s22 =	simm.s32 $0x9800;
	s23 =	simm.s32 $0x8000  }
0x1b: {  	v1 =	vimm.s32 $0x0;
	v2 =	vimm.f32 $-1.000000000e+00;
	v3 =	vimm.s32 $0xFFFFFFFF;
	s16 =	simm.s32 $0x2;
	[dreg:$0x14] =	wrdreg s5;
	s5 =	simm.s32 $0x0  }
.LBB2_20:
0x1c: {  	s1 =	simm.s32 $0x3  }
0x1d: {  	_ =	swait.ge [sflag:s1], $0x200  }
0x1e: {  	[sflag:s1] =	ssyncset.done $0x0  }
0x1f: {  	[sflag:s1] =	ssyncadd.s32 $0xFFFFFE00  }
0x20: {  	_ =	swait.ge [sflag:s1], $0x200  }
0x21: {  	[sflag:s1] =	ssyncset.done $0x0  }
0x22: {  	[sflag:s1] =	ssyncadd.s32 $0xFFFFFE00  }
0x23: {  	_ =	swait.ge [sflag:s1], $0x200  }
0x24: {  	[sflag:s1] =	ssyncset.done $0x0  }
0x25: {  	[sflag:s1] =	ssyncadd.s32 $0xFFFFFE00  }
0x26: {  	_ =	swait.ge [sflag:s1], $0x200  }
0x27: {  	[sflag:s1] =	ssyncset.done $0x0  }
0x28: {  	[sflag:s1] =	ssyncadd.s32 $0xFFFFFE00  }
0x29: {  	_ =	swait.ge [sflag:s1], $0x200  }
0x2a: {  	[sflag:s1] =	ssyncset.done $0x0  }
0x2b: {  	[sflag:s1] =	ssyncadd.s32 $0xFFFFFE00  }
0x2c: {  	_ =	swait.ge [sflag:s1], $0x200  }
0x2d: {  	[sflag:s1] =	ssyncset.done $0x0  }
0x2e: {  	[sflag:s1] =	ssyncadd.s32 $0xFFFFFE00  }
0x2f: {  	_ =	swait.ge [sflag:s1], $0x200  }
0x30: {  	[sflag:s1] =	ssyncset.done $0x0  }
0x31: {  	[sflag:s1] =	ssyncadd.s32 $0xFFFFFE00  }
0x32: {  	_ =	swait.ge [sflag:s1], $0x200  }
0x33: {  	[sflag:s1] =	ssyncset.done $0x0  }
0x34: {  	s19 =	simm.s32 $0x4;
	[sflag:s1] =	ssyncadd.s32 $0xFFFFFE00  }
0x35: {  	_ =	swait.ge [sflag:s19], $0x200  }
0x36: {  	[sflag:s19] =	ssyncset.done $0x0  }
0x37: {  	[sflag:s19] =	ssyncadd.s32 $0xFFFFFE00  }
0x38: {  	_ =	swait.ge [sflag:s19], $0x200  }
0x39: {  	[sflag:s19] =	ssyncset.done $0x0  }
0x3a: {  	[sflag:s19] =	ssyncadd.s32 $0xFFFFFE00  }
0x3b: {  	_ =	swait.ge [sflag:s19], $0x200  }
0x3c: {  	[sflag:s19] =	ssyncset.done $0x0  }
0x3d: {  	[sflag:s19] =	ssyncadd.s32 $0xFFFFFE00  }
0x3e: {  	_ =	swait.ge [sflag:s19], $0x200  }
0x3f: {  	[sflag:s19] =	ssyncset.done $0x0  }
0x40: {  	[sflag:s19] =	ssyncadd.s32 $0xFFFFFE00  }
0x41: {  	_ =	swait.ge [sflag:s19], $0x200  }
0x42: {  	[sflag:s19] =	ssyncset.done $0x0  }
0x43: {  	[sflag:s19] =	ssyncadd.s32 $0xFFFFFE00  }
0x44: {  	_ =	swait.ge [sflag:s19], $0x200  }
0x45: {  	[sflag:s19] =	ssyncset.done $0x0  }
0x46: {  	[sflag:s19] =	ssyncadd.s32 $0xFFFFFE00  }
0x47: {  	_ =	swait.ge [sflag:s19], $0x200  }
0x48: {  	[sflag:s19] =	ssyncset.done $0x0  }
0x49: {  	[sflag:s19] =	ssyncadd.s32 $0xFFFFFE00  }
0x4a: {  	_ =	swait.ge [sflag:s19], $0x200  }
0x4b: {  	[sflag:s19] =	ssyncset.done $0x0  }
0x4c: {  	s9 =	simm.s32 $0x5;
	s24 =	rddreg [dreg:$0x16];
	[sflag:s19] =	ssyncadd.s32 $0xFFFFFE00  }
0x4d: {  	[hbm4b:s24+s7] =	stream.linear.scatter [tilespmem:s21], [sflag:$0x5], $0x20, $0x38;
	[tilespmem:$0xC100] =	vst v63  }
0x4e: {  	_ =	swait.ge [sflag:s9], $0x20  }
0x4f: {  	s5 =	rddreg [dreg:$0x18]  }
0x50: {  	s25 =	rddreg [dreg:$0x17];
	s5 =	sadd.s32 $0x1, s5  }
0x51: {  	p0 =	sne.s32 s5, s25  }
.Ltmp1:
0x52: {  	_ = 	snop;
	(pc) =	sbr.rel @!p0 .LBB2_21-.Ltmp1, $3  }
0x53: {  	_ =	sdelay $0x1  }
0x54: {  	[sflag:s9] =	ssyncset.done $0x0  }
0x55: {  	[sflag:s9] =	ssyncadd.s32 $0xFFFFFFE0  }
.LBB2_1:
0x56: {  	[dreg:$0x18] =	wrdreg s5  }
0x57: {  	s1 =	rddreg [dreg:$0x7]  }
0x58: {  	[tilespmem:s7], [sflag:$0x1] =	stream.strided.gather [hbm4b:s1+s4], $0x800, s2, s4, $0x38;
	[tilespmem:$0xC100] =	vst v63  }
0x59: {  	s5 =	rddreg [dreg:$0x8];
	s12 =	simm.s32 $0x800  }
0x5a: {  	[tilespmem:s12], [sflag:$0x1] =	stream.strided.gather [hbm4b:s5+s4], $0x800, s2, s4, $0x38;
	[tilespmem:$0xC100] =	vst v63  }
0x5b: {  	s13 =	rddreg [dreg:$0x9];
	s14 =	simm.s32 $0x1000  }
0x5c: {  	[tilespmem:s14], [sflag:$0x1] =	stream.strided.gather [hbm4b:s13+s4], $0x800, s2, s4, $0x38;
	[tilespmem:$0xC100] =	vst v63  }
0x5d: {  	s15 =	rddreg [dreg:$0xa];
	s19 =	simm.s32 $0x1800  }
0x5e: {  	[tilespmem:s19], [sflag:$0x1] =	stream.strided.gather [hbm4b:s15+s4], $0x800, s2, s4, $0x38;
	[tilespmem:$0xC100] =	vst v63  }
0x5f: {  	s24 =	rddreg [dreg:$0xb];
	s25 =	simm.s32 $0x2000  }
0x60: {  	[tilespmem:s25], [sflag:$0x1] =	stream.strided.gather [hbm4b:s24+s4], $0x800, s2, s4, $0x38;
	[tilespmem:$0xC100] =	vst v63  }
0x61: {  	s5 =	rddreg [dreg:$0xc];
	s12 =	simm.s32 $0x2800  }
0x62: {  	[tilespmem:s12], [sflag:$0x1] =	stream.strided.gather [hbm4b:s5+s4], $0x800, s2, s4, $0x38;
	[tilespmem:$0xC100] =	vst v63  }
0x63: {  	s13 =	rddreg [dreg:$0xd]  }
0x64: {  	[tilespmem:s10], [sflag:$0x1] =	stream.strided.gather [hbm4b:s13+s4], $0x800, s2, s4, $0x38;
	[tilespmem:$0xC100] =	vst v63  }
0x65: {  	s14 =	rddreg [dreg:$0xe]  }
0x66: {  	[tilespmem:s11], [sflag:$0x2] =	stream.strided.gather [hbm4b:s14+s4], $0x800, s2, s4, $0x38;
	[tilespmem:$0xC100] =	vst v63  }
0x67: {  	s15 =	rddreg [dreg:$0xf];
	s19 =	simm.s32 $0x3800  }
0x68: {  	[tilespmem:s19], [sflag:$0x2] =	stream.strided.gather [hbm4b:s15+s4], $0x800, s2, s4, $0x38;
	[tilespmem:$0xC100] =	vst v63  }
0x69: {  	s24 =	rddreg [dreg:$0x10];
	s25 =	simm.s32 $0x4000  }
0x6a: {  	[tilespmem:s25], [sflag:$0x2] =	stream.strided.gather [hbm4b:s24+s4], $0x800, s2, s4, $0x38;
	[tilespmem:$0xC100] =	vst v63  }
0x6b: {  	s5 =	rddreg [dreg:$0x11];
	s12 =	simm.s32 $0x4800  }
0x6c: {  	[tilespmem:s12], [sflag:$0x2] =	stream.strided.gather [hbm4b:s5+s4], $0x800, s2, s4, $0x38;
	[tilespmem:$0xC100] =	vst v63  }
0x6d: {  	s13 =	rddreg [dreg:$0x12];
	s14 =	simm.s32 $0x5000  }
0x6e: {  	[tilespmem:s14], [sflag:$0x2] =	stream.strided.gather [hbm4b:s13+s4], $0x800, s2, s4, $0x38;
	[tilespmem:$0xC100] =	vst v63  }
0x6f: {  	s15 =	rddreg [dreg:$0x13];
	s19 =	simm.s32 $0x5800  }
0x70: {  	[tilespmem:s19], [sflag:$0x2] =	stream.strided.gather [hbm4b:s15+s4], $0x800, s2, s4, $0x38;
	[tilespmem:$0xC100] =	vst v63  }
0x71: {  	s24 =	rddreg [dreg:$0x14]  }
0x72: {  	[tilespmem:s17], [sflag:$0x2] =	stream.strided.gather [hbm4b:s24+s4], $0x800, s2, s4, $0x38;
	[tilespmem:$0xC100] =	vst v63  }
0x73: {  	s25 =	rddreg [dreg:$0x15]  }
0x74: {  	[tilespmem:s18], [sflag:$0x5] =	stream.linear.gather [hbm4b:s25+s7], $0x1000, $0x38;
	[tilespmem:$0xC100] =	vst v63  }
0x75: {  	_ =	swait.ge [sflag:s9], $0x1000  }
0x76: {  	[sflag:s9] =	ssyncset.done $0x0  }
0x77: {  	s24 =	simm.s32 $0x0;
	[sflag:s9] =	ssyncadd.s32 $0xFFFFF000  }
.LBB2_2:
0x78: {  	_ =	swait.ge [sflag:s20], $0x800  }
0x79: {  	[sflag:s20] =	ssyncset.done $0x0  }
0x7a: {  	[sflag:s20] =	ssyncadd.s32 $0xFFFFF800  }
0x7b: {  	_ =	swait.ge [sflag:s20], $0x800  }
0x7c: {  	[sflag:s20] =	ssyncset.done $0x0  }
0x7d: {  	[sflag:s20] =	ssyncadd.s32 $0xFFFFF800  }
0x7e: {  	_ =	swait.ge [sflag:s20], $0x800  }
0x7f: {  	[sflag:s20] =	ssyncset.done $0x0  }
0x80: {  	[sflag:s20] =	ssyncadd.s32 $0xFFFFF800  }
0x81: {  	_ =	swait.ge [sflag:s20], $0x800  }
0x82: {  	[sflag:s20] =	ssyncset.done $0x0  }
0x83: {  	[sflag:s20] =	ssyncadd.s32 $0xFFFFF800  }
0x84: {  	_ =	swait.ge [sflag:s20], $0x800  }
0x85: {  	s25 =	sshll.u32 s24, $0x1;
	[sflag:s20] =	ssyncset.done $0x0  }
0x86: {  	v4 =	vmov s25;
	[sflag:s20] =	ssyncadd.s32 $0xFFFFF800  }
0x87: {  	v13 =	vshll.u32 v4, $0x7;
	_ =	swait.ge [sflag:s20], $0x800  }
0x88: {  	v5 =	vor.u32 $0xA, v13;
	[sflag:s20] =	ssyncset.done $0x0  }
0x89: {  	v6 =	vor.u32 $0xB, v13;
	[sflag:s20] =	ssyncadd.s32 $0xFFFFF800  }
0x8a: {  	_ =	swait.ge [sflag:s20], $0x800  }
0x8b: {  	[sflag:s20] =	ssyncset.done $0x0  }
0x8c: {  	v7 =	vor.u32 $0x9, v13;
	[sflag:s20] =	ssyncadd.s32 $0xFFFFF800  }
0x8d: {  	v9 =	vld.idx.msk [tilespmem:v5+s18+$0x0], $0xffff  }
0x8e: {  	s12 =	simm.s32 $0x820;
	v16 =	vor.u32 $0x7, v13;
	v10 =	vld.idx.msk [tilespmem:v6+s18+$0x0], $0xffff  }
0x8f: {  	v5 =	vor.u32 $0x1, v13;
	v11 =	vld [tilespmem:s12+$0xFFFFFFE0]  }
0x90: {  	v8 =	vor.u32 $0x2, v13;
	v14 =	vld [tilespmem:s12+$0x7E0]  }
0x91: {  	v12 =	vor.u32 $0x4, v13;
	v15 =	vld.idx.msk [tilespmem:v7+s18+$0x0], $0xffff  }
0x92: {  	v17 =	vor.u32 $0x5, v13;
	v18 =	vld [tilespmem:s12+$0xFFFFF7E0]  }
0x93: {  	v19 =	vor.u32 $0x3, v13;
	v7 =	vld.idx.msk [tilespmem:v16+s18+$0x0], $0xffff  }
0x94: {  	v20 =	vor.u32 $0x8, v13;
	v6 =	vld.idx.msk [tilespmem:v5+s18+$0x0], $0xffff;
	v21 =	vsub.f32 v11, v9  }
0x95: {  	v5 =	vld.idx.msk [tilespmem:v8+s18+$0x0], $0xffff;
	v22 =	vsub.f32 v14, v10  }
0x96: {  	v23 =	vor.u32 $0x6, v13;
	v8 =	vld.idx.msk [tilespmem:v12+s18+$0x0], $0xffff;
	v11 =	vshrl.u32 v21, $0x10  }
0x97: {  	v12 =	vld.idx.msk [tilespmem:v17+s18+$0x0], $0xffff;
	v17 =	vsub.f32 v18, v15;
	v16 =	vshrl.u32 v22, $0x10;
	v14 =	vand.u32 $0x1, v11  }
0x98: {  	v11 =	vld.idx.msk [tilespmem:v19+s18+$0x0], $0xffff;
	v16 =	vand.u32 $0x1, v16;
	v18 =	vadd.s32 v14, v21  }
0x99: {  	v19 =	vshrl.u32 v17, $0x10;
	v14 =	vld.idx.msk [tilespmem:v20+s18+$0x0], $0xffff;
	v16 =	vadd.s32 v16, v22;
	v18 =	vadd.s32 $0x7FFF, v18  }
0x9a: {  	v13 =	vld.idx.msk [tilespmem:v13+s18+$0x0], $0xffff;
	v19 =	vand.u32 $0x1, v19;
	v20 =	vadd.s32 $0x7FFF, v16;
	v18 =	vand.u32 $0xFFFF0000, v18  }
0x9b: {  	v16 =	vld.idx.msk [tilespmem:v23+s18+$0x0], $0xffff;
	v17 =	vadd.s32 v19, v17;
	v19 =	vand.u32 $0xFFFF0000, v20;
	v20 =	vmul.f32 v18, v7  }
0x9c: {  	v17 =	vadd.s32 $0x7FFF, v17;
	v39 =	vmul.f32 v18, v8;
	v40 =	vmul.f32 v19, v12  }
0x9d: {  	v17 =	vand.u32 $0xFFFF0000, v17;
	v18 =	vmul.f32 v18, v6;
	v41 =	vmul.f32 v19, v5  }
0x9e: {  	v24 =	vmul.f32 v17, v11;
	v21 =	vadd.f32 v40, v39;
	v19 =	vmul.f32 v19, v14  }
0x9f: {  	v42 =	vmul.f32 v17, v13;
	v18 =	vadd.f32 v41, v18  }
0xa0: {  	v17 =	vmul.f32 v17, v16;
	v21 =	vadd.f32 v21, v24;
	v19 =	vadd.f32 v19, v20  }
0xa1: {  	v18 =	vadd.f32 v18, v42  }
0xa2: {  	v17 =	vadd.f32 v19, v17;
	v19 =	vand.u32 $0x7FFFFFFF, v21  }
0xa3: {  	s9 =	simm.s32 $0x8820;
	vm0 =	vlt.f32 v18, $2.999999930e-02;
	vm1 =	vlt.f32 v19, $3.999999910e-02  }
0xa4: {  	vm2 =	vgt.f32 v18, $0.0e+00;
	[tilespmem:s9+$0xFFFFFFE0] =	vst v21;
	vm0 =	vmand vm0, vm1;
	v19 =	vand.u32 $0x7FFFFFFF, v17  }
0xa5: {  	s1 =	simm.s32 $0x0;
	[tilespmem:s9+$0xFFFFF7E0] =	vst v18;
	vm0 =	vmand vm0, vm2;
	vm15 =	vlt.f32 v19, $9.999999770e-03  }
0xa6: {  	v18 =	vor.u32 s1, v0;
	[tilespmem:s9+$0x7E0] =	vst v17;
	vm0 =	vmand vm15, vm0  }
0xa7: {  	[tilespmem:s1+$0x9800] =	vst.msk vm0, v18  }
0xa8: {  	v17 =	vld [tilespmem:s12+$0xFFFFFFF0]  }
0xa9: {  	v18 =	vld [tilespmem:s12+$0x7F0];
	_ =	sdelay $0x1  }
0xaa: {  	v19 =	vld [tilespmem:s12+$0xFFFFF7F0];
	_ =	sdelay $0x1  }
0xab: {  	v20 =	vmpcnt.ones.xlane vm0;
	v17 =	vsub.f32 v17, v9  }
0xac: {  	v18 =	vsub.f32 v18, v10  }
0xad: {  	(v2sf) =	vpush v20, $0x0;
	v20 =	vshrl.u32 v17, $0x10  }
0xae: {  	v19 =	vsub.f32 v19, v15;
	v43 =	vshrl.u32 v18, $0x10;
	v20 =	vand.u32 $0x1, v20  }
0xaf: {  	v17 =	vadd.s32 v20, v17;
	v20 =	vand.u32 $0x1, v43  }
0xb0: {  	v44 =	vshrl.u32 v19, $0x10;
	v17 =	vadd.s32 $0x7FFF, v17;
	v18 =	vadd.s32 v20, v18  }
0xb1: {  	v20 =	vand.u32 $0x1, v44;
	v17 =	vand.u32 $0xFFFF0000, v17;
	v18 =	vadd.s32 $0x7FFF, v18  }
0xb2: {  	v19 =	vadd.s32 v20, v19;
	v18 =	vand.u32 $0xFFFF0000, v18;
	v20 =	vmul.f32 v17, v7  }
0xb3: {  	v19 =	vadd.s32 $0x7FFF, v19;
	v45 =	vmul.f32 v17, v8;
	v46 =	vmul.f32 v18, v12  }
0xb4: {  	v17 =	vmul.f32 v17, v6;
	v19 =	vand.u32 $0xFFFF0000, v19;
	v47 =	vmul.f32 v18, v5  }
0xb5: {  	v18 =	vmul.f32 v18, v14;
	v48 =	vmul.f32 v19, v11;
	v21 =	vadd.f32 v46, v45  }
0xb6: {  	v49 =	vmul.f32 v19, v13;
	v17 =	vadd.f32 v47, v17  }
0xb7: {  	v19 =	vmul.f32 v19, v16;
	v18 =	vadd.f32 v18, v20;
	v21 =	vadd.f32 v21, v48  }
0xb8: {  	v17 =	vadd.f32 v17, v49  }
0xb9: {  	v18 =	vadd.f32 v18, v19;
	v19 =	vand.u32 $0x7FFFFFFF, v21  }
0xba: {  	vm4 =	vlt.f32 v17, $2.999999930e-02;
	vm5 =	vlt.f32 v19, $3.999999910e-02  }
0xbb: {  	vm6 =	vgt.f32 v17, $0.0e+00;
	[tilespmem:s9+$0xFFFFFFF0] =	vst v21;
	v19 =	vand.u32 $0x7FFFFFFF, v18;
	vm0 =	vmand vm4, vm5  }
0xbc: {  	s13 =	simm.s32 $0x10;
	s19 =	spop (v2sf);
	[tilespmem:s9+$0xFFFFF7F0] =	vst v17;
	vm7 =	vlt.f32 v19, $9.999999770e-03;
	vm0 =	vmand vm0, vm6  }
0xbd: {  	s1 =	sadd.s32 $0x0, s19;
	v17 =	vor.u32 s13, v0;
	[tilespmem:s9+$0x7F0] =	vst v18;
	vm0 =	vmand vm7, vm0  }
0xbe: {  	[tilespmem:s1+$0x9800] =	vst.msk vm0, v17  }
0xbf: {  	v17 =	vld [tilespmem:s12+$0x0]  }
0xc0: {  	v18 =	vld [tilespmem:s12+$0x800];
	_ =	sdelay $0x1  }
0xc1: {  	v19 =	vld [tilespmem:s12+$0xFFFFF800];
	_ =	sdelay $0x1  }
0xc2: {  	v20 =	vmpcnt.ones.xlane vm0;
	v17 =	vsub.f32 v17, v9  }
0xc3: {  	v18 =	vsub.f32 v18, v10  }
0xc4: {  	(v2sf) =	vpush v20, $0x0;
	v20 =	vshrl.u32 v17, $0x10  }
0xc5: {  	v19 =	vsub.f32 v19, v15;
	v50 =	vshrl.u32 v18, $0x10;
	v20 =	vand.u32 $0x1, v20  }
0xc6: {  	v17 =	vadd.s32 v20, v17;
	v20 =	vand.u32 $0x1, v50  }
0xc7: {  	v51 =	vshrl.u32 v19, $0x10;
	v17 =	vadd.s32 $0x7FFF, v17;
	v18 =	vadd.s32 v20, v18  }
0xc8: {  	v20 =	vand.u32 $0x1, v51;
	v17 =	vand.u32 $0xFFFF0000, v17;
	v18 =	vadd.s32 $0x7FFF, v18  }
0xc9: {  	v19 =	vadd.s32 v20, v19;
	v18 =	vand.u32 $0xFFFF0000, v18;
	v20 =	vmul.f32 v17, v7  }
0xca: {  	v19 =	vadd.s32 $0x7FFF, v19;
	v52 =	vmul.f32 v17, v8;
	v53 =	vmul.f32 v18, v12  }
0xcb: {  	v17 =	vmul.f32 v17, v6;
	v19 =	vand.u32 $0xFFFF0000, v19;
	v54 =	vmul.f32 v18, v5  }
0xcc: {  	v18 =	vmul.f32 v18, v14;
	v55 =	vmul.f32 v19, v11;
	v21 =	vadd.f32 v53, v52  }
0xcd: {  	v56 =	vmul.f32 v19, v13;
	v17 =	vadd.f32 v54, v17  }
0xce: {  	v19 =	vmul.f32 v19, v16;
	v18 =	vadd.f32 v18, v20;
	v21 =	vadd.f32 v21, v55  }
0xcf: {  	v17 =	vadd.f32 v17, v56  }
0xd0: {  	v18 =	vadd.f32 v18, v19;
	v19 =	vand.u32 $0x7FFFFFFF, v21  }
0xd1: {  	vm8 =	vlt.f32 v17, $2.999999930e-02;
	vm9 =	vlt.f32 v19, $3.999999910e-02  }
0xd2: {  	[tilespmem:s9+$0x0] =	vst v21;
	vm10 =	vgt.f32 v17, $0.0e+00;
	v19 =	vand.u32 $0x7FFFFFFF, v18;
	vm0 =	vmand vm8, vm9  }
0xd3: {  	s14 =	simm.s32 $0x20;
	s5 =	spop (v2sf);
	[tilespmem:s9+$0xFFFFF800] =	vst v17;
	vm11 =	vlt.f32 v19, $9.999999770e-03;
	vm0 =	vmand vm0, vm10  }
0xd4: {  	s1 =	sadd.s32 s1, s5;
	[tilespmem:s9+$0x800] =	vst v18;
	v17 =	vor.u32 s14, v0;
	vm0 =	vmand vm11, vm0  }
0xd5: {  	[tilespmem:s1+$0x9800] =	vst.msk vm0, v17  }
0xd6: {  	v17 =	vld [tilespmem:s12+$0x10]  }
0xd7: {  	v18 =	vld [tilespmem:s12+$0x810];
	_ =	sdelay $0x1  }
0xd8: {  	v19 =	vld [tilespmem:s12+$0xFFFFF810];
	_ =	sdelay $0x1  }
0xd9: {  	v20 =	vmpcnt.ones.xlane vm0;
	v17 =	vsub.f32 v17, v9  }
0xda: {  	v18 =	vsub.f32 v18, v10  }
0xdb: {  	(v2sf) =	vpush v20, $0x0;
	v20 =	vshrl.u32 v17, $0x10  }
0xdc: {  	v19 =	vsub.f32 v19, v15;
	v57 =	vshrl.u32 v18, $0x10;
	v20 =	vand.u32 $0x1, v20  }
0xdd: {  	v17 =	vadd.s32 v20, v17;
	v20 =	vand.u32 $0x1, v57  }
0xde: {  	v58 =	vshrl.u32 v19, $0x10;
	v17 =	vadd.s32 $0x7FFF, v17;
	v18 =	vadd.s32 v20, v18  }
0xdf: {  	v20 =	vand.u32 $0x1, v58;
	v17 =	vand.u32 $0xFFFF0000, v17;
	v18 =	vadd.s32 $0x7FFF, v18  }
0xe0: {  	v19 =	vadd.s32 v20, v19;
	v18 =	vand.u32 $0xFFFF0000, v18;
	v20 =	vmul.f32 v17, v6  }
0xe1: {  	v59 =	vmul.f32 v17, v8;
	v19 =	vadd.s32 $0x7FFF, v19;
	v60 =	vmul.f32 v18, v12  }
0xe2: {  	v17 =	vmul.f32 v17, v7;
	v61 =	vmul.f32 v18, v5;
	v19 =	vand.u32 $0xFFFF0000, v19  }
0xe3: {  	v18 =	vmul.f32 v18, v14;
	v62 =	vmul.f32 v19, v11;
	v21 =	vadd.f32 v60, v59  }
0xe4: {  	v63 =	vmul.f32 v19, v13;
	v20 =	vadd.f32 v61, v20  }
0xe5: {  	v19 =	vmul.f32 v19, v16;
	v17 =	vadd.f32 v18, v17;
	v18 =	vadd.f32 v21, v62  }
0xe6: {  	v20 =	vadd.f32 v20, v63  }
0xe7: {  	v17 =	vadd.f32 v17, v19;
	v19 =	vand.u32 $0x7FFFFFFF, v18  }
0xe8: {  	vm12 =	vlt.f32 v20, $2.999999930e-02;
	vm13 =	vlt.f32 v19, $3.999999910e-02  }
0xe9: {  	[tilespmem:s9+$0x10] =	vst v18;
	v18 =	vand.u32 $0x7FFFFFFF, v17;
	vm14 =	vgt.f32 v20, $0.0e+00;
	vm0 =	vmand vm12, vm13  }
0xea: {  	s19 =	simm.s32 $0x30;
	s15 =	spop (v2sf);
	[tilespmem:s9+$0xFFFFF810] =	vst v20;
	vm15 =	vlt.f32 v18, $9.999999770e-03;
	vm0 =	vmand vm0, vm14  }
0xeb: {  	s1 =	sadd.s32 s1, s15;
	[tilespmem:s9+$0x810] =	vst v17;
	v17 =	vor.u32 s19, v0;
	vm0 =	vmand vm15, vm0  }
0xec: {  	s12 =	simm.s32 $0x860;
	[tilespmem:s1+$0x9800] =	vst.msk vm0, v17  }
0xed: {  	v18 =	vmpcnt.ones.xlane vm0;
	v17 =	vld [tilespmem:s12+$0xFFFFFFE0];
	_ =	sdelay $0x1  }
0xee: {  	v19 =	vld [tilespmem:s12+$0x7E0];
	(v2sf) =	vpush v18, $0x0;
	_ =	sdelay $0x1  }
0xef: {  	v18 =	vld [tilespmem:s12+$0xFFFFF7E0]  }
0xf0: {  	s13 =	simm.s32 $0x80;
	s19 =	simm.s32 $0x40;
	v17 =	vsub.f32 v17, v9  }
.LBB2_3:
0xf1: {  	p0 =	sne.s32 s13, $0x7C0  }
0xf2: {  	v19 =	vsub.f32 v19, v10;
	s9 =	sadd.s32 $0x40, s9;
	s14 =	smov.u32 s13;
	s13 =	sadd.s32 $0x40, s13  }
0xf3: {  	v20 =	vshrl.u32 v17, $0x10  }
0xf4: {  	v18 =	vsub.f32 v18, v15;
	v20 =	vand.u32 $0x1, v20;
	v21 =	vshrl.u32 v19, $0x10  }
0xf5: {  	v17 =	vadd.s32 v20, v17;
	v20 =	vand.u32 $0x1, v21  }
0xf6: {  	v21 =	vshrl.u32 v18, $0x10;
	v17 =	vadd.s32 $0x7FFF, v17;
	v19 =	vadd.s32 v20, v19  }
0xf7: {  	v20 =	vand.u32 $0x1, v21;
	v17 =	vand.u32 $0xFFFF0000, v17;
	v19 =	vadd.s32 $0x7FFF, v19  }
0xf8: {  	v18 =	vadd.s32 v20, v18;
	v19 =	vand.u32 $0xFFFF0000, v19;
	v20 =	vmul.f32 v17, v7  }
0xf9: {  	v21 =	vmul.f32 v17, v8;
	v18 =	vadd.s32 $0x7FFF, v18;
	v22 =	vmul.f32 v19, v12  }
0xfa: {  	v17 =	vmul.f32 v17, v6;
	v23 =	vmul.f32 v19, v5;
	v18 =	vand.u32 $0xFFFF0000, v18  }
0xfb: {  	v19 =	vmul.f32 v19, v14;
	v24 =	vmul.f32 v18, v11;
	v21 =	vadd.f32 v22, v21  }
0xfc: {  	v22 =	vmul.f32 v18, v13;
	v17 =	vadd.f32 v23, v17;
	s15 =	spop (v2sf)  }
0xfd: {  	v18 =	vmul.f32 v18, v16;
	v19 =	vadd.f32 v19, v20;
	v21 =	vadd.f32 v21, v24;
	s1 =	sadd.s32 s1, s15  }
0xfe: {  	v17 =	vadd.f32 v17, v22  }
0xff: {  	v18 =	vadd.f32 v19, v18;
	v19 =	vand.u32 $0x7FFFFFFF, v21  }
0x100: {  	vm0 =	vlt.f32 v17, $2.999999930e-02;
	vm1 =	vlt.f32 v19, $3.999999910e-02  }
0x101: {  	vm2 =	vgt.f32 v17, $0.0e+00;
	v19 =	vand.u32 $0x7FFFFFFF, v18;
	vm0 =	vmand vm0, vm1;
	[tilespmem:s9+$0xFFFFFFE0] =	vst v21  }
0x102: {  	vm1 =	vlt.f32 v19, $9.999999770e-03;
	vm0 =	vmand vm0, vm2;
	[tilespmem:s9+$0xFFFFF7E0] =	vst v17  }
0x103: {  	v17 =	vor.u32 s19, v0;
	vm0 =	vmand vm1, vm0;
	[tilespmem:s9+$0x7E0] =	vst v18  }
0x104: {  	[tilespmem:s1+$0x9800] =	vst.msk vm0, v17;
	v17 =	vmpcnt.ones.xlane vm0  }
0x105: {  	v18 =	vld [tilespmem:s12+$0xFFFFFFF0]  }
0x106: {  	v19 =	vld [tilespmem:s12+$0x7F0];
	(v2sf) =	vpush v17, $0x0;
	_ =	sdelay $0x1  }
0x107: {  	v17 =	vld [tilespmem:s12+$0xFFFFF7F0];
	_ =	sdelay $0x1  }
0x108: {  	v18 =	vsub.f32 v18, v9  }
0x109: {  	v19 =	vsub.f32 v19, v10  }
0x10a: {  	v20 =	vshrl.u32 v18, $0x10  }
0x10b: {  	v17 =	vsub.f32 v17, v15;
	v20 =	vand.u32 $0x1, v20;
	v21 =	vshrl.u32 v19, $0x10  }
0x10c: {  	v18 =	vadd.s32 v20, v18;
	v20 =	vand.u32 $0x1, v21  }
0x10d: {  	v21 =	vshrl.u32 v17, $0x10;
	v18 =	vadd.s32 $0x7FFF, v18;
	v19 =	vadd.s32 v20, v19  }
0x10e: {  	v20 =	vand.u32 $0x1, v21;
	v18 =	vand.u32 $0xFFFF0000, v18;
	v19 =	vadd.s32 $0x7FFF, v19  }
0x10f: {  	v17 =	vadd.s32 v20, v17;
	v19 =	vand.u32 $0xFFFF0000, v19;
	v20 =	vmul.f32 v18, v7  }
0x110: {  	v21 =	vmul.f32 v18, v8;
	v17 =	vadd.s32 $0x7FFF, v17;
	v22 =	vmul.f32 v19, v12  }
0x111: {  	v18 =	vmul.f32 v18, v6;
	v23 =	vmul.f32 v19, v5;
	v17 =	vand.u32 $0xFFFF0000, v17  }
0x112: {  	v19 =	vmul.f32 v19, v14;
	v24 =	vmul.f32 v17, v11;
	v21 =	vadd.f32 v22, v21  }
0x113: {  	v22 =	vmul.f32 v17, v13;
	v18 =	vadd.f32 v23, v18;
	s15 =	spop (v2sf)  }
0x114: {  	v17 =	vmul.f32 v17, v16;
	v19 =	vadd.f32 v19, v20;
	v21 =	vadd.f32 v21, v24  }
0x115: {  	v18 =	vadd.f32 v18, v22  }
0x116: {  	v17 =	vadd.f32 v19, v17;
	v19 =	vand.u32 $0x7FFFFFFF, v21  }
0x117: {  	vm0 =	vlt.f32 v18, $2.999999930e-02;
	vm1 =	vlt.f32 v19, $3.999999910e-02  }
0x118: {  	vm2 =	vgt.f32 v18, $0.0e+00;
	v19 =	vand.u32 $0x7FFFFFFF, v17;
	vm0 =	vmand vm0, vm1;
	[tilespmem:s9+$0xFFFFFFF0] =	vst v21  }
0x119: {  	s5 =	sadd.s32 $0x10, s19;
	vm1 =	vlt.f32 v19, $9.999999770e-03;
	vm0 =	vmand vm0, vm2;
	[tilespmem:s9+$0xFFFFF7F0] =	vst v18  }
0x11a: {  	s1 =	sadd.s32 s1, s15;
	v18 =	vor.u32 s5, v0;
	vm0 =	vmand vm1, vm0;
	[tilespmem:s9+$0x7F0] =	vst v17  }
0x11b: {  	[tilespmem:s1+$0x9800] =	vst.msk vm0, v18;
	v17 =	vmpcnt.ones.xlane vm0  }
0x11c: {  	v18 =	vld [tilespmem:s12+$0x0]  }
0x11d: {  	v19 =	vld [tilespmem:s12+$0x800];
	(v2sf) =	vpush v17, $0x0  }
0x11e: {  	v17 =	vld [tilespmem:s12+$0xFFFFF800];
	_ =	sdelay $0x2  }
0x11f: {  	v18 =	vsub.f32 v18, v9  }
0x120: {  	v19 =	vsub.f32 v19, v10  }
0x121: {  	v17 =	vsub.f32 v17, v15;
	v20 =	vshrl.u32 v18, $0x10  }
0x122: {  	v20 =	vand.u32 $0x1, v20;
	v21 =	vshrl.u32 v19, $0x10  }
0x123: {  	v22 =	vshrl.u32 v17, $0x10;
	v18 =	vadd.s32 v20, v18;
	v20 =	vand.u32 $0x1, v21  }
0x124: {  	v21 =	vand.u32 $0x1, v22;
	v18 =	vadd.s32 $0x7FFF, v18;
	v19 =	vadd.s32 v20, v19  }
0x125: {  	v17 =	vadd.s32 v21, v17;
	v18 =	vand.u32 $0xFFFF0000, v18;
	v19 =	vadd.s32 $0x7FFF, v19  }
0x126: {  	v17 =	vadd.s32 $0x7FFF, v17;
	v19 =	vand.u32 $0xFFFF0000, v19;
	v20 =	vmul.f32 v18, v7  }
0x127: {  	v21 =	vmul.f32 v18, v8;
	v17 =	vand.u32 $0xFFFF0000, v17;
	v22 =	vmul.f32 v19, v12  }
0x128: {  	v18 =	vmul.f32 v18, v6;
	v23 =	vmul.f32 v19, v5  }
0x129: {  	v19 =	vmul.f32 v19, v14;
	v24 =	vmul.f32 v17, v11;
	v21 =	vadd.f32 v22, v21  }
0x12a: {  	v22 =	vmul.f32 v17, v13;
	v18 =	vadd.f32 v23, v18;
	s5 =	spop (v2sf)  }
0x12b: {  	v17 =	vmul.f32 v17, v16;
	v19 =	vadd.f32 v19, v20;
	s1 =	sadd.s32 s1, s5;
	v21 =	vadd.f32 v21, v24  }
0x12c: {  	v18 =	vadd.f32 v18, v22  }
0x12d: {  	v17 =	vadd.f32 v19, v17;
	v19 =	vand.u32 $0x7FFFFFFF, v21;
	[tilespmem:s9+$0x0] =	vst v21  }
0x12e: {  	vm0 =	vlt.f32 v18, $2.999999930e-02;
	vm1 =	vlt.f32 v19, $3.999999910e-02;
	[tilespmem:s9+$0xFFFFF800] =	vst v18  }
0x12f: {  	vm2 =	vgt.f32 v18, $0.0e+00;
	v18 =	vand.u32 $0x7FFFFFFF, v17;
	vm0 =	vmand vm0, vm1;
	[tilespmem:s9+$0x800] =	vst v17  }
0x130: {  	s5 =	sadd.s32 $0x20, s19;
	vm1 =	vlt.f32 v18, $9.999999770e-03;
	vm0 =	vmand vm0, vm2  }
0x131: {  	v17 =	vor.u32 s5, v0;
	vm0 =	vmand vm1, vm0  }
0x132: {  	[tilespmem:s1+$0x9800] =	vst.msk vm0, v17;
	v17 =	vmpcnt.ones.xlane vm0  }
0x133: {  	v18 =	vld [tilespmem:s12+$0x10]  }
0x134: {  	v19 =	vld [tilespmem:s12+$0x810];
	(v2sf) =	vpush v17, $0x0  }
0x135: {  	v17 =	vld [tilespmem:s12+$0xFFFFF810];
	_ =	sdelay $0x2  }
0x136: {  	v18 =	vsub.f32 v18, v9  }
0x137: {  	v19 =	vsub.f32 v19, v10  }
0x138: {  	v17 =	vsub.f32 v17, v15;
	v20 =	vshrl.u32 v18, $0x10  }
0x139: {  	v20 =	vand.u32 $0x1, v20;
	v21 =	vshrl.u32 v19, $0x10  }
0x13a: {  	v22 =	vshrl.u32 v17, $0x10;
	v18 =	vadd.s32 v20, v18;
	v20 =	vand.u32 $0x1, v21  }
0x13b: {  	v21 =	vand.u32 $0x1, v22;
	v18 =	vadd.s32 $0x7FFF, v18;
	v19 =	vadd.s32 v20, v19  }
0x13c: {  	v17 =	vadd.s32 v21, v17;
	v18 =	vand.u32 $0xFFFF0000, v18;
	v19 =	vadd.s32 $0x7FFF, v19  }
0x13d: {  	v19 =	vand.u32 $0xFFFF0000, v19;
	v20 =	vmul.f32 v18, v6;
	v21 =	vmul.f32 v18, v8  }
0x13e: {  	v17 =	vadd.s32 $0x7FFF, v17;
	v22 =	vmul.f32 v19, v5;
	v23 =	vmul.f32 v19, v12  }
0x13f: {  	v18 =	vmul.f32 v18, v7;
	v17 =	vand.u32 $0xFFFF0000, v17;
	v19 =	vmul.f32 v19, v14  }
0x140: {  	v20 =	vadd.f32 v22, v20;
	v22 =	vmul.f32 v17, v11;
	v21 =	vadd.f32 v23, v21  }
0x141: {  	s12 =	sadd.s32 $0x40, s12;
	v23 =	vmul.f32 v17, v13;
	v17 =	vmul.f32 v17, v16;
	v18 =	vadd.f32 v19, v18;
	s5 =	spop (v2sf)  }
0x142: {  	v19 =	vadd.f32 v21, v22  }
0x143: {  	v20 =	vadd.f32 v20, v23;
	v17 =	vadd.f32 v18, v17  }
0x144: {  	v18 =	vand.u32 $0x7FFFFFFF, v19;
	[tilespmem:s9+$0x10] =	vst v19  }
0x145: {  	vm0 =	vlt.f32 v20, $2.999999930e-02;
	vm1 =	vlt.f32 v18, $3.999999910e-02;
	v18 =	vand.u32 $0x7FFFFFFF, v17  }
0x146: {  	vm2 =	vgt.f32 v20, $0.0e+00;
	vm0 =	vmand vm0, vm1;
	[tilespmem:s9+$0xFFFFF810] =	vst v20  }
0x147: {  	s15 =	sadd.s32 $0x30, s19;
	s19 =	smov.u32 s14;
	vm1 =	vlt.f32 v18, $9.999999770e-03;
	vm0 =	vmand vm0, vm2;
	[tilespmem:s9+$0x810] =	vst v17  }
0x148: {  	s1 =	sadd.s32 s1, s5;
	v17 =	vor.u32 s15, v0;
	vm0 =	vmand vm1, vm0  }
0x149: {  	[tilespmem:s1+$0x9800] =	vst.msk vm0, v17;
	v17 =	vmpcnt.ones.xlane vm0  }
0x14a: {  	v20 =	vld [tilespmem:s12+$0xFFFFFFE0]  }
.Ltmp2:
0x14b: {  	v19 =	vld [tilespmem:s12+$0x7E0];
	(v2sf) =	vpush v17, $0x0;
	(pc) =	sbr.rel @p0 .LBB2_3-.Ltmp2, $3  }
0x14c: {  	_ = 	snop  }
0x14d: {  	v18 =	vld [tilespmem:s12+$0xFFFFF7E0];
	_ =	sdelay $0x1  }
0x14e: {  	v17 =	vsub.f32 v20, v9  }
0x14f: {  	v19 =	vsub.f32 v19, v10  }
0x150: {  	v20 =	vshrl.u32 v17, $0x10  }
0x151: {  	v18 =	vsub.f32 v18, v15;
	v20 =	vand.u32 $0x1, v20;
	v21 =	vshrl.u32 v19, $0x10  }
0x152: {  	v45 =	vadd.s32 v20, v17;
	v46 =	vand.u32 $0x1, v21  }
0x153: {  	v47 =	vshrl.u32 v18, $0x10;
	v17 =	vadd.s32 $0x7FFF, v45;
	v19 =	vadd.s32 v46, v19  }
0x154: {  	v48 =	vand.u32 $0x1, v47;
	v17 =	vand.u32 $0xFFFF0000, v17;
	v19 =	vadd.s32 $0x7FFF, v19  }
0x155: {  	v18 =	vadd.s32 v48, v18;
	v19 =	vand.u32 $0xFFFF0000, v19;
	v49 =	vmul.f32 v17, v7  }
0x156: {  	v50 =	vmul.f32 v17, v8;
	v18 =	vadd.s32 $0x7FFF, v18;
	v22 =	vmul.f32 v19, v12  }
0x157: {  	v17 =	vmul.f32 v17, v6;
	v23 =	vmul.f32 v19, v5;
	v18 =	vand.u32 $0xFFFF0000, v18  }
0x158: {  	v19 =	vmul.f32 v19, v14;
	v24 =	vmul.f32 v18, v11;
	v21 =	vadd.f32 v22, v50  }
0x159: {  	v51 =	vmul.f32 v18, v13;
	v17 =	vadd.f32 v23, v17  }
0x15a: {  	v18 =	vmul.f32 v18, v16;
	v19 =	vadd.f32 v19, v49;
	v21 =	vadd.f32 v21, v24  }
0x15b: {  	v17 =	vadd.f32 v17, v51  }
0x15c: {  	v18 =	vadd.f32 v19, v18;
	v52 =	vand.u32 $0x7FFFFFFF, v21  }
0x15d: {  	s9 =	sadd.s32 $0x40, s9;
	vm0 =	vlt.f32 v17, $2.999999930e-02;
	vm1 =	vlt.f32 v52, $3.999999910e-02  }
0x15e: {  	vm2 =	vgt.f32 v17, $0.0e+00;
	v53 =	vand.u32 $0x7FFFFFFF, v18;
	[tilespmem:s9+$0xFFFFFFE0] =	vst v21;
	vm0 =	vmand vm0, vm1  }
0x15f: {  	s5 =	spop (v2sf);
	[tilespmem:s9+$0xFFFFF7E0] =	vst v17;
	vm11 =	vlt.f32 v53, $9.999999770e-03;
	vm0 =	vmand vm0, vm2  }
0x160: {  	v54 =	vor.u32 s19, v0;
	s1 =	sadd.s32 s1, s5;
	[tilespmem:s9+$0x7E0] =	vst v18;
	vm0 =	vmand vm11, vm0  }
0x161: {  	[tilespmem:s1+$0x9800] =	vst.msk vm0, v54  }
0x162: {  	v17 =	vld [tilespmem:s12+$0xFFFFFFF0]  }
0x163: {  	v18 =	vld [tilespmem:s12+$0x7F0];
	_ =	sdelay $0x1  }
0x164: {  	v55 =	vld [tilespmem:s12+$0xFFFFF7F0];
	_ =	sdelay $0x1  }
0x165: {  	v56 =	vmpcnt.ones.xlane vm0;
	v17 =	vsub.f32 v17, v9  }
0x166: {  	v18 =	vsub.f32 v18, v10  }
0x167: {  	(v2sf) =	vpush v56, $0x0;
	v57 =	vshrl.u32 v17, $0x10  }
0x168: {  	v19 =	vsub.f32 v55, v15;
	v58 =	vshrl.u32 v18, $0x10;
	v20 =	vand.u32 $0x1, v57  }
0x169: {  	v59 =	vand.u32 $0x1, v58;
	v17 =	vadd.s32 v20, v17  }
0x16a: {  	v60 =	vshrl.u32 v19, $0x10;
	v18 =	vadd.s32 v59, v18;
	v17 =	vadd.s32 $0x7FFF, v17  }
0x16b: {  	v61 =	vand.u32 $0x1, v60;
	v18 =	vadd.s32 $0x7FFF, v18;
	v17 =	vand.u32 $0xFFFF0000, v17  }
0x16c: {  	v19 =	vadd.s32 v61, v19;
	v18 =	vand.u32 $0xFFFF0000, v18;
	v62 =	vmul.f32 v17, v7  }
0x16d: {  	v19 =	vadd.s32 $0x7FFF, v19;
	v63 =	vmul.f32 v17, v8;
	v28 =	vmul.f32 v18, v12  }
0x16e: {  	v19 =	vand.u32 $0xFFFF0000, v19;
	v17 =	vmul.f32 v17, v6;
	v29 =	vmul.f32 v18, v5  }
0x16f: {  	v30 =	vmul.f32 v19, v11;
	v18 =	vmul.f32 v18, v14;
	v21 =	vadd.f32 v28, v63  }
0x170: {  	v31 =	vmul.f32 v19, v13;
	v17 =	vadd.f32 v29, v17  }
0x171: {  	v19 =	vmul.f32 v19, v16;
	v18 =	vadd.f32 v18, v62;
	v21 =	vadd.f32 v21, v30  }
0x172: {  	v17 =	vadd.f32 v17, v31  }
0x173: {  	v18 =	vadd.f32 v18, v19;
	v32 =	vand.u32 $0x7FFFFFFF, v21  }
0x174: {  	vm12 =	vlt.f32 v17, $2.999999930e-02;
	vm13 =	vlt.f32 v32, $3.999999910e-02  }
0x175: {  	vm14 =	vgt.f32 v17, $0.0e+00;
	v33 =	vand.u32 $0x7FFFFFFF, v18;
	[tilespmem:s9+$0xFFFFFFF0] =	vst v21;
	vm0 =	vmand vm12, vm13  }
0x176: {  	s13 =	sadd.s32 $0x10, s19;
	s15 =	spop (v2sf);
	[tilespmem:s9+$0xFFFFF7F0] =	vst v17;
	vm15 =	vlt.f32 v33, $9.999999770e-03;
	vm0 =	vmand vm0, vm14  }
0x177: {  	v34 =	vor.u32 s13, v0;
	s1 =	sadd.s32 s1, s15;
	[tilespmem:s9+$0x7F0] =	vst v18;
	vm0 =	vmand vm15, vm0  }
0x178: {  	[tilespmem:s1+$0x9800] =	vst.msk vm0, v34  }
0x179: {  	v17 =	vld [tilespmem:s12+$0x0]  }
0x17a: {  	v18 =	vld [tilespmem:s12+$0x800];
	_ =	sdelay $0x1  }
0x17b: {  	v35 =	vld [tilespmem:s12+$0xFFFFF800];
	_ =	sdelay $0x1  }
0x17c: {  	v36 =	vmpcnt.ones.xlane vm0;
	v17 =	vsub.f32 v17, v9  }
0x17d: {  	v18 =	vsub.f32 v18, v10  }
0x17e: {  	(v2sf) =	vpush v36, $0x0;
	v37 =	vshrl.u32 v17, $0x10  }
0x17f: {  	v19 =	vsub.f32 v35, v15;
	v38 =	vshrl.u32 v18, $0x10;
	v20 =	vand.u32 $0x1, v37  }
0x180: {  	v39 =	vand.u32 $0x1, v38;
	v17 =	vadd.s32 v20, v17  }
0x181: {  	v40 =	vshrl.u32 v19, $0x10;
	v18 =	vadd.s32 v39, v18;
	v17 =	vadd.s32 $0x7FFF, v17  }
0x182: {  	v41 =	vand.u32 $0x1, v40;
	v18 =	vadd.s32 $0x7FFF, v18;
	v17 =	vand.u32 $0xFFFF0000, v17  }
0x183: {  	v19 =	vadd.s32 v41, v19;
	v18 =	vand.u32 $0xFFFF0000, v18;
	v42 =	vmul.f32 v17, v7  }
0x184: {  	v19 =	vadd.s32 $0x7FFF, v19;
	v43 =	vmul.f32 v17, v8;
	v44 =	vmul.f32 v18, v12  }
0x185: {  	v19 =	vand.u32 $0xFFFF0000, v19;
	v17 =	vmul.f32 v17, v6;
	v45 =	vmul.f32 v18, v5  }
0x186: {  	v46 =	vmul.f32 v19, v11;
	v18 =	vmul.f32 v18, v14;
	v21 =	vadd.f32 v44, v43  }
0x187: {  	v47 =	vmul.f32 v19, v13;
	v17 =	vadd.f32 v45, v17  }
0x188: {  	v19 =	vmul.f32 v19, v16;
	v18 =	vadd.f32 v18, v42;
	v21 =	vadd.f32 v21, v46  }
0x189: {  	v17 =	vadd.f32 v17, v47  }
0x18a: {  	v18 =	vadd.f32 v18, v19;
	v48 =	vand.u32 $0x7FFFFFFF, v21  }
0x18b: {  	vm4 =	vlt.f32 v17, $2.999999930e-02;
	vm5 =	vlt.f32 v48, $3.999999910e-02  }
0x18c: {  	[tilespmem:s9+$0x0] =	vst v21;
	vm6 =	vgt.f32 v17, $0.0e+00;
	v49 =	vand.u32 $0x7FFFFFFF, v18;
	vm0 =	vmand vm4, vm5  }
0x18d: {  	s15 =	sadd.s32 $0x20, s19;
	s14 =	spop (v2sf);
	[tilespmem:s9+$0xFFFFF800] =	vst v17;
	vm7 =	vlt.f32 v49, $9.999999770e-03;
	vm0 =	vmand vm0, vm6  }
0x18e: {  	v50 =	vor.u32 s15, v0;
	s1 =	sadd.s32 s1, s14;
	[tilespmem:s9+$0x800] =	vst v18;
	vm0 =	vmand vm7, vm0  }
0x18f: {  	[tilespmem:s1+$0x9800] =	vst.msk vm0, v50  }
0x190: {  	v17 =	vld [tilespmem:s12+$0x10]  }
0x191: {  	v18 =	vld [tilespmem:s12+$0x810];
	_ =	sdelay $0x1  }
0x192: {  	v51 =	vld [tilespmem:s12+$0xFFFFF810];
	_ =	sdelay $0x1  }
0x193: {  	v52 =	vsub.f32 v17, v9  }
0x194: {  	v53 =	vsub.f32 v18, v10  }
0x195: {  	v17 =	vshrl.u32 v52, $0x10  }
0x196: {  	v54 =	vsub.f32 v51, v15;
	v18 =	vshrl.u32 v53, $0x10;
	v17 =	vand.u32 $0x1, v17  }
0x197: {  	v55 =	vand.u32 $0x1, v18;
	v9 =	vadd.s32 v17, v52  }
0x198: {  	v56 =	vshrl.u32 v54, $0x10;
	v10 =	vadd.s32 v55, v53;
	v9 =	vadd.s32 $0x7FFF, v9  }
0x199: {  	v57 =	vand.u32 $0x1, v56;
	v10 =	vadd.s32 $0x7FFF, v10;
	v9 =	vand.u32 $0xFFFF0000, v9  }
0x19a: {  	v15 =	vadd.s32 v57, v54;
	v10 =	vand.u32 $0xFFFF0000, v10;
	v6 =	vmul.f32 v9, v6  }
0x19b: {  	v15 =	vadd.s32 $0x7FFF, v15;
	v58 =	vmul.f32 v9, v8;
	v59 =	vmul.f32 v10, v12  }
0x19c: {  	v15 =	vand.u32 $0xFFFF0000, v15;
	v5 =	vmul.f32 v10, v5;
	v7 =	vmul.f32 v9, v7  }
0x19d: {  	v60 =	vmul.f32 v10, v14;
	v61 =	vmul.f32 v15, v11;
	v8 =	vadd.f32 v59, v58  }
0x19e: {  	v5 =	vadd.f32 v5, v6;
	v6 =	vmul.f32 v15, v13  }
0x19f: {  	v62 =	vmul.f32 v15, v16;
	v7 =	vadd.f32 v60, v7;
	v8 =	vadd.f32 v8, v61  }
0x1a0: {  	v5 =	vadd.f32 v5, v6  }
0x1a1: {  	v6 =	vadd.f32 v7, v62;
	v7 =	vand.u32 $0x7FFFFFFF, v8  }
0x1a2: {  	vm8 =	vlt.f32 v5, $2.999999930e-02;
	vm9 =	vlt.f32 v7, $3.999999910e-02  }
0x1a3: {  	vm10 =	vgt.f32 v5, $0.0e+00;
	v7 =	vand.u32 $0x7FFFFFFF, v6;
	vm1 =	vmand vm8, vm9  }
0x1a4: {  	vm11 =	vlt.f32 v7, $9.999999770e-03;
	vm1 =	vmand vm1, vm10  }
0x1a5: {  	v7 =	vmpcnt.ones.xlane vm0;
	vm12 =	vmand vm11, vm1  }
0x1a6: {  	v63 =	vmpcnt.ones.xlane vm12  }
0x1a7: {  	(v2sf) =	vpush v7, $0x0  }
0x1a8: {  	(v2sf) =	vpush v63, $0x0;
	_ =	sdelay $0xd  }
0x1a9: {  	s13 =	spop (v2sf)  }
0x1aa: {  	s1 =	sadd.s32 s1, s13;
	s14 =	spop (v2sf)  }
0x1ab: {  	[tilespmem:s9+$0x10] =	vst v8;
	s13 =	sadd.s32 s1, s14  }
0x1ac: {  	s15 =	sadd.s32 $0x30, s19;
	[tilespmem:s9+$0xFFFFF810] =	vst v5;
	v5 =	vmov s13  }
0x1ad: {  	[tilespmem:s9+$0x810] =	vst v6;
	v6 =	vor.u32 s15, v0;
	vm13 =	vgt.s32 v5, $0x5  }
0x1ae: {  	p0 =	seq.s32 s24, $0x0;
	[tilespmem:s1+$0x9800] =	vst.msk vm12, v6;
	v6 =	vsel vm13, $0x1, v1  }
0x1af: {  	s1 =	simm.s32 @!p0 $0x3;
	[tilespmem:v4+s21+$0x0] =	vst.idx.msk $0x1, v6  }
0x1b0: {  	_ =	swait.ge @!p0 [sflag:s1], $0x200  }
0x1b1: {  	[sflag:s1] =	ssyncset.done @!p0 $0x0  }
0x1b2: {  	[sflag:s1] =	ssyncadd.s32 @!p0 $0xFFFFFE00  }
0x1b3: {  	_ =	swait.ge @!p0 [sflag:s1], $0x200  }
0x1b4: {  	[sflag:s1] =	ssyncset.done @!p0 $0x0  }
0x1b5: {  	[sflag:s1] =	ssyncadd.s32 @!p0 $0xFFFFFE00  }
0x1b6: {  	_ =	swait.ge @!p0 [sflag:s1], $0x200  }
0x1b7: {  	[sflag:s1] =	ssyncset.done @!p0 $0x0  }
0x1b8: {  	[sflag:s1] =	ssyncadd.s32 @!p0 $0xFFFFFE00  }
0x1b9: {  	_ =	swait.ge @!p0 [sflag:s1], $0x200  }
0x1ba: {  	[sflag:s1] =	ssyncset.done @!p0 $0x0  }
0x1bb: {  	[sflag:s1] =	ssyncadd.s32 @!p0 $0xFFFFFE00  }
0x1bc: {  	_ =	swait.ge @!p0 [sflag:s1], $0x200  }
0x1bd: {  	[sflag:s1] =	ssyncset.done @!p0 $0x0  }
0x1be: {  	vm14 =	vgt.s32 v5, $0x1;
	[sflag:s1] =	ssyncadd.s32 @!p0 $0xFFFFFE00  }
0x1bf: {  	v4 =	vnsel vm14, $0x1, v5;
	_ =	swait.ge @!p0 [sflag:s1], $0x200  }
0x1c0: {  	v5 =	vsub.s32 v0, v4;
	vm0 =	vlt.u32 v0, v4;
	[sflag:s1] =	ssyncset.done @!p0 $0x0  }
0x1c1: {  	v5 =	vsel vm0, v0, v5;
	[sflag:s1] =	ssyncadd.s32 @!p0 $0xFFFFFE00  }
0x1c2: {  	vm0 =	vlt.s32 v5, v4;
	_ =	swait.ge @!p0 [sflag:s1], $0x200  }
0x1c3: {  	v6 =	vsel vm0, $0x0, v4;
	[sflag:s1] =	ssyncset.done @!p0 $0x0  }
0x1c4: {  	s19 =	sshll.u32 s24, $0x5;
	v5 =	vsub.s32 v5, v6;
	[sflag:s1] =	ssyncadd.s32 @!p0 $0xFFFFFE00  }
0x1c5: {  	s12 =	sand.u32 $0x60, s19;
	s19 =	simm.s32 $0xA690;
	vm15 =	vlt.s32 v5, v4;
	_ =	swait.ge @!p0 [sflag:s1], $0x200  }
0x1c6: {  	s9 =	sor.u32 s8, s25;
	s15 =	simm.s32 $0xBCA0;
	v6 =	vsel vm15, $0x0, v4;
	[sflag:s1] =	ssyncset.done @!p0 $0x0  }
0x1c7: {  	s14 =	simm.s32 $0x0;
	v5 =	vsub.s32 v5, v6;
	[sflag:s1] =	ssyncadd.s32 @!p0 $0xFFFFFE00;
	s1 =	simm.s32 $0xB8A0  }
.LBB2_5:
0x1c8: {  	_ =	sdelay $0x3  }
0x1c9: {  	v6 =	vld.idx.msk [tilespmem:v5+s22+$0x0], $0xffff;
	_ =	sdelay $0x4  }
0x1ca: {  	v7 =	vadd.s32 $0x800, v6  }
0x1cb: {  	v8 =	vadd.s32 $0x1000, v6  }
0x1cc: {  	v9 =	vadd.s32 $0x1800, v6  }
0x1cd: {  	v10 =	vadd.s32 $0x2000, v6  }
0x1ce: {  	v12 =	vadd.s32 $0x2800, v6;
	v11 =	vld.idx.msk [tilespmem:v6+s23+$0x0], $0xffff  }
0x1cf: {  	v7 =	vld.idx.msk [tilespmem:v7+s23+$0x0], $0xffff  }
0x1d0: {  	v8 =	vld.idx.msk [tilespmem:v8+s23+$0x0], $0xffff  }
0x1d1: {  	v9 =	vld.idx.msk [tilespmem:v9+s7+$0x0], $0xffff  }
0x1d2: {  	v5 =	vadd.s32 $0x10, v5;
	v10 =	vld.idx.msk [tilespmem:v10+s7+$0x0], $0xffff  }
0x1d3: {  	s5 =	sand.u32 $0x1C0, s14;
	vm0 =	vlt.s32 v5, v4;
	v12 =	vld.idx.msk [tilespmem:v12+s7+$0x0], $0xffff;
	[tilespmem:s19+$0xFFFFF9F0] =	vst v11  }
0x1d4: {  	[tilespmem:s5+$0xA280] =	vst v7;
	v7 =	vsel vm0, $0x0, v4  }
0x1d5: {  	[tilespmem:s5+$0xA480] =	vst v8;
	v5 =	vsub.s32 v5, v7  }
0x1d6: {  	[tilespmem:s5+$0xA680] =	vst v9;
	vm5 =	vlt.s32 v5, v4  }
0x1d7: {  	[tilespmem:s5+$0xA880] =	vst v10;
	v7 =	vsel vm5, $0x0, v4  }
0x1d8: {  	[tilespmem:s5+$0xAA80] =	vst v12;
	v5 =	vsub.s32 v5, v7  }
0x1d9: {  	[tilespmem:s1+$0xFFFFFFE0] =	vst v6;
	vm6 =	vlt.s32 v5, v4  }
0x1da: {  	v6 =	vld.idx.msk [tilespmem:v6+s10+$0x0], $0xffff;
	v7 =	vsel vm6, $0x0, v4  }
0x1db: {  	v5 =	vsub.s32 v5, v7;
	_ =	sdelay $0x3  }
0x1dc: {  	[tilespmem:s15+$0xFFFFFFE0] =	vst v6  }
0x1dd: {  	v6 =	vld.idx.msk [tilespmem:v5+s22+$0x0], $0xffff;
	_ =	sdelay $0x4  }
0x1de: {  	v7 =	vadd.s32 $0x800, v6  }
0x1df: {  	v52 =	vadd.s32 $0x1000, v6  }
0x1e0: {  	v53 =	vadd.s32 $0x1800, v6  }
0x1e1: {  	v54 =	vadd.s32 $0x2000, v6  }
0x1e2: {  	v55 =	vadd.s32 $0x2800, v6;
	v11 =	vld.idx.msk [tilespmem:v6+s23+$0x0], $0xffff  }
0x1e3: {  	v7 =	vld.idx.msk [tilespmem:v7+s23+$0x0], $0xffff  }
0x1e4: {  	v8 =	vld.idx.msk [tilespmem:v52+s23+$0x0], $0xffff  }
0x1e5: {  	v9 =	vld.idx.msk [tilespmem:v53+s7+$0x0], $0xffff  }
0x1e6: {  	v5 =	vadd.s32 $0x10, v5;
	v10 =	vld.idx.msk [tilespmem:v54+s7+$0x0], $0xffff  }
0x1e7: {  	vm7 =	vlt.s32 v5, v4;
	v12 =	vld.idx.msk [tilespmem:v55+s7+$0x0], $0xffff;
	[tilespmem:s19+$0xFFFFFA00] =	vst v11  }
0x1e8: {  	[tilespmem:s19+$0xFFFFFC00] =	vst v7;
	v7 =	vsel vm7, $0x0, v4  }
0x1e9: {  	[tilespmem:s19+$0xFFFFFE00] =	vst v8;
	v5 =	vsub.s32 v5, v7  }
0x1ea: {  	[tilespmem:s19+$0x0] =	vst v9;
	vm8 =	vlt.s32 v5, v4  }
0x1eb: {  	[tilespmem:s19+$0x200] =	vst v10;
	v7 =	vsel vm8, $0x0, v4  }
0x1ec: {  	[tilespmem:s19+$0x400] =	vst v12;
	v5 =	vsub.s32 v5, v7  }
0x1ed: {  	[tilespmem:s1+$0xFFFFFFF0] =	vst v6;
	vm9 =	vlt.s32 v5, v4  }
0x1ee: {  	v6 =	vld.idx.msk [tilespmem:v6+s10+$0x0], $0xffff;
	v7 =	vsel vm9, $0x0, v4  }
0x1ef: {  	v5 =	vsub.s32 v5, v7;
	_ =	sdelay $0x3  }
0x1f0: {  	[tilespmem:s15+$0xFFFFFFF0] =	vst v6  }
0x1f1: {  	v6 =	vld.idx.msk [tilespmem:v5+s22+$0x0], $0xffff;
	_ =	sdelay $0x4  }
0x1f2: {  	v7 =	vadd.s32 $0x800, v6  }
0x1f3: {  	v56 =	vadd.s32 $0x1000, v6  }
0x1f4: {  	v57 =	vadd.s32 $0x1800, v6  }
0x1f5: {  	v58 =	vadd.s32 $0x2000, v6  }
0x1f6: {  	v59 =	vadd.s32 $0x2800, v6;
	v11 =	vld.idx.msk [tilespmem:v6+s23+$0x0], $0xffff  }
0x1f7: {  	v7 =	vld.idx.msk [tilespmem:v7+s23+$0x0], $0xffff  }
0x1f8: {  	v8 =	vld.idx.msk [tilespmem:v56+s23+$0x0], $0xffff  }
0x1f9: {  	v9 =	vld.idx.msk [tilespmem:v57+s7+$0x0], $0xffff  }
0x1fa: {  	v5 =	vadd.s32 $0x10, v5;
	v10 =	vld.idx.msk [tilespmem:v58+s7+$0x0], $0xffff  }
0x1fb: {  	vm10 =	vlt.s32 v5, v4;
	v12 =	vld.idx.msk [tilespmem:v59+s7+$0x0], $0xffff;
	[tilespmem:s19+$0xFFFFFA10] =	vst v11  }
0x1fc: {  	[tilespmem:s19+$0xFFFFFC10] =	vst v7;
	v7 =	vsel vm10, $0x0, v4  }
0x1fd: {  	[tilespmem:s19+$0xFFFFFE10] =	vst v8;
	v5 =	vsub.s32 v5, v7  }
0x1fe: {  	[tilespmem:s19+$0x10] =	vst v9;
	vm11 =	vlt.s32 v5, v4  }
0x1ff: {  	[tilespmem:s19+$0x210] =	vst v10;
	v7 =	vsel vm11, $0x0, v4  }
0x200: {  	[tilespmem:s19+$0x410] =	vst v12;
	v5 =	vsub.s32 v5, v7  }
0x201: {  	[tilespmem:s1+$0x0] =	vst v6;
	vm12 =	vlt.s32 v5, v4  }
0x202: {  	v6 =	vld.idx.msk [tilespmem:v6+s10+$0x0], $0xffff;
	v7 =	vsel vm12, $0x0, v4  }
0x203: {  	v5 =	vsub.s32 v5, v7;
	_ =	sdelay $0x3  }
0x204: {  	[tilespmem:s15+$0x0] =	vst v6  }
0x205: {  	v6 =	vld.idx.msk [tilespmem:v5+s22+$0x0], $0xffff;
	_ =	sdelay $0x4  }
0x206: {  	v7 =	vadd.s32 $0x800, v6  }
0x207: {  	v60 =	vadd.s32 $0x1000, v6  }
0x208: {  	v61 =	vadd.s32 $0x1800, v6  }
0x209: {  	v62 =	vadd.s32 $0x2000, v6  }
0x20a: {  	v63 =	vadd.s32 $0x2800, v6;
	v11 =	vld.idx.msk [tilespmem:v6+s23+$0x0], $0xffff  }
0x20b: {  	v7 =	vld.idx.msk [tilespmem:v7+s23+$0x0], $0xffff  }
0x20c: {  	v8 =	vld.idx.msk [tilespmem:v60+s23+$0x0], $0xffff  }
0x20d: {  	v9 =	vld.idx.msk [tilespmem:v61+s7+$0x0], $0xffff  }
0x20e: {  	v10 =	vld.idx.msk [tilespmem:v62+s7+$0x0], $0xffff  }
0x20f: {  	v12 =	vld.idx.msk [tilespmem:v63+s7+$0x0], $0xffff;
	[tilespmem:s19+$0xFFFFFA20] =	vst v11  }
0x210: {  	[tilespmem:s19+$0xFFFFFC20] =	vst v7  }
0x211: {  	[tilespmem:s19+$0xFFFFFE20] =	vst v8  }
0x212: {  	[tilespmem:s19+$0x20] =	vst v9  }
0x213: {  	v5 =	vadd.s32 $0x10, v5;
	[tilespmem:s19+$0x220] =	vst v10  }
0x214: {  	vm13 =	vlt.s32 v5, v4;
	[tilespmem:s19+$0x420] =	vst v12  }
0x215: {  	v7 =	vsel vm13, $0x0, v4;
	[tilespmem:s1+$0x10] =	vst v6  }
0x216: {  	v5 =	vsub.s32 v5, v7;
	v6 =	vld.idx.msk [tilespmem:v6+s10+$0x0], $0xffff  }
0x217: {  	p1 =	sne.s32 s14, $0x1C0;
	vm14 =	vlt.s32 v5, v4  }
.Ltmp3:
0x218: {  	v7 =	vsel vm14, $0x0, v4;
	(pc) =	sbr.rel @p1 .LBB2_5-.Ltmp3, $4  }
0x219: {  	v5 =	vsub.s32 v5, v7  }
0x21a: {  	vm15 =	vlt.s32 v5, v4  }
0x21b: {  	s14 =	sadd.s32 $0x40, s14;
	[tilespmem:s15+$0x10] =	vst v6;
	v6 =	vsel vm15, $0x0, v4  }
0x21c: {  	s19 =	sadd.s32 $0x40, s19;
	s1 =	sadd.s32 $0x40, s1;
	s15 =	sadd.s32 $0x40, s15;
	v5 =	vsub.s32 v5, v6  }
0x21d: {  	p1 =	sgt.s32 s13, $0x5  }
.Ltmp4:
0x21e: {  	_ = 	snop;
	(pc) =	sbr.rel @p1 .LBB2_10-.Ltmp4, $1  }
0x21f: {  	_ =	sdelay $0x3  }
0x220: {  	s5 =	simm.s32 $0x0;
	s1 =	simm.s32 $0xA080  }
0x221: {  	[tilespmem:s1+$0x0] =	vst v2;
	s5 =	sand.u32 $0x1F0, s5  }
0x222: {  	[tilespmem:s5+$0xA480] =	vst v2  }
0x223: {  	[tilespmem:s5+$0xA680] =	vst v2  }
0x224: {  	[tilespmem:s5+$0xA880] =	vst v2  }
0x225: {  	[tilespmem:s5+$0xAA80] =	vst v2  }
0x226: {  	s13 =	simm.s32 $0xB880;
	[tilespmem:s5+$0xA280] =	vst v2  }
0x227: {  	s14 =	simm.s32 $0xBC80;
	s15 =	simm.s32 $0x10;
	[tilespmem:s13+$0x0] =	vst v3  }
.LBB2_8:
0x228: {  	p1 =	sne.s32 s15, $0x1F0;
	[tilespmem:s14+$0x0] =	vst v3;
	s1 =	sadd.s32 $0x10, s1  }
0x229: {  	s5 =	sand.u32 $0x1F0, s15;
	[tilespmem:s1+$0x0] =	vst v2  }
0x22a: {  	[tilespmem:s5+$0xA480] =	vst v2  }
.Ltmp5:
0x22b: {  	[tilespmem:s5+$0xA680] =	vst v2;
	(pc) =	sbr.rel @p1 .LBB2_8-.Ltmp5, $4  }
0x22c: {  	[tilespmem:s5+$0xA880] =	vst v2  }
0x22d: {  	[tilespmem:s5+$0xAA80] =	vst v2  }
0x22e: {  	s13 =	sadd.s32 $0x10, s13;
	[tilespmem:s5+$0xA280] =	vst v2  }
0x22f: {  	s15 =	sadd.s32 $0x10, s15;
	s14 =	sadd.s32 $0x10, s14;
	[tilespmem:s13+$0x0] =	vst v3  }
0x230: {  	[tilespmem:s14+$0x0] =	vst v3  }
.LBB2_10:
0x231: {  	s1 =	sshll.u32 s9, $0x6  }
0x232: {  	s1 =	sand.u32 $0xFE00, s1  }
0x233: {  	s1 =	sor.u32 s12, s1  }
0x234: {  	s19 =	simm.s32 $0xA080;
	s5 =	sadd.s32 s3, s1  }
0x235: {  	[hbm4b:s5+s4] =	stream.strided.scatter [tilespmem:s19], [sflag:$0x3], $0x200, s2, s4, $0x38;
	[tilespmem:$0xC100] =	vst v63  }
0x236: {  	s14 =	simm.s32 $0xA280;
	s13 =	sadd.s32 s1, s26  }
0x237: {  	[hbm4b:s13+s4] =	stream.strided.scatter [tilespmem:s14], [sflag:$0x3], $0x200, s2, s4, $0x38;
	[tilespmem:$0xC100] =	vst v63  }
0x238: {  	s15 =	sadd.s32 s1, s28;
	s19 =	simm.s32 $0xA480  }
0x239: {  	[hbm4b:s15+s4] =	stream.strided.scatter [tilespmem:s19], [sflag:$0x3], $0x200, s2, s4, $0x38;
	[tilespmem:$0xC100] =	vst v63  }
0x23a: {  	s13 =	sadd.s32 s1, s29;
	s14 =	simm.s32 $0xA680  }
0x23b: {  	[hbm4b:s13+s4] =	stream.strided.scatter [tilespmem:s14], [sflag:$0x3], $0x200, s2, s4, $0x38;
	[tilespmem:$0xC100] =	vst v63  }
0x23c: {  	s15 =	sadd.s32 s1, s30;
	s19 =	simm.s32 $0xA880  }
0x23d: {  	[hbm4b:s15+s4] =	stream.strided.scatter [tilespmem:s19], [sflag:$0x3], $0x200, s2, s4, $0x38;
	[tilespmem:$0xC100] =	vst v63  }
0x23e: {  	s13 =	sadd.s32 s1, s31;
	s14 =	simm.s32 $0xAA80;
	s15 =	rddreg [dreg:$0x4]  }
0x23f: {  	[hbm4b:s13+s4] =	stream.strided.scatter [tilespmem:s14], [sflag:$0x3], $0x200, s2, s4, $0x38;
	[tilespmem:$0xC100] =	vst v63  }
0x240: {  	s12 =	rddreg [dreg:$0x5];
	s19 =	simm.s32 $0xB880;
	s5 =	sadd.s32 s15, s1  }
0x241: {  	[hbm4b:s5+s4] =	stream.strided.scatter [tilespmem:s19], [sflag:$0x3], $0x200, s2, s4, $0x38;
	[tilespmem:$0xC100] =	vst v63  }
0x242: {  	p1 =	seq.s32 s24, $0xF;
	s1 =	sadd.s32 s12, s1;
	s13 =	simm.s32 $0xBC80  }
0x243: {  	[hbm4b:s1+s4] =	stream.strided.scatter [tilespmem:s13], [sflag:$0x3], $0x200, s2, s4, $0x38;
	[tilespmem:$0xC100] =	vst v63  }
0x244: {  	s1 =	sadd.s32 @!p1 $0x2, s9  }
0x245: {  	s5 =	sshll.u32 @!p1 s1, $0x8;
	s1 =	sshll.u32 @!p1 s1, $0x4  }
0x246: {  	s5 =	sand.u32 @!p1 $0xFFFF800, s5;
	s1 =	sand.u32 @!p1 $0x60, s1  }
0x247: {  	s12 =	simm.s32 @!p1 $0x80;
	s1 =	sor.u32 @!p1 s1, s5  }
0x248: {  	s14 =	simm.s32 @!p1 $0x0;
	s13 =	simm.s32 @!p1 $0x400;
	s5 =	sadd.s32 @!p1 s0, s1  }
0x249: {  	[tilespmem:s14], [sflag:$0x1] =	stream.strided.gather @!p1 [hbm4b:s5+s12], $0x800, s13, s12, $0x38;
	[tilespmem:$0xC100] =	vst v63  }
0x24a: {  	s5 =	sadd.s32 @!p1 $0x402, s9  }
0x24b: {  	s14 =	sshll.u32 @!p1 s5, $0x4  }
0x24c: {  	s5 =	sshll.u32 @!p1 s5, $0x8;
	s14 =	sand.u32 @!p1 $0x60, s14  }
0x24d: {  	s5 =	sand.u32 @!p1 $0xFFFF800, s5;
	s14 =	sadd.s32 @!p1 s0, s14  }
0x24e: {  	s5 =	sadd.s32 @!p1 s5, s14;
	s14 =	simm.s32 @!p1 $0x800  }
0x24f: {  	[tilespmem:s14], [sflag:$0x1] =	stream.strided.gather @!p1 [hbm4b:s5+s12], $0x800, s13, s12, $0x38;
	[tilespmem:$0xC100] =	vst v63  }
0x250: {  	s5 =	sadd.s32 @!p1 $0x802, s9  }
0x251: {  	s14 =	sshll.u32 @!p1 s5, $0x4  }
0x252: {  	s5 =	sshll.u32 @!p1 s5, $0x8;
	s14 =	sand.u32 @!p1 $0x60, s14  }
0x253: {  	s5 =	sand.u32 @!p1 $0xFFFF800, s5;
	s14 =	sadd.s32 @!p1 s0, s14  }
0x254: {  	s5 =	sadd.s32 @!p1 s5, s14;
	s14 =	simm.s32 @!p1 $0x1000  }
0x255: {  	[tilespmem:s14], [sflag:$0x1] =	stream.strided.gather @!p1 [hbm4b:s5+s12], $0x800, s13, s12, $0x38;
	[tilespmem:$0xC100] =	vst v63  }
0x256: {  	s5 =	sadd.s32 @!p1 $0xC02, s9  }
0x257: {  	s14 =	sshll.u32 @!p1 s5, $0x4  }
0x258: {  	s5 =	sshll.u32 @!p1 s5, $0x8;
	s14 =	sand.u32 @!p1 $0x60, s14  }
0x259: {  	s5 =	sand.u32 @!p1 $0xFFFF800, s5;
	s14 =	sadd.s32 @!p1 s0, s14  }
0x25a: {  	s5 =	sadd.s32 @!p1 s5, s14;
	s14 =	simm.s32 @!p1 $0x1800  }
0x25b: {  	[tilespmem:s14], [sflag:$0x1] =	stream.strided.gather @!p1 [hbm4b:s5+s12], $0x800, s13, s12, $0x38;
	[tilespmem:$0xC100] =	vst v63  }
0x25c: {  	s5 =	sadd.s32 @!p1 $0x1002, s9  }
0x25d: {  	s14 =	sshll.u32 @!p1 s5, $0x4  }
0x25e: {  	s5 =	sshll.u32 @!p1 s5, $0x8;
	s14 =	sand.u32 @!p1 $0x60, s14  }
0x25f: {  	s5 =	sand.u32 @!p1 $0xFFFF800, s5;
	s14 =	sadd.s32 @!p1 s0, s14  }
0x260: {  	s5 =	sadd.s32 @!p1 s5, s14;
	s14 =	simm.s32 @!p1 $0x2000  }
0x261: {  	[tilespmem:s14], [sflag:$0x1] =	stream.strided.gather @!p1 [hbm4b:s5+s12], $0x800, s13, s12, $0x38;
	[tilespmem:$0xC100] =	vst v63  }
0x262: {  	s5 =	sadd.s32 @!p1 $0x1402, s9  }
0x263: {  	s9 =	sshll.u32 @!p1 s5, $0x4  }
0x264: {  	s5 =	sshll.u32 @!p1 s5, $0x8;
	s9 =	sand.u32 @!p1 $0x60, s9  }
0x265: {  	s5 =	sand.u32 @!p1 $0xFFFF800, s5;
	s9 =	sadd.s32 @!p1 s0, s9  }
0x266: {  	s5 =	sadd.s32 @!p1 s5, s9;
	s9 =	simm.s32 @!p1 $0x2800  }
0x267: {  	[tilespmem:s9], [sflag:$0x1] =	stream.strided.gather @!p1 [hbm4b:s5+s12], $0x800, s13, s12, $0x38;
	[tilespmem:$0xC100] =	vst v63  }
0x268: {  	s1 =	sadd.s32 @!p1 s6, s1;
	s5 =	simm.s32 @!p1 $0x6000  }
0x269: {  	[tilespmem:s5], [sflag:$0x1] =	stream.strided.gather @!p1 [hbm4b:s1+s12], $0x800, s13, s12, $0x38;
	[tilespmem:$0xC100] =	vst v63  }
0x26a: {  	_ =	swait.ge [sflag:s16], $0x800  }
0x26b: {  	[sflag:s16] =	ssyncset.done $0x0  }
0x26c: {  	[sflag:s16] =	ssyncadd.s32 $0xFFFFF800  }
0x26d: {  	_ =	swait.ge [sflag:s16], $0x800  }
0x26e: {  	[sflag:s16] =	ssyncset.done $0x0  }
0x26f: {  	[sflag:s16] =	ssyncadd.s32 $0xFFFFF800  }
0x270: {  	_ =	swait.ge [sflag:s16], $0x800  }
0x271: {  	[sflag:s16] =	ssyncset.done $0x0  }
0x272: {  	[sflag:s16] =	ssyncadd.s32 $0xFFFFF800  }
0x273: {  	_ =	swait.ge [sflag:s16], $0x800  }
0x274: {  	[sflag:s16] =	ssyncset.done $0x0  }
0x275: {  	[sflag:s16] =	ssyncadd.s32 $0xFFFFF800  }
0x276: {  	_ =	swait.ge [sflag:s16], $0x800  }
0x277: {  	s25 =	sor.u32 $0x1, s25;
	[sflag:s16] =	ssyncset.done $0x0  }
0x278: {  	v4 =	vmov s25;
	[sflag:s16] =	ssyncadd.s32 $0xFFFFF800  }
0x279: {  	v13 =	vshll.u32 v4, $0x7;
	_ =	swait.ge [sflag:s16], $0x800  }
0x27a: {  	v5 =	vor.u32 $0xA, v13;
	[sflag:s16] =	ssyncset.done $0x0  }
0x27b: {  	v6 =	vor.u32 $0xB, v13;
	[sflag:s16] =	ssyncadd.s32 $0xFFFFF800  }
0x27c: {  	_ =	swait.ge [sflag:s16], $0x800  }
0x27d: {  	[sflag:s16] =	ssyncset.done $0x0  }
0x27e: {  	v7 =	vor.u32 $0x9, v13;
	[sflag:s16] =	ssyncadd.s32 $0xFFFFF800  }
0x27f: {  	v9 =	vld.idx.msk [tilespmem:v5+s18+$0x0], $0xffff  }
0x280: {  	v16 =	vor.u32 $0x7, v13;
	s12 =	simm.s32 $0x3820;
	v10 =	vld.idx.msk [tilespmem:v6+s18+$0x0], $0xffff  }
0x281: {  	v5 =	vor.u32 $0x1, v13;
	v11 =	vld [tilespmem:s12+$0xFFFFFFE0]  }
0x282: {  	v8 =	vor.u32 $0x2, v13;
	v14 =	vld [tilespmem:s12+$0x7E0]  }
0x283: {  	v12 =	vor.u32 $0x4, v13;
	v15 =	vld.idx.msk [tilespmem:v7+s18+$0x0], $0xffff  }
0x284: {  	v17 =	vor.u32 $0x5, v13;
	v18 =	vld [tilespmem:s12+$0xFFFFF7E0]  }
0x285: {  	v19 =	vor.u32 $0x3, v13;
	v7 =	vld.idx.msk [tilespmem:v16+s18+$0x0], $0xffff  }
0x286: {  	v20 =	vor.u32 $0x8, v13;
	v6 =	vld.idx.msk [tilespmem:v5+s18+$0x0], $0xffff;
	v21 =	vsub.f32 v11, v9  }
0x287: {  	v5 =	vld.idx.msk [tilespmem:v8+s18+$0x0], $0xffff;
	v22 =	vsub.f32 v14, v10  }
0x288: {  	v23 =	vor.u32 $0x6, v13;
	v8 =	vld.idx.msk [tilespmem:v12+s18+$0x0], $0xffff;
	v11 =	vshrl.u32 v21, $0x10  }
0x289: {  	v12 =	vld.idx.msk [tilespmem:v17+s18+$0x0], $0xffff;
	v17 =	vsub.f32 v18, v15;
	v16 =	vshrl.u32 v22, $0x10;
	v14 =	vand.u32 $0x1, v11  }
0x28a: {  	v11 =	vld.idx.msk [tilespmem:v19+s18+$0x0], $0xffff;
	v16 =	vand.u32 $0x1, v16;
	v18 =	vadd.s32 v14, v21  }
0x28b: {  	v19 =	vshrl.u32 v17, $0x10;
	v14 =	vld.idx.msk [tilespmem:v20+s18+$0x0], $0xffff;
	v16 =	vadd.s32 v16, v22;
	v18 =	vadd.s32 $0x7FFF, v18  }
0x28c: {  	v13 =	vld.idx.msk [tilespmem:v13+s18+$0x0], $0xffff;
	v19 =	vand.u32 $0x1, v19;
	v20 =	vadd.s32 $0x7FFF, v16;
	v18 =	vand.u32 $0xFFFF0000, v18  }
0x28d: {  	v16 =	vld.idx.msk [tilespmem:v23+s18+$0x0], $0xffff;
	v17 =	vadd.s32 v19, v17;
	v19 =	vand.u32 $0xFFFF0000, v20;
	v20 =	vmul.f32 v18, v7  }
0x28e: {  	v17 =	vadd.s32 $0x7FFF, v17;
	v39 =	vmul.f32 v18, v8;
	v40 =	vmul.f32 v19, v12  }
0x28f: {  	v17 =	vand.u32 $0xFFFF0000, v17;
	v18 =	vmul.f32 v18, v6;
	v41 =	vmul.f32 v19, v5  }
0x290: {  	v24 =	vmul.f32 v17, v11;
	v21 =	vadd.f32 v40, v39;
	v19 =	vmul.f32 v19, v14  }
0x291: {  	v42 =	vmul.f32 v17, v13;
	v18 =	vadd.f32 v41, v18  }
0x292: {  	v17 =	vmul.f32 v17, v16;
	v21 =	vadd.f32 v21, v24;
	v19 =	vadd.f32 v19, v20  }
0x293: {  	v18 =	vadd.f32 v18, v42  }
0x294: {  	v17 =	vadd.f32 v19, v17;
	v19 =	vand.u32 $0x7FFFFFFF, v21  }
0x295: {  	s9 =	simm.s32 $0x8820;
	vm0 =	vlt.f32 v18, $2.999999930e-02;
	vm1 =	vlt.f32 v19, $3.999999910e-02  }
0x296: {  	vm2 =	vgt.f32 v18, $0.0e+00;
	[tilespmem:s9+$0xFFFFFFE0] =	vst v21;
	vm0 =	vmand vm0, vm1;
	v19 =	vand.u32 $0x7FFFFFFF, v17  }
0x297: {  	s14 =	simm.s32 $0x0;
	[tilespmem:s9+$0xFFFFF7E0] =	vst v18;
	vm0 =	vmand vm0, vm2;
	vm15 =	vlt.f32 v19, $9.999999770e-03  }
0x298: {  	v18 =	vor.u32 s14, v0;
	[tilespmem:s9+$0x7E0] =	vst v17;
	vm0 =	vmand vm15, vm0  }
0x299: {  	[tilespmem:s14+$0x9800] =	vst.msk vm0, v18  }
0x29a: {  	v17 =	vld [tilespmem:s12+$0xFFFFFFF0]  }
0x29b: {  	v18 =	vld [tilespmem:s12+$0x7F0];
	_ =	sdelay $0x1  }
0x29c: {  	v19 =	vld [tilespmem:s12+$0xFFFFF7F0];
	_ =	sdelay $0x1  }
0x29d: {  	v20 =	vmpcnt.ones.xlane vm0;
	v17 =	vsub.f32 v17, v9  }
0x29e: {  	v18 =	vsub.f32 v18, v10  }
0x29f: {  	(v2sf) =	vpush v20, $0x0;
	v20 =	vshrl.u32 v17, $0x10  }
0x2a0: {  	v19 =	vsub.f32 v19, v15;
	v43 =	vshrl.u32 v18, $0x10;
	v20 =	vand.u32 $0x1, v20  }
0x2a1: {  	v17 =	vadd.s32 v20, v17;
	v20 =	vand.u32 $0x1, v43  }
0x2a2: {  	v44 =	vshrl.u32 v19, $0x10;
	v17 =	vadd.s32 $0x7FFF, v17;
	v18 =	vadd.s32 v20, v18  }
0x2a3: {  	v20 =	vand.u32 $0x1, v44;
	v17 =	vand.u32 $0xFFFF0000, v17;
	v18 =	vadd.s32 $0x7FFF, v18  }
0x2a4: {  	v19 =	vadd.s32 v20, v19;
	v18 =	vand.u32 $0xFFFF0000, v18;
	v20 =	vmul.f32 v17, v7  }
0x2a5: {  	v19 =	vadd.s32 $0x7FFF, v19;
	v45 =	vmul.f32 v17, v8;
	v46 =	vmul.f32 v18, v12  }
0x2a6: {  	v17 =	vmul.f32 v17, v6;
	v19 =	vand.u32 $0xFFFF0000, v19;
	v47 =	vmul.f32 v18, v5  }
0x2a7: {  	v18 =	vmul.f32 v18, v14;
	v48 =	vmul.f32 v19, v11;
	v21 =	vadd.f32 v46, v45  }
0x2a8: {  	v49 =	vmul.f32 v19, v13;
	v17 =	vadd.f32 v47, v17  }
0x2a9: {  	v19 =	vmul.f32 v19, v16;
	v18 =	vadd.f32 v18, v20;
	v21 =	vadd.f32 v21, v48  }
0x2aa: {  	v17 =	vadd.f32 v17, v49  }
0x2ab: {  	v18 =	vadd.f32 v18, v19;
	v19 =	vand.u32 $0x7FFFFFFF, v21  }
0x2ac: {  	vm4 =	vlt.f32 v17, $2.999999930e-02;
	vm5 =	vlt.f32 v19, $3.999999910e-02  }
0x2ad: {  	vm6 =	vgt.f32 v17, $0.0e+00;
	[tilespmem:s9+$0xFFFFFFF0] =	vst v21;
	v19 =	vand.u32 $0x7FFFFFFF, v18;
	vm0 =	vmand vm4, vm5  }
0x2ae: {  	s19 =	simm.s32 $0x10;
	s15 =	spop (v2sf);
	[tilespmem:s9+$0xFFFFF7F0] =	vst v17;
	vm7 =	vlt.f32 v19, $9.999999770e-03;
	vm0 =	vmand vm0, vm6  }
0x2af: {  	s1 =	sadd.s32 $0x0, s15;
	v17 =	vor.u32 s19, v0;
	[tilespmem:s9+$0x7F0] =	vst v18;
	vm0 =	vmand vm7, vm0  }
0x2b0: {  	[tilespmem:s1+$0x9800] =	vst.msk vm0, v17  }
0x2b1: {  	v17 =	vld [tilespmem:s12+$0x0]  }
0x2b2: {  	v18 =	vld [tilespmem:s12+$0x800];
	_ =	sdelay $0x1  }
0x2b3: {  	v19 =	vld [tilespmem:s12+$0xFFFFF800];
	_ =	sdelay $0x1  }
0x2b4: {  	v20 =	vmpcnt.ones.xlane vm0;
	v17 =	vsub.f32 v17, v9  }
0x2b5: {  	v18 =	vsub.f32 v18, v10  }
0x2b6: {  	(v2sf) =	vpush v20, $0x0;
	v20 =	vshrl.u32 v17, $0x10  }
0x2b7: {  	v19 =	vsub.f32 v19, v15;
	v50 =	vshrl.u32 v18, $0x10;
	v20 =	vand.u32 $0x1, v20  }
0x2b8: {  	v17 =	vadd.s32 v20, v17;
	v20 =	vand.u32 $0x1, v50  }
0x2b9: {  	v51 =	vshrl.u32 v19, $0x10;
	v17 =	vadd.s32 $0x7FFF, v17;
	v18 =	vadd.s32 v20, v18  }
0x2ba: {  	v20 =	vand.u32 $0x1, v51;
	v17 =	vand.u32 $0xFFFF0000, v17;
	v18 =	vadd.s32 $0x7FFF, v18  }
0x2bb: {  	v19 =	vadd.s32 v20, v19;
	v18 =	vand.u32 $0xFFFF0000, v18;
	v20 =	vmul.f32 v17, v7  }
0x2bc: {  	v19 =	vadd.s32 $0x7FFF, v19;
	v52 =	vmul.f32 v17, v8;
	v53 =	vmul.f32 v18, v12  }
0x2bd: {  	v17 =	vmul.f32 v17, v6;
	v19 =	vand.u32 $0xFFFF0000, v19;
	v54 =	vmul.f32 v18, v5  }
0x2be: {  	v18 =	vmul.f32 v18, v14;
	v55 =	vmul.f32 v19, v11;
	v21 =	vadd.f32 v53, v52  }
0x2bf: {  	v56 =	vmul.f32 v19, v13;
	v17 =	vadd.f32 v54, v17  }
0x2c0: {  	v19 =	vmul.f32 v19, v16;
	v18 =	vadd.f32 v18, v20;
	v21 =	vadd.f32 v21, v55  }
0x2c1: {  	v17 =	vadd.f32 v17, v56  }
0x2c2: {  	v18 =	vadd.f32 v18, v19;
	v19 =	vand.u32 $0x7FFFFFFF, v21  }
0x2c3: {  	vm8 =	vlt.f32 v17, $2.999999930e-02;
	vm9 =	vlt.f32 v19, $3.999999910e-02  }
0x2c4: {  	[tilespmem:s9+$0x0] =	vst v21;
	vm10 =	vgt.f32 v17, $0.0e+00;
	v19 =	vand.u32 $0x7FFFFFFF, v18;
	vm0 =	vmand vm8, vm9  }
0x2c5: {  	s14 =	simm.s32 $0x20;
	s13 =	spop (v2sf);
	[tilespmem:s9+$0xFFFFF800] =	vst v17;
	vm11 =	vlt.f32 v19, $9.999999770e-03;
	vm0 =	vmand vm0, vm10  }
0x2c6: {  	s1 =	sadd.s32 s1, s13;
	[tilespmem:s9+$0x800] =	vst v18;
	v17 =	vor.u32 s14, v0;
	vm0 =	vmand vm11, vm0  }
0x2c7: {  	[tilespmem:s1+$0x9800] =	vst.msk vm0, v17  }
0x2c8: {  	v17 =	vld [tilespmem:s12+$0x10]  }
0x2c9: {  	v18 =	vld [tilespmem:s12+$0x810];
	_ =	sdelay $0x1  }
0x2ca: {  	v19 =	vld [tilespmem:s12+$0xFFFFF810];
	_ =	sdelay $0x1  }
0x2cb: {  	v20 =	vmpcnt.ones.xlane vm0;
	v17 =	vsub.f32 v17, v9  }
0x2cc: {  	v18 =	vsub.f32 v18, v10  }
0x2cd: {  	(v2sf) =	vpush v20, $0x0;
	v20 =	vshrl.u32 v17, $0x10  }
0x2ce: {  	v19 =	vsub.f32 v19, v15;
	v57 =	vshrl.u32 v18, $0x10;
	v20 =	vand.u32 $0x1, v20  }
0x2cf: {  	v17 =	vadd.s32 v20, v17;
	v20 =	vand.u32 $0x1, v57  }
0x2d0: {  	v58 =	vshrl.u32 v19, $0x10;
	v17 =	vadd.s32 $0x7FFF, v17;
	v18 =	vadd.s32 v20, v18  }
0x2d1: {  	v20 =	vand.u32 $0x1, v58;
	v17 =	vand.u32 $0xFFFF0000, v17;
	v18 =	vadd.s32 $0x7FFF, v18  }
0x2d2: {  	v19 =	vadd.s32 v20, v19;
	v18 =	vand.u32 $0xFFFF0000, v18;
	v20 =	vmul.f32 v17, v6  }
0x2d3: {  	v59 =	vmul.f32 v17, v8;
	v19 =	vadd.s32 $0x7FFF, v19;
	v60 =	vmul.f32 v18, v12  }
0x2d4: {  	v17 =	vmul.f32 v17, v7;
	v61 =	vmul.f32 v18, v5;
	v19 =	vand.u32 $0xFFFF0000, v19  }
0x2d5: {  	v18 =	vmul.f32 v18, v14;
	v62 =	vmul.f32 v19, v11;
	v21 =	vadd.f32 v60, v59  }
0x2d6: {  	v63 =	vmul.f32 v19, v13;
	v20 =	vadd.f32 v61, v20  }
0x2d7: {  	v19 =	vmul.f32 v19, v16;
	v17 =	vadd.f32 v18, v17;
	v18 =	vadd.f32 v21, v62  }
0x2d8: {  	v20 =	vadd.f32 v20, v63  }
0x2d9: {  	v17 =	vadd.f32 v17, v19;
	v19 =	vand.u32 $0x7FFFFFFF, v18  }
0x2da: {  	vm12 =	vlt.f32 v20, $2.999999930e-02;
	vm13 =	vlt.f32 v19, $3.999999910e-02  }
0x2db: {  	[tilespmem:s9+$0x10] =	vst v18;
	v18 =	vand.u32 $0x7FFFFFFF, v17;
	vm14 =	vgt.f32 v20, $0.0e+00;
	vm0 =	vmand vm12, vm13  }
0x2dc: {  	s19 =	simm.s32 $0x30;
	s15 =	spop (v2sf);
	[tilespmem:s9+$0xFFFFF810] =	vst v20;
	vm15 =	vlt.f32 v18, $9.999999770e-03;
	vm0 =	vmand vm0, vm14  }
0x2dd: {  	s1 =	sadd.s32 s1, s15;
	[tilespmem:s9+$0x810] =	vst v17;
	v17 =	vor.u32 s19, v0;
	vm0 =	vmand vm15, vm0  }
0x2de: {  	s12 =	simm.s32 $0x3860;
	[tilespmem:s1+$0x9800] =	vst.msk vm0, v17  }
0x2df: {  	v18 =	vmpcnt.ones.xlane vm0;
	v17 =	vld [tilespmem:s12+$0xFFFFFFE0];
	_ =	sdelay $0x1  }
0x2e0: {  	v19 =	vld [tilespmem:s12+$0x7E0];
	(v2sf) =	vpush v18, $0x0;
	_ =	sdelay $0x1  }
0x2e1: {  	v18 =	vld [tilespmem:s12+$0xFFFFF7E0]  }
0x2e2: {  	s13 =	simm.s32 $0x80;
	s19 =	simm.s32 $0x40;
	v17 =	vsub.f32 v17, v9  }
.LBB2_11:
0x2e3: {  	p2 =	sne.s32 s13, $0x7C0  }
0x2e4: {  	v19 =	vsub.f32 v19, v10;
	s9 =	sadd.s32 $0x40, s9;
	s14 =	smov.u32 s13;
	s13 =	sadd.s32 $0x40, s13  }
0x2e5: {  	v20 =	vshrl.u32 v17, $0x10  }
0x2e6: {  	v18 =	vsub.f32 v18, v15;
	v20 =	vand.u32 $0x1, v20;
	v21 =	vshrl.u32 v19, $0x10  }
0x2e7: {  	v17 =	vadd.s32 v20, v17;
	v20 =	vand.u32 $0x1, v21  }
0x2e8: {  	v21 =	vshrl.u32 v18, $0x10;
	v17 =	vadd.s32 $0x7FFF, v17;
	v19 =	vadd.s32 v20, v19  }
0x2e9: {  	v20 =	vand.u32 $0x1, v21;
	v17 =	vand.u32 $0xFFFF0000, v17;
	v19 =	vadd.s32 $0x7FFF, v19  }
0x2ea: {  	v18 =	vadd.s32 v20, v18;
	v19 =	vand.u32 $0xFFFF0000, v19;
	v20 =	vmul.f32 v17, v7  }
0x2eb: {  	v21 =	vmul.f32 v17, v8;
	v18 =	vadd.s32 $0x7FFF, v18;
	v22 =	vmul.f32 v19, v12  }
0x2ec: {  	v17 =	vmul.f32 v17, v6;
	v23 =	vmul.f32 v19, v5;
	v18 =	vand.u32 $0xFFFF0000, v18  }
0x2ed: {  	v19 =	vmul.f32 v19, v14;
	v24 =	vmul.f32 v18, v11;
	v21 =	vadd.f32 v22, v21  }
0x2ee: {  	v22 =	vmul.f32 v18, v13;
	v17 =	vadd.f32 v23, v17;
	s5 =	spop (v2sf)  }
0x2ef: {  	v18 =	vmul.f32 v18, v16;
	v19 =	vadd.f32 v19, v20;
	v21 =	vadd.f32 v21, v24;
	s1 =	sadd.s32 s1, s5  }
0x2f0: {  	v17 =	vadd.f32 v17, v22  }
0x2f1: {  	v18 =	vadd.f32 v19, v18;
	v19 =	vand.u32 $0x7FFFFFFF, v21  }
0x2f2: {  	vm0 =	vlt.f32 v17, $2.999999930e-02;
	vm1 =	vlt.f32 v19, $3.999999910e-02  }
0x2f3: {  	vm2 =	vgt.f32 v17, $0.0e+00;
	v19 =	vand.u32 $0x7FFFFFFF, v18;
	vm0 =	vmand vm0, vm1;
	[tilespmem:s9+$0xFFFFFFE0] =	vst v21  }
0x2f4: {  	vm1 =	vlt.f32 v19, $9.999999770e-03;
	vm0 =	vmand vm0, vm2;
	[tilespmem:s9+$0xFFFFF7E0] =	vst v17  }
0x2f5: {  	v17 =	vor.u32 s19, v0;
	vm0 =	vmand vm1, vm0;
	[tilespmem:s9+$0x7E0] =	vst v18  }
0x2f6: {  	[tilespmem:s1+$0x9800] =	vst.msk vm0, v17;
	v17 =	vmpcnt.ones.xlane vm0  }
0x2f7: {  	v18 =	vld [tilespmem:s12+$0xFFFFFFF0]  }
0x2f8: {  	v19 =	vld [tilespmem:s12+$0x7F0];
	(v2sf) =	vpush v17, $0x0;
	_ =	sdelay $0x1  }
0x2f9: {  	v17 =	vld [tilespmem:s12+$0xFFFFF7F0];
	_ =	sdelay $0x1  }
0x2fa: {  	v18 =	vsub.f32 v18, v9  }
0x2fb: {  	v19 =	vsub.f32 v19, v10  }
0x2fc: {  	v20 =	vshrl.u32 v18, $0x10  }
0x2fd: {  	v17 =	vsub.f32 v17, v15;
	v20 =	vand.u32 $0x1, v20;
	v21 =	vshrl.u32 v19, $0x10  }
0x2fe: {  	v18 =	vadd.s32 v20, v18;
	v20 =	vand.u32 $0x1, v21  }
0x2ff: {  	v21 =	vshrl.u32 v17, $0x10;
	v18 =	vadd.s32 $0x7FFF, v18;
	v19 =	vadd.s32 v20, v19  }
0x300: {  	v20 =	vand.u32 $0x1, v21;
	v18 =	vand.u32 $0xFFFF0000, v18;
	v19 =	vadd.s32 $0x7FFF, v19  }
0x301: {  	v17 =	vadd.s32 v20, v17;
	v19 =	vand.u32 $0xFFFF0000, v19;
	v20 =	vmul.f32 v18, v7  }
0x302: {  	v21 =	vmul.f32 v18, v8;
	v17 =	vadd.s32 $0x7FFF, v17;
	v22 =	vmul.f32 v19, v12  }
0x303: {  	v18 =	vmul.f32 v18, v6;
	v23 =	vmul.f32 v19, v5;
	v17 =	vand.u32 $0xFFFF0000, v17  }
0x304: {  	v19 =	vmul.f32 v19, v14;
	v24 =	vmul.f32 v17, v11;
	v21 =	vadd.f32 v22, v21  }
0x305: {  	v22 =	vmul.f32 v17, v13;
	v18 =	vadd.f32 v23, v18;
	s5 =	spop (v2sf)  }
0x306: {  	v17 =	vmul.f32 v17, v16;
	v19 =	vadd.f32 v19, v20;
	v21 =	vadd.f32 v21, v24  }
0x307: {  	v18 =	vadd.f32 v18, v22  }
0x308: {  	v17 =	vadd.f32 v19, v17;
	v19 =	vand.u32 $0x7FFFFFFF, v21  }
0x309: {  	vm0 =	vlt.f32 v18, $2.999999930e-02;
	vm1 =	vlt.f32 v19, $3.999999910e-02  }
0x30a: {  	vm2 =	vgt.f32 v18, $0.0e+00;
	v19 =	vand.u32 $0x7FFFFFFF, v17;
	vm0 =	vmand vm0, vm1;
	[tilespmem:s9+$0xFFFFFFF0] =	vst v21  }
0x30b: {  	s15 =	sadd.s32 $0x10, s19;
	vm1 =	vlt.f32 v19, $9.999999770e-03;
	vm0 =	vmand vm0, vm2;
	[tilespmem:s9+$0xFFFFF7F0] =	vst v18  }
0x30c: {  	s1 =	sadd.s32 s1, s5;
	v18 =	vor.u32 s15, v0;
	vm0 =	vmand vm1, vm0;
	[tilespmem:s9+$0x7F0] =	vst v17  }
0x30d: {  	[tilespmem:s1+$0x9800] =	vst.msk vm0, v18;
	v17 =	vmpcnt.ones.xlane vm0  }
0x30e: {  	v18 =	vld [tilespmem:s12+$0x0]  }
0x30f: {  	v19 =	vld [tilespmem:s12+$0x800];
	(v2sf) =	vpush v17, $0x0  }
0x310: {  	v17 =	vld [tilespmem:s12+$0xFFFFF800];
	_ =	sdelay $0x2  }
0x311: {  	v18 =	vsub.f32 v18, v9  }
0x312: {  	v19 =	vsub.f32 v19, v10  }
0x313: {  	v17 =	vsub.f32 v17, v15;
	v20 =	vshrl.u32 v18, $0x10  }
0x314: {  	v20 =	vand.u32 $0x1, v20;
	v21 =	vshrl.u32 v19, $0x10  }
0x315: {  	v22 =	vshrl.u32 v17, $0x10;
	v18 =	vadd.s32 v20, v18;
	v20 =	vand.u32 $0x1, v21  }
0x316: {  	v21 =	vand.u32 $0x1, v22;
	v18 =	vadd.s32 $0x7FFF, v18;
	v19 =	vadd.s32 v20, v19  }
0x317: {  	v17 =	vadd.s32 v21, v17;
	v18 =	vand.u32 $0xFFFF0000, v18;
	v19 =	vadd.s32 $0x7FFF, v19  }
0x318: {  	v17 =	vadd.s32 $0x7FFF, v17;
	v19 =	vand.u32 $0xFFFF0000, v19;
	v20 =	vmul.f32 v18, v7  }
0x319: {  	v21 =	vmul.f32 v18, v8;
	v17 =	vand.u32 $0xFFFF0000, v17;
	v22 =	vmul.f32 v19, v12  }
0x31a: {  	v18 =	vmul.f32 v18, v6;
	v23 =	vmul.f32 v19, v5  }
0x31b: {  	v19 =	vmul.f32 v19, v14;
	v24 =	vmul.f32 v17, v11;
	v21 =	vadd.f32 v22, v21  }
0x31c: {  	v22 =	vmul.f32 v17, v13;
	v18 =	vadd.f32 v23, v18;
	s5 =	spop (v2sf)  }
0x31d: {  	v17 =	vmul.f32 v17, v16;
	v19 =	vadd.f32 v19, v20;
	s1 =	sadd.s32 s1, s5;
	v21 =	vadd.f32 v21, v24  }
0x31e: {  	v18 =	vadd.f32 v18, v22  }
0x31f: {  	v17 =	vadd.f32 v19, v17;
	v19 =	vand.u32 $0x7FFFFFFF, v21;
	[tilespmem:s9+$0x0] =	vst v21  }
0x320: {  	vm0 =	vlt.f32 v18, $2.999999930e-02;
	vm1 =	vlt.f32 v19, $3.999999910e-02;
	[tilespmem:s9+$0xFFFFF800] =	vst v18  }
0x321: {  	vm2 =	vgt.f32 v18, $0.0e+00;
	v18 =	vand.u32 $0x7FFFFFFF, v17;
	vm0 =	vmand vm0, vm1;
	[tilespmem:s9+$0x800] =	vst v17  }
0x322: {  	s5 =	sadd.s32 $0x20, s19;
	vm1 =	vlt.f32 v18, $9.999999770e-03;
	vm0 =	vmand vm0, vm2  }
0x323: {  	v17 =	vor.u32 s5, v0;
	vm0 =	vmand vm1, vm0  }
0x324: {  	[tilespmem:s1+$0x9800] =	vst.msk vm0, v17;
	v17 =	vmpcnt.ones.xlane vm0  }
0x325: {  	v18 =	vld [tilespmem:s12+$0x10]  }
0x326: {  	v19 =	vld [tilespmem:s12+$0x810];
	(v2sf) =	vpush v17, $0x0  }
0x327: {  	v17 =	vld [tilespmem:s12+$0xFFFFF810];
	_ =	sdelay $0x2  }
0x328: {  	v18 =	vsub.f32 v18, v9  }
0x329: {  	v19 =	vsub.f32 v19, v10  }
0x32a: {  	v17 =	vsub.f32 v17, v15;
	v20 =	vshrl.u32 v18, $0x10  }
0x32b: {  	v20 =	vand.u32 $0x1, v20;
	v21 =	vshrl.u32 v19, $0x10  }
0x32c: {  	v22 =	vshrl.u32 v17, $0x10;
	v18 =	vadd.s32 v20, v18;
	v20 =	vand.u32 $0x1, v21  }
0x32d: {  	v21 =	vand.u32 $0x1, v22;
	v18 =	vadd.s32 $0x7FFF, v18;
	v19 =	vadd.s32 v20, v19  }
0x32e: {  	v17 =	vadd.s32 v21, v17;
	v18 =	vand.u32 $0xFFFF0000, v18;
	v19 =	vadd.s32 $0x7FFF, v19  }
0x32f: {  	v19 =	vand.u32 $0xFFFF0000, v19;
	v20 =	vmul.f32 v18, v6;
	v21 =	vmul.f32 v18, v8  }
0x330: {  	v17 =	vadd.s32 $0x7FFF, v17;
	v22 =	vmul.f32 v19, v5;
	v23 =	vmul.f32 v19, v12  }
0x331: {  	v18 =	vmul.f32 v18, v7;
	v17 =	vand.u32 $0xFFFF0000, v17;
	v19 =	vmul.f32 v19, v14  }
0x332: {  	v20 =	vadd.f32 v22, v20;
	v22 =	vmul.f32 v17, v11;
	v21 =	vadd.f32 v23, v21  }
0x333: {  	s12 =	sadd.s32 $0x40, s12;
	v23 =	vmul.f32 v17, v13;
	v17 =	vmul.f32 v17, v16;
	v18 =	vadd.f32 v19, v18;
	s5 =	spop (v2sf)  }
0x334: {  	v19 =	vadd.f32 v21, v22  }
0x335: {  	v20 =	vadd.f32 v20, v23;
	v17 =	vadd.f32 v18, v17  }
0x336: {  	v18 =	vand.u32 $0x7FFFFFFF, v19;
	[tilespmem:s9+$0x10] =	vst v19  }
0x337: {  	vm0 =	vlt.f32 v20, $2.999999930e-02;
	vm1 =	vlt.f32 v18, $3.999999910e-02;
	v18 =	vand.u32 $0x7FFFFFFF, v17  }
0x338: {  	vm2 =	vgt.f32 v20, $0.0e+00;
	vm0 =	vmand vm0, vm1;
	[tilespmem:s9+$0xFFFFF810] =	vst v20  }
0x339: {  	s15 =	sadd.s32 $0x30, s19;
	s19 =	smov.u32 s14;
	vm1 =	vlt.f32 v18, $9.999999770e-03;
	vm0 =	vmand vm0, vm2;
	[tilespmem:s9+$0x810] =	vst v17  }
0x33a: {  	s1 =	sadd.s32 s1, s5;
	v17 =	vor.u32 s15, v0;
	vm0 =	vmand vm1, vm0  }
0x33b: {  	[tilespmem:s1+$0x9800] =	vst.msk vm0, v17;
	v17 =	vmpcnt.ones.xlane vm0  }
0x33c: {  	v20 =	vld [tilespmem:s12+$0xFFFFFFE0]  }
.Ltmp6:
0x33d: {  	v19 =	vld [tilespmem:s12+$0x7E0];
	(v2sf) =	vpush v17, $0x0;
	(pc) =	sbr.rel @p2 .LBB2_11-.Ltmp6, $3  }
0x33e: {  	_ = 	snop  }
0x33f: {  	v18 =	vld [tilespmem:s12+$0xFFFFF7E0];
	_ =	sdelay $0x1  }
0x340: {  	v17 =	vsub.f32 v20, v9  }
0x341: {  	v19 =	vsub.f32 v19, v10  }
0x342: {  	v20 =	vshrl.u32 v17, $0x10  }
0x343: {  	v18 =	vsub.f32 v18, v15;
	v20 =	vand.u32 $0x1, v20;
	v21 =	vshrl.u32 v19, $0x10  }
0x344: {  	v45 =	vadd.s32 v20, v17;
	v46 =	vand.u32 $0x1, v21  }
0x345: {  	v47 =	vshrl.u32 v18, $0x10;
	v17 =	vadd.s32 $0x7FFF, v45;
	v19 =	vadd.s32 v46, v19  }
0x346: {  	v48 =	vand.u32 $0x1, v47;
	v17 =	vand.u32 $0xFFFF0000, v17;
	v19 =	vadd.s32 $0x7FFF, v19  }
0x347: {  	v18 =	vadd.s32 v48, v18;
	v19 =	vand.u32 $0xFFFF0000, v19;
	v49 =	vmul.f32 v17, v7  }
0x348: {  	v50 =	vmul.f32 v17, v8;
	v18 =	vadd.s32 $0x7FFF, v18;
	v22 =	vmul.f32 v19, v12  }
0x349: {  	v17 =	vmul.f32 v17, v6;
	v23 =	vmul.f32 v19, v5;
	v18 =	vand.u32 $0xFFFF0000, v18  }
0x34a: {  	v19 =	vmul.f32 v19, v14;
	v24 =	vmul.f32 v18, v11;
	v21 =	vadd.f32 v22, v50  }
0x34b: {  	v51 =	vmul.f32 v18, v13;
	v17 =	vadd.f32 v23, v17  }
0x34c: {  	v18 =	vmul.f32 v18, v16;
	v19 =	vadd.f32 v19, v49;
	v21 =	vadd.f32 v21, v24  }
0x34d: {  	v17 =	vadd.f32 v17, v51  }
0x34e: {  	v18 =	vadd.f32 v19, v18;
	v52 =	vand.u32 $0x7FFFFFFF, v21  }
0x34f: {  	s9 =	sadd.s32 $0x40, s9;
	vm0 =	vlt.f32 v17, $2.999999930e-02;
	vm1 =	vlt.f32 v52, $3.999999910e-02  }
0x350: {  	vm2 =	vgt.f32 v17, $0.0e+00;
	v53 =	vand.u32 $0x7FFFFFFF, v18;
	[tilespmem:s9+$0xFFFFFFE0] =	vst v21;
	vm0 =	vmand vm0, vm1  }
0x351: {  	s5 =	spop (v2sf);
	[tilespmem:s9+$0xFFFFF7E0] =	vst v17;
	vm11 =	vlt.f32 v53, $9.999999770e-03;
	vm0 =	vmand vm0, vm2  }
0x352: {  	v54 =	vor.u32 s19, v0;
	s1 =	sadd.s32 s1, s5;
	[tilespmem:s9+$0x7E0] =	vst v18;
	vm0 =	vmand vm11, vm0  }
0x353: {  	[tilespmem:s1+$0x9800] =	vst.msk vm0, v54  }
0x354: {  	v17 =	vld [tilespmem:s12+$0xFFFFFFF0]  }
0x355: {  	v18 =	vld [tilespmem:s12+$0x7F0];
	_ =	sdelay $0x1  }
0x356: {  	v55 =	vld [tilespmem:s12+$0xFFFFF7F0];
	_ =	sdelay $0x1  }
0x357: {  	v56 =	vmpcnt.ones.xlane vm0;
	v17 =	vsub.f32 v17, v9  }
0x358: {  	v18 =	vsub.f32 v18, v10  }
0x359: {  	(v2sf) =	vpush v56, $0x0;
	v57 =	vshrl.u32 v17, $0x10  }
0x35a: {  	v19 =	vsub.f32 v55, v15;
	v58 =	vshrl.u32 v18, $0x10;
	v20 =	vand.u32 $0x1, v57  }
0x35b: {  	v59 =	vand.u32 $0x1, v58;
	v17 =	vadd.s32 v20, v17  }
0x35c: {  	v60 =	vshrl.u32 v19, $0x10;
	v18 =	vadd.s32 v59, v18;
	v17 =	vadd.s32 $0x7FFF, v17  }
0x35d: {  	v61 =	vand.u32 $0x1, v60;
	v18 =	vadd.s32 $0x7FFF, v18;
	v17 =	vand.u32 $0xFFFF0000, v17  }
0x35e: {  	v19 =	vadd.s32 v61, v19;
	v18 =	vand.u32 $0xFFFF0000, v18;
	v62 =	vmul.f32 v17, v7  }
0x35f: {  	v19 =	vadd.s32 $0x7FFF, v19;
	v63 =	vmul.f32 v17, v8;
	v28 =	vmul.f32 v18, v12  }
0x360: {  	v19 =	vand.u32 $0xFFFF0000, v19;
	v17 =	vmul.f32 v17, v6;
	v29 =	vmul.f32 v18, v5  }
0x361: {  	v30 =	vmul.f32 v19, v11;
	v18 =	vmul.f32 v18, v14;
	v21 =	vadd.f32 v28, v63  }
0x362: {  	v31 =	vmul.f32 v19, v13;
	v17 =	vadd.f32 v29, v17  }
0x363: {  	v19 =	vmul.f32 v19, v16;
	v18 =	vadd.f32 v18, v62;
	v21 =	vadd.f32 v21, v30  }
0x364: {  	v17 =	vadd.f32 v17, v31  }
0x365: {  	v18 =	vadd.f32 v18, v19;
	v32 =	vand.u32 $0x7FFFFFFF, v21  }
0x366: {  	vm12 =	vlt.f32 v17, $2.999999930e-02;
	vm13 =	vlt.f32 v32, $3.999999910e-02  }
0x367: {  	vm14 =	vgt.f32 v17, $0.0e+00;
	v33 =	vand.u32 $0x7FFFFFFF, v18;
	[tilespmem:s9+$0xFFFFFFF0] =	vst v21;
	vm0 =	vmand vm12, vm13  }
0x368: {  	s13 =	sadd.s32 $0x10, s19;
	s15 =	spop (v2sf);
	[tilespmem:s9+$0xFFFFF7F0] =	vst v17;
	vm15 =	vlt.f32 v33, $9.999999770e-03;
	vm0 =	vmand vm0, vm14  }
0x369: {  	v34 =	vor.u32 s13, v0;
	s1 =	sadd.s32 s1, s15;
	[tilespmem:s9+$0x7F0] =	vst v18;
	vm0 =	vmand vm15, vm0  }
0x36a: {  	[tilespmem:s1+$0x9800] =	vst.msk vm0, v34  }
0x36b: {  	v17 =	vld [tilespmem:s12+$0x0]  }
0x36c: {  	v18 =	vld [tilespmem:s12+$0x800];
	_ =	sdelay $0x1  }
0x36d: {  	v35 =	vld [tilespmem:s12+$0xFFFFF800];
	_ =	sdelay $0x1  }
0x36e: {  	v36 =	vmpcnt.ones.xlane vm0;
	v17 =	vsub.f32 v17, v9  }
0x36f: {  	v18 =	vsub.f32 v18, v10  }
0x370: {  	(v2sf) =	vpush v36, $0x0;
	v37 =	vshrl.u32 v17, $0x10  }
0x371: {  	v19 =	vsub.f32 v35, v15;
	v38 =	vshrl.u32 v18, $0x10;
	v20 =	vand.u32 $0x1, v37  }
0x372: {  	v39 =	vand.u32 $0x1, v38;
	v17 =	vadd.s32 v20, v17  }
0x373: {  	v40 =	vshrl.u32 v19, $0x10;
	v18 =	vadd.s32 v39, v18;
	v17 =	vadd.s32 $0x7FFF, v17  }
0x374: {  	v41 =	vand.u32 $0x1, v40;
	v18 =	vadd.s32 $0x7FFF, v18;
	v17 =	vand.u32 $0xFFFF0000, v17  }
0x375: {  	v19 =	vadd.s32 v41, v19;
	v18 =	vand.u32 $0xFFFF0000, v18;
	v42 =	vmul.f32 v17, v7  }
0x376: {  	v19 =	vadd.s32 $0x7FFF, v19;
	v43 =	vmul.f32 v17, v8;
	v44 =	vmul.f32 v18, v12  }
0x377: {  	v19 =	vand.u32 $0xFFFF0000, v19;
	v17 =	vmul.f32 v17, v6;
	v45 =	vmul.f32 v18, v5  }
0x378: {  	v46 =	vmul.f32 v19, v11;
	v18 =	vmul.f32 v18, v14;
	v21 =	vadd.f32 v44, v43  }
0x379: {  	v47 =	vmul.f32 v19, v13;
	v17 =	vadd.f32 v45, v17  }
0x37a: {  	v19 =	vmul.f32 v19, v16;
	v18 =	vadd.f32 v18, v42;
	v21 =	vadd.f32 v21, v46  }
0x37b: {  	v17 =	vadd.f32 v17, v47  }
0x37c: {  	v18 =	vadd.f32 v18, v19;
	v48 =	vand.u32 $0x7FFFFFFF, v21  }
0x37d: {  	vm4 =	vlt.f32 v17, $2.999999930e-02;
	vm5 =	vlt.f32 v48, $3.999999910e-02  }
0x37e: {  	[tilespmem:s9+$0x0] =	vst v21;
	vm6 =	vgt.f32 v17, $0.0e+00;
	v49 =	vand.u32 $0x7FFFFFFF, v18;
	vm0 =	vmand vm4, vm5  }
0x37f: {  	s15 =	sadd.s32 $0x20, s19;
	s14 =	spop (v2sf);
	[tilespmem:s9+$0xFFFFF800] =	vst v17;
	vm7 =	vlt.f32 v49, $9.999999770e-03;
	vm0 =	vmand vm0, vm6  }
0x380: {  	v50 =	vor.u32 s15, v0;
	s1 =	sadd.s32 s1, s14;
	[tilespmem:s9+$0x800] =	vst v18;
	vm0 =	vmand vm7, vm0  }
0x381: {  	[tilespmem:s1+$0x9800] =	vst.msk vm0, v50  }
0x382: {  	v17 =	vld [tilespmem:s12+$0x10]  }
0x383: {  	v18 =	vld [tilespmem:s12+$0x810];
	_ =	sdelay $0x1  }
0x384: {  	v51 =	vld [tilespmem:s12+$0xFFFFF810];
	_ =	sdelay $0x1  }
0x385: {  	v52 =	vsub.f32 v17, v9  }
0x386: {  	v53 =	vsub.f32 v18, v10  }
0x387: {  	v17 =	vshrl.u32 v52, $0x10  }
0x388: {  	v54 =	vsub.f32 v51, v15;
	v18 =	vshrl.u32 v53, $0x10;
	v17 =	vand.u32 $0x1, v17  }
0x389: {  	v55 =	vand.u32 $0x1, v18;
	v9 =	vadd.s32 v17, v52  }
0x38a: {  	v56 =	vshrl.u32 v54, $0x10;
	v10 =	vadd.s32 v55, v53;
	v9 =	vadd.s32 $0x7FFF, v9  }
0x38b: {  	v57 =	vand.u32 $0x1, v56;
	v10 =	vadd.s32 $0x7FFF, v10;
	v9 =	vand.u32 $0xFFFF0000, v9  }
0x38c: {  	v15 =	vadd.s32 v57, v54;
	v10 =	vand.u32 $0xFFFF0000, v10;
	v6 =	vmul.f32 v9, v6  }
0x38d: {  	v15 =	vadd.s32 $0x7FFF, v15;
	v58 =	vmul.f32 v9, v8;
	v59 =	vmul.f32 v10, v12  }
0x38e: {  	v15 =	vand.u32 $0xFFFF0000, v15;
	v5 =	vmul.f32 v10, v5;
	v7 =	vmul.f32 v9, v7  }
0x38f: {  	v60 =	vmul.f32 v10, v14;
	v61 =	vmul.f32 v15, v11;
	v8 =	vadd.f32 v59, v58  }
0x390: {  	v5 =	vadd.f32 v5, v6;
	v6 =	vmul.f32 v15, v13  }
0x391: {  	v62 =	vmul.f32 v15, v16;
	v7 =	vadd.f32 v60, v7;
	v8 =	vadd.f32 v8, v61  }
0x392: {  	v5 =	vadd.f32 v5, v6  }
0x393: {  	v6 =	vadd.f32 v7, v62;
	v7 =	vand.u32 $0x7FFFFFFF, v8  }
0x394: {  	vm8 =	vlt.f32 v5, $2.999999930e-02;
	vm9 =	vlt.f32 v7, $3.999999910e-02  }
0x395: {  	vm10 =	vgt.f32 v5, $0.0e+00;
	v7 =	vand.u32 $0x7FFFFFFF, v6;
	vm1 =	vmand vm8, vm9  }
0x396: {  	vm11 =	vlt.f32 v7, $9.999999770e-03;
	vm1 =	vmand vm1, vm10  }
0x397: {  	v7 =	vmpcnt.ones.xlane vm0;
	vm12 =	vmand vm11, vm1  }
0x398: {  	v63 =	vmpcnt.ones.xlane vm12  }
0x399: {  	(v2sf) =	vpush v7, $0x0  }
0x39a: {  	(v2sf) =	vpush v63, $0x0;
	_ =	sdelay $0xd  }
0x39b: {  	s14 =	spop (v2sf)  }
0x39c: {  	s1 =	sadd.s32 s1, s14;
	s15 =	spop (v2sf)  }
0x39d: {  	[tilespmem:s9+$0x10] =	vst v8;
	s13 =	sadd.s32 s1, s15  }
0x39e: {  	s19 =	sadd.s32 $0x30, s19;
	[tilespmem:s9+$0xFFFFF810] =	vst v5;
	v5 =	vmov s13  }
0x39f: {  	[tilespmem:s9+$0x810] =	vst v6;
	v6 =	vor.u32 s19, v0;
	vm13 =	vgt.s32 v5, $0x5  }
0x3a0: {  	[tilespmem:s1+$0x9800] =	vst.msk vm12, v6;
	v6 =	vsel vm13, $0x1, v1  }
0x3a1: {  	s1 =	simm.s32 @!p0 $0x4;
	[tilespmem:v4+s21+$0x0] =	vst.idx.msk $0x1, v6  }
0x3a2: {  	_ =	swait.ge @!p0 [sflag:s1], $0x200  }
0x3a3: {  	[sflag:s1] =	ssyncset.done @!p0 $0x0  }
0x3a4: {  	[sflag:s1] =	ssyncadd.s32 @!p0 $0xFFFFFE00  }
0x3a5: {  	_ =	swait.ge @!p0 [sflag:s1], $0x200  }
0x3a6: {  	[sflag:s1] =	ssyncset.done @!p0 $0x0  }
0x3a7: {  	[sflag:s1] =	ssyncadd.s32 @!p0 $0xFFFFFE00  }
0x3a8: {  	_ =	swait.ge @!p0 [sflag:s1], $0x200  }
0x3a9: {  	[sflag:s1] =	ssyncset.done @!p0 $0x0  }
0x3aa: {  	[sflag:s1] =	ssyncadd.s32 @!p0 $0xFFFFFE00  }
0x3ab: {  	_ =	swait.ge @!p0 [sflag:s1], $0x200  }
0x3ac: {  	[sflag:s1] =	ssyncset.done @!p0 $0x0  }
0x3ad: {  	[sflag:s1] =	ssyncadd.s32 @!p0 $0xFFFFFE00  }
0x3ae: {  	_ =	swait.ge @!p0 [sflag:s1], $0x200  }
0x3af: {  	[sflag:s1] =	ssyncset.done @!p0 $0x0  }
0x3b0: {  	vm14 =	vgt.s32 v5, $0x1;
	[sflag:s1] =	ssyncadd.s32 @!p0 $0xFFFFFE00  }
0x3b1: {  	v4 =	vnsel vm14, $0x1, v5;
	_ =	swait.ge @!p0 [sflag:s1], $0x200  }
0x3b2: {  	v5 =	vsub.s32 v0, v4;
	vm0 =	vlt.u32 v0, v4;
	[sflag:s1] =	ssyncset.done @!p0 $0x0  }
0x3b3: {  	v5 =	vsel vm0, v0, v5;
	[sflag:s1] =	ssyncadd.s32 @!p0 $0xFFFFFE00  }
0x3b4: {  	vm0 =	vlt.s32 v5, v4;
	_ =	swait.ge @!p0 [sflag:s1], $0x200  }
0x3b5: {  	v6 =	vsel vm0, $0x0, v4;
	[sflag:s1] =	ssyncset.done @!p0 $0x0  }
0x3b6: {  	s9 =	sor.u32 s8, s25;
	s25 =	sshll.u32 s25, $0x4;
	v5 =	vsub.s32 v5, v6;
	[sflag:s1] =	ssyncadd.s32 @!p0 $0xFFFFFE00  }
0x3b7: {  	s12 =	sand.u32 $0x70, s25;
	vm15 =	vlt.s32 v5, v4;
	_ =	swait.ge @!p0 [sflag:s1], $0x200  }
0x3b8: {  	s19 =	simm.s32 $0xB290;
	s14 =	simm.s32 $0x0;
	v6 =	vsel vm15, $0x0, v4;
	[sflag:s1] =	ssyncset.done @!p0 $0x0  }
0x3b9: {  	s15 =	simm.s32 $0xBEA0;
	v5 =	vsub.s32 v5, v6;
	[sflag:s1] =	ssyncadd.s32 @!p0 $0xFFFFFE00;
	s1 =	simm.s32 $0xBAA0  }
.LBB2_13:
0x3ba: {  	_ =	sdelay $0x3  }
0x3bb: {  	v6 =	vld.idx.msk [tilespmem:v5+s22+$0x0], $0xffff;
	_ =	sdelay $0x4  }
0x3bc: {  	v7 =	vadd.s32 $0x800, v6  }
0x3bd: {  	v8 =	vadd.s32 $0x1000, v6  }
0x3be: {  	v9 =	vadd.s32 $0x1800, v6  }
0x3bf: {  	v10 =	vadd.s32 $0x2000, v6  }
0x3c0: {  	v12 =	vadd.s32 $0x2800, v6;
	v11 =	vld.idx.msk [tilespmem:v6+s23+$0x0], $0xffff  }
0x3c1: {  	v7 =	vld.idx.msk [tilespmem:v7+s23+$0x0], $0xffff  }
0x3c2: {  	v8 =	vld.idx.msk [tilespmem:v8+s23+$0x0], $0xffff  }
0x3c3: {  	v9 =	vld.idx.msk [tilespmem:v9+s11+$0x0], $0xffff  }
0x3c4: {  	v5 =	vadd.s32 $0x10, v5;
	v10 =	vld.idx.msk [tilespmem:v10+s11+$0x0], $0xffff  }
0x3c5: {  	s5 =	sand.u32 $0x1C0, s14;
	vm0 =	vlt.s32 v5, v4;
	v12 =	vld.idx.msk [tilespmem:v12+s11+$0x0], $0xffff;
	[tilespmem:s19+$0xFFFFF9F0] =	vst v11  }
0x3c6: {  	[tilespmem:s5+$0xAE80] =	vst v7;
	v7 =	vsel vm0, $0x0, v4  }
0x3c7: {  	[tilespmem:s5+$0xB080] =	vst v8;
	v5 =	vsub.s32 v5, v7  }
0x3c8: {  	[tilespmem:s5+$0xB280] =	vst v9;
	vm5 =	vlt.s32 v5, v4  }
0x3c9: {  	[tilespmem:s5+$0xB480] =	vst v10;
	v7 =	vsel vm5, $0x0, v4  }
0x3ca: {  	[tilespmem:s5+$0xB680] =	vst v12;
	v5 =	vsub.s32 v5, v7  }
0x3cb: {  	[tilespmem:s1+$0xFFFFFFE0] =	vst v6;
	vm6 =	vlt.s32 v5, v4  }
0x3cc: {  	v6 =	vld.idx.msk [tilespmem:v6+s17+$0x0], $0xffff;
	v7 =	vsel vm6, $0x0, v4  }
0x3cd: {  	v5 =	vsub.s32 v5, v7;
	_ =	sdelay $0x3  }
0x3ce: {  	[tilespmem:s15+$0xFFFFFFE0] =	vst v6  }
0x3cf: {  	v6 =	vld.idx.msk [tilespmem:v5+s22+$0x0], $0xffff;
	_ =	sdelay $0x4  }
0x3d0: {  	v7 =	vadd.s32 $0x800, v6  }
0x3d1: {  	v52 =	vadd.s32 $0x1000, v6  }
0x3d2: {  	v53 =	vadd.s32 $0x1800, v6  }
0x3d3: {  	v54 =	vadd.s32 $0x2000, v6  }
0x3d4: {  	v55 =	vadd.s32 $0x2800, v6;
	v11 =	vld.idx.msk [tilespmem:v6+s23+$0x0], $0xffff  }
0x3d5: {  	v7 =	vld.idx.msk [tilespmem:v7+s23+$0x0], $0xffff  }
0x3d6: {  	v8 =	vld.idx.msk [tilespmem:v52+s23+$0x0], $0xffff  }
0x3d7: {  	v9 =	vld.idx.msk [tilespmem:v53+s11+$0x0], $0xffff  }
0x3d8: {  	v5 =	vadd.s32 $0x10, v5;
	v10 =	vld.idx.msk [tilespmem:v54+s11+$0x0], $0xffff  }
0x3d9: {  	vm7 =	vlt.s32 v5, v4;
	v12 =	vld.idx.msk [tilespmem:v55+s11+$0x0], $0xffff;
	[tilespmem:s19+$0xFFFFFA00] =	vst v11  }
0x3da: {  	[tilespmem:s19+$0xFFFFFC00] =	vst v7;
	v7 =	vsel vm7, $0x0, v4  }
0x3db: {  	[tilespmem:s19+$0xFFFFFE00] =	vst v8;
	v5 =	vsub.s32 v5, v7  }
0x3dc: {  	[tilespmem:s19+$0x0] =	vst v9;
	vm8 =	vlt.s32 v5, v4  }
0x3dd: {  	[tilespmem:s19+$0x200] =	vst v10;
	v7 =	vsel vm8, $0x0, v4  }
0x3de: {  	[tilespmem:s19+$0x400] =	vst v12;
	v5 =	vsub.s32 v5, v7  }
0x3df: {  	[tilespmem:s1+$0xFFFFFFF0] =	vst v6;
	vm9 =	vlt.s32 v5, v4  }
0x3e0: {  	v6 =	vld.idx.msk [tilespmem:v6+s17+$0x0], $0xffff;
	v7 =	vsel vm9, $0x0, v4  }
0x3e1: {  	v5 =	vsub.s32 v5, v7;
	_ =	sdelay $0x3  }
0x3e2: {  	[tilespmem:s15+$0xFFFFFFF0] =	vst v6  }
0x3e3: {  	v6 =	vld.idx.msk [tilespmem:v5+s22+$0x0], $0xffff;
	_ =	sdelay $0x4  }
0x3e4: {  	v7 =	vadd.s32 $0x800, v6  }
0x3e5: {  	v56 =	vadd.s32 $0x1000, v6  }
0x3e6: {  	v57 =	vadd.s32 $0x1800, v6  }
0x3e7: {  	v58 =	vadd.s32 $0x2000, v6  }
0x3e8: {  	v59 =	vadd.s32 $0x2800, v6;
	v11 =	vld.idx.msk [tilespmem:v6+s23+$0x0], $0xffff  }
0x3e9: {  	v7 =	vld.idx.msk [tilespmem:v7+s23+$0x0], $0xffff  }
0x3ea: {  	v8 =	vld.idx.msk [tilespmem:v56+s23+$0x0], $0xffff  }
0x3eb: {  	v9 =	vld.idx.msk [tilespmem:v57+s11+$0x0], $0xffff  }
0x3ec: {  	v5 =	vadd.s32 $0x10, v5;
	v10 =	vld.idx.msk [tilespmem:v58+s11+$0x0], $0xffff  }
0x3ed: {  	vm10 =	vlt.s32 v5, v4;
	v12 =	vld.idx.msk [tilespmem:v59+s11+$0x0], $0xffff;
	[tilespmem:s19+$0xFFFFFA10] =	vst v11  }
0x3ee: {  	[tilespmem:s19+$0xFFFFFC10] =	vst v7;
	v7 =	vsel vm10, $0x0, v4  }
0x3ef: {  	[tilespmem:s19+$0xFFFFFE10] =	vst v8;
	v5 =	vsub.s32 v5, v7  }
0x3f0: {  	[tilespmem:s19+$0x10] =	vst v9;
	vm11 =	vlt.s32 v5, v4  }
0x3f1: {  	[tilespmem:s19+$0x210] =	vst v10;
	v7 =	vsel vm11, $0x0, v4  }
0x3f2: {  	[tilespmem:s19+$0x410] =	vst v12;
	v5 =	vsub.s32 v5, v7  }
0x3f3: {  	[tilespmem:s1+$0x0] =	vst v6;
	vm12 =	vlt.s32 v5, v4  }
0x3f4: {  	v6 =	vld.idx.msk [tilespmem:v6+s17+$0x0], $0xffff;
	v7 =	vsel vm12, $0x0, v4  }
0x3f5: {  	v5 =	vsub.s32 v5, v7;
	_ =	sdelay $0x3  }
0x3f6: {  	[tilespmem:s15+$0x0] =	vst v6  }
0x3f7: {  	v6 =	vld.idx.msk [tilespmem:v5+s22+$0x0], $0xffff;
	_ =	sdelay $0x4  }
0x3f8: {  	v7 =	vadd.s32 $0x800, v6  }
0x3f9: {  	v60 =	vadd.s32 $0x1000, v6  }
0x3fa: {  	v61 =	vadd.s32 $0x1800, v6  }
0x3fb: {  	v62 =	vadd.s32 $0x2000, v6  }
0x3fc: {  	v63 =	vadd.s32 $0x2800, v6;
	v11 =	vld.idx.msk [tilespmem:v6+s23+$0x0], $0xffff  }
0x3fd: {  	v7 =	vld.idx.msk [tilespmem:v7+s23+$0x0], $0xffff  }
0x3fe: {  	v8 =	vld.idx.msk [tilespmem:v60+s23+$0x0], $0xffff  }
0x3ff: {  	v9 =	vld.idx.msk [tilespmem:v61+s11+$0x0], $0xffff  }
0x400: {  	v10 =	vld.idx.msk [tilespmem:v62+s11+$0x0], $0xffff  }
0x401: {  	v12 =	vld.idx.msk [tilespmem:v63+s11+$0x0], $0xffff;
	[tilespmem:s19+$0xFFFFFA20] =	vst v11  }
0x402: {  	[tilespmem:s19+$0xFFFFFC20] =	vst v7  }
0x403: {  	[tilespmem:s19+$0xFFFFFE20] =	vst v8  }
0x404: {  	[tilespmem:s19+$0x20] =	vst v9  }
0x405: {  	v5 =	vadd.s32 $0x10, v5;
	[tilespmem:s19+$0x220] =	vst v10  }
0x406: {  	vm13 =	vlt.s32 v5, v4;
	[tilespmem:s19+$0x420] =	vst v12  }
0x407: {  	v7 =	vsel vm13, $0x0, v4;
	[tilespmem:s1+$0x10] =	vst v6  }
0x408: {  	v5 =	vsub.s32 v5, v7;
	v6 =	vld.idx.msk [tilespmem:v6+s17+$0x0], $0xffff  }
0x409: {  	p0 =	sne.s32 s14, $0x1C0;
	vm14 =	vlt.s32 v5, v4  }
.Ltmp7:
0x40a: {  	v7 =	vsel vm14, $0x0, v4;
	(pc) =	sbr.rel @p0 .LBB2_13-.Ltmp7, $4  }
0x40b: {  	v5 =	vsub.s32 v5, v7  }
0x40c: {  	vm15 =	vlt.s32 v5, v4  }
0x40d: {  	s14 =	sadd.s32 $0x40, s14;
	[tilespmem:s15+$0x10] =	vst v6;
	v6 =	vsel vm15, $0x0, v4  }
0x40e: {  	s19 =	sadd.s32 $0x40, s19;
	s1 =	sadd.s32 $0x40, s1;
	s15 =	sadd.s32 $0x40, s15;
	v5 =	vsub.s32 v5, v6  }
0x40f: {  	p0 =	sgt.s32 s13, $0x5  }
.Ltmp8:
0x410: {  	_ = 	snop;
	(pc) =	sbr.rel @p0 .LBB2_18-.Ltmp8, $1  }
0x411: {  	_ =	sdelay $0x3  }
0x412: {  	s5 =	simm.s32 $0x0;
	s1 =	simm.s32 $0xAC80  }
0x413: {  	[tilespmem:s1+$0x0] =	vst v2;
	s5 =	sand.u32 $0x1F0, s5  }
0x414: {  	[tilespmem:s5+$0xB080] =	vst v2  }
0x415: {  	[tilespmem:s5+$0xB280] =	vst v2  }
0x416: {  	[tilespmem:s5+$0xB480] =	vst v2  }
0x417: {  	[tilespmem:s5+$0xB680] =	vst v2  }
0x418: {  	s13 =	simm.s32 $0xBA80;
	[tilespmem:s5+$0xAE80] =	vst v2  }
0x419: {  	s14 =	simm.s32 $0xBE80;
	s15 =	simm.s32 $0x10;
	[tilespmem:s13+$0x0] =	vst v3  }
.LBB2_16:
0x41a: {  	p0 =	sne.s32 s15, $0x1F0;
	[tilespmem:s14+$0x0] =	vst v3;
	s1 =	sadd.s32 $0x10, s1  }
0x41b: {  	s5 =	sand.u32 $0x1F0, s15;
	[tilespmem:s1+$0x0] =	vst v2  }
0x41c: {  	[tilespmem:s5+$0xB080] =	vst v2  }
.Ltmp9:
0x41d: {  	[tilespmem:s5+$0xB280] =	vst v2;
	(pc) =	sbr.rel @p0 .LBB2_16-.Ltmp9, $4  }
0x41e: {  	[tilespmem:s5+$0xB480] =	vst v2  }
0x41f: {  	[tilespmem:s5+$0xB680] =	vst v2  }
0x420: {  	s13 =	sadd.s32 $0x10, s13;
	[tilespmem:s5+$0xAE80] =	vst v2  }
0x421: {  	s15 =	sadd.s32 $0x10, s15;
	s14 =	sadd.s32 $0x10, s14;
	[tilespmem:s13+$0x0] =	vst v3  }
0x422: {  	[tilespmem:s14+$0x0] =	vst v3  }
.LBB2_18:
0x423: {  	s1 =	sshll.u32 s9, $0x6  }
0x424: {  	s1 =	sand.u32 $0xFE00, s1  }
0x425: {  	s1 =	sor.u32 s12, s1  }
0x426: {  	s15 =	simm.s32 $0xAC80;
	s5 =	sadd.s32 s3, s1  }
0x427: {  	[hbm4b:s5+s4] =	stream.strided.scatter [tilespmem:s15], [sflag:$0x4], $0x200, s2, s4, $0x38;
	[tilespmem:$0xC100] =	vst v63  }
0x428: {  	s25 =	simm.s32 $0xAE80;
	s19 =	sadd.s32 s1, s26  }
0x429: {  	[hbm4b:s19+s4] =	stream.strided.scatter [tilespmem:s25], [sflag:$0x4], $0x200, s2, s4, $0x38;
	[tilespmem:$0xC100] =	vst v63  }
0x42a: {  	s13 =	simm.s32 $0xB080;
	s12 =	sadd.s32 s1, s28  }
0x42b: {  	[hbm4b:s12+s4] =	stream.strided.scatter [tilespmem:s13], [sflag:$0x4], $0x200, s2, s4, $0x38;
	[tilespmem:$0xC100] =	vst v63  }
0x42c: {  	s14 =	sadd.s32 s1, s29;
	s15 =	simm.s32 $0xB280  }
0x42d: {  	[hbm4b:s14+s4] =	stream.strided.scatter [tilespmem:s15], [sflag:$0x4], $0x200, s2, s4, $0x38;
	[tilespmem:$0xC100] =	vst v63  }
0x42e: {  	s19 =	sadd.s32 s1, s30;
	s25 =	simm.s32 $0xB480  }
0x42f: {  	[hbm4b:s19+s4] =	stream.strided.scatter [tilespmem:s25], [sflag:$0x4], $0x200, s2, s4, $0x38;
	[tilespmem:$0xC100] =	vst v63  }
0x430: {  	s12 =	sadd.s32 s1, s31;
	s13 =	simm.s32 $0xB680  }
0x431: {  	[hbm4b:s12+s4] =	stream.strided.scatter [tilespmem:s13], [sflag:$0x4], $0x200, s2, s4, $0x38;
	[tilespmem:$0xC100] =	vst v63  }
.Ltmp10:
0x432: {  	s14 =	rddreg [dreg:$0x4];
	(pc) =	sbr.rel @p1 .LBB2_20-.Ltmp10, $4  }
0x433: {  	s15 =	simm.s32 $0xBA80;
	s5 =	sadd.s32 s14, s1;
	s19 =	rddreg [dreg:$0x5]  }
0x434: {  	[hbm4b:s5+s4] =	stream.strided.scatter [tilespmem:s15], [sflag:$0x4], $0x200, s2, s4, $0x38;
	[tilespmem:$0xC100] =	vst v63  }
0x435: {  	s25 =	simm.s32 $0xBE80;
	s1 =	sadd.s32 s19, s1  }
0x436: {  	[hbm4b:s1+s4] =	stream.strided.scatter [tilespmem:s25], [sflag:$0x4], $0x200, s2, s4, $0x38;
	[tilespmem:$0xC100] =	vst v63  }
0x437: {  	s1 =	sadd.s32 $0x2, s9  }
0x438: {  	s5 =	sshll.u32 s1, $0x8;
	s1 =	sshll.u32 s1, $0x4  }
0x439: {  	s5 =	sand.u32 $0xFFFF800, s5;
	s1 =	sand.u32 $0x70, s1  }
0x43a: {  	s19 =	sadd.s32 $0x402, s9;
	s1 =	sor.u32 s1, s5  }
0x43b: {  	s12 =	sshll.u32 s19, $0x4;
	s5 =	sadd.s32 s0, s1  }
0x43c: {  	[tilespmem:s11], [sflag:$0x2] =	stream.strided.gather [hbm4b:s5+s4], $0x800, s2, s4, $0x38;
	[tilespmem:$0xC100] =	vst v63  }
0x43d: {  	s12 =	sand.u32 $0x70, s12;
	s5 =	sshll.u32 s19, $0x8  }
0x43e: {  	s12 =	sadd.s32 s0, s12;
	s5 =	sand.u32 $0xFFFF800, s5  }
0x43f: {  	s25 =	simm.s32 $0x3800;
	s5 =	sadd.s32 s5, s12;
	s12 =	sadd.s32 $0x802, s9  }
0x440: {  	[tilespmem:s25], [sflag:$0x2] =	stream.strided.gather [hbm4b:s5+s4], $0x800, s2, s4, $0x38;
	[tilespmem:$0xC100] =	vst v63  }
0x441: {  	s13 =	sshll.u32 s12, $0x4  }
0x442: {  	s5 =	sshll.u32 s12, $0x8;
	s12 =	sand.u32 $0x70, s13  }
0x443: {  	s15 =	sadd.s32 $0xC02, s9;
	s5 =	sand.u32 $0xFFFF800, s5;
	s12 =	sadd.s32 s0, s12  }
0x444: {  	s14 =	simm.s32 $0x4000;
	s19 =	sshll.u32 s15, $0x4;
	s5 =	sadd.s32 s5, s12  }
0x445: {  	[tilespmem:s14], [sflag:$0x2] =	stream.strided.gather [hbm4b:s5+s4], $0x800, s2, s4, $0x38;
	[tilespmem:$0xC100] =	vst v63  }
0x446: {  	s12 =	sand.u32 $0x70, s19;
	s5 =	sshll.u32 s15, $0x8  }
0x447: {  	s13 =	sadd.s32 $0x1002, s9;
	s12 =	sadd.s32 s0, s12;
	s5 =	sand.u32 $0xFFFF800, s5  }
0x448: {  	s25 =	simm.s32 $0x4800;
	s14 =	sshll.u32 s13, $0x4;
	s5 =	sadd.s32 s5, s12  }
0x449: {  	[tilespmem:s25], [sflag:$0x2] =	stream.strided.gather [hbm4b:s5+s4], $0x800, s2, s4, $0x38;
	[tilespmem:$0xC100] =	vst v63  }
0x44a: {  	s12 =	sand.u32 $0x70, s14;
	s5 =	sshll.u32 s13, $0x8  }
0x44b: {  	s19 =	sadd.s32 $0x1402, s9;
	s12 =	sadd.s32 s0, s12;
	s5 =	sand.u32 $0xFFFF800, s5  }
0x44c: {  	s15 =	simm.s32 $0x5000;
	s9 =	sshll.u32 s19, $0x4;
	s5 =	sadd.s32 s5, s12  }
0x44d: {  	[tilespmem:s15], [sflag:$0x2] =	stream.strided.gather [hbm4b:s5+s4], $0x800, s2, s4, $0x38;
	[tilespmem:$0xC100] =	vst v63  }
0x44e: {  	s9 =	sand.u32 $0x70, s9;
	s5 =	sshll.u32 s19, $0x8  }
.Ltmp11:
0x44f: {  	s9 =	sadd.s32 s0, s9;
	s5 =	sand.u32 $0xFFFF800, s5;
	(pc) =	sbr.rel .LBB2_2-.Ltmp11, $4  }
0x450: {  	s25 =	simm.s32 $0x5800;
	s5 =	sadd.s32 s5, s9  }
0x451: {  	[tilespmem:s25], [sflag:$0x2] =	stream.strided.gather [hbm4b:s5+s4], $0x800, s2, s4, $0x38;
	[tilespmem:$0xC100] =	vst v63  }
0x452: {  	s24 =	sadd.s32 $0x1, s24;
	s1 =	sadd.s32 s6, s1  }
0x453: {  	[tilespmem:s17], [sflag:$0x2] =	stream.strided.gather [hbm4b:s1+s4], $0x800, s2, s4, $0x38;
	[tilespmem:$0xC100] =	vst v63  }
.LBB2_21:
0x454: {  	_ =	sfence.sel $0x180000  }
0x455: {  	[bflag:$0x0] =	sbarrier.arrive $0xFFFF  }
0x456: {  	_ =	strace $0x90000047  }
0x457: {  	s0 =	stileid.u32;
	[bflag:$0x2] =	sbarrier.arrive $0xFFFF  }
0x458: {  	p0 =	sne.s32 s0, $0x0;
	s0 =	rddreg [dreg:$0x6]  }
0x459: {  	s0 =	sadd.s32 @!p0 $0x100000, s0  }
0x45a: {  	[sflag:s0] =	ssyncadd.tile.s32 @!p0 $0x1;
	_ =	shalt  }
.Lfunc_end2:
_tile_overlayer_lowered:
.L_overlay_start_2:
0x45b: {  	(tag) =	ssettag $0x2  }
0x45c: {  	s0 =	rddreg [dreg:$0x0];
	s2 =	stileid.u32  }
0x45d: {  	s1 =	rddreg [dreg:$0x1];
	p0 =	sne.s32 s2, $0x0  }
0x45e: {  	s3 =	rddreg [dreg:$0x2];
	[bflag:$0x3] =	sbarrier.arrive $0xFFFF;
	s2 =	simm.s32 @!p0 $0x1C05  }
0x45f: {  	[timem:s3], [sflag:s2] =	dma.local @!p0 [hbm:s0], s1  }
0x460: {  	s0 =	simm.s32 @!p0 $0x5  }
0x461: {  	_ =	swait.ge @!p0 [sflag:s0], s1  }
0x462: {  	s1 =	ssub.s32 @!p0 $0x0, s1;
	[sflag:s0] =	ssyncset.done @!p0 $0x0  }
0x463: {  	[sflag:s0] =	ssyncadd.s32 @!p0 s1  }
0x464: {  	[bflag:$0x3] =	sbarrier.arrive $0xFFFF  }
0x465: {  	_ =	shalt  }

// kernel: kernel.7.cloned.1.call-start
scs
__scs_entry_jumppad:
0x0: {  	(pc) =	sbr.rel $0x88, $3  }
0x1: {  	(tag) =	ssettag $0x0;
	lr =	simm.s32 $0x1  }
0x2: {  	[smem:$0x3F9E] =	sst lr;
	_ =	strace $0xD0000000  }
0x3: {  	_ = 	snop  }
0x4: {  	_ = 	snop  }
0x5: {  	_ = 	snop  }
0x6: {  	_ = 	snop  }
0x7: {  	_ = 	snop  }
__scs_overlays_trampoline_lowered:
0x8: {  	[smem:$0x3FAD] =	sst s0  }
0x9: {  	[smem:$0x3FAE] =	sst s1  }
0xa: {  	[smem:$0x3FAF] =	sst s2  }
0xb: {  	[smem:$0x3FB0] =	sst s3  }
0xc: {  	[smem:$0x3FB1] =	sst s4  }
0xd: {  	[smem:$0x3FB2] =	sst s5  }
0xe: {  	[smem:$0x3FB3] =	sst s6  }
0xf: {  	[smem:$0x3FB4] =	sst s7  }
0x10: {  	[smem:$0x3FB5] =	sst s8  }
0x11: {  	[smem:$0x3FB6] =	sst s9;
	s0 =	simm.s32 @!p0 $0x0  }
0x12: {  	s1 =	sld [smem:$0x3F9C];
	s0 =	simm.s32 @p0 $0x1  }
0x13: {  	[smem:$0x3FB7] =	sst s0;
	s0 =	simm.s32 @!p1 $0x0  }
0x14: {  	s2 =	sld [smem:$0x3F9B];
	s0 =	simm.s32 @p1 $0x1  }
0x15: {  	[smem:$0x3FB8] =	sst s0;
	s0 =	simm.s32 @!p2 $0x0  }
0x16: {  	s3 =	sld [smem:$0x3FDB];
	s0 =	simm.s32 @p2 $0x1  }
0x17: {  	s4 =	simm.s32 $0x1BF5;
	[smem:$0x3FBA] =	sst s0  }
0x18: {  	s0 =	sld [smem:$0x3F9D];
	_ =	swait.ge [sflag:s4], $0x0  }
0x19: {  	s7 =	sld [smem:$0x3F9E]  }
0x1a: {  	s8 =	sadd.s32 $0xFFFFE003, lr  }
0x1b: {  	s9 =	sadd.s32 $0xFFFFFEF7, lr;
	s5 =	simm.s32 $0xFFFFFFFF;
	p2 =	slt.u32 s8, $0xFFFFF086  }
0x1c: {  	p1 =	slt.u32 s9, $0xF7A;
	s5 =	simm.s32 @!p2 $0x0  }
0x1d: {  	s5 =	simm.s32 @p1 $0x1;
	p0 =	seq.s32 s7, s2  }
0x1e: {  	s7 =	smul.u32 @!p0 $0xF7A, s2;
	p2 =	seq.s32 @!p0 s5, $0x0  }
0x1f: {  	s9 =	smul.u32 $0xF7A, s1;
	s8 =	simm.s32 @!p0 $0x1BF5;
	p2 =	por !p2, p0  }
0x20: {  	[sflag:s8] =	ssyncset.s32 @!p0 $0xFFFFF086;
	s6 =	sadd.s32 @!p0 s3, s7;
	s7 =	simm.s32 @!p0 $0x108  }
0x21: {  	s3 =	sadd.s32 s3, s9;
	s6 =	sadd.s32 @!p0 $0x88, s6;
	s7 =	simm.s32 @p2 $0x1082  }
0x22: {  	[simem:s7], [sflag:s8] =	dma.local @!p0 [hbm:s6], $0xF7A  }
0x23: {  	s9 =	sor.u32 $0xD0000000, s2;
	s6 =	simm.s32 $0x108;
	_ =	swait.ge @!p0 [sflag:s8], $0x0  }
0x24: {  	s3 =	sadd.s32 $0x88, s3;
	s6 =	simm.s32 @!p1 $0x1082;
	[sflag:s4] =	ssyncset.s32 $0xFFFFF086  }
0x25: {  	[simem:s6], [sflag:s4] =	dma.local [hbm:s3], $0xF7A  }
0x26: {  	[smem:$0x3F9E] =	sst s1;
	(tag) =	ssettag s2;
	_ =	strace s9  }
0x27: {  	s1 =	sld [smem:$0x3FAE]  }
0x28: {  	s2 =	sld [smem:$0x3FAF]  }
0x29: {  	s4 =	sld [smem:$0x3FB1]  }
0x2a: {  	p0 =	seq.s32 s5, $0x0;
	s5 =	sld [smem:$0x3FB2]  }
0x2b: {  	s6 =	sld [smem:$0x3FB3]  }
0x2c: {  	s7 =	sld [smem:$0x3FB4]  }
0x2d: {  	s3 =	simm.s32 $0x108;
	s8 =	sld [smem:$0x3FB5]  }
0x2e: {  	s3 =	simm.s32 @!p0 $0x1082;
	s9 =	sld [smem:$0x3FB6]  }
0x2f: {  	lr =	sadd.s32 s0, s3;
	s0 =	sld [smem:$0x3FAD]  }
0x30: {  	s3 =	sld [smem:$0x3FB0]  }
0x31: {  	[smem:$0x3FB9] =	sst s10  }
0x32: {  	s10 =	sld [smem:$0x3FB7];
	_ =	sdelay $0x3  }
0x33: {  	p0 =	seq.s32 s10, $0x1;
	s10 =	sld [smem:$0x3FB9];
	_ =	sdelay $0x3  }
0x34: {  	[smem:$0x3FB9] =	sst s10  }
0x35: {  	s10 =	sld [smem:$0x3FB8];
	_ =	sdelay $0x3  }
0x36: {  	p1 =	seq.s32 s10, $0x1;
	s10 =	sld [smem:$0x3FB9];
	_ =	sdelay $0x3  }
0x37: {  	[smem:$0x3FB9] =	sst s10  }
0x38: {  	s10 =	sld [smem:$0x3FBA]  }
0x39: {  	_ = 	snop;
	(pc) =	sbr.ind lr, $3  }
0x3a: {  	_ = 	snop  }
0x3b: {  	_ = 	snop  }
0x3c: {  	p2 =	seq.s32 s10, $0x1;
	s10 =	sld [smem:$0x3FB9]  }
0x3d: {  	_ =	shalt  }
0x3e: {  	_ =	shalt  }
0x3f: {  	_ =	shalt  }
0x40: {  	_ =	shalt  }
0x41: {  	_ =	shalt  }
0x42: {  	_ =	shalt  }
0x43: {  	_ =	shalt  }
0x44: {  	_ =	shalt  }
0x45: {  	_ =	shalt  }
0x46: {  	_ =	shalt  }
0x47: {  	_ =	shalt  }
0x48: {  	_ =	shalt  }
0x49: {  	_ =	shalt  }
0x4a: {  	_ =	shalt  }
0x4b: {  	_ =	shalt  }
0x4c: {  	_ =	shalt  }
0x4d: {  	_ =	shalt  }
0x4e: {  	_ =	shalt  }
0x4f: {  	_ =	shalt  }
0x50: {  	_ =	shalt  }
0x51: {  	_ =	shalt  }
0x52: {  	_ =	shalt  }
0x53: {  	_ =	shalt  }
0x54: {  	_ =	shalt  }
0x55: {  	_ =	shalt  }
0x56: {  	_ =	shalt  }
0x57: {  	_ =	shalt  }
0x58: {  	_ =	shalt  }
0x59: {  	_ =	shalt  }
0x5a: {  	_ =	shalt  }
0x5b: {  	_ =	shalt  }
0x5c: {  	_ =	shalt  }
0x5d: {  	_ =	shalt  }
0x5e: {  	_ =	shalt  }
0x5f: {  	_ =	shalt  }
0x60: {  	_ =	shalt  }
0x61: {  	_ =	shalt  }
0x62: {  	_ =	shalt  }
0x63: {  	_ =	shalt  }
0x64: {  	_ =	shalt  }
0x65: {  	_ =	shalt  }
0x66: {  	_ =	shalt  }
0x67: {  	_ =	shalt  }
0x68: {  	_ =	shalt  }
0x69: {  	_ =	shalt  }
0x6a: {  	_ =	shalt  }
0x6b: {  	_ =	shalt  }
0x6c: {  	_ =	shalt  }
0x6d: {  	_ =	shalt  }
0x6e: {  	_ =	shalt  }
0x6f: {  	_ =	shalt  }
0x70: {  	_ =	shalt  }
0x71: {  	_ =	shalt  }
0x72: {  	_ =	shalt  }
0x73: {  	_ =	shalt  }
0x74: {  	_ =	shalt  }
0x75: {  	_ =	shalt  }
0x76: {  	_ =	shalt  }
0x77: {  	_ =	shalt  }
0x78: {  	_ =	shalt  }
0x79: {  	_ =	shalt  }
0x7a: {  	_ =	shalt  }
0x7b: {  	_ =	shalt  }
0x7c: {  	_ =	shalt  }
0x7d: {  	_ =	shalt  }
0x7e: {  	_ =	shalt  }
0x7f: {  	_ =	shalt  }
0x80: {  	_ =	shalt  }
0x81: {  	_ =	shalt  }
0x82: {  	_ =	shalt  }
0x83: {  	_ =	shalt  }
0x84: {  	_ =	shalt  }
0x85: {  	_ =	shalt  }
0x86: {  	_ =	shalt  }
0x87: {  	_ =	shalt  }
.Lfunc_end0:
.L_simem_size_0:
called_computation.1_lowered:
.L_overlay_start_0:
0x88: {  	s2 =	sld [smem:$0x3FD9]  }
0x89: {  	s3 =	sld [smem:$0x3FFE];
	_ =	sdelay $0x1  }
0x8a: {  	s1 =	srdreg.scid  }
0x8b: {  	s0 =	sand.u32 $0x1, s1  }
0x8c: {  	s14 =	sshll.u32 s0, $0xA;
	s2 =	sadd.s32 s3, s2  }
0x8d: {  	s2 =	sadd.s32 s2, s14  }
0x8e: {  	[smem:$0x3FC5] =	sst s2  }
0x8f: {  	_ = 	snop  }
0x90: {  	s2 =	sld [smem:$0x3FD0];
	_ =	sdelay $0x2  }
0x91: {  	s15 =	simm.s32 $0xA;
	s4 =	simm.s32 $0x10  }
0x92: {  	[smem:s4], [sflag:s15] =	dma.local [hbm:s2], $0x1  }
0x93: {  	_ =	swait.eq [sflag:s15], $0x1  }
0x94: {  	[sflag:s15] =	ssyncset.done $0x0  }
0x95: {  	[sflag:s15] =	ssyncadd.s32 $0xFFFFFFFF  }
0x96: {  	s16 =	sld [smem:$0x13];
	(tm) =	ssettm $0x1  }
0x97: {  	s17 =	sld [smem:$0x3FFB];
	_ =	sdelay $0x3  }
0x98: {  	_ =	strace s17  }
0x99: {  	s3 =	sld [smem:$0x3FFC];
	_ =	sdelay $0x3  }
0x9a: {  	_ =	strace s3  }
0x9b: {  	s3 =	sld [smem:$0x3FFD];
	_ =	sdelay $0x3  }
0x9c: {  	_ =	strace s3  }
0x9d: {  	_ =	strace $0x8FFFFFFF  }
0x9e: {  	s18 =	sld [smem:$0x3FDB];
	_ =	sdelay $0x1  }
0x9f: {  	s19 =	simm.s32 $_scs_section_size  }
0xa0: {  	s5 =	simm.s32 $_size__tile_overlayer_lowered;
	s6 =	simm.s32 $_tile_overlayer_lowered  }
0xa1: {  	s22 =	simm.s32 $0x1BFF;
	s21 =	sshll.u32 s6, $0x1;
	s3 =	sadd.s32 s19, s18  }
0xa2: {  	s7 =	simm.s32 $0x0;
	s20 =	sshll.u32 s5, $0x1;
	s5 =	sadd.s32 s21, s3  }
0xa3: {  	[timem:s7], [sflag:s22] =	dma.local [hbm:s5], s20  }
0xa4: {  	_ =	swait.ge [sflag:s22], s20  }
0xa5: {  	s4 =	ssub.s32 $0x0, s20;
	[sflag:s22] =	ssyncset.done $0x0  }
0xa6: {  	[sflag:s22] =	ssyncadd.s32 s4;
	_ =	sdelay $0x1  }
0xa7: {  	s23 =	simm.s32 $0x1B8B  }
0xa8: {  	_ =	swait.ge [sflag:s23], $0x1  }
0xa9: {  	[sflag:s23] =	ssyncset.done $0x0  }
0xaa: {  	s25 =	simm.s32 $0x1B8E;
	s24 =	sld [smem:$0x3FFE];
	[sflag:s23] =	ssyncadd.s32 $0xFFFFFFFF  }
0xab: {  	s26 =	simm.s32 $execute0_lowered;
	[smem:$0x3FD2] =	sst s25  }
0xac: {  	s5 =	sshll.u32 s26, $0x1;
	_ =	strace $0x80000049;
	[dreg:$0x1] =	wrdreg $0xFFFFFFFF  }
0xad: {  	s28 =	simm.s32 $_size_execute0_lowered;
	s3 =	sadd.s32 s3, s5;
	[dreg:$0x0] =	wrdreg $0x0  }
0xae: {  	s5 =	sshll.u32 s28, $0x1;
	[dreg:$0x2] =	wrdreg s3  }
0xaf: {  	[dreg:$0x3] =	wrdreg s5  }
0xb0: {  	[dreg:$0x4] =	wrdreg $0xC0  }
0xb1: {  	_ =	task [dreg:s7], $0x5FFFF  }
0xb2: {  	[dreg:$0x1] =	wrdreg $0xFFFFFFFF  }
0xb3: {  	[dreg:$0x0] =	wrdreg $0x60  }
0xb4: {  	[dreg:$0x2] =	wrdreg s24  }
0xb5: {  	[dreg:$0x3] =	wrdreg s16  }
0xb6: {  	[dreg:$0x4] =	wrdreg $0x9  }
0xb7: {  	_ =	task.clear_ibuf [dreg:s7], $0x5FFFF;
	_ =	strace $0x90000049  }
0xb8: {  	s29 =	simm.s32 $0x9;
	_ =	strace $0x8000004B  }
0xb9: {  	_ =	swait.ge [sflag:s29], $0x1  }
0xba: {  	[sflag:s29] =	ssyncadd.s32 $0xFFFFFFFF  }
0xbb: {  	_ =	strace $0x9000004B  }
0xbc: {  	_ =	sfence  }
0xbd: {  	s30 =	sld [smem:$0x0];
	_ =	sdelay $0x2  }
0xbe: {  	s31 =	sshll.u32 s1, $0xD;
	s1 =	sshrl.u32 s1, $0x2  }
0xbf: {  	s3 =	sand.u32 $0x4000, s31;
	s1 =	sadd.s32 s1, s30  }
0xc0: {  	s0 =	sor.u32 s3, s0;
	s1 =	sshll.u32 s1, $0x11  }
0xc1: {  	s0 =	sor.u32 s1, s0  }
0xc2: {  	s0 =	sadd.s32 $0x8F2B, s0  }
0xc3: {  	[sflag:s0] =	ssyncadd.remote.s32 $0x1  }
0xc4: {  	_ =	sfence.sel $0xFFFF  }
0xc5: {  	[dreg:$0x0] =	wrdreg $0xFFFFFFFF;
	(pc) =	sbr.abs _section_cstart, $3  }
0xc6: {  	[dreg:$0x1] =	wrdreg $0xFFFFFFFF  }
0xc7: {  	_ =	task.clear_ibuf [dreg:s7], $0x2FFFF;
	_ =	strace $0x9FFFFFFF  }
0xc8: {  	(tm) =	ssettm $0x7FFFFFFF  }
0xc9: {  	_ =	shalt  }
tec
execute0_lowered:
.L_overlay_start_1:
0x0: {  	(tag) =	ssettag $0x1  }
0x1: {  	s0 =	srdreg.scid  }
0x2: {  	s4 =	sand.u32 $0x1, s0;
	s0 =	stileid.u32  }
0x3: {  	s5 =	sshll.u32 s0, $0x1;
	s6 =	ssub.s32 $0x0, s4  }
0x4: {  	p0 =	sne.s32 s5, s6  }
.Ltmp0:
0x5: {  	_ = 	snop;
	(pc) =	sbr.rel @p0 .LBB2_7-.Ltmp0, $4  }
0x6: {  	_ = 	snop  }
0x7: {  	s3 =	rddreg [dreg:$0x0]  }
0x8: {  	s2 =	rddreg [dreg:$0x1]  }
0x9: {  	s1 =	rddreg [dreg:$0x2];
	_ =	strace $0x8000004A  }
0xa: {  	s4 =	ssub.s32 $0x2, s4  }
0xb: {  	s3 =	sadd.s32 $0x5800, s3;
	s5 =	sshrl.u32 s4, $0x1  }
0xc: {  	s6 =	simm.s32 $0x1;
	s7 =	simm.s32 $0x400;
	s4 =	ssub.s32 s4, s5  }
0xd: {  	v0 =	vimm.s32 $0xFFFFFFFF;
	v1 =	vlaneseq.u32;
	v2 =	vimm.s32 $0x0;
	s8 =	simm.s32 $0x0;
	s5 =	simm.s32 $0x0;
	s4 =	smax.u32 s4, $0x1  }
.LBB2_2:
0xe: {  	[tilespmem:s5], [sflag:$0x1] =	stream.linear.gather [hbm4b:s3+s5], $0x400, $0x38;
	[tilespmem:$0x880] =	vst v63  }
0xf: {  	_ =	swait.ge [sflag:s6], $0x400  }
0x10: {  	[sflag:s6] =	ssyncset.done $0x0  }
0x11: {  	s9 =	simm.s32 $0x0;
	[sflag:s6] =	ssyncadd.s32 $0xFFFFFC00  }
.LBB2_3:
0x12: {  	p0 =	sne.s32 s9, $0xFC0  }
.Ltmp1:
0x13: {  	_ = 	snop;
	(pc) =	sbr.rel @p0 .LBB2_3-.Ltmp1, $3  }
0x14: {  	_ =	sdelay $0x1  }
0x15: {  	s10 =	sshra.s32 s9, $0x2  }
0x16: {  	s9 =	sadd.s32 $0x40, s9;
	[tilespmem:s10+$0x400] =	vst v0  }
0x17: {  	s9 =	simm.s32 $0x0  }
0x18: {  	v3 =	vld [tilespmem:s9+$0x0];
	_ =	sdelay $0x4  }
0x19: {  	vm0 =	vgt.s32 v3, $0x0  }
0x1a: {  	v3 =	vsel vm0, $0x1, v2  }
0x1b: {  	(xrf0) =	vadd.scan.msk.s32 $0xffff, v3;
	_ =	sdelay $0x5  }
0x1c: {  	v4, _, _ =	vpop (xrf0)  }
0x1d: {  	v3 =	vor.u32 s9, v1;
	(v2sf) =	vpush v4, $0xF  }
0x1e: {  	s10 =	simm.s32 $0x10;
	[tilespmem:s9+$0x400] =	vst.msk vm0, v3  }
0x1f: {  	s11 =	simm.s32 $0x20;
	s12 =	simm.s32 $0x10;
	v3 =	vld [tilespmem:s10+$0x0]  }
.LBB2_5:
0x20: {  	p0 =	sne.s32 s11, $0x3F0;
	_ =	sdelay $0x3  }
0x21: {  	vm0 =	vgt.s32 v3, $0x0  }
0x22: {  	v3 =	vsel vm0, $0x1, v2  }
0x23: {  	(xrf0) =	vadd.scan.msk.s32 $0xffff, v3;
	_ =	sdelay $0x4  }
.Ltmp2:
0x24: {  	(pc) =	sbr.rel @p0 .LBB2_5-.Ltmp2, $4  }
0x25: {  	v3, _, _ =	vpop (xrf0);
	s13 =	spop (v2sf)  }
0x26: {  	v4 =	vor.u32 s10, v1;
	s10 =	smov.u32 s11;
	(v2sf) =	vpush v3, $0xF;
	s9 =	sadd.s32 s9, s13  }
0x27: {  	s12 =	sadd.s32 $0x10, s12;
	[tilespmem:s9+$0x400] =	vst.msk vm0, v4  }
0x28: {  	s11 =	sadd.s32 $0x10, s11;
	v3 =	vld [tilespmem:s12+$0x0]  }
0x29: {  	_ =	sdelay $0x3  }
0x2a: {  	vm0 =	vgt.s32 v3, $0x0  }
0x2b: {  	v3 =	vsel vm0, $0x1, v2  }
0x2c: {  	(xrf0) =	vadd.scan.msk.s32 $0xffff, v3;
	_ =	sdelay $0x5  }
0x2d: {  	v3, _, _ =	vpop (xrf0)  }
0x2e: {  	(v2sf) =	vpush v3, $0xF;
	_ =	sdelay $0x9  }
0x2f: {  	s11 =	spop (v2sf)  }
0x30: {  	s8 =	sadd.s32 $0x1, s8;
	v3 =	vor.u32 s10, v1;
	s9 =	sadd.s32 s9, s11  }
0x31: {  	p0 =	sne.s32 s8, s4;
	[tilespmem:s9+$0x400] =	vst.msk vm0, v3  }
0x32: {  	[hbm4b:s2+s5] =	stream.linear.scatter [tilespmem:s7], [sflag:$0x1], $0x400, $0x38;
	[tilespmem:$0x880] =	vst v63  }
.Ltmp3:
0x33: {  	_ = 	snop;
	(pc) =	sbr.rel @p0 .LBB2_2-.Ltmp3, $4  }
0x34: {  	s31 =	spop (v2sf)  }
0x35: {  	_ =	swait.ge [sflag:s6], $0x400  }
0x36: {  	[sflag:s6] =	ssyncset.done $0x0  }
0x37: {  	[sflag:s6] =	ssyncadd.s32 $0xFFFFFC00  }
.LBB2_7:
0x38: {  	_ =	sfence.sel $0x180000  }
0x39: {  	[bflag:$0x0] =	sbarrier.arrive $0xFFFF  }
0x3a: {  	p0 =	sne.s32 s0, $0x0;
	_ =	strace $0x9000004A  }
0x3b: {  	s0 =	sadd.s32 @!p0 $0x100000, s1;
	[bflag:$0x2] =	sbarrier.arrive $0xFFFF  }
0x3c: {  	[sflag:s0] =	ssyncadd.tile.s32 @!p0 $0x1;
	_ =	shalt  }
.Lfunc_end2:
_tile_overlayer_lowered:
.L_overlay_start_2:
0x3d: {  	(tag) =	ssettag $0x2  }
0x3e: {  	s0 =	rddreg [dreg:$0x0];
	s2 =	stileid.u32  }
0x3f: {  	s1 =	rddreg [dreg:$0x1];
	p0 =	sne.s32 s2, $0x0  }
0x40: {  	s3 =	rddreg [dreg:$0x2];
	[bflag:$0x3] =	sbarrier.arrive $0xFFFF;
	s2 =	simm.s32 @!p0 $0x1C01  }
0x41: {  	[timem:s3], [sflag:s2] =	dma.local @!p0 [hbm:s0], s1  }
0x42: {  	s0 =	simm.s32 @!p0 $0x1  }
0x43: {  	_ =	swait.ge @!p0 [sflag:s0], s1  }
0x44: {  	s1 =	ssub.s32 @!p0 $0x0, s1;
	[sflag:s0] =	ssyncset.done @!p0 $0x0  }
0x45: {  	[sflag:s0] =	ssyncadd.s32 @!p0 s1  }
0x46: {  	[bflag:$0x3] =	sbarrier.arrive $0xFFFF  }
0x47: {  	_ =	shalt  }

</sc_bundles>
